<compile_context>
chip_gen: v7x
topology: tpu7x:2x2x1
jax: 0.10.2.dev20260603
libtpu: 0.0.44.dev20260713+nightly
codegen_flags: <defaults>
</compile_context>

<pallas_src>
import functools

import jax
import jax.numpy as jnp
from jax import lax
from jax.experimental import pallas as pl
from jax.experimental.pallas import tpu as pltpu
from jax.experimental.pallas import tpu_sc as plsc

N_RAYS = 32768
N_SURF = 64
NC = 2
NS = 16
NW = NC * NS
L = 16
R = N_RAYS // NW
G = R // L


def _scene_body(t_ref, px_ref, py_ref, pz_ref, dx_ref, dy_ref, dz_ref,
                int_ref, w0_ref, w1_ref, w2_ref, w3_ref, w4_ref, w5_ref,
                w6_ref, w7_ref, w8_ref, dec_ref,
                opx_ref, opy_ref, opz_ref, odx_ref, ody_ref, odz_ref, oint_ref,
                t_v, p_v, d_v, int_v, w_v, dec_v, o_v, oint_v, sem0, sem1):
    w_refs = (w0_ref, w1_ref, w2_ref, w3_ref, w4_ref, w5_ref,
              w6_ref, w7_ref, w8_ref)
    wid = lax.axis_index("s") * NC + lax.axis_index("c")
    base = wid * R
    cp0 = pltpu.async_copy(t_ref.at[:, pl.ds(wid * 8, 4)], t_v.at[0], sem0)
    cp1 = pltpu.async_copy(t_ref.at[:, pl.ds(wid * 8 + 4, 4)], t_v.at[1], sem1)
    for c, ref in enumerate((px_ref, py_ref, pz_ref)):
        pltpu.sync_copy(ref.at[pl.ds(base, R)], p_v.at[c])
    for c, ref in enumerate((dx_ref, dy_ref, dz_ref)):
        pltpu.sync_copy(ref.at[pl.ds(base, R)], d_v.at[c])
    pltpu.sync_copy(int_ref.at[pl.ds(base, R)], int_v)
    for k, ref in enumerate(w_refs):
        pltpu.sync_copy(ref, w_v.at[k])
    pltpu.sync_copy(dec_ref, dec_v)

    inf = jnp.float32(jnp.inf)

    def make_group(h):
        def group(g):
            gg = h * (G // 2) + g
            cb = g // 8
            off = (g % 8) * L
            bts = [jnp.full((L,), inf, dtype=jnp.float32) for _ in range(8)]
            bps = [jnp.zeros((L,), dtype=jnp.int32) for _ in range(8)]
            for p in range(N_SURF // 8):
                pv = jnp.full((L,), p, jnp.int32)
                for k in range(8):
                    tv = t_v[h, p, cb, k, pl.ds(off, L)]
                    c = tv < bts[k]
                    bts[k] = jnp.where(c, tv, bts[k])
                    bps[k] = jnp.where(c, pv, bps[k])
            sis = [bps[k] * 8 + k for k in range(8)]

            def combine(ta, ia, tb, ib):
                c = (ta < tb) | ((ta == tb) & (ia < ib))
                return jnp.where(c, ta, tb), jnp.where(c, ia, ib)

            while len(bts) > 1:
                nt, ni = [], []
                for a in range(0, len(bts), 2):
                    tt, ii = combine(bts[a], sis[a], bts[a + 1], sis[a + 1])
                    nt.append(tt)
                    ni.append(ii)
                bts, sis = nt, ni
            bt, bi = bts[0], sis[0]
            wg = [plsc.load_gather(w_v, [jnp.full((L,), k, jnp.int32), bi])
                  for k in range(9)]
            dg = plsc.load_gather(dec_v, [bi])
            sl = pl.ds(gg * L, L)
            px = [p_v[c, sl] for c in range(3)]
            dx = [d_v[c, sl] for c in range(3)]
            it = int_v[sl]
            hit = (bt < inf) & (it > jnp.float32(0.0))
            for c in range(3):
                o_v[c, sl] = jnp.where(hit, px[c] + bt * dx[c], px[c])
                o_v[3 + c, sl] = jnp.where(
                    hit, dx[0] * wg[c] + dx[1] * wg[3 + c] + dx[2] * wg[6 + c],
                    dx[c])
            oint_v[sl] = jnp.where(hit, it * dg, it)
        return group

    cp0.wait()
    plsc.parallel_loop(0, G // 2, unroll=1)(make_group(0))
    cp1.wait()
    plsc.parallel_loop(0, G // 2, unroll=1)(make_group(1))

    for c, ref in enumerate((opx_ref, opy_ref, opz_ref, odx_ref, ody_ref, odz_ref)):
        pltpu.sync_copy(o_v.at[c], ref.at[pl.ds(base, R)])
    pltpu.sync_copy(oint_v, oint_ref.at[pl.ds(base, R)])


_scene_kernel = functools.partial(
    pl.kernel,
    out_type=tuple([jax.ShapeDtypeStruct((N_RAYS,), jnp.float32)] * 7),
    scratch_types=[
        pltpu.VMEM((2, 8, 4, 8, 128), jnp.float32),
        pltpu.VMEM((3, R), jnp.float32),
        pltpu.VMEM((3, R), jnp.float32),
        pltpu.VMEM((R,), jnp.float32),
        pltpu.VMEM((9, N_SURF), jnp.float32),
        pltpu.VMEM((N_SURF,), jnp.float32),
        pltpu.VMEM((6, R), jnp.float32),
        pltpu.VMEM((R,), jnp.float32),
        pltpu.SemaphoreType.DMA,
        pltpu.SemaphoreType.DMA,
    ],
    mesh=plsc.VectorSubcoreMesh(core_axis_name="c", subcore_axis_name="s"),
    compiler_params=pltpu.CompilerParams(needs_layout_passes=False,
                                         use_tc_tiling_on_sc=False),
)(_scene_body)


def kernel(pos, dir, intensity, t_matrix, W, decay, map_to_element, map_to_surface):
    del map_to_element, map_to_surface
    t4 = t_matrix.T.reshape(8, 8, 256, 128).transpose(0, 2, 1, 3)
    opx, opy, opz, odx, ody, odz, oint = _scene_kernel(
        t4, pos[:, 0], pos[:, 1], pos[:, 2],
        dir[:, 0], dir[:, 1], dir[:, 2], intensity,
        W[:, 0, 0], W[:, 0, 1], W[:, 0, 2],
        W[:, 1, 0], W[:, 1, 1], W[:, 1, 2],
        W[:, 2, 0], W[:, 2, 1], W[:, 2, 2], decay)
    return (jnp.stack([opx, opy, opz], axis=1),
            jnp.stack([odx, ody, odz], axis=1), oint)

# --- scband reference (transcript-rebuilt; emitter-appended) ---
"""Pipeline reference for scband-scene-10977936408973 (READ-ONLY COPY).

The authoritative reference and input builder live on the scoring server;
editing this copy changes nothing except your own understanding.
"""

import jax, jax.numpy as jnp
import numpy as np

N_RAYS = 32768
N_ELEM = 16
SURF_PER_ELEM = 4
TOTAL_SURF = N_ELEM * SURF_PER_ELEM  # 64


def setup_inputs(seed: int = 0) -> dict:
    key = jax.random.key(seed)
    k1, k2, k3, k4, k5, k6, k7 = jax.random.split(key, 7)
    pos = jax.random.normal(k1, (N_RAYS, 3), dtype=jnp.float32)
    dir_ = jax.random.normal(k2, (N_RAYS, 3), dtype=jnp.float32)
    intensity = jax.random.uniform(k3, (N_RAYS,), dtype=jnp.float32)
    # candidate intersection distances per (ray, global surface); ~10% misses -> inf
    t_raw = jax.random.uniform(k4, (N_RAYS, TOTAL_SURF), dtype=jnp.float32) * 10.0 + 0.1
    miss = jax.random.uniform(k5, (N_RAYS, TOTAL_SURF)) < 0.1
    t_matrix = jnp.where(miss, jnp.inf, t_raw)
    # per-(element,surface) 'expert' parameters: direction transform + intensity decay
    W = jax.random.normal(k6, (TOTAL_SURF, 3, 3), dtype=jnp.float32) * 0.5
    decay = jax.random.uniform(k7, (TOTAL_SURF,), dtype=jnp.float32)
    # flattened hierarchy index maps (Scene._build_index_maps)
    map_to_element = jnp.asarray(np.repeat(np.arange(N_ELEM), SURF_PER_ELEM), dtype=jnp.int64)
    map_to_surface = jnp.asarray(np.tile(np.arange(SURF_PER_ELEM), N_ELEM), dtype=jnp.int64)
    return {"pos": pos, "dir": dir_, "intensity": intensity, "t_matrix": t_matrix,
            "W": W, "decay": decay, "map_to_element": map_to_element,
            "map_to_surface": map_to_surface}


def reference(pos, dir, intensity, t_matrix, W, decay, map_to_element, map_to_surface):
    # --- Scene.step(), one bounce, vectorized ---
    # router: min over all candidate surfaces (torch.min(t_matrix, dim=1))
    min_t = jnp.min(t_matrix, axis=1)
    global_hit_idx = jnp.argmin(t_matrix, axis=1)
    hit_mask = (min_t < jnp.inf) & (intensity > 0)
    # dispatch: route each ray to its winning (element, surface) expert.
    # The torch loop over unique elements/surfaces applying element(ray_subset, j)
    # then masked_scatter is equivalent to a gather of the winning expert's
    # parameters followed by a masked write.
    winner_elem = map_to_element[global_hit_idx]   # routing ids (kept for parity)
    winner_surf = map_to_surface[global_hit_idx]
    Wg = jnp.take(W, global_hit_idx, axis=0)       # [N, 3, 3]
    dg = jnp.take(decay, global_hit_idx, axis=0)   # [N]
    out_pos = pos + min_t[:, None] * dir
    out_dir = jnp.einsum('ni,nij->nj', dir, Wg)
    out_intensity = intensity * dg
    # rays.update(mask=hit_mask, ...): masked scatter-overwrite
    next_pos = jnp.where(hit_mask[:, None], out_pos, pos)
    next_dir = jnp.where(hit_mask[:, None], out_dir, dir)
    next_intensity = jnp.where(hit_mask, out_intensity, intensity)
    return (next_pos, next_dir, next_intensity)

if __name__ == "__main__":
    import jax
    _d = setup_inputs()
    print(jax.jit(kernel)(*tuple(_d.values())))

</pallas_src>

<mosaic_0001>
#map = affine_map<(d0, d1) -> (0, 0, 0, 0)>
#map1 = affine_map<(d0, d1) -> (0)>
module attributes {stable_mosaic.version = 14 : i64} {
  func.func @_scene_body(%arg0: i32, %arg1: i32, %arg2: memref<8x256x8x128xf32, #tpu.memory_space<hbm>>, %arg3: memref<32768xf32, #tpu.memory_space<hbm>>, %arg4: memref<32768xf32, #tpu.memory_space<hbm>>, %arg5: memref<32768xf32, #tpu.memory_space<hbm>>, %arg6: memref<32768xf32, #tpu.memory_space<hbm>>, %arg7: memref<32768xf32, #tpu.memory_space<hbm>>, %arg8: memref<32768xf32, #tpu.memory_space<hbm>>, %arg9: memref<32768xf32, #tpu.memory_space<hbm>>, %arg10: memref<64xf32, #tpu.memory_space<hbm>>, %arg11: memref<64xf32, #tpu.memory_space<hbm>>, %arg12: memref<64xf32, #tpu.memory_space<hbm>>, %arg13: memref<64xf32, #tpu.memory_space<hbm>>, %arg14: memref<64xf32, #tpu.memory_space<hbm>>, %arg15: memref<64xf32, #tpu.memory_space<hbm>>, %arg16: memref<64xf32, #tpu.memory_space<hbm>>, %arg17: memref<64xf32, #tpu.memory_space<hbm>>, %arg18: memref<64xf32, #tpu.memory_space<hbm>>, %arg19: memref<64xf32, #tpu.memory_space<hbm>>, %arg20: memref<32768xf32, #tpu.memory_space<hbm>>, %arg21: memref<32768xf32, #tpu.memory_space<hbm>>, %arg22: memref<32768xf32, #tpu.memory_space<hbm>>, %arg23: memref<32768xf32, #tpu.memory_space<hbm>>, %arg24: memref<32768xf32, #tpu.memory_space<hbm>>, %arg25: memref<32768xf32, #tpu.memory_space<hbm>>, %arg26: memref<32768xf32, #tpu.memory_space<hbm>>, %arg27: memref<2x8x4x8x128xf32, #tpu.memory_space<vmem>>, %arg28: memref<3x1024xf32, #tpu.memory_space<vmem>>, %arg29: memref<3x1024xf32, #tpu.memory_space<vmem>>, %arg30: memref<1024xf32, #tpu.memory_space<vmem>>, %arg31: memref<9x64xf32, #tpu.memory_space<vmem>>, %arg32: memref<64xf32, #tpu.memory_space<vmem>>, %arg33: memref<6x1024xf32, #tpu.memory_space<vmem>>, %arg34: memref<1024xf32, #tpu.memory_space<vmem>>, %arg35: memref<!tpu.dma_semaphore, #tpu.memory_space<semaphore_mem>>, %arg36: memref<!tpu.dma_semaphore, #tpu.memory_space<semaphore_mem>>) attributes {dimension_semantics = [#tpu.dimension_semantics<core_parallel>, #tpu.dimension_semantics<subcore_parallel>], iteration_bounds = array<i64: 2, 16>, scalar_prefetch = 0 : i64, scratch_operands = 10 : i64, tpu.core_type = #tpu.core_type<sc_vector_subcore>, window_params = [{transform_indices = #map}, {transform_indices = #map1}, {transform_indices = #map1}, {transform_indices = #map1}, {transform_indices = #map1}, {transform_indices = #map1}, {transform_indices = #map1}, {transform_indices = #map1}, {transform_indices = #map1}, {transform_indices = #map1}, {transform_indices = #map1}, {transform_indices = #map1}, {transform_indices = #map1}, {transform_indices = #map1}, {transform_indices = #map1}, {transform_indices = #map1}, {transform_indices = #map1}, {transform_indices = #map1}, {transform_indices = #map1}, {transform_indices = #map1}, {transform_indices = #map1}, {transform_indices = #map1}, {transform_indices = #map1}, {transform_indices = #map1}, {transform_indices = #map1}]} {
    %mul3A = arith.constant 2 : i32
    %mul3A_0 = arith.muli %arg1, %mul3A : i32
    %add3A = arith.addi %mul3A_0, %arg0 : i32
    %mul3A_1 = arith.constant 1024 : i32
    %mul3A_2 = arith.muli %add3A, %mul3A_1 : i32
    %mul3A_3 = arith.constant 8 : i32
    %mul3A_4 = arith.muli %add3A, %mul3A_3 : i32
    %dma_start3A = arith.constant 0 : i32
    %dma_start3A_5 = arith.constant 0 : i32
    %dma_start3A_6 = arith.constant 0 : i32
    %dma_start3A_7 = arith.constant 0 : i32
    %dma_start3A_8 = arith.constant 0 : i32
    %dma_start3A_9 = tpu.memref_slice %arg27[%dma_start3A, %dma_start3A_5, %dma_start3A_6, %dma_start3A_7, %dma_start3A_8] : memref<2x8x4x8x128xf32, #tpu.memory_space<vmem>> -> memref<1x8x4x8x128xf32, #tpu.memory_space<vmem>>
    %dma_start3A_10 = tpu.memref_squeeze %dma_start3A_9 : memref<1x8x4x8x128xf32, #tpu.memory_space<vmem>> -> memref<8x4x8x128xf32, #tpu.memory_space<vmem>>
    %dma_start3A_11 = arith.constant 0 : i32
    %dma_start3A_12 = arith.constant 0 : i32
    %dma_start3A_13 = arith.constant 0 : i32
    %dma_start3A_14 = tpu.memref_slice %arg2[%dma_start3A_11, %mul3A_4, %dma_start3A_12, %dma_start3A_13] : memref<8x256x8x128xf32, #tpu.memory_space<hbm>> -> memref<8x4x8x128xf32, #tpu.memory_space<hbm>>
    %dma_start3A_15 = arith.constant 0 : i32
    %dma_start3A_16 = arith.constant 0 : i32
    %dma_start3A_17 = arith.constant 0 : i32
    %dma_start3A_18 = arith.constant 0 : i32
    %dma_start3A_19 = tpu.memref_slice %arg27[%dma_start3A, %dma_start3A_15, %dma_start3A_16, %dma_start3A_17, %dma_start3A_18] : memref<2x8x4x8x128xf32, #tpu.memory_space<vmem>> -> memref<1x8x4x8x128xf32, #tpu.memory_space<vmem>>
    %dma_start3A_20 = tpu.memref_squeeze %dma_start3A_19 : memref<1x8x4x8x128xf32, #tpu.memory_space<vmem>> -> memref<8x4x8x128xf32, #tpu.memory_space<vmem>>
    %dma_start3A_21 = arith.constant 0 : i32
    %dma_start3A_22 = arith.constant 0 : i32
    %dma_start3A_23 = arith.constant 0 : i32
    %dma_start3A_24 = tpu.memref_slice %arg2[%dma_start3A_21, %mul3A_4, %dma_start3A_22, %dma_start3A_23] : memref<8x256x8x128xf32, #tpu.memory_space<hbm>> -> memref<8x4x8x128xf32, #tpu.memory_space<hbm>>
    tpu.enqueue_dma source(%dma_start3A_24 : memref<8x4x8x128xf32, #tpu.memory_space<hbm>>) target(%dma_start3A_20 : memref<8x4x8x128xf32, #tpu.memory_space<vmem>>) target_semaphore(%arg35 : memref<!tpu.dma_semaphore, #tpu.memory_space<semaphore_mem>>)
    %mul3A_25 = arith.constant 8 : i32
    %mul3A_26 = arith.muli %add3A, %mul3A_25 : i32
    %add3A_27 = arith.constant 4 : i32
    %add3A_28 = arith.addi %mul3A_26, %add3A_27 : i32
    %dma_start3A_29 = arith.constant 1 : i32
    %dma_start3A_30 = arith.constant 0 : i32
    %dma_start3A_31 = arith.constant 0 : i32
    %dma_start3A_32 = arith.constant 0 : i32
    %dma_start3A_33 = arith.constant 0 : i32
    %dma_start3A_34 = tpu.memref_slice %arg27[%dma_start3A_29, %dma_start3A_30, %dma_start3A_31, %dma_start3A_32, %dma_start3A_33] : memref<2x8x4x8x128xf32, #tpu.memory_space<vmem>> -> memref<1x8x4x8x128xf32, #tpu.memory_space<vmem>>
    %dma_start3A_35 = tpu.memref_squeeze %dma_start3A_34 : memref<1x8x4x8x128xf32, #tpu.memory_space<vmem>> -> memref<8x4x8x128xf32, #tpu.memory_space<vmem>>
    %dma_start3A_36 = arith.constant 0 : i32
    %dma_start3A_37 = arith.constant 0 : i32
    %dma_start3A_38 = arith.constant 0 : i32
    %dma_start3A_39 = tpu.memref_slice %arg2[%dma_start3A_36, %add3A_28, %dma_start3A_37, %dma_start3A_38] : memref<8x256x8x128xf32, #tpu.memory_space<hbm>> -> memref<8x4x8x128xf32, #tpu.memory_space<hbm>>
    %dma_start3A_40 = arith.constant 0 : i32
    %dma_start3A_41 = arith.constant 0 : i32
    %dma_start3A_42 = arith.constant 0 : i32
    %dma_start3A_43 = arith.constant 0 : i32
    %dma_start3A_44 = tpu.memref_slice %arg27[%dma_start3A_29, %dma_start3A_40, %dma_start3A_41, %dma_start3A_42, %dma_start3A_43] : memref<2x8x4x8x128xf32, #tpu.memory_space<vmem>> -> memref<1x8x4x8x128xf32, #tpu.memory_space<vmem>>
    %dma_start3A_45 = tpu.memref_squeeze %dma_start3A_44 : memref<1x8x4x8x128xf32, #tpu.memory_space<vmem>> -> memref<8x4x8x128xf32, #tpu.memory_space<vmem>>
    %dma_start3A_46 = arith.constant 0 : i32
    %dma_start3A_47 = arith.constant 0 : i32
    %dma_start3A_48 = arith.constant 0 : i32
    %dma_start3A_49 = tpu.memref_slice %arg2[%dma_start3A_46, %add3A_28, %dma_start3A_47, %dma_start3A_48] : memref<8x256x8x128xf32, #tpu.memory_space<hbm>> -> memref<8x4x8x128xf32, #tpu.memory_space<hbm>>
    tpu.enqueue_dma source(%dma_start3A_49 : memref<8x4x8x128xf32, #tpu.memory_space<hbm>>) target(%dma_start3A_45 : memref<8x4x8x128xf32, #tpu.memory_space<vmem>>) target_semaphore(%arg36 : memref<!tpu.dma_semaphore, #tpu.memory_space<semaphore_mem>>)
    %run_scoped3A = arith.constant 0 : i32
    "tpu.region"() ({
      %run_scoped3A_118 = tpu.sem_alloc : memref<!tpu.dma_semaphore, #tpu.memory_space<semaphore_mem>>
      %dma_start3A_119 = arith.constant 0 : i32
      %dma_start3A_120 = tpu.memref_slice %arg28[%run_scoped3A, %dma_start3A_119] : memref<3x1024xf32, #tpu.memory_space<vmem>> -> memref<1x1024xf32, #tpu.memory_space<vmem>>
      %dma_start3A_121 = tpu.memref_squeeze %dma_start3A_120 : memref<1x1024xf32, #tpu.memory_space<vmem>> -> memref<1024xf32, #tpu.memory_space<vmem>>
      %dma_start3A_122 = tpu.memref_slice %arg3[%mul3A_2] : memref<32768xf32, #tpu.memory_space<hbm>> -> memref<1024xf32, #tpu.memory_space<hbm>>
      %dma_start3A_123 = arith.constant 0 : i32
      %dma_start3A_124 = tpu.memref_slice %arg28[%run_scoped3A, %dma_start3A_123] : memref<3x1024xf32, #tpu.memory_space<vmem>> -> memref<1x1024xf32, #tpu.memory_space<vmem>>
      %dma_start3A_125 = tpu.memref_squeeze %dma_start3A_124 : memref<1x1024xf32, #tpu.memory_space<vmem>> -> memref<1024xf32, #tpu.memory_space<vmem>>
      %dma_start3A_126 = tpu.memref_slice %arg3[%mul3A_2] : memref<32768xf32, #tpu.memory_space<hbm>> -> memref<1024xf32, #tpu.memory_space<hbm>>
      tpu.enqueue_dma source(%dma_start3A_126 : memref<1024xf32, #tpu.memory_space<hbm>>) target(%dma_start3A_125 : memref<1024xf32, #tpu.memory_space<vmem>>) target_semaphore(%run_scoped3A_118 : memref<!tpu.dma_semaphore, #tpu.memory_space<semaphore_mem>>)
      %dma_wait3A_127 = arith.constant 0 : i32
      %dma_wait3A_128 = tpu.memref_slice %arg28[%run_scoped3A, %dma_wait3A_127] : memref<3x1024xf32, #tpu.memory_space<vmem>> -> memref<1x1024xf32, #tpu.memory_space<vmem>>
      %dma_wait3A_129 = tpu.memref_squeeze %dma_wait3A_128 : memref<1x1024xf32, #tpu.memory_space<vmem>> -> memref<1024xf32, #tpu.memory_space<vmem>>
      %dma_wait3A_130 = tpu.memref_slice %arg3[%mul3A_2] : memref<32768xf32, #tpu.memory_space<hbm>> -> memref<1024xf32, #tpu.memory_space<hbm>>
      %dma_wait3A_131 = arith.constant 0 : i32
      %dma_wait3A_132 = tpu.memref_slice %arg28[%run_scoped3A, %dma_wait3A_131] : memref<3x1024xf32, #tpu.memory_space<vmem>> -> memref<1x1024xf32, #tpu.memory_space<vmem>>
      %dma_wait3A_133 = tpu.memref_squeeze %dma_wait3A_132 : memref<1x1024xf32, #tpu.memory_space<vmem>> -> memref<1024xf32, #tpu.memory_space<vmem>>
      %dma_wait3A_134 = tpu.memref_slice %arg3[%mul3A_2] : memref<32768xf32, #tpu.memory_space<hbm>> -> memref<1024xf32, #tpu.memory_space<hbm>>
      tpu.wait_dma2 semaphore(%run_scoped3A_118 : memref<!tpu.dma_semaphore, #tpu.memory_space<semaphore_mem>>) src(%dma_wait3A_134 : memref<1024xf32, #tpu.memory_space<hbm>>) dst(%dma_wait3A_133 : memref<1024xf32, #tpu.memory_space<vmem>>)
      tpu.yield
    }) : () -> ()
    %run_scoped3A_50 = arith.constant 1 : i32
    "tpu.region"() ({
      %run_scoped3A_118 = tpu.sem_alloc : memref<!tpu.dma_semaphore, #tpu.memory_space<semaphore_mem>>
      %dma_start3A_119 = arith.constant 0 : i32
      %dma_start3A_120 = tpu.memref_slice %arg28[%run_scoped3A_50, %dma_start3A_119] : memref<3x1024xf32, #tpu.memory_space<vmem>> -> memref<1x1024xf32, #tpu.memory_space<vmem>>
      %dma_start3A_121 = tpu.memref_squeeze %dma_start3A_120 : memref<1x1024xf32, #tpu.memory_space<vmem>> -> memref<1024xf32, #tpu.memory_space<vmem>>
      %dma_start3A_122 = tpu.memref_slice %arg4[%mul3A_2] : memref<32768xf32, #tpu.memory_space<hbm>> -> memref<1024xf32, #tpu.memory_space<hbm>>
      %dma_start3A_123 = arith.constant 0 : i32
      %dma_start3A_124 = tpu.memref_slice %arg28[%run_scoped3A_50, %dma_start3A_123] : memref<3x1024xf32, #tpu.memory_space<vmem>> -> memref<1x1024xf32, #tpu.memory_space<vmem>>
      %dma_start3A_125 = tpu.memref_squeeze %dma_start3A_124 : memref<1x1024xf32, #tpu.memory_space<vmem>> -> memref<1024xf32, #tpu.memory_space<vmem>>
      %dma_start3A_126 = tpu.memref_slice %arg4[%mul3A_2] : memref<32768xf32, #tpu.memory_space<hbm>> -> memref<1024xf32, #tpu.memory_space<hbm>>
      tpu.enqueue_dma source(%dma_start3A_126 : memref<1024xf32, #tpu.memory_space<hbm>>) target(%dma_start3A_125 : memref<1024xf32, #tpu.memory_space<vmem>>) target_semaphore(%run_scoped3A_118 : memref<!tpu.dma_semaphore, #tpu.memory_space<semaphore_mem>>)
      %dma_wait3A_127 = arith.constant 0 : i32
      %dma_wait3A_128 = tpu.memref_slice %arg28[%run_scoped3A_50, %dma_wait3A_127] : memref<3x1024xf32, #tpu.memory_space<vmem>> -> memref<1x1024xf32, #tpu.memory_space<vmem>>
      %dma_wait3A_129 = tpu.memref_squeeze %dma_wait3A_128 : memref<1x1024xf32, #tpu.memory_space<vmem>> -> memref<1024xf32, #tpu.memory_space<vmem>>
      %dma_wait3A_130 = tpu.memref_slice %arg4[%mul3A_2] : memref<32768xf32, #tpu.memory_space<hbm>> -> memref<1024xf32, #tpu.memory_space<hbm>>
      %dma_wait3A_131 = arith.constant 0 : i32
      %dma_wait3A_132 = tpu.memref_slice %arg28[%run_scoped3A_50, %dma_wait3A_131] : memref<3x1024xf32, #tpu.memory_space<vmem>> -> memref<1x1024xf32, #tpu.memory_space<vmem>>
      %dma_wait3A_133 = tpu.memref_squeeze %dma_wait3A_132 : memref<1x1024xf32, #tpu.memory_space<vmem>> -> memref<1024xf32, #tpu.memory_space<vmem>>
      %dma_wait3A_134 = tpu.memref_slice %arg4[%mul3A_2] : memref<32768xf32, #tpu.memory_space<hbm>> -> memref<1024xf32, #tpu.memory_space<hbm>>
      tpu.wait_dma2 semaphore(%run_scoped3A_118 : memref<!tpu.dma_semaphore, #tpu.memory_space<semaphore_mem>>) src(%dma_wait3A_134 : memref<1024xf32, #tpu.memory_space<hbm>>) dst(%dma_wait3A_133 : memref<1024xf32, #tpu.memory_space<vmem>>)
      tpu.yield
    }) : () -> ()
    %run_scoped3A_51 = arith.constant 2 : i32
    "tpu.region"() ({
      %run_scoped3A_118 = tpu.sem_alloc : memref<!tpu.dma_semaphore, #tpu.memory_space<semaphore_mem>>
      %dma_start3A_119 = arith.constant 0 : i32
      %dma_start3A_120 = tpu.memref_slice %arg28[%run_scoped3A_51, %dma_start3A_119] : memref<3x1024xf32, #tpu.memory_space<vmem>> -> memref<1x1024xf32, #tpu.memory_space<vmem>>
      %dma_start3A_121 = tpu.memref_squeeze %dma_start3A_120 : memref<1x1024xf32, #tpu.memory_space<vmem>> -> memref<1024xf32, #tpu.memory_space<vmem>>
      %dma_start3A_122 = tpu.memref_slice %arg5[%mul3A_2] : memref<32768xf32, #tpu.memory_space<hbm>> -> memref<1024xf32, #tpu.memory_space<hbm>>
      %dma_start3A_123 = arith.constant 0 : i32
      %dma_start3A_124 = tpu.memref_slice %arg28[%run_scoped3A_51, %dma_start3A_123] : memref<3x1024xf32, #tpu.memory_space<vmem>> -> memref<1x1024xf32, #tpu.memory_space<vmem>>
      %dma_start3A_125 = tpu.memref_squeeze %dma_start3A_124 : memref<1x1024xf32, #tpu.memory_space<vmem>> -> memref<1024xf32, #tpu.memory_space<vmem>>
      %dma_start3A_126 = tpu.memref_slice %arg5[%mul3A_2] : memref<32768xf32, #tpu.memory_space<hbm>> -> memref<1024xf32, #tpu.memory_space<hbm>>
      tpu.enqueue_dma source(%dma_start3A_126 : memref<1024xf32, #tpu.memory_space<hbm>>) target(%dma_start3A_125 : memref<1024xf32, #tpu.memory_space<vmem>>) target_semaphore(%run_scoped3A_118 : memref<!tpu.dma_semaphore, #tpu.memory_space<semaphore_mem>>)
      %dma_wait3A_127 = arith.constant 0 : i32
      %dma_wait3A_128 = tpu.memref_slice %arg28[%run_scoped3A_51, %dma_wait3A_127] : memref<3x1024xf32, #tpu.memory_space<vmem>> -> memref<1x1024xf32, #tpu.memory_space<vmem>>
      %dma_wait3A_129 = tpu.memref_squeeze %dma_wait3A_128 : memref<1x1024xf32, #tpu.memory_space<vmem>> -> memref<1024xf32, #tpu.memory_space<vmem>>
      %dma_wait3A_130 = tpu.memref_slice %arg5[%mul3A_2] : memref<32768xf32, #tpu.memory_space<hbm>> -> memref<1024xf32, #tpu.memory_space<hbm>>
      %dma_wait3A_131 = arith.constant 0 : i32
      %dma_wait3A_132 = tpu.memref_slice %arg28[%run_scoped3A_51, %dma_wait3A_131] : memref<3x1024xf32, #tpu.memory_space<vmem>> -> memref<1x1024xf32, #tpu.memory_space<vmem>>
      %dma_wait3A_133 = tpu.memref_squeeze %dma_wait3A_132 : memref<1x1024xf32, #tpu.memory_space<vmem>> -> memref<1024xf32, #tpu.memory_space<vmem>>
      %dma_wait3A_134 = tpu.memref_slice %arg5[%mul3A_2] : memref<32768xf32, #tpu.memory_space<hbm>> -> memref<1024xf32, #tpu.memory_space<hbm>>
      tpu.wait_dma2 semaphore(%run_scoped3A_118 : memref<!tpu.dma_semaphore, #tpu.memory_space<semaphore_mem>>) src(%dma_wait3A_134 : memref<1024xf32, #tpu.memory_space<hbm>>) dst(%dma_wait3A_133 : memref<1024xf32, #tpu.memory_space<vmem>>)
      tpu.yield
    }) : () -> ()
    %run_scoped3A_52 = arith.constant 0 : i32
    "tpu.region"() ({
      %run_scoped3A_118 = tpu.sem_alloc : memref<!tpu.dma_semaphore, #tpu.memory_space<semaphore_mem>>
      %dma_start3A_119 = arith.constant 0 : i32
      %dma_start3A_120 = tpu.memref_slice %arg29[%run_scoped3A_52, %dma_start3A_119] : memref<3x1024xf32, #tpu.memory_space<vmem>> -> memref<1x1024xf32, #tpu.memory_space<vmem>>
      %dma_start3A_121 = tpu.memref_squeeze %dma_start3A_120 : memref<1x1024xf32, #tpu.memory_space<vmem>> -> memref<1024xf32, #tpu.memory_space<vmem>>
      %dma_start3A_122 = tpu.memref_slice %arg6[%mul3A_2] : memref<32768xf32, #tpu.memory_space<hbm>> -> memref<1024xf32, #tpu.memory_space<hbm>>
      %dma_start3A_123 = arith.constant 0 : i32
      %dma_start3A_124 = tpu.memref_slice %arg29[%run_scoped3A_52, %dma_start3A_123] : memref<3x1024xf32, #tpu.memory_space<vmem>> -> memref<1x1024xf32, #tpu.memory_space<vmem>>
      %dma_start3A_125 = tpu.memref_squeeze %dma_start3A_124 : memref<1x1024xf32, #tpu.memory_space<vmem>> -> memref<1024xf32, #tpu.memory_space<vmem>>
      %dma_start3A_126 = tpu.memref_slice %arg6[%mul3A_2] : memref<32768xf32, #tpu.memory_space<hbm>> -> memref<1024xf32, #tpu.memory_space<hbm>>
      tpu.enqueue_dma source(%dma_start3A_126 : memref<1024xf32, #tpu.memory_space<hbm>>) target(%dma_start3A_125 : memref<1024xf32, #tpu.memory_space<vmem>>) target_semaphore(%run_scoped3A_118 : memref<!tpu.dma_semaphore, #tpu.memory_space<semaphore_mem>>)
      %dma_wait3A_127 = arith.constant 0 : i32
      %dma_wait3A_128 = tpu.memref_slice %arg29[%run_scoped3A_52, %dma_wait3A_127] : memref<3x1024xf32, #tpu.memory_space<vmem>> -> memref<1x1024xf32, #tpu.memory_space<vmem>>
      %dma_wait3A_129 = tpu.memref_squeeze %dma_wait3A_128 : memref<1x1024xf32, #tpu.memory_space<vmem>> -> memref<1024xf32, #tpu.memory_space<vmem>>
      %dma_wait3A_130 = tpu.memref_slice %arg6[%mul3A_2] : memref<32768xf32, #tpu.memory_space<hbm>> -> memref<1024xf32, #tpu.memory_space<hbm>>
      %dma_wait3A_131 = arith.constant 0 : i32
      %dma_wait3A_132 = tpu.memref_slice %arg29[%run_scoped3A_52, %dma_wait3A_131] : memref<3x1024xf32, #tpu.memory_space<vmem>> -> memref<1x1024xf32, #tpu.memory_space<vmem>>
      %dma_wait3A_133 = tpu.memref_squeeze %dma_wait3A_132 : memref<1x1024xf32, #tpu.memory_space<vmem>> -> memref<1024xf32, #tpu.memory_space<vmem>>
      %dma_wait3A_134 = tpu.memref_slice %arg6[%mul3A_2] : memref<32768xf32, #tpu.memory_space<hbm>> -> memref<1024xf32, #tpu.memory_space<hbm>>
      tpu.wait_dma2 semaphore(%run_scoped3A_118 : memref<!tpu.dma_semaphore, #tpu.memory_space<semaphore_mem>>) src(%dma_wait3A_134 : memref<1024xf32, #tpu.memory_space<hbm>>) dst(%dma_wait3A_133 : memref<1024xf32, #tpu.memory_space<vmem>>)
      tpu.yield
    }) : () -> ()
    %run_scoped3A_53 = arith.constant 1 : i32
    "tpu.region"() ({
      %run_scoped3A_118 = tpu.sem_alloc : memref<!tpu.dma_semaphore, #tpu.memory_space<semaphore_mem>>
      %dma_start3A_119 = arith.constant 0 : i32
      %dma_start3A_120 = tpu.memref_slice %arg29[%run_scoped3A_53, %dma_start3A_119] : memref<3x1024xf32, #tpu.memory_space<vmem>> -> memref<1x1024xf32, #tpu.memory_space<vmem>>
      %dma_start3A_121 = tpu.memref_squeeze %dma_start3A_120 : memref<1x1024xf32, #tpu.memory_space<vmem>> -> memref<1024xf32, #tpu.memory_space<vmem>>
      %dma_start3A_122 = tpu.memref_slice %arg7[%mul3A_2] : memref<32768xf32, #tpu.memory_space<hbm>> -> memref<1024xf32, #tpu.memory_space<hbm>>
      %dma_start3A_123 = arith.constant 0 : i32
      %dma_start3A_124 = tpu.memref_slice %arg29[%run_scoped3A_53, %dma_start3A_123] : memref<3x1024xf32, #tpu.memory_space<vmem>> -> memref<1x1024xf32, #tpu.memory_space<vmem>>
      %dma_start3A_125 = tpu.memref_squeeze %dma_start3A_124 : memref<1x1024xf32, #tpu.memory_space<vmem>> -> memref<1024xf32, #tpu.memory_space<vmem>>
      %dma_start3A_126 = tpu.memref_slice %arg7[%mul3A_2] : memref<32768xf32, #tpu.memory_space<hbm>> -> memref<1024xf32, #tpu.memory_space<hbm>>
      tpu.enqueue_dma source(%dma_start3A_126 : memref<1024xf32, #tpu.memory_space<hbm>>) target(%dma_start3A_125 : memref<1024xf32, #tpu.memory_space<vmem>>) target_semaphore(%run_scoped3A_118 : memref<!tpu.dma_semaphore, #tpu.memory_space<semaphore_mem>>)
      %dma_wait3A_127 = arith.constant 0 : i32
      %dma_wait3A_128 = tpu.memref_slice %arg29[%run_scoped3A_53, %dma_wait3A_127] : memref<3x1024xf32, #tpu.memory_space<vmem>> -> memref<1x1024xf32, #tpu.memory_space<vmem>>
      %dma_wait3A_129 = tpu.memref_squeeze %dma_wait3A_128 : memref<1x1024xf32, #tpu.memory_space<vmem>> -> memref<1024xf32, #tpu.memory_space<vmem>>
      %dma_wait3A_130 = tpu.memref_slice %arg7[%mul3A_2] : memref<32768xf32, #tpu.memory_space<hbm>> -> memref<1024xf32, #tpu.memory_space<hbm>>
      %dma_wait3A_131 = arith.constant 0 : i32
      %dma_wait3A_132 = tpu.memref_slice %arg29[%run_scoped3A_53, %dma_wait3A_131] : memref<3x1024xf32, #tpu.memory_space<vmem>> -> memref<1x1024xf32, #tpu.memory_space<vmem>>
      %dma_wait3A_133 = tpu.memref_squeeze %dma_wait3A_132 : memref<1x1024xf32, #tpu.memory_space<vmem>> -> memref<1024xf32, #tpu.memory_space<vmem>>
      %dma_wait3A_134 = tpu.memref_slice %arg7[%mul3A_2] : memref<32768xf32, #tpu.memory_space<hbm>> -> memref<1024xf32, #tpu.memory_space<hbm>>
      tpu.wait_dma2 semaphore(%run_scoped3A_118 : memref<!tpu.dma_semaphore, #tpu.memory_space<semaphore_mem>>) src(%dma_wait3A_134 : memref<1024xf32, #tpu.memory_space<hbm>>) dst(%dma_wait3A_133 : memref<1024xf32, #tpu.memory_space<vmem>>)
      tpu.yield
    }) : () -> ()
    %run_scoped3A_54 = arith.constant 2 : i32
    "tpu.region"() ({
      %run_scoped3A_118 = tpu.sem_alloc : memref<!tpu.dma_semaphore, #tpu.memory_space<semaphore_mem>>
      %dma_start3A_119 = arith.constant 0 : i32
      %dma_start3A_120 = tpu.memref_slice %arg29[%run_scoped3A_54, %dma_start3A_119] : memref<3x1024xf32, #tpu.memory_space<vmem>> -> memref<1x1024xf32, #tpu.memory_space<vmem>>
      %dma_start3A_121 = tpu.memref_squeeze %dma_start3A_120 : memref<1x1024xf32, #tpu.memory_space<vmem>> -> memref<1024xf32, #tpu.memory_space<vmem>>
      %dma_start3A_122 = tpu.memref_slice %arg8[%mul3A_2] : memref<32768xf32, #tpu.memory_space<hbm>> -> memref<1024xf32, #tpu.memory_space<hbm>>
      %dma_start3A_123 = arith.constant 0 : i32
      %dma_start3A_124 = tpu.memref_slice %arg29[%run_scoped3A_54, %dma_start3A_123] : memref<3x1024xf32, #tpu.memory_space<vmem>> -> memref<1x1024xf32, #tpu.memory_space<vmem>>
      %dma_start3A_125 = tpu.memref_squeeze %dma_start3A_124 : memref<1x1024xf32, #tpu.memory_space<vmem>> -> memref<1024xf32, #tpu.memory_space<vmem>>
      %dma_start3A_126 = tpu.memref_slice %arg8[%mul3A_2] : memref<32768xf32, #tpu.memory_space<hbm>> -> memref<1024xf32, #tpu.memory_space<hbm>>
      tpu.enqueue_dma source(%dma_start3A_126 : memref<1024xf32, #tpu.memory_space<hbm>>) target(%dma_start3A_125 : memref<1024xf32, #tpu.memory_space<vmem>>) target_semaphore(%run_scoped3A_118 : memref<!tpu.dma_semaphore, #tpu.memory_space<semaphore_mem>>)
      %dma_wait3A_127 = arith.constant 0 : i32
      %dma_wait3A_128 = tpu.memref_slice %arg29[%run_scoped3A_54, %dma_wait3A_127] : memref<3x1024xf32, #tpu.memory_space<vmem>> -> memref<1x1024xf32, #tpu.memory_space<vmem>>
      %dma_wait3A_129 = tpu.memref_squeeze %dma_wait3A_128 : memref<1x1024xf32, #tpu.memory_space<vmem>> -> memref<1024xf32, #tpu.memory_space<vmem>>
      %dma_wait3A_130 = tpu.memref_slice %arg8[%mul3A_2] : memref<32768xf32, #tpu.memory_space<hbm>> -> memref<1024xf32, #tpu.memory_space<hbm>>
      %dma_wait3A_131 = arith.constant 0 : i32
      %dma_wait3A_132 = tpu.memref_slice %arg29[%run_scoped3A_54, %dma_wait3A_131] : memref<3x1024xf32, #tpu.memory_space<vmem>> -> memref<1x1024xf32, #tpu.memory_space<vmem>>
      %dma_wait3A_133 = tpu.memref_squeeze %dma_wait3A_132 : memref<1x1024xf32, #tpu.memory_space<vmem>> -> memref<1024xf32, #tpu.memory_space<vmem>>
      %dma_wait3A_134 = tpu.memref_slice %arg8[%mul3A_2] : memref<32768xf32, #tpu.memory_space<hbm>> -> memref<1024xf32, #tpu.memory_space<hbm>>
      tpu.wait_dma2 semaphore(%run_scoped3A_118 : memref<!tpu.dma_semaphore, #tpu.memory_space<semaphore_mem>>) src(%dma_wait3A_134 : memref<1024xf32, #tpu.memory_space<hbm>>) dst(%dma_wait3A_133 : memref<1024xf32, #tpu.memory_space<vmem>>)
      tpu.yield
    }) : () -> ()
    "tpu.region"() ({
      %run_scoped3A_118 = tpu.sem_alloc : memref<!tpu.dma_semaphore, #tpu.memory_space<semaphore_mem>>
      %dma_start3A_119 = tpu.memref_slice %arg9[%mul3A_2] : memref<32768xf32, #tpu.memory_space<hbm>> -> memref<1024xf32, #tpu.memory_space<hbm>>
      %dma_start3A_120 = tpu.memref_slice %arg9[%mul3A_2] : memref<32768xf32, #tpu.memory_space<hbm>> -> memref<1024xf32, #tpu.memory_space<hbm>>
      tpu.enqueue_dma source(%dma_start3A_120 : memref<1024xf32, #tpu.memory_space<hbm>>) target(%arg30 : memref<1024xf32, #tpu.memory_space<vmem>>) target_semaphore(%run_scoped3A_118 : memref<!tpu.dma_semaphore, #tpu.memory_space<semaphore_mem>>)
      %dma_wait3A_121 = tpu.memref_slice %arg9[%mul3A_2] : memref<32768xf32, #tpu.memory_space<hbm>> -> memref<1024xf32, #tpu.memory_space<hbm>>
      %dma_wait3A_122 = tpu.memref_slice %arg9[%mul3A_2] : memref<32768xf32, #tpu.memory_space<hbm>> -> memref<1024xf32, #tpu.memory_space<hbm>>
      tpu.wait_dma2 semaphore(%run_scoped3A_118 : memref<!tpu.dma_semaphore, #tpu.memory_space<semaphore_mem>>) src(%dma_wait3A_122 : memref<1024xf32, #tpu.memory_space<hbm>>) dst(%arg30 : memref<1024xf32, #tpu.memory_space<vmem>>)
      tpu.yield
    }) : () -> ()
    %run_scoped3A_55 = arith.constant 0 : i32
    "tpu.region"() ({
      %run_scoped3A_118 = tpu.sem_alloc : memref<!tpu.dma_semaphore, #tpu.memory_space<semaphore_mem>>
      %dma_start3A_119 = arith.constant 0 : i32
      %dma_start3A_120 = tpu.memref_slice %arg31[%run_scoped3A_55, %dma_start3A_119] : memref<9x64xf32, #tpu.memory_space<vmem>> -> memref<1x64xf32, #tpu.memory_space<vmem>>
      %dma_start3A_121 = tpu.memref_squeeze %dma_start3A_120 : memref<1x64xf32, #tpu.memory_space<vmem>> -> memref<64xf32, #tpu.memory_space<vmem>>
      %dma_start3A_122 = arith.constant 0 : i32
      %dma_start3A_123 = tpu.memref_slice %arg31[%run_scoped3A_55, %dma_start3A_122] : memref<9x64xf32, #tpu.memory_space<vmem>> -> memref<1x64xf32, #tpu.memory_space<vmem>>
      %dma_start3A_124 = tpu.memref_squeeze %dma_start3A_123 : memref<1x64xf32, #tpu.memory_space<vmem>> -> memref<64xf32, #tpu.memory_space<vmem>>
      tpu.enqueue_dma source(%arg10 : memref<64xf32, #tpu.memory_space<hbm>>) target(%dma_start3A_124 : memref<64xf32, #tpu.memory_space<vmem>>) target_semaphore(%run_scoped3A_118 : memref<!tpu.dma_semaphore, #tpu.memory_space<semaphore_mem>>)
      %dma_wait3A_125 = arith.constant 0 : i32
      %dma_wait3A_126 = tpu.memref_slice %arg31[%run_scoped3A_55, %dma_wait3A_125] : memref<9x64xf32, #tpu.memory_space<vmem>> -> memref<1x64xf32, #tpu.memory_space<vmem>>
      %dma_wait3A_127 = tpu.memref_squeeze %dma_wait3A_126 : memref<1x64xf32, #tpu.memory_space<vmem>> -> memref<64xf32, #tpu.memory_space<vmem>>
      %dma_wait3A_128 = arith.constant 0 : i32
      %dma_wait3A_129 = tpu.memref_slice %arg31[%run_scoped3A_55, %dma_wait3A_128] : memref<9x64xf32, #tpu.memory_space<vmem>> -> memref<1x64xf32, #tpu.memory_space<vmem>>
      %dma_wait3A_130 = tpu.memref_squeeze %dma_wait3A_129 : memref<1x64xf32, #tpu.memory_space<vmem>> -> memref<64xf32, #tpu.memory_space<vmem>>
      tpu.wait_dma2 semaphore(%run_scoped3A_118 : memref<!tpu.dma_semaphore, #tpu.memory_space<semaphore_mem>>) src(%arg10 : memref<64xf32, #tpu.memory_space<hbm>>) dst(%dma_wait3A_130 : memref<64xf32, #tpu.memory_space<vmem>>)
      tpu.yield
    }) : () -> ()
    %run_scoped3A_56 = arith.constant 1 : i32
    "tpu.region"() ({
      %run_scoped3A_118 = tpu.sem_alloc : memref<!tpu.dma_semaphore, #tpu.memory_space<semaphore_mem>>
      %dma_start3A_119 = arith.constant 0 : i32
      %dma_start3A_120 = tpu.memref_slice %arg31[%run_scoped3A_56, %dma_start3A_119] : memref<9x64xf32, #tpu.memory_space<vmem>> -> memref<1x64xf32, #tpu.memory_space<vmem>>
      %dma_start3A_121 = tpu.memref_squeeze %dma_start3A_120 : memref<1x64xf32, #tpu.memory_space<vmem>> -> memref<64xf32, #tpu.memory_space<vmem>>
      %dma_start3A_122 = arith.constant 0 : i32
      %dma_start3A_123 = tpu.memref_slice %arg31[%run_scoped3A_56, %dma_start3A_122] : memref<9x64xf32, #tpu.memory_space<vmem>> -> memref<1x64xf32, #tpu.memory_space<vmem>>
      %dma_start3A_124 = tpu.memref_squeeze %dma_start3A_123 : memref<1x64xf32, #tpu.memory_space<vmem>> -> memref<64xf32, #tpu.memory_space<vmem>>
      tpu.enqueue_dma source(%arg11 : memref<64xf32, #tpu.memory_space<hbm>>) target(%dma_start3A_124 : memref<64xf32, #tpu.memory_space<vmem>>) target_semaphore(%run_scoped3A_118 : memref<!tpu.dma_semaphore, #tpu.memory_space<semaphore_mem>>)
      %dma_wait3A_125 = arith.constant 0 : i32
      %dma_wait3A_126 = tpu.memref_slice %arg31[%run_scoped3A_56, %dma_wait3A_125] : memref<9x64xf32, #tpu.memory_space<vmem>> -> memref<1x64xf32, #tpu.memory_space<vmem>>
      %dma_wait3A_127 = tpu.memref_squeeze %dma_wait3A_126 : memref<1x64xf32, #tpu.memory_space<vmem>> -> memref<64xf32, #tpu.memory_space<vmem>>
      %dma_wait3A_128 = arith.constant 0 : i32
      %dma_wait3A_129 = tpu.memref_slice %arg31[%run_scoped3A_56, %dma_wait3A_128] : memref<9x64xf32, #tpu.memory_space<vmem>> -> memref<1x64xf32, #tpu.memory_space<vmem>>
      %dma_wait3A_130 = tpu.memref_squeeze %dma_wait3A_129 : memref<1x64xf32, #tpu.memory_space<vmem>> -> memref<64xf32, #tpu.memory_space<vmem>>
      tpu.wait_dma2 semaphore(%run_scoped3A_118 : memref<!tpu.dma_semaphore, #tpu.memory_space<semaphore_mem>>) src(%arg11 : memref<64xf32, #tpu.memory_space<hbm>>) dst(%dma_wait3A_130 : memref<64xf32, #tpu.memory_space<vmem>>)
      tpu.yield
    }) : () -> ()
    %run_scoped3A_57 = arith.constant 2 : i32
    "tpu.region"() ({
      %run_scoped3A_118 = tpu.sem_alloc : memref<!tpu.dma_semaphore, #tpu.memory_space<semaphore_mem>>
      %dma_start3A_119 = arith.constant 0 : i32
      %dma_start3A_120 = tpu.memref_slice %arg31[%run_scoped3A_57, %dma_start3A_119] : memref<9x64xf32, #tpu.memory_space<vmem>> -> memref<1x64xf32, #tpu.memory_space<vmem>>
      %dma_start3A_121 = tpu.memref_squeeze %dma_start3A_120 : memref<1x64xf32, #tpu.memory_space<vmem>> -> memref<64xf32, #tpu.memory_space<vmem>>
      %dma_start3A_122 = arith.constant 0 : i32
      %dma_start3A_123 = tpu.memref_slice %arg31[%run_scoped3A_57, %dma_start3A_122] : memref<9x64xf32, #tpu.memory_space<vmem>> -> memref<1x64xf32, #tpu.memory_space<vmem>>
      %dma_start3A_124 = tpu.memref_squeeze %dma_start3A_123 : memref<1x64xf32, #tpu.memory_space<vmem>> -> memref<64xf32, #tpu.memory_space<vmem>>
      tpu.enqueue_dma source(%arg12 : memref<64xf32, #tpu.memory_space<hbm>>) target(%dma_start3A_124 : memref<64xf32, #tpu.memory_space<vmem>>) target_semaphore(%run_scoped3A_118 : memref<!tpu.dma_semaphore, #tpu.memory_space<semaphore_mem>>)
      %dma_wait3A_125 = arith.constant 0 : i32
      %dma_wait3A_126 = tpu.memref_slice %arg31[%run_scoped3A_57, %dma_wait3A_125] : memref<9x64xf32, #tpu.memory_space<vmem>> -> memref<1x64xf32, #tpu.memory_space<vmem>>
      %dma_wait3A_127 = tpu.memref_squeeze %dma_wait3A_126 : memref<1x64xf32, #tpu.memory_space<vmem>> -> memref<64xf32, #tpu.memory_space<vmem>>
      %dma_wait3A_128 = arith.constant 0 : i32
      %dma_wait3A_129 = tpu.memref_slice %arg31[%run_scoped3A_57, %dma_wait3A_128] : memref<9x64xf32, #tpu.memory_space<vmem>> -> memref<1x64xf32, #tpu.memory_space<vmem>>
      %dma_wait3A_130 = tpu.memref_squeeze %dma_wait3A_129 : memref<1x64xf32, #tpu.memory_space<vmem>> -> memref<64xf32, #tpu.memory_space<vmem>>
      tpu.wait_dma2 semaphore(%run_scoped3A_118 : memref<!tpu.dma_semaphore, #tpu.memory_space<semaphore_mem>>) src(%arg12 : memref<64xf32, #tpu.memory_space<hbm>>) dst(%dma_wait3A_130 : memref<64xf32, #tpu.memory_space<vmem>>)
      tpu.yield
    }) : () -> ()
    %run_scoped3A_58 = arith.constant 3 : i32
    "tpu.region"() ({
      %run_scoped3A_118 = tpu.sem_alloc : memref<!tpu.dma_semaphore, #tpu.memory_space<semaphore_mem>>
      %dma_start3A_119 = arith.constant 0 : i32
      %dma_start3A_120 = tpu.memref_slice %arg31[%run_scoped3A_58, %dma_start3A_119] : memref<9x64xf32, #tpu.memory_space<vmem>> -> memref<1x64xf32, #tpu.memory_space<vmem>>
      %dma_start3A_121 = tpu.memref_squeeze %dma_start3A_120 : memref<1x64xf32, #tpu.memory_space<vmem>> -> memref<64xf32, #tpu.memory_space<vmem>>
      %dma_start3A_122 = arith.constant 0 : i32
      %dma_start3A_123 = tpu.memref_slice %arg31[%run_scoped3A_58, %dma_start3A_122] : memref<9x64xf32, #tpu.memory_space<vmem>> -> memref<1x64xf32, #tpu.memory_space<vmem>>
      %dma_start3A_124 = tpu.memref_squeeze %dma_start3A_123 : memref<1x64xf32, #tpu.memory_space<vmem>> -> memref<64xf32, #tpu.memory_space<vmem>>
      tpu.enqueue_dma source(%arg13 : memref<64xf32, #tpu.memory_space<hbm>>) target(%dma_start3A_124 : memref<64xf32, #tpu.memory_space<vmem>>) target_semaphore(%run_scoped3A_118 : memref<!tpu.dma_semaphore, #tpu.memory_space<semaphore_mem>>)
      %dma_wait3A_125 = arith.constant 0 : i32
      %dma_wait3A_126 = tpu.memref_slice %arg31[%run_scoped3A_58, %dma_wait3A_125] : memref<9x64xf32, #tpu.memory_space<vmem>> -> memref<1x64xf32, #tpu.memory_space<vmem>>
      %dma_wait3A_127 = tpu.memref_squeeze %dma_wait3A_126 : memref<1x64xf32, #tpu.memory_space<vmem>> -> memref<64xf32, #tpu.memory_space<vmem>>
      %dma_wait3A_128 = arith.constant 0 : i32
      %dma_wait3A_129 = tpu.memref_slice %arg31[%run_scoped3A_58, %dma_wait3A_128] : memref<9x64xf32, #tpu.memory_space<vmem>> -> memref<1x64xf32, #tpu.memory_space<vmem>>
      %dma_wait3A_130 = tpu.memref_squeeze %dma_wait3A_129 : memref<1x64xf32, #tpu.memory_space<vmem>> -> memref<64xf32, #tpu.memory_space<vmem>>
      tpu.wait_dma2 semaphore(%run_scoped3A_118 : memref<!tpu.dma_semaphore, #tpu.memory_space<semaphore_mem>>) src(%arg13 : memref<64xf32, #tpu.memory_space<hbm>>) dst(%dma_wait3A_130 : memref<64xf32, #tpu.memory_space<vmem>>)
      tpu.yield
    }) : () -> ()
    %run_scoped3A_59 = arith.constant 4 : i32
    "tpu.region"() ({
      %run_scoped3A_118 = tpu.sem_alloc : memref<!tpu.dma_semaphore, #tpu.memory_space<semaphore_mem>>
      %dma_start3A_119 = arith.constant 0 : i32
      %dma_start3A_120 = tpu.memref_slice %arg31[%run_scoped3A_59, %dma_start3A_119] : memref<9x64xf32, #tpu.memory_space<vmem>> -> memref<1x64xf32, #tpu.memory_space<vmem>>
      %dma_start3A_121 = tpu.memref_squeeze %dma_start3A_120 : memref<1x64xf32, #tpu.memory_space<vmem>> -> memref<64xf32, #tpu.memory_space<vmem>>
      %dma_start3A_122 = arith.constant 0 : i32
      %dma_start3A_123 = tpu.memref_slice %arg31[%run_scoped3A_59, %dma_start3A_122] : memref<9x64xf32, #tpu.memory_space<vmem>> -> memref<1x64xf32, #tpu.memory_space<vmem>>
      %dma_start3A_124 = tpu.memref_squeeze %dma_start3A_123 : memref<1x64xf32, #tpu.memory_space<vmem>> -> memref<64xf32, #tpu.memory_space<vmem>>
      tpu.enqueue_dma source(%arg14 : memref<64xf32, #tpu.memory_space<hbm>>) target(%dma_start3A_124 : memref<64xf32, #tpu.memory_space<vmem>>) target_semaphore(%run_scoped3A_118 : memref<!tpu.dma_semaphore, #tpu.memory_space<semaphore_mem>>)
      %dma_wait3A_125 = arith.constant 0 : i32
      %dma_wait3A_126 = tpu.memref_slice %arg31[%run_scoped3A_59, %dma_wait3A_125] : memref<9x64xf32, #tpu.memory_space<vmem>> -> memref<1x64xf32, #tpu.memory_space<vmem>>
      %dma_wait3A_127 = tpu.memref_squeeze %dma_wait3A_126 : memref<1x64xf32, #tpu.memory_space<vmem>> -> memref<64xf32, #tpu.memory_space<vmem>>
      %dma_wait3A_128 = arith.constant 0 : i32
      %dma_wait3A_129 = tpu.memref_slice %arg31[%run_scoped3A_59, %dma_wait3A_128] : memref<9x64xf32, #tpu.memory_space<vmem>> -> memref<1x64xf32, #tpu.memory_space<vmem>>
      %dma_wait3A_130 = tpu.memref_squeeze %dma_wait3A_129 : memref<1x64xf32, #tpu.memory_space<vmem>> -> memref<64xf32, #tpu.memory_space<vmem>>
      tpu.wait_dma2 semaphore(%run_scoped3A_118 : memref<!tpu.dma_semaphore, #tpu.memory_space<semaphore_mem>>) src(%arg14 : memref<64xf32, #tpu.memory_space<hbm>>) dst(%dma_wait3A_130 : memref<64xf32, #tpu.memory_space<vmem>>)
      tpu.yield
    }) : () -> ()
    %run_scoped3A_60 = arith.constant 5 : i32
    "tpu.region"() ({
      %run_scoped3A_118 = tpu.sem_alloc : memref<!tpu.dma_semaphore, #tpu.memory_space<semaphore_mem>>
      %dma_start3A_119 = arith.constant 0 : i32
      %dma_start3A_120 = tpu.memref_slice %arg31[%run_scoped3A_60, %dma_start3A_119] : memref<9x64xf32, #tpu.memory_space<vmem>> -> memref<1x64xf32, #tpu.memory_space<vmem>>
      %dma_start3A_121 = tpu.memref_squeeze %dma_start3A_120 : memref<1x64xf32, #tpu.memory_space<vmem>> -> memref<64xf32, #tpu.memory_space<vmem>>
      %dma_start3A_122 = arith.constant 0 : i32
      %dma_start3A_123 = tpu.memref_slice %arg31[%run_scoped3A_60, %dma_start3A_122] : memref<9x64xf32, #tpu.memory_space<vmem>> -> memref<1x64xf32, #tpu.memory_space<vmem>>
      %dma_start3A_124 = tpu.memref_squeeze %dma_start3A_123 : memref<1x64xf32, #tpu.memory_space<vmem>> -> memref<64xf32, #tpu.memory_space<vmem>>
      tpu.enqueue_dma source(%arg15 : memref<64xf32, #tpu.memory_space<hbm>>) target(%dma_start3A_124 : memref<64xf32, #tpu.memory_space<vmem>>) target_semaphore(%run_scoped3A_118 : memref<!tpu.dma_semaphore, #tpu.memory_space<semaphore_mem>>)
      %dma_wait3A_125 = arith.constant 0 : i32
      %dma_wait3A_126 = tpu.memref_slice %arg31[%run_scoped3A_60, %dma_wait3A_125] : memref<9x64xf32, #tpu.memory_space<vmem>> -> memref<1x64xf32, #tpu.memory_space<vmem>>
      %dma_wait3A_127 = tpu.memref_squeeze %dma_wait3A_126 : memref<1x64xf32, #tpu.memory_space<vmem>> -> memref<64xf32, #tpu.memory_space<vmem>>
      %dma_wait3A_128 = arith.constant 0 : i32
      %dma_wait3A_129 = tpu.memref_slice %arg31[%run_scoped3A_60, %dma_wait3A_128] : memref<9x64xf32, #tpu.memory_space<vmem>> -> memref<1x64xf32, #tpu.memory_space<vmem>>
      %dma_wait3A_130 = tpu.memref_squeeze %dma_wait3A_129 : memref<1x64xf32, #tpu.memory_space<vmem>> -> memref<64xf32, #tpu.memory_space<vmem>>
      tpu.wait_dma2 semaphore(%run_scoped3A_118 : memref<!tpu.dma_semaphore, #tpu.memory_space<semaphore_mem>>) src(%arg15 : memref<64xf32, #tpu.memory_space<hbm>>) dst(%dma_wait3A_130 : memref<64xf32, #tpu.memory_space<vmem>>)
      tpu.yield
    }) : () -> ()
    %run_scoped3A_61 = arith.constant 6 : i32
    "tpu.region"() ({
      %run_scoped3A_118 = tpu.sem_alloc : memref<!tpu.dma_semaphore, #tpu.memory_space<semaphore_mem>>
      %dma_start3A_119 = arith.constant 0 : i32
      %dma_start3A_120 = tpu.memref_slice %arg31[%run_scoped3A_61, %dma_start3A_119] : memref<9x64xf32, #tpu.memory_space<vmem>> -> memref<1x64xf32, #tpu.memory_space<vmem>>
      %dma_start3A_121 = tpu.memref_squeeze %dma_start3A_120 : memref<1x64xf32, #tpu.memory_space<vmem>> -> memref<64xf32, #tpu.memory_space<vmem>>
      %dma_start3A_122 = arith.constant 0 : i32
      %dma_start3A_123 = tpu.memref_slice %arg31[%run_scoped3A_61, %dma_start3A_122] : memref<9x64xf32, #tpu.memory_space<vmem>> -> memref<1x64xf32, #tpu.memory_space<vmem>>
      %dma_start3A_124 = tpu.memref_squeeze %dma_start3A_123 : memref<1x64xf32, #tpu.memory_space<vmem>> -> memref<64xf32, #tpu.memory_space<vmem>>
      tpu.enqueue_dma source(%arg16 : memref<64xf32, #tpu.memory_space<hbm>>) target(%dma_start3A_124 : memref<64xf32, #tpu.memory_space<vmem>>) target_semaphore(%run_scoped3A_118 : memref<!tpu.dma_semaphore, #tpu.memory_space<semaphore_mem>>)
      %dma_wait3A_125 = arith.constant 0 : i32
      %dma_wait3A_126 = tpu.memref_slice %arg31[%run_scoped3A_61, %dma_wait3A_125] : memref<9x64xf32, #tpu.memory_space<vmem>> -> memref<1x64xf32, #tpu.memory_space<vmem>>
      %dma_wait3A_127 = tpu.memref_squeeze %dma_wait3A_126 : memref<1x64xf32, #tpu.memory_space<vmem>> -> memref<64xf32, #tpu.memory_space<vmem>>
      %dma_wait3A_128 = arith.constant 0 : i32
      %dma_wait3A_129 = tpu.memref_slice %arg31[%run_scoped3A_61, %dma_wait3A_128] : memref<9x64xf32, #tpu.memory_space<vmem>> -> memref<1x64xf32, #tpu.memory_space<vmem>>
      %dma_wait3A_130 = tpu.memref_squeeze %dma_wait3A_129 : memref<1x64xf32, #tpu.memory_space<vmem>> -> memref<64xf32, #tpu.memory_space<vmem>>
      tpu.wait_dma2 semaphore(%run_scoped3A_118 : memref<!tpu.dma_semaphore, #tpu.memory_space<semaphore_mem>>) src(%arg16 : memref<64xf32, #tpu.memory_space<hbm>>) dst(%dma_wait3A_130 : memref<64xf32, #tpu.memory_space<vmem>>)
      tpu.yield
    }) : () -> ()
    %run_scoped3A_62 = arith.constant 7 : i32
    "tpu.region"() ({
      %run_scoped3A_118 = tpu.sem_alloc : memref<!tpu.dma_semaphore, #tpu.memory_space<semaphore_mem>>
      %dma_start3A_119 = arith.constant 0 : i32
      %dma_start3A_120 = tpu.memref_slice %arg31[%run_scoped3A_62, %dma_start3A_119] : memref<9x64xf32, #tpu.memory_space<vmem>> -> memref<1x64xf32, #tpu.memory_space<vmem>>
      %dma_start3A_121 = tpu.memref_squeeze %dma_start3A_120 : memref<1x64xf32, #tpu.memory_space<vmem>> -> memref<64xf32, #tpu.memory_space<vmem>>
      %dma_start3A_122 = arith.constant 0 : i32
      %dma_start3A_123 = tpu.memref_slice %arg31[%run_scoped3A_62, %dma_start3A_122] : memref<9x64xf32, #tpu.memory_space<vmem>> -> memref<1x64xf32, #tpu.memory_space<vmem>>
      %dma_start3A_124 = tpu.memref_squeeze %dma_start3A_123 : memref<1x64xf32, #tpu.memory_space<vmem>> -> memref<64xf32, #tpu.memory_space<vmem>>
      tpu.enqueue_dma source(%arg17 : memref<64xf32, #tpu.memory_space<hbm>>) target(%dma_start3A_124 : memref<64xf32, #tpu.memory_space<vmem>>) target_semaphore(%run_scoped3A_118 : memref<!tpu.dma_semaphore, #tpu.memory_space<semaphore_mem>>)
      %dma_wait3A_125 = arith.constant 0 : i32
      %dma_wait3A_126 = tpu.memref_slice %arg31[%run_scoped3A_62, %dma_wait3A_125] : memref<9x64xf32, #tpu.memory_space<vmem>> -> memref<1x64xf32, #tpu.memory_space<vmem>>
      %dma_wait3A_127 = tpu.memref_squeeze %dma_wait3A_126 : memref<1x64xf32, #tpu.memory_space<vmem>> -> memref<64xf32, #tpu.memory_space<vmem>>
      %dma_wait3A_128 = arith.constant 0 : i32
      %dma_wait3A_129 = tpu.memref_slice %arg31[%run_scoped3A_62, %dma_wait3A_128] : memref<9x64xf32, #tpu.memory_space<vmem>> -> memref<1x64xf32, #tpu.memory_space<vmem>>
      %dma_wait3A_130 = tpu.memref_squeeze %dma_wait3A_129 : memref<1x64xf32, #tpu.memory_space<vmem>> -> memref<64xf32, #tpu.memory_space<vmem>>
      tpu.wait_dma2 semaphore(%run_scoped3A_118 : memref<!tpu.dma_semaphore, #tpu.memory_space<semaphore_mem>>) src(%arg17 : memref<64xf32, #tpu.memory_space<hbm>>) dst(%dma_wait3A_130 : memref<64xf32, #tpu.memory_space<vmem>>)
      tpu.yield
    }) : () -> ()
    %run_scoped3A_63 = arith.constant 8 : i32
    "tpu.region"() ({
      %run_scoped3A_118 = tpu.sem_alloc : memref<!tpu.dma_semaphore, #tpu.memory_space<semaphore_mem>>
      %dma_start3A_119 = arith.constant 0 : i32
      %dma_start3A_120 = tpu.memref_slice %arg31[%run_scoped3A_63, %dma_start3A_119] : memref<9x64xf32, #tpu.memory_space<vmem>> -> memref<1x64xf32, #tpu.memory_space<vmem>>
      %dma_start3A_121 = tpu.memref_squeeze %dma_start3A_120 : memref<1x64xf32, #tpu.memory_space<vmem>> -> memref<64xf32, #tpu.memory_space<vmem>>
      %dma_start3A_122 = arith.constant 0 : i32
      %dma_start3A_123 = tpu.memref_slice %arg31[%run_scoped3A_63, %dma_start3A_122] : memref<9x64xf32, #tpu.memory_space<vmem>> -> memref<1x64xf32, #tpu.memory_space<vmem>>
      %dma_start3A_124 = tpu.memref_squeeze %dma_start3A_123 : memref<1x64xf32, #tpu.memory_space<vmem>> -> memref<64xf32, #tpu.memory_space<vmem>>
      tpu.enqueue_dma source(%arg18 : memref<64xf32, #tpu.memory_space<hbm>>) target(%dma_start3A_124 : memref<64xf32, #tpu.memory_space<vmem>>) target_semaphore(%run_scoped3A_118 : memref<!tpu.dma_semaphore, #tpu.memory_space<semaphore_mem>>)
      %dma_wait3A_125 = arith.constant 0 : i32
      %dma_wait3A_126 = tpu.memref_slice %arg31[%run_scoped3A_63, %dma_wait3A_125] : memref<9x64xf32, #tpu.memory_space<vmem>> -> memref<1x64xf32, #tpu.memory_space<vmem>>
      %dma_wait3A_127 = tpu.memref_squeeze %dma_wait3A_126 : memref<1x64xf32, #tpu.memory_space<vmem>> -> memref<64xf32, #tpu.memory_space<vmem>>
      %dma_wait3A_128 = arith.constant 0 : i32
      %dma_wait3A_129 = tpu.memref_slice %arg31[%run_scoped3A_63, %dma_wait3A_128] : memref<9x64xf32, #tpu.memory_space<vmem>> -> memref<1x64xf32, #tpu.memory_space<vmem>>
      %dma_wait3A_130 = tpu.memref_squeeze %dma_wait3A_129 : memref<1x64xf32, #tpu.memory_space<vmem>> -> memref<64xf32, #tpu.memory_space<vmem>>
      tpu.wait_dma2 semaphore(%run_scoped3A_118 : memref<!tpu.dma_semaphore, #tpu.memory_space<semaphore_mem>>) src(%arg18 : memref<64xf32, #tpu.memory_space<hbm>>) dst(%dma_wait3A_130 : memref<64xf32, #tpu.memory_space<vmem>>)
      tpu.yield
    }) : () -> ()
    "tpu.region"() ({
      %run_scoped3A_118 = tpu.sem_alloc : memref<!tpu.dma_semaphore, #tpu.memory_space<semaphore_mem>>
      tpu.enqueue_dma source(%arg19 : memref<64xf32, #tpu.memory_space<hbm>>) target(%arg32 : memref<64xf32, #tpu.memory_space<vmem>>) target_semaphore(%run_scoped3A_118 : memref<!tpu.dma_semaphore, #tpu.memory_space<semaphore_mem>>)
      tpu.wait_dma2 semaphore(%run_scoped3A_118 : memref<!tpu.dma_semaphore, #tpu.memory_space<semaphore_mem>>) src(%arg19 : memref<64xf32, #tpu.memory_space<hbm>>) dst(%arg32 : memref<64xf32, #tpu.memory_space<vmem>>)
      tpu.yield
    }) : () -> ()
    %dma_wait3A = arith.constant 0 : i32
    %dma_wait3A_64 = arith.constant 0 : i32
    %dma_wait3A_65 = arith.constant 0 : i32
    %dma_wait3A_66 = arith.constant 0 : i32
    %dma_wait3A_67 = arith.constant 0 : i32
    %dma_wait3A_68 = tpu.memref_slice %arg27[%dma_wait3A, %dma_wait3A_64, %dma_wait3A_65, %dma_wait3A_66, %dma_wait3A_67] : memref<2x8x4x8x128xf32, #tpu.memory_space<vmem>> -> memref<1x8x4x8x128xf32, #tpu.memory_space<vmem>>
    %dma_wait3A_69 = tpu.memref_squeeze %dma_wait3A_68 : memref<1x8x4x8x128xf32, #tpu.memory_space<vmem>> -> memref<8x4x8x128xf32, #tpu.memory_space<vmem>>
    %dma_wait3A_70 = arith.constant 0 : i32
    %dma_wait3A_71 = arith.constant 0 : i32
    %dma_wait3A_72 = arith.constant 0 : i32
    %dma_wait3A_73 = tpu.memref_slice %arg2[%dma_wait3A_70, %mul3A_4, %dma_wait3A_71, %dma_wait3A_72] : memref<8x256x8x128xf32, #tpu.memory_space<hbm>> -> memref<8x4x8x128xf32, #tpu.memory_space<hbm>>
    %dma_wait3A_74 = arith.constant 0 : i32
    %dma_wait3A_75 = arith.constant 0 : i32
    %dma_wait3A_76 = arith.constant 0 : i32
    %dma_wait3A_77 = arith.constant 0 : i32
    %dma_wait3A_78 = tpu.memref_slice %arg27[%dma_wait3A, %dma_wait3A_74, %dma_wait3A_75, %dma_wait3A_76, %dma_wait3A_77] : memref<2x8x4x8x128xf32, #tpu.memory_space<vmem>> -> memref<1x8x4x8x128xf32, #tpu.memory_space<vmem>>
    %dma_wait3A_79 = tpu.memref_squeeze %dma_wait3A_78 : memref<1x8x4x8x128xf32, #tpu.memory_space<vmem>> -> memref<8x4x8x128xf32, #tpu.memory_space<vmem>>
    %dma_wait3A_80 = arith.constant 0 : i32
    %dma_wait3A_81 = arith.constant 0 : i32
    %dma_wait3A_82 = arith.constant 0 : i32
    %dma_wait3A_83 = tpu.memref_slice %arg2[%dma_wait3A_80, %mul3A_4, %dma_wait3A_81, %dma_wait3A_82] : memref<8x256x8x128xf32, #tpu.memory_space<hbm>> -> memref<8x4x8x128xf32, #tpu.memory_space<hbm>>
    tpu.wait_dma2 semaphore(%arg35 : memref<!tpu.dma_semaphore, #tpu.memory_space<semaphore_mem>>) src(%dma_wait3A_83 : memref<8x4x8x128xf32, #tpu.memory_space<hbm>>) dst(%dma_wait3A_79 : memref<8x4x8x128xf32, #tpu.memory_space<vmem>>)
    %parallel_loop3A = arith.constant 0 : i32
    %parallel_loop3A_84 = arith.constant 32 : i32
    %parallel_loop3A_85 = arith.constant 1 : i32
    %parallel_loop3A_86 = arith.constant 0x7F800000 : f32
    scf.for %parallel_loop3A_118 = %parallel_loop3A to %parallel_loop3A_84 step %parallel_loop3A_85  : i32 {
      %parallel_loop3A_119 = arith.constant 0 : i32
      %parallel_loop3A_120 = arith.addi %parallel_loop3A_119, %parallel_loop3A_118 : i32
      %parallel_loop3A_121 = arith.constant 8 : i32
      %parallel_loop3A_122 = arith.divsi %parallel_loop3A_118, %parallel_loop3A_121 : i32
      %parallel_loop3A_123 = arith.constant 0 : i32
      %parallel_loop3A_124 = arith.cmpi sgt, %parallel_loop3A_118, %parallel_loop3A_123 : i32
      %parallel_loop3A_125 = arith.extui %parallel_loop3A_124 : i1 to i32
      %parallel_loop3A_126 = arith.constant 0 : i32
      %parallel_loop3A_127 = arith.cmpi slt, %parallel_loop3A_118, %parallel_loop3A_126 : i32
      %parallel_loop3A_128 = arith.extui %parallel_loop3A_127 : i1 to i32
      %parallel_loop3A_129 = arith.subi %parallel_loop3A_125, %parallel_loop3A_128 : i32
      %parallel_loop3A_130 = arith.constant 0 : i32
      %parallel_loop3A_131 = arith.cmpi sgt, %parallel_loop3A_121, %parallel_loop3A_130 : i32
      %parallel_loop3A_132 = arith.extui %parallel_loop3A_131 : i1 to i32
      %parallel_loop3A_133 = arith.constant 0 : i32
      %parallel_loop3A_134 = arith.cmpi slt, %parallel_loop3A_121, %parallel_loop3A_133 : i32
      %parallel_loop3A_135 = arith.extui %parallel_loop3A_134 : i1 to i32
      %parallel_loop3A_136 = arith.subi %parallel_loop3A_132, %parallel_loop3A_135 : i32
      %parallel_loop3A_137 = arith.cmpi ne, %parallel_loop3A_129, %parallel_loop3A_136 : i32
      %parallel_loop3A_138 = arith.remsi %parallel_loop3A_118, %parallel_loop3A_121 : i32
      %parallel_loop3A_139 = arith.constant 0 : i32
      %parallel_loop3A_140 = arith.cmpi ne, %parallel_loop3A_138, %parallel_loop3A_139 : i32
      %parallel_loop3A_141 = arith.andi %parallel_loop3A_137, %parallel_loop3A_140 : i1
      %parallel_loop3A_142 = arith.constant 1 : i32
      %parallel_loop3A_143 = arith.subi %parallel_loop3A_122, %parallel_loop3A_142 : i32
      %parallel_loop3A_144 = arith.select %parallel_loop3A_141, %parallel_loop3A_143, %parallel_loop3A_122 : i32
      %parallel_loop3A_145 = arith.constant 8 : i32
      %parallel_loop3A_146 = arith.constant 0 : i32
      %parallel_loop3A_147 = arith.cmpi eq, %parallel_loop3A_145, %parallel_loop3A_146 : i32
      %parallel_loop3A_148 = arith.constant 1 : i32
      %parallel_loop3A_149 = arith.select %parallel_loop3A_147, %parallel_loop3A_148, %parallel_loop3A_145 : i32
      %parallel_loop3A_150 = arith.remsi %parallel_loop3A_118, %parallel_loop3A_149 : i32
      %parallel_loop3A_151 = arith.constant 0 : i32
      %parallel_loop3A_152 = arith.cmpi ne, %parallel_loop3A_150, %parallel_loop3A_151 : i32
      %parallel_loop3A_153 = arith.constant 0 : i32
      %parallel_loop3A_154 = arith.cmpi slt, %parallel_loop3A_150, %parallel_loop3A_153 : i32
      %parallel_loop3A_155 = arith.constant 0 : i32
      %parallel_loop3A_156 = arith.cmpi slt, %parallel_loop3A_149, %parallel_loop3A_155 : i32
      %parallel_loop3A_157 = arith.xori %parallel_loop3A_154, %parallel_loop3A_156 : i1
      %parallel_loop3A_158 = arith.andi %parallel_loop3A_157, %parallel_loop3A_152 : i1
      %parallel_loop3A_159 = arith.addi %parallel_loop3A_150, %parallel_loop3A_149 : i32
      %parallel_loop3A_160 = arith.select %parallel_loop3A_158, %parallel_loop3A_159, %parallel_loop3A_150 : i32
      %parallel_loop3A_161 = arith.constant 16 : i32
      %parallel_loop3A_162 = arith.muli %parallel_loop3A_160, %parallel_loop3A_161 : i32
      %parallel_loop3A_163 = vector.broadcast %parallel_loop3A_86 : f32 to vector<16xf32>
      %parallel_loop3A_164 = vector.broadcast %parallel_loop3A_86 : f32 to vector<16xf32>
      %parallel_loop3A_165 = vector.broadcast %parallel_loop3A_86 : f32 to vector<16xf32>
      %parallel_loop3A_166 = vector.broadcast %parallel_loop3A_86 : f32 to vector<16xf32>
      %parallel_loop3A_167 = vector.broadcast %parallel_loop3A_86 : f32 to vector<16xf32>
      %parallel_loop3A_168 = vector.broadcast %parallel_loop3A_86 : f32 to vector<16xf32>
      %parallel_loop3A_169 = vector.broadcast %parallel_loop3A_86 : f32 to vector<16xf32>
      %parallel_loop3A_170 = vector.broadcast %parallel_loop3A_86 : f32 to vector<16xf32>
      %parallel_loop3A_171 = arith.constant 0 : i32
      %parallel_loop3A_172 = vector.broadcast %parallel_loop3A_171 : i32 to vector<16xi32>
      %parallel_loop3A_173 = arith.constant 0 : i32
      %parallel_loop3A_174 = vector.broadcast %parallel_loop3A_173 : i32 to vector<16xi32>
      %parallel_loop3A_175 = arith.constant 0 : i32
      %parallel_loop3A_176 = vector.broadcast %parallel_loop3A_175 : i32 to vector<16xi32>
      %parallel_loop3A_177 = arith.constant 0 : i32
      %parallel_loop3A_178 = vector.broadcast %parallel_loop3A_177 : i32 to vector<16xi32>
      %parallel_loop3A_179 = arith.constant 0 : i32
      %parallel_loop3A_180 = vector.broadcast %parallel_loop3A_179 : i32 to vector<16xi32>
      %parallel_loop3A_181 = arith.constant 0 : i32
      %parallel_loop3A_182 = vector.broadcast %parallel_loop3A_181 : i32 to vector<16xi32>
      %parallel_loop3A_183 = arith.constant 0 : i32
      %parallel_loop3A_184 = vector.broadcast %parallel_loop3A_183 : i32 to vector<16xi32>
      %parallel_loop3A_185 = arith.constant 0 : i32
      %parallel_loop3A_186 = vector.broadcast %parallel_loop3A_185 : i32 to vector<16xi32>
      %parallel_loop3A_187 = arith.constant 0 : i32
      %parallel_loop3A_188 = vector.broadcast %parallel_loop3A_187 : i32 to vector<16xi32>
      %parallel_loop3A_189 = arith.constant 0 : i32
      %parallel_loop3A_190 = arith.constant 0 : i32
      %parallel_loop3A_191 = arith.constant 0 : i32
      %parallel_loop3A_192 = arith.index_cast %parallel_loop3A_189 : i32 to index
      %parallel_loop3A_193 = arith.index_cast %parallel_loop3A_190 : i32 to index
      %parallel_loop3A_194 = arith.index_cast %parallel_loop3A_144 : i32 to index
      %parallel_loop3A_195 = arith.index_cast %parallel_loop3A_191 : i32 to index
      %parallel_loop3A_196 = arith.index_cast %parallel_loop3A_162 : i32 to index
      %parallel_loop3A_197 = tpu.vector_load %arg27[%parallel_loop3A_192, %parallel_loop3A_193, %parallel_loop3A_194, %parallel_loop3A_195, %parallel_loop3A_196] {strides = array<i32>} : memref<2x8x4x8x128xf32, #tpu.memory_space<vmem>>, vector<16xf32>,
      %parallel_loop3A_198 = arith.cmpf olt, %parallel_loop3A_197, %parallel_loop3A_163 : vector<16xf32>
      %parallel_loop3A_199 = arith.select %parallel_loop3A_198, %parallel_loop3A_197, %parallel_loop3A_163 : vector<16xi1>, vector<16xf32>
      %parallel_loop3A_200 = arith.select %parallel_loop3A_198, %parallel_loop3A_188, %parallel_loop3A_172 : vector<16xi1>, vector<16xi32>
      %parallel_loop3A_201 = arith.constant 0 : i32
      %parallel_loop3A_202 = arith.constant 0 : i32
      %parallel_loop3A_203 = arith.constant 1 : i32
      %parallel_loop3A_204 = arith.index_cast %parallel_loop3A_201 : i32 to index
      %parallel_loop3A_205 = arith.index_cast %parallel_loop3A_202 : i32 to index
      %parallel_loop3A_206 = arith.index_cast %parallel_loop3A_144 : i32 to index
      %parallel_loop3A_207 = arith.index_cast %parallel_loop3A_203 : i32 to index
      %parallel_loop3A_208 = arith.index_cast %parallel_loop3A_162 : i32 to index
      %parallel_loop3A_209 = tpu.vector_load %arg27[%parallel_loop3A_204, %parallel_loop3A_205, %parallel_loop3A_206, %parallel_loop3A_207, %parallel_loop3A_208] {strides = array<i32>} : memref<2x8x4x8x128xf32, #tpu.memory_space<vmem>>, vector<16xf32>,
      %parallel_loop3A_210 = arith.cmpf olt, %parallel_loop3A_209, %parallel_loop3A_164 : vector<16xf32>
      %parallel_loop3A_211 = arith.select %parallel_loop3A_210, %parallel_loop3A_209, %parallel_loop3A_164 : vector<16xi1>, vector<16xf32>
      %parallel_loop3A_212 = arith.select %parallel_loop3A_210, %parallel_loop3A_188, %parallel_loop3A_174 : vector<16xi1>, vector<16xi32>
      %parallel_loop3A_213 = arith.constant 0 : i32
      %parallel_loop3A_214 = arith.constant 0 : i32
      %parallel_loop3A_215 = arith.constant 2 : i32
      %parallel_loop3A_216 = arith.index_cast %parallel_loop3A_213 : i32 to index
      %parallel_loop3A_217 = arith.index_cast %parallel_loop3A_214 : i32 to index
      %parallel_loop3A_218 = arith.index_cast %parallel_loop3A_144 : i32 to index
      %parallel_loop3A_219 = arith.index_cast %parallel_loop3A_215 : i32 to index
      %parallel_loop3A_220 = arith.index_cast %parallel_loop3A_162 : i32 to index
      %parallel_loop3A_221 = tpu.vector_load %arg27[%parallel_loop3A_216, %parallel_loop3A_217, %parallel_loop3A_218, %parallel_loop3A_219, %parallel_loop3A_220] {strides = array<i32>} : memref<2x8x4x8x128xf32, #tpu.memory_space<vmem>>, vector<16xf32>,
      %parallel_loop3A_222 = arith.cmpf olt, %parallel_loop3A_221, %parallel_loop3A_165 : vector<16xf32>
      %parallel_loop3A_223 = arith.select %parallel_loop3A_222, %parallel_loop3A_221, %parallel_loop3A_165 : vector<16xi1>, vector<16xf32>
      %parallel_loop3A_224 = arith.select %parallel_loop3A_222, %parallel_loop3A_188, %parallel_loop3A_176 : vector<16xi1>, vector<16xi32>
      %parallel_loop3A_225 = arith.constant 0 : i32
      %parallel_loop3A_226 = arith.constant 0 : i32
      %parallel_loop3A_227 = arith.constant 3 : i32
      %parallel_loop3A_228 = arith.index_cast %parallel_loop3A_225 : i32 to index
      %parallel_loop3A_229 = arith.index_cast %parallel_loop3A_226 : i32 to index
      %parallel_loop3A_230 = arith.index_cast %parallel_loop3A_144 : i32 to index
      %parallel_loop3A_231 = arith.index_cast %parallel_loop3A_227 : i32 to index
      %parallel_loop3A_232 = arith.index_cast %parallel_loop3A_162 : i32 to index
      %parallel_loop3A_233 = tpu.vector_load %arg27[%parallel_loop3A_228, %parallel_loop3A_229, %parallel_loop3A_230, %parallel_loop3A_231, %parallel_loop3A_232] {strides = array<i32>} : memref<2x8x4x8x128xf32, #tpu.memory_space<vmem>>, vector<16xf32>,
      %parallel_loop3A_234 = arith.cmpf olt, %parallel_loop3A_233, %parallel_loop3A_166 : vector<16xf32>
      %parallel_loop3A_235 = arith.select %parallel_loop3A_234, %parallel_loop3A_233, %parallel_loop3A_166 : vector<16xi1>, vector<16xf32>
      %parallel_loop3A_236 = arith.select %parallel_loop3A_234, %parallel_loop3A_188, %parallel_loop3A_178 : vector<16xi1>, vector<16xi32>
      %parallel_loop3A_237 = arith.constant 0 : i32
      %parallel_loop3A_238 = arith.constant 0 : i32
      %parallel_loop3A_239 = arith.constant 4 : i32
      %parallel_loop3A_240 = arith.index_cast %parallel_loop3A_237 : i32 to index
      %parallel_loop3A_241 = arith.index_cast %parallel_loop3A_238 : i32 to index
      %parallel_loop3A_242 = arith.index_cast %parallel_loop3A_144 : i32 to index
      %parallel_loop3A_243 = arith.index_cast %parallel_loop3A_239 : i32 to index
      %parallel_loop3A_244 = arith.index_cast %parallel_loop3A_162 : i32 to index
      %parallel_loop3A_245 = tpu.vector_load %arg27[%parallel_loop3A_240, %parallel_loop3A_241, %parallel_loop3A_242, %parallel_loop3A_243, %parallel_loop3A_244] {strides = array<i32>} : memref<2x8x4x8x128xf32, #tpu.memory_space<vmem>>, vector<16xf32>,
      %parallel_loop3A_246 = arith.cmpf olt, %parallel_loop3A_245, %parallel_loop3A_167 : vector<16xf32>
      %parallel_loop3A_247 = arith.select %parallel_loop3A_246, %parallel_loop3A_245, %parallel_loop3A_167 : vector<16xi1>, vector<16xf32>
      %parallel_loop3A_248 = arith.select %parallel_loop3A_246, %parallel_loop3A_188, %parallel_loop3A_180 : vector<16xi1>, vector<16xi32>
      %parallel_loop3A_249 = arith.constant 0 : i32
      %parallel_loop3A_250 = arith.constant 0 : i32
      %parallel_loop3A_251 = arith.constant 5 : i32
      %parallel_loop3A_252 = arith.index_cast %parallel_loop3A_249 : i32 to index
      %parallel_loop3A_253 = arith.index_cast %parallel_loop3A_250 : i32 to index
      %parallel_loop3A_254 = arith.index_cast %parallel_loop3A_144 : i32 to index
      %parallel_loop3A_255 = arith.index_cast %parallel_loop3A_251 : i32 to index
      %parallel_loop3A_256 = arith.index_cast %parallel_loop3A_162 : i32 to index
      %parallel_loop3A_257 = tpu.vector_load %arg27[%parallel_loop3A_252, %parallel_loop3A_253, %parallel_loop3A_254, %parallel_loop3A_255, %parallel_loop3A_256] {strides = array<i32>} : memref<2x8x4x8x128xf32, #tpu.memory_space<vmem>>, vector<16xf32>,
      %parallel_loop3A_258 = arith.cmpf olt, %parallel_loop3A_257, %parallel_loop3A_168 : vector<16xf32>
      %parallel_loop3A_259 = arith.select %parallel_loop3A_258, %parallel_loop3A_257, %parallel_loop3A_168 : vector<16xi1>, vector<16xf32>
      %parallel_loop3A_260 = arith.select %parallel_loop3A_258, %parallel_loop3A_188, %parallel_loop3A_182 : vector<16xi1>, vector<16xi32>
      %parallel_loop3A_261 = arith.constant 0 : i32
      %parallel_loop3A_262 = arith.constant 0 : i32
      %parallel_loop3A_263 = arith.constant 6 : i32
      %parallel_loop3A_264 = arith.index_cast %parallel_loop3A_261 : i32 to index
      %parallel_loop3A_265 = arith.index_cast %parallel_loop3A_262 : i32 to index
      %parallel_loop3A_266 = arith.index_cast %parallel_loop3A_144 : i32 to index
      %parallel_loop3A_267 = arith.index_cast %parallel_loop3A_263 : i32 to index
      %parallel_loop3A_268 = arith.index_cast %parallel_loop3A_162 : i32 to index
      %parallel_loop3A_269 = tpu.vector_load %arg27[%parallel_loop3A_264, %parallel_loop3A_265, %parallel_loop3A_266, %parallel_loop3A_267, %parallel_loop3A_268] {strides = array<i32>} : memref<2x8x4x8x128xf32, #tpu.memory_space<vmem>>, vector<16xf32>,
      %parallel_loop3A_270 = arith.cmpf olt, %parallel_loop3A_269, %parallel_loop3A_169 : vector<16xf32>
      %parallel_loop3A_271 = arith.select %parallel_loop3A_270, %parallel_loop3A_269, %parallel_loop3A_169 : vector<16xi1>, vector<16xf32>
      %parallel_loop3A_272 = arith.select %parallel_loop3A_270, %parallel_loop3A_188, %parallel_loop3A_184 : vector<16xi1>, vector<16xi32>
      %parallel_loop3A_273 = arith.constant 0 : i32
      %parallel_loop3A_274 = arith.constant 0 : i32
      %parallel_loop3A_275 = arith.constant 7 : i32
      %parallel_loop3A_276 = arith.index_cast %parallel_loop3A_273 : i32 to index
      %parallel_loop3A_277 = arith.index_cast %parallel_loop3A_274 : i32 to index
      %parallel_loop3A_278 = arith.index_cast %parallel_loop3A_144 : i32 to index
      %parallel_loop3A_279 = arith.index_cast %parallel_loop3A_275 : i32 to index
      %parallel_loop3A_280 = arith.index_cast %parallel_loop3A_162 : i32 to index
      %parallel_loop3A_281 = tpu.vector_load %arg27[%parallel_loop3A_276, %parallel_loop3A_277, %parallel_loop3A_278, %parallel_loop3A_279, %parallel_loop3A_280] {strides = array<i32>} : memref<2x8x4x8x128xf32, #tpu.memory_space<vmem>>, vector<16xf32>,
      %parallel_loop3A_282 = arith.cmpf olt, %parallel_loop3A_281, %parallel_loop3A_170 : vector<16xf32>
      %parallel_loop3A_283 = arith.select %parallel_loop3A_282, %parallel_loop3A_281, %parallel_loop3A_170 : vector<16xi1>, vector<16xf32>
      %parallel_loop3A_284 = arith.select %parallel_loop3A_282, %parallel_loop3A_188, %parallel_loop3A_186 : vector<16xi1>, vector<16xi32>
      %parallel_loop3A_285 = arith.constant 1 : i32
      %parallel_loop3A_286 = vector.broadcast %parallel_loop3A_285 : i32 to vector<16xi32>
      %parallel_loop3A_287 = arith.constant 0 : i32
      %parallel_loop3A_288 = arith.constant 1 : i32
      %parallel_loop3A_289 = arith.constant 0 : i32
      %parallel_loop3A_290 = arith.index_cast %parallel_loop3A_287 : i32 to index
      %parallel_loop3A_291 = arith.index_cast %parallel_loop3A_288 : i32 to index
      %parallel_loop3A_292 = arith.index_cast %parallel_loop3A_144 : i32 to index
      %parallel_loop3A_293 = arith.index_cast %parallel_loop3A_289 : i32 to index
      %parallel_loop3A_294 = arith.index_cast %parallel_loop3A_162 : i32 to index
      %parallel_loop3A_295 = tpu.vector_load %arg27[%parallel_loop3A_290, %parallel_loop3A_291, %parallel_loop3A_292, %parallel_loop3A_293, %parallel_loop3A_294] {strides = array<i32>} : memref<2x8x4x8x128xf32, #tpu.memory_space<vmem>>, vector<16xf32>,
      %parallel_loop3A_296 = arith.cmpf olt, %parallel_loop3A_295, %parallel_loop3A_199 : vector<16xf32>
      %parallel_loop3A_297 = arith.select %parallel_loop3A_296, %parallel_loop3A_295, %parallel_loop3A_199 : vector<16xi1>, vector<16xf32>
      %parallel_loop3A_298 = arith.select %parallel_loop3A_296, %parallel_loop3A_286, %parallel_loop3A_200 : vector<16xi1>, vector<16xi32>
      %parallel_loop3A_299 = arith.constant 0 : i32
      %parallel_loop3A_300 = arith.constant 1 : i32
      %parallel_loop3A_301 = arith.constant 1 : i32
      %parallel_loop3A_302 = arith.index_cast %parallel_loop3A_299 : i32 to index
      %parallel_loop3A_303 = arith.index_cast %parallel_loop3A_300 : i32 to index
      %parallel_loop3A_304 = arith.index_cast %parallel_loop3A_144 : i32 to index
      %parallel_loop3A_305 = arith.index_cast %parallel_loop3A_301 : i32 to index
      %parallel_loop3A_306 = arith.index_cast %parallel_loop3A_162 : i32 to index
      %parallel_loop3A_307 = tpu.vector_load %arg27[%parallel_loop3A_302, %parallel_loop3A_303, %parallel_loop3A_304, %parallel_loop3A_305, %parallel_loop3A_306] {strides = array<i32>} : memref<2x8x4x8x128xf32, #tpu.memory_space<vmem>>, vector<16xf32>,
      %parallel_loop3A_308 = arith.cmpf olt, %parallel_loop3A_307, %parallel_loop3A_211 : vector<16xf32>
      %parallel_loop3A_309 = arith.select %parallel_loop3A_308, %parallel_loop3A_307, %parallel_loop3A_211 : vector<16xi1>, vector<16xf32>
      %parallel_loop3A_310 = arith.select %parallel_loop3A_308, %parallel_loop3A_286, %parallel_loop3A_212 : vector<16xi1>, vector<16xi32>
      %parallel_loop3A_311 = arith.constant 0 : i32
      %parallel_loop3A_312 = arith.constant 1 : i32
      %parallel_loop3A_313 = arith.constant 2 : i32
      %parallel_loop3A_314 = arith.index_cast %parallel_loop3A_311 : i32 to index
      %parallel_loop3A_315 = arith.index_cast %parallel_loop3A_312 : i32 to index
      %parallel_loop3A_316 = arith.index_cast %parallel_loop3A_144 : i32 to index
      %parallel_loop3A_317 = arith.index_cast %parallel_loop3A_313 : i32 to index
      %parallel_loop3A_318 = arith.index_cast %parallel_loop3A_162 : i32 to index
      %parallel_loop3A_319 = tpu.vector_load %arg27[%parallel_loop3A_314, %parallel_loop3A_315, %parallel_loop3A_316, %parallel_loop3A_317, %parallel_loop3A_318] {strides = array<i32>} : memref<2x8x4x8x128xf32, #tpu.memory_space<vmem>>, vector<16xf32>,
      %parallel_loop3A_320 = arith.cmpf olt, %parallel_loop3A_319, %parallel_loop3A_223 : vector<16xf32>
      %parallel_loop3A_321 = arith.select %parallel_loop3A_320, %parallel_loop3A_319, %parallel_loop3A_223 : vector<16xi1>, vector<16xf32>
      %parallel_loop3A_322 = arith.select %parallel_loop3A_320, %parallel_loop3A_286, %parallel_loop3A_224 : vector<16xi1>, vector<16xi32>
      %parallel_loop3A_323 = arith.constant 0 : i32
      %parallel_loop3A_324 = arith.constant 1 : i32
      %parallel_loop3A_325 = arith.constant 3 : i32
      %parallel_loop3A_326 = arith.index_cast %parallel_loop3A_323 : i32 to index
      %parallel_loop3A_327 = arith.index_cast %parallel_loop3A_324 : i32 to index
      %parallel_loop3A_328 = arith.index_cast %parallel_loop3A_144 : i32 to index
      %parallel_loop3A_329 = arith.index_cast %parallel_loop3A_325 : i32 to index
      %parallel_loop3A_330 = arith.index_cast %parallel_loop3A_162 : i32 to index
      %parallel_loop3A_331 = tpu.vector_load %arg27[%parallel_loop3A_326, %parallel_loop3A_327, %parallel_loop3A_328, %parallel_loop3A_329, %parallel_loop3A_330] {strides = array<i32>} : memref<2x8x4x8x128xf32, #tpu.memory_space<vmem>>, vector<16xf32>,
      %parallel_loop3A_332 = arith.cmpf olt, %parallel_loop3A_331, %parallel_loop3A_235 : vector<16xf32>
      %parallel_loop3A_333 = arith.select %parallel_loop3A_332, %parallel_loop3A_331, %parallel_loop3A_235 : vector<16xi1>, vector<16xf32>
      %parallel_loop3A_334 = arith.select %parallel_loop3A_332, %parallel_loop3A_286, %parallel_loop3A_236 : vector<16xi1>, vector<16xi32>
      %parallel_loop3A_335 = arith.constant 0 : i32
      %parallel_loop3A_336 = arith.constant 1 : i32
      %parallel_loop3A_337 = arith.constant 4 : i32
      %parallel_loop3A_338 = arith.index_cast %parallel_loop3A_335 : i32 to index
      %parallel_loop3A_339 = arith.index_cast %parallel_loop3A_336 : i32 to index
      %parallel_loop3A_340 = arith.index_cast %parallel_loop3A_144 : i32 to index
      %parallel_loop3A_341 = arith.index_cast %parallel_loop3A_337 : i32 to index
      %parallel_loop3A_342 = arith.index_cast %parallel_loop3A_162 : i32 to index
      %parallel_loop3A_343 = tpu.vector_load %arg27[%parallel_loop3A_338, %parallel_loop3A_339, %parallel_loop3A_340, %parallel_loop3A_341, %parallel_loop3A_342] {strides = array<i32>} : memref<2x8x4x8x128xf32, #tpu.memory_space<vmem>>, vector<16xf32>,
      %parallel_loop3A_344 = arith.cmpf olt, %parallel_loop3A_343, %parallel_loop3A_247 : vector<16xf32>
      %parallel_loop3A_345 = arith.select %parallel_loop3A_344, %parallel_loop3A_343, %parallel_loop3A_247 : vector<16xi1>, vector<16xf32>
      %parallel_loop3A_346 = arith.select %parallel_loop3A_344, %parallel_loop3A_286, %parallel_loop3A_248 : vector<16xi1>, vector<16xi32>
      %parallel_loop3A_347 = arith.constant 0 : i32
      %parallel_loop3A_348 = arith.constant 1 : i32
      %parallel_loop3A_349 = arith.constant 5 : i32
      %parallel_loop3A_350 = arith.index_cast %parallel_loop3A_347 : i32 to index
      %parallel_loop3A_351 = arith.index_cast %parallel_loop3A_348 : i32 to index
      %parallel_loop3A_352 = arith.index_cast %parallel_loop3A_144 : i32 to index
      %parallel_loop3A_353 = arith.index_cast %parallel_loop3A_349 : i32 to index
      %parallel_loop3A_354 = arith.index_cast %parallel_loop3A_162 : i32 to index
      %parallel_loop3A_355 = tpu.vector_load %arg27[%parallel_loop3A_350, %parallel_loop3A_351, %parallel_loop3A_352, %parallel_loop3A_353, %parallel_loop3A_354] {strides = array<i32>} : memref<2x8x4x8x128xf32, #tpu.memory_space<vmem>>, vector<16xf32>,
      %parallel_loop3A_356 = arith.cmpf olt, %parallel_loop3A_355, %parallel_loop3A_259 : vector<16xf32>
      %parallel_loop3A_357 = arith.select %parallel_loop3A_356, %parallel_loop3A_355, %parallel_loop3A_259 : vector<16xi1>, vector<16xf32>
      %parallel_loop3A_358 = arith.select %parallel_loop3A_356, %parallel_loop3A_286, %parallel_loop3A_260 : vector<16xi1>, vector<16xi32>
      %parallel_loop3A_359 = arith.constant 0 : i32
      %parallel_loop3A_360 = arith.constant 1 : i32
      %parallel_loop3A_361 = arith.constant 6 : i32
      %parallel_loop3A_362 = arith.index_cast %parallel_loop3A_359 : i32 to index
      %parallel_loop3A_363 = arith.index_cast %parallel_loop3A_360 : i32 to index
      %parallel_loop3A_364 = arith.index_cast %parallel_loop3A_144 : i32 to index
      %parallel_loop3A_365 = arith.index_cast %parallel_loop3A_361 : i32 to index
      %parallel_loop3A_366 = arith.index_cast %parallel_loop3A_162 : i32 to index
      %parallel_loop3A_367 = tpu.vector_load %arg27[%parallel_loop3A_362, %parallel_loop3A_363, %parallel_loop3A_364, %parallel_loop3A_365, %parallel_loop3A_366] {strides = array<i32>} : memref<2x8x4x8x128xf32, #tpu.memory_space<vmem>>, vector<16xf32>,
      %parallel_loop3A_368 = arith.cmpf olt, %parallel_loop3A_367, %parallel_loop3A_271 : vector<16xf32>
      %parallel_loop3A_369 = arith.select %parallel_loop3A_368, %parallel_loop3A_367, %parallel_loop3A_271 : vector<16xi1>, vector<16xf32>
      %parallel_loop3A_370 = arith.select %parallel_loop3A_368, %parallel_loop3A_286, %parallel_loop3A_272 : vector<16xi1>, vector<16xi32>
      %parallel_loop3A_371 = arith.constant 0 : i32
      %parallel_loop3A_372 = arith.constant 1 : i32
      %parallel_loop3A_373 = arith.constant 7 : i32
      %parallel_loop3A_374 = arith.index_cast %parallel_loop3A_371 : i32 to index
      %parallel_loop3A_375 = arith.index_cast %parallel_loop3A_372 : i32 to index
      %parallel_loop3A_376 = arith.index_cast %parallel_loop3A_144 : i32 to index
      %parallel_loop3A_377 = arith.index_cast %parallel_loop3A_373 : i32 to index
      %parallel_loop3A_378 = arith.index_cast %parallel_loop3A_162 : i32 to index
      %parallel_loop3A_379 = tpu.vector_load %arg27[%parallel_loop3A_374, %parallel_loop3A_375, %parallel_loop3A_376, %parallel_loop3A_377, %parallel_loop3A_378] {strides = array<i32>} : memref<2x8x4x8x128xf32, #tpu.memory_space<vmem>>, vector<16xf32>,
      %parallel_loop3A_380 = arith.cmpf olt, %parallel_loop3A_379, %parallel_loop3A_283 : vector<16xf32>
      %parallel_loop3A_381 = arith.select %parallel_loop3A_380, %parallel_loop3A_379, %parallel_loop3A_283 : vector<16xi1>, vector<16xf32>
      %parallel_loop3A_382 = arith.select %parallel_loop3A_380, %parallel_loop3A_286, %parallel_loop3A_284 : vector<16xi1>, vector<16xi32>
      %parallel_loop3A_383 = arith.constant 2 : i32
      %parallel_loop3A_384 = vector.broadcast %parallel_loop3A_383 : i32 to vector<16xi32>
      %parallel_loop3A_385 = arith.constant 0 : i32
      %parallel_loop3A_386 = arith.constant 2 : i32
      %parallel_loop3A_387 = arith.constant 0 : i32
      %parallel_loop3A_388 = arith.index_cast %parallel_loop3A_385 : i32 to index
      %parallel_loop3A_389 = arith.index_cast %parallel_loop3A_386 : i32 to index
      %parallel_loop3A_390 = arith.index_cast %parallel_loop3A_144 : i32 to index
      %parallel_loop3A_391 = arith.index_cast %parallel_loop3A_387 : i32 to index
      %parallel_loop3A_392 = arith.index_cast %parallel_loop3A_162 : i32 to index
      %parallel_loop3A_393 = tpu.vector_load %arg27[%parallel_loop3A_388, %parallel_loop3A_389, %parallel_loop3A_390, %parallel_loop3A_391, %parallel_loop3A_392] {strides = array<i32>} : memref<2x8x4x8x128xf32, #tpu.memory_space<vmem>>, vector<16xf32>,
      %parallel_loop3A_394 = arith.cmpf olt, %parallel_loop3A_393, %parallel_loop3A_297 : vector<16xf32>
      %parallel_loop3A_395 = arith.select %parallel_loop3A_394, %parallel_loop3A_393, %parallel_loop3A_297 : vector<16xi1>, vector<16xf32>
      %parallel_loop3A_396 = arith.select %parallel_loop3A_394, %parallel_loop3A_384, %parallel_loop3A_298 : vector<16xi1>, vector<16xi32>
      %parallel_loop3A_397 = arith.constant 0 : i32
      %parallel_loop3A_398 = arith.constant 2 : i32
      %parallel_loop3A_399 = arith.constant 1 : i32
      %parallel_loop3A_400 = arith.index_cast %parallel_loop3A_397 : i32 to index
      %parallel_loop3A_401 = arith.index_cast %parallel_loop3A_398 : i32 to index
      %parallel_loop3A_402 = arith.index_cast %parallel_loop3A_144 : i32 to index
      %parallel_loop3A_403 = arith.index_cast %parallel_loop3A_399 : i32 to index
      %parallel_loop3A_404 = arith.index_cast %parallel_loop3A_162 : i32 to index
      %parallel_loop3A_405 = tpu.vector_load %arg27[%parallel_loop3A_400, %parallel_loop3A_401, %parallel_loop3A_402, %parallel_loop3A_403, %parallel_loop3A_404] {strides = array<i32>} : memref<2x8x4x8x128xf32, #tpu.memory_space<vmem>>, vector<16xf32>,
      %parallel_loop3A_406 = arith.cmpf olt, %parallel_loop3A_405, %parallel_loop3A_309 : vector<16xf32>
      %parallel_loop3A_407 = arith.select %parallel_loop3A_406, %parallel_loop3A_405, %parallel_loop3A_309 : vector<16xi1>, vector<16xf32>
      %parallel_loop3A_408 = arith.select %parallel_loop3A_406, %parallel_loop3A_384, %parallel_loop3A_310 : vector<16xi1>, vector<16xi32>
      %parallel_loop3A_409 = arith.constant 0 : i32
      %parallel_loop3A_410 = arith.constant 2 : i32
      %parallel_loop3A_411 = arith.constant 2 : i32
      %parallel_loop3A_412 = arith.index_cast %parallel_loop3A_409 : i32 to index
      %parallel_loop3A_413 = arith.index_cast %parallel_loop3A_410 : i32 to index
      %parallel_loop3A_414 = arith.index_cast %parallel_loop3A_144 : i32 to index
      %parallel_loop3A_415 = arith.index_cast %parallel_loop3A_411 : i32 to index
      %parallel_loop3A_416 = arith.index_cast %parallel_loop3A_162 : i32 to index
      %parallel_loop3A_417 = tpu.vector_load %arg27[%parallel_loop3A_412, %parallel_loop3A_413, %parallel_loop3A_414, %parallel_loop3A_415, %parallel_loop3A_416] {strides = array<i32>} : memref<2x8x4x8x128xf32, #tpu.memory_space<vmem>>, vector<16xf32>,
      %parallel_loop3A_418 = arith.cmpf olt, %parallel_loop3A_417, %parallel_loop3A_321 : vector<16xf32>
      %parallel_loop3A_419 = arith.select %parallel_loop3A_418, %parallel_loop3A_417, %parallel_loop3A_321 : vector<16xi1>, vector<16xf32>
      %parallel_loop3A_420 = arith.select %parallel_loop3A_418, %parallel_loop3A_384, %parallel_loop3A_322 : vector<16xi1>, vector<16xi32>
      %parallel_loop3A_421 = arith.constant 0 : i32
      %parallel_loop3A_422 = arith.constant 2 : i32
      %parallel_loop3A_423 = arith.constant 3 : i32
      %parallel_loop3A_424 = arith.index_cast %parallel_loop3A_421 : i32 to index
      %parallel_loop3A_425 = arith.index_cast %parallel_loop3A_422 : i32 to index
      %parallel_loop3A_426 = arith.index_cast %parallel_loop3A_144 : i32 to index
      %parallel_loop3A_427 = arith.index_cast %parallel_loop3A_423 : i32 to index
      %parallel_loop3A_428 = arith.index_cast %parallel_loop3A_162 : i32 to index
      %parallel_loop3A_429 = tpu.vector_load %arg27[%parallel_loop3A_424, %parallel_loop3A_425, %parallel_loop3A_426, %parallel_loop3A_427, %parallel_loop3A_428] {strides = array<i32>} : memref<2x8x4x8x128xf32, #tpu.memory_space<vmem>>, vector<16xf32>,
      %parallel_loop3A_430 = arith.cmpf olt, %parallel_loop3A_429, %parallel_loop3A_333 : vector<16xf32>
      %parallel_loop3A_431 = arith.select %parallel_loop3A_430, %parallel_loop3A_429, %parallel_loop3A_333 : vector<16xi1>, vector<16xf32>
      %parallel_loop3A_432 = arith.select %parallel_loop3A_430, %parallel_loop3A_384, %parallel_loop3A_334 : vector<16xi1>, vector<16xi32>
      %parallel_loop3A_433 = arith.constant 0 : i32
      %parallel_loop3A_434 = arith.constant 2 : i32
      %parallel_loop3A_435 = arith.constant 4 : i32
      %parallel_loop3A_436 = arith.index_cast %parallel_loop3A_433 : i32 to index
      %parallel_loop3A_437 = arith.index_cast %parallel_loop3A_434 : i32 to index
      %parallel_loop3A_438 = arith.index_cast %parallel_loop3A_144 : i32 to index
      %parallel_loop3A_439 = arith.index_cast %parallel_loop3A_435 : i32 to index
      %parallel_loop3A_440 = arith.index_cast %parallel_loop3A_162 : i32 to index
      %parallel_loop3A_441 = tpu.vector_load %arg27[%parallel_loop3A_436, %parallel_loop3A_437, %parallel_loop3A_438, %parallel_loop3A_439, %parallel_loop3A_440] {strides = array<i32>} : memref<2x8x4x8x128xf32, #tpu.memory_space<vmem>>, vector<16xf32>,
      %parallel_loop3A_442 = arith.cmpf olt, %parallel_loop3A_441, %parallel_loop3A_345 : vector<16xf32>
      %parallel_loop3A_443 = arith.select %parallel_loop3A_442, %parallel_loop3A_441, %parallel_loop3A_345 : vector<16xi1>, vector<16xf32>
      %parallel_loop3A_444 = arith.select %parallel_loop3A_442, %parallel_loop3A_384, %parallel_loop3A_346 : vector<16xi1>, vector<16xi32>
      %parallel_loop3A_445 = arith.constant 0 : i32
      %parallel_loop3A_446 = arith.constant 2 : i32
      %parallel_loop3A_447 = arith.constant 5 : i32
      %parallel_loop3A_448 = arith.index_cast %parallel_loop3A_445 : i32 to index
      %parallel_loop3A_449 = arith.index_cast %parallel_loop3A_446 : i32 to index
      %parallel_loop3A_450 = arith.index_cast %parallel_loop3A_144 : i32 to index
      %parallel_loop3A_451 = arith.index_cast %parallel_loop3A_447 : i32 to index
      %parallel_loop3A_452 = arith.index_cast %parallel_loop3A_162 : i32 to index
      %parallel_loop3A_453 = tpu.vector_load %arg27[%parallel_loop3A_448, %parallel_loop3A_449, %parallel_loop3A_450, %parallel_loop3A_451, %parallel_loop3A_452] {strides = array<i32>} : memref<2x8x4x8x128xf32, #tpu.memory_space<vmem>>, vector<16xf32>,
      %parallel_loop3A_454 = arith.cmpf olt, %parallel_loop3A_453, %parallel_loop3A_357 : vector<16xf32>
      %parallel_loop3A_455 = arith.select %parallel_loop3A_454, %parallel_loop3A_453, %parallel_loop3A_357 : vector<16xi1>, vector<16xf32>
      %parallel_loop3A_456 = arith.select %parallel_loop3A_454, %parallel_loop3A_384, %parallel_loop3A_358 : vector<16xi1>, vector<16xi32>
      %parallel_loop3A_457 = arith.constant 0 : i32
      %parallel_loop3A_458 = arith.constant 2 : i32
      %parallel_loop3A_459 = arith.constant 6 : i32
      %parallel_loop3A_460 = arith.index_cast %parallel_loop3A_457 : i32 to index
      %parallel_loop3A_461 = arith.index_cast %parallel_loop3A_458 : i32 to index
      %parallel_loop3A_462 = arith.index_cast %parallel_loop3A_144 : i32 to index
      %parallel_loop3A_463 = arith.index_cast %parallel_loop3A_459 : i32 to index
      %parallel_loop3A_464 = arith.index_cast %parallel_loop3A_162 : i32 to index
      %parallel_loop3A_465 = tpu.vector_load %arg27[%parallel_loop3A_460, %parallel_loop3A_461, %parallel_loop3A_462, %parallel_loop3A_463, %parallel_loop3A_464] {strides = array<i32>} : memref<2x8x4x8x128xf32, #tpu.memory_space<vmem>>, vector<16xf32>,
      %parallel_loop3A_466 = arith.cmpf olt, %parallel_loop3A_465, %parallel_loop3A_369 : vector<16xf32>
      %parallel_loop3A_467 = arith.select %parallel_loop3A_466, %parallel_loop3A_465, %parallel_loop3A_369 : vector<16xi1>, vector<16xf32>
      %parallel_loop3A_468 = arith.select %parallel_loop3A_466, %parallel_loop3A_384, %parallel_loop3A_370 : vector<16xi1>, vector<16xi32>
      %parallel_loop3A_469 = arith.constant 0 : i32
      %parallel_loop3A_470 = arith.constant 2 : i32
      %parallel_loop3A_471 = arith.constant 7 : i32
      %parallel_loop3A_472 = arith.index_cast %parallel_loop3A_469 : i32 to index
      %parallel_loop3A_473 = arith.index_cast %parallel_loop3A_470 : i32 to index
      %parallel_loop3A_474 = arith.index_cast %parallel_loop3A_144 : i32 to index
      %parallel_loop3A_475 = arith.index_cast %parallel_loop3A_471 : i32 to index
      %parallel_loop3A_476 = arith.index_cast %parallel_loop3A_162 : i32 to index
      %parallel_loop3A_477 = tpu.vector_load %arg27[%parallel_loop3A_472, %parallel_loop3A_473, %parallel_loop3A_474, %parallel_loop3A_475, %parallel_loop3A_476] {strides = array<i32>} : memref<2x8x4x8x128xf32, #tpu.memory_space<vmem>>, vector<16xf32>,
      %parallel_loop3A_478 = arith.cmpf olt, %parallel_loop3A_477, %parallel_loop3A_381 : vector<16xf32>
      %parallel_loop3A_479 = arith.select %parallel_loop3A_478, %parallel_loop3A_477, %parallel_loop3A_381 : vector<16xi1>, vector<16xf32>
      %parallel_loop3A_480 = arith.select %parallel_loop3A_478, %parallel_loop3A_384, %parallel_loop3A_382 : vector<16xi1>, vector<16xi32>
      %parallel_loop3A_481 = arith.constant 3 : i32
      %parallel_loop3A_482 = vector.broadcast %parallel_loop3A_481 : i32 to vector<16xi32>
      %parallel_loop3A_483 = arith.constant 0 : i32
      %parallel_loop3A_484 = arith.constant 3 : i32
      %parallel_loop3A_485 = arith.constant 0 : i32
      %parallel_loop3A_486 = arith.index_cast %parallel_loop3A_483 : i32 to index
      %parallel_loop3A_487 = arith.index_cast %parallel_loop3A_484 : i32 to index
      %parallel_loop3A_488 = arith.index_cast %parallel_loop3A_144 : i32 to index
      %parallel_loop3A_489 = arith.index_cast %parallel_loop3A_485 : i32 to index
      %parallel_loop3A_490 = arith.index_cast %parallel_loop3A_162 : i32 to index
      %parallel_loop3A_491 = tpu.vector_load %arg27[%parallel_loop3A_486, %parallel_loop3A_487, %parallel_loop3A_488, %parallel_loop3A_489, %parallel_loop3A_490] {strides = array<i32>} : memref<2x8x4x8x128xf32, #tpu.memory_space<vmem>>, vector<16xf32>,
      %parallel_loop3A_492 = arith.cmpf olt, %parallel_loop3A_491, %parallel_loop3A_395 : vector<16xf32>
      %parallel_loop3A_493 = arith.select %parallel_loop3A_492, %parallel_loop3A_491, %parallel_loop3A_395 : vector<16xi1>, vector<16xf32>
      %parallel_loop3A_494 = arith.select %parallel_loop3A_492, %parallel_loop3A_482, %parallel_loop3A_396 : vector<16xi1>, vector<16xi32>
      %parallel_loop3A_495 = arith.constant 0 : i32
      %parallel_loop3A_496 = arith.constant 3 : i32
      %parallel_loop3A_497 = arith.constant 1 : i32
      %parallel_loop3A_498 = arith.index_cast %parallel_loop3A_495 : i32 to index
      %parallel_loop3A_499 = arith.index_cast %parallel_loop3A_496 : i32 to index
      %parallel_loop3A_500 = arith.index_cast %parallel_loop3A_144 : i32 to index
      %parallel_loop3A_501 = arith.index_cast %parallel_loop3A_497 : i32 to index
      %parallel_loop3A_502 = arith.index_cast %parallel_loop3A_162 : i32 to index
      %parallel_loop3A_503 = tpu.vector_load %arg27[%parallel_loop3A_498, %parallel_loop3A_499, %parallel_loop3A_500, %parallel_loop3A_501, %parallel_loop3A_502] {strides = array<i32>} : memref<2x8x4x8x128xf32, #tpu.memory_space<vmem>>, vector<16xf32>,
      %parallel_loop3A_504 = arith.cmpf olt, %parallel_loop3A_503, %parallel_loop3A_407 : vector<16xf32>
      %parallel_loop3A_505 = arith.select %parallel_loop3A_504, %parallel_loop3A_503, %parallel_loop3A_407 : vector<16xi1>, vector<16xf32>
      %parallel_loop3A_506 = arith.select %parallel_loop3A_504, %parallel_loop3A_482, %parallel_loop3A_408 : vector<16xi1>, vector<16xi32>
      %parallel_loop3A_507 = arith.constant 0 : i32
      %parallel_loop3A_508 = arith.constant 3 : i32
      %parallel_loop3A_509 = arith.constant 2 : i32
      %parallel_loop3A_510 = arith.index_cast %parallel_loop3A_507 : i32 to index
      %parallel_loop3A_511 = arith.index_cast %parallel_loop3A_508 : i32 to index
      %parallel_loop3A_512 = arith.index_cast %parallel_loop3A_144 : i32 to index
      %parallel_loop3A_513 = arith.index_cast %parallel_loop3A_509 : i32 to index
      %parallel_loop3A_514 = arith.index_cast %parallel_loop3A_162 : i32 to index
      %parallel_loop3A_515 = tpu.vector_load %arg27[%parallel_loop3A_510, %parallel_loop3A_511, %parallel_loop3A_512, %parallel_loop3A_513, %parallel_loop3A_514] {strides = array<i32>} : memref<2x8x4x8x128xf32, #tpu.memory_space<vmem>>, vector<16xf32>,
      %parallel_loop3A_516 = arith.cmpf olt, %parallel_loop3A_515, %parallel_loop3A_419 : vector<16xf32>
      %parallel_loop3A_517 = arith.select %parallel_loop3A_516, %parallel_loop3A_515, %parallel_loop3A_419 : vector<16xi1>, vector<16xf32>
      %parallel_loop3A_518 = arith.select %parallel_loop3A_516, %parallel_loop3A_482, %parallel_loop3A_420 : vector<16xi1>, vector<16xi32>
      %parallel_loop3A_519 = arith.constant 0 : i32
      %parallel_loop3A_520 = arith.constant 3 : i32
      %parallel_loop3A_521 = arith.constant 3 : i32
      %parallel_loop3A_522 = arith.index_cast %parallel_loop3A_519 : i32 to index
      %parallel_loop3A_523 = arith.index_cast %parallel_loop3A_520 : i32 to index
      %parallel_loop3A_524 = arith.index_cast %parallel_loop3A_144 : i32 to index
      %parallel_loop3A_525 = arith.index_cast %parallel_loop3A_521 : i32 to index
      %parallel_loop3A_526 = arith.index_cast %parallel_loop3A_162 : i32 to index
      %parallel_loop3A_527 = tpu.vector_load %arg27[%parallel_loop3A_522, %parallel_loop3A_523, %parallel_loop3A_524, %parallel_loop3A_525, %parallel_loop3A_526] {strides = array<i32>} : memref<2x8x4x8x128xf32, #tpu.memory_space<vmem>>, vector<16xf32>,
      %parallel_loop3A_528 = arith.cmpf olt, %parallel_loop3A_527, %parallel_loop3A_431 : vector<16xf32>
      %parallel_loop3A_529 = arith.select %parallel_loop3A_528, %parallel_loop3A_527, %parallel_loop3A_431 : vector<16xi1>, vector<16xf32>
      %parallel_loop3A_530 = arith.select %parallel_loop3A_528, %parallel_loop3A_482, %parallel_loop3A_432 : vector<16xi1>, vector<16xi32>
      %parallel_loop3A_531 = arith.constant 0 : i32
      %parallel_loop3A_532 = arith.constant 3 : i32
      %parallel_loop3A_533 = arith.constant 4 : i32
      %parallel_loop3A_534 = arith.index_cast %parallel_loop3A_531 : i32 to index
      %parallel_loop3A_535 = arith.index_cast %parallel_loop3A_532 : i32 to index
      %parallel_loop3A_536 = arith.index_cast %parallel_loop3A_144 : i32 to index
      %parallel_loop3A_537 = arith.index_cast %parallel_loop3A_533 : i32 to index
      %parallel_loop3A_538 = arith.index_cast %parallel_loop3A_162 : i32 to index
      %parallel_loop3A_539 = tpu.vector_load %arg27[%parallel_loop3A_534, %parallel_loop3A_535, %parallel_loop3A_536, %parallel_loop3A_537, %parallel_loop3A_538] {strides = array<i32>} : memref<2x8x4x8x128xf32, #tpu.memory_space<vmem>>, vector<16xf32>,
      %parallel_loop3A_540 = arith.cmpf olt, %parallel_loop3A_539, %parallel_loop3A_443 : vector<16xf32>
      %parallel_loop3A_541 = arith.select %parallel_loop3A_540, %parallel_loop3A_539, %parallel_loop3A_443 : vector<16xi1>, vector<16xf32>
      %parallel_loop3A_542 = arith.select %parallel_loop3A_540, %parallel_loop3A_482, %parallel_loop3A_444 : vector<16xi1>, vector<16xi32>
      %parallel_loop3A_543 = arith.constant 0 : i32
      %parallel_loop3A_544 = arith.constant 3 : i32
      %parallel_loop3A_545 = arith.constant 5 : i32
      %parallel_loop3A_546 = arith.index_cast %parallel_loop3A_543 : i32 to index
      %parallel_loop3A_547 = arith.index_cast %parallel_loop3A_544 : i32 to index
      %parallel_loop3A_548 = arith.index_cast %parallel_loop3A_144 : i32 to index
      %parallel_loop3A_549 = arith.index_cast %parallel_loop3A_545 : i32 to index
      %parallel_loop3A_550 = arith.index_cast %parallel_loop3A_162 : i32 to index
      %parallel_loop3A_551 = tpu.vector_load %arg27[%parallel_loop3A_546, %parallel_loop3A_547, %parallel_loop3A_548, %parallel_loop3A_549, %parallel_loop3A_550] {strides = array<i32>} : memref<2x8x4x8x128xf32, #tpu.memory_space<vmem>>, vector<16xf32>,
      %parallel_loop3A_552 = arith.cmpf olt, %parallel_loop3A_551, %parallel_loop3A_455 : vector<16xf32>
      %parallel_loop3A_553 = arith.select %parallel_loop3A_552, %parallel_loop3A_551, %parallel_loop3A_455 : vector<16xi1>, vector<16xf32>
      %parallel_loop3A_554 = arith.select %parallel_loop3A_552, %parallel_loop3A_482, %parallel_loop3A_456 : vector<16xi1>, vector<16xi32>
      %parallel_loop3A_555 = arith.constant 0 : i32
      %parallel_loop3A_556 = arith.constant 3 : i32
      %parallel_loop3A_557 = arith.constant 6 : i32
      %parallel_loop3A_558 = arith.index_cast %parallel_loop3A_555 : i32 to index
      %parallel_loop3A_559 = arith.index_cast %parallel_loop3A_556 : i32 to index
      %parallel_loop3A_560 = arith.index_cast %parallel_loop3A_144 : i32 to index
      %parallel_loop3A_561 = arith.index_cast %parallel_loop3A_557 : i32 to index
      %parallel_loop3A_562 = arith.index_cast %parallel_loop3A_162 : i32 to index
      %parallel_loop3A_563 = tpu.vector_load %arg27[%parallel_loop3A_558, %parallel_loop3A_559, %parallel_loop3A_560, %parallel_loop3A_561, %parallel_loop3A_562] {strides = array<i32>} : memref<2x8x4x8x128xf32, #tpu.memory_space<vmem>>, vector<16xf32>,
      %parallel_loop3A_564 = arith.cmpf olt, %parallel_loop3A_563, %parallel_loop3A_467 : vector<16xf32>
      %parallel_loop3A_565 = arith.select %parallel_loop3A_564, %parallel_loop3A_563, %parallel_loop3A_467 : vector<16xi1>, vector<16xf32>
      %parallel_loop3A_566 = arith.select %parallel_loop3A_564, %parallel_loop3A_482, %parallel_loop3A_468 : vector<16xi1>, vector<16xi32>
      %parallel_loop3A_567 = arith.constant 0 : i32
      %parallel_loop3A_568 = arith.constant 3 : i32
      %parallel_loop3A_569 = arith.constant 7 : i32
      %parallel_loop3A_570 = arith.index_cast %parallel_loop3A_567 : i32 to index
      %parallel_loop3A_571 = arith.index_cast %parallel_loop3A_568 : i32 to index
      %parallel_loop3A_572 = arith.index_cast %parallel_loop3A_144 : i32 to index
      %parallel_loop3A_573 = arith.index_cast %parallel_loop3A_569 : i32 to index
      %parallel_loop3A_574 = arith.index_cast %parallel_loop3A_162 : i32 to index
      %parallel_loop3A_575 = tpu.vector_load %arg27[%parallel_loop3A_570, %parallel_loop3A_571, %parallel_loop3A_572, %parallel_loop3A_573, %parallel_loop3A_574] {strides = array<i32>} : memref<2x8x4x8x128xf32, #tpu.memory_space<vmem>>, vector<16xf32>,
      %parallel_loop3A_576 = arith.cmpf olt, %parallel_loop3A_575, %parallel_loop3A_479 : vector<16xf32>
      %parallel_loop3A_577 = arith.select %parallel_loop3A_576, %parallel_loop3A_575, %parallel_loop3A_479 : vector<16xi1>, vector<16xf32>
      %parallel_loop3A_578 = arith.select %parallel_loop3A_576, %parallel_loop3A_482, %parallel_loop3A_480 : vector<16xi1>, vector<16xi32>
      %parallel_loop3A_579 = arith.constant 4 : i32
      %parallel_loop3A_580 = vector.broadcast %parallel_loop3A_579 : i32 to vector<16xi32>
      %parallel_loop3A_581 = arith.constant 0 : i32
      %parallel_loop3A_582 = arith.constant 4 : i32
      %parallel_loop3A_583 = arith.constant 0 : i32
      %parallel_loop3A_584 = arith.index_cast %parallel_loop3A_581 : i32 to index
      %parallel_loop3A_585 = arith.index_cast %parallel_loop3A_582 : i32 to index
      %parallel_loop3A_586 = arith.index_cast %parallel_loop3A_144 : i32 to index
      %parallel_loop3A_587 = arith.index_cast %parallel_loop3A_583 : i32 to index
      %parallel_loop3A_588 = arith.index_cast %parallel_loop3A_162 : i32 to index
      %parallel_loop3A_589 = tpu.vector_load %arg27[%parallel_loop3A_584, %parallel_loop3A_585, %parallel_loop3A_586, %parallel_loop3A_587, %parallel_loop3A_588] {strides = array<i32>} : memref<2x8x4x8x128xf32, #tpu.memory_space<vmem>>, vector<16xf32>,
      %parallel_loop3A_590 = arith.cmpf olt, %parallel_loop3A_589, %parallel_loop3A_493 : vector<16xf32>
      %parallel_loop3A_591 = arith.select %parallel_loop3A_590, %parallel_loop3A_589, %parallel_loop3A_493 : vector<16xi1>, vector<16xf32>
      %parallel_loop3A_592 = arith.select %parallel_loop3A_590, %parallel_loop3A_580, %parallel_loop3A_494 : vector<16xi1>, vector<16xi32>
      %parallel_loop3A_593 = arith.constant 0 : i32
      %parallel_loop3A_594 = arith.constant 4 : i32
      %parallel_loop3A_595 = arith.constant 1 : i32
      %parallel_loop3A_596 = arith.index_cast %parallel_loop3A_593 : i32 to index
      %parallel_loop3A_597 = arith.index_cast %parallel_loop3A_594 : i32 to index
      %parallel_loop3A_598 = arith.index_cast %parallel_loop3A_144 : i32 to index
      %parallel_loop3A_599 = arith.index_cast %parallel_loop3A_595 : i32 to index
      %parallel_loop3A_600 = arith.index_cast %parallel_loop3A_162 : i32 to index
      %parallel_loop3A_601 = tpu.vector_load %arg27[%parallel_loop3A_596, %parallel_loop3A_597, %parallel_loop3A_598, %parallel_loop3A_599, %parallel_loop3A_600] {strides = array<i32>} : memref<2x8x4x8x128xf32, #tpu.memory_space<vmem>>, vector<16xf32>,
      %parallel_loop3A_602 = arith.cmpf olt, %parallel_loop3A_601, %parallel_loop3A_505 : vector<16xf32>
      %parallel_loop3A_603 = arith.select %parallel_loop3A_602, %parallel_loop3A_601, %parallel_loop3A_505 : vector<16xi1>, vector<16xf32>
      %parallel_loop3A_604 = arith.select %parallel_loop3A_602, %parallel_loop3A_580, %parallel_loop3A_506 : vector<16xi1>, vector<16xi32>
      %parallel_loop3A_605 = arith.constant 0 : i32
      %parallel_loop3A_606 = arith.constant 4 : i32
      %parallel_loop3A_607 = arith.constant 2 : i32
      %parallel_loop3A_608 = arith.index_cast %parallel_loop3A_605 : i32 to index
      %parallel_loop3A_609 = arith.index_cast %parallel_loop3A_606 : i32 to index
      %parallel_loop3A_610 = arith.index_cast %parallel_loop3A_144 : i32 to index
      %parallel_loop3A_611 = arith.index_cast %parallel_loop3A_607 : i32 to index
      %parallel_loop3A_612 = arith.index_cast %parallel_loop3A_162 : i32 to index
      %parallel_loop3A_613 = tpu.vector_load %arg27[%parallel_loop3A_608, %parallel_loop3A_609, %parallel_loop3A_610, %parallel_loop3A_611, %parallel_loop3A_612] {strides = array<i32>} : memref<2x8x4x8x128xf32, #tpu.memory_space<vmem>>, vector<16xf32>,
      %parallel_loop3A_614 = arith.cmpf olt, %parallel_loop3A_613, %parallel_loop3A_517 : vector<16xf32>
      %parallel_loop3A_615 = arith.select %parallel_loop3A_614, %parallel_loop3A_613, %parallel_loop3A_517 : vector<16xi1>, vector<16xf32>
      %parallel_loop3A_616 = arith.select %parallel_loop3A_614, %parallel_loop3A_580, %parallel_loop3A_518 : vector<16xi1>, vector<16xi32>
      %parallel_loop3A_617 = arith.constant 0 : i32
      %parallel_loop3A_618 = arith.constant 4 : i32
      %parallel_loop3A_619 = arith.constant 3 : i32
      %parallel_loop3A_620 = arith.index_cast %parallel_loop3A_617 : i32 to index
      %parallel_loop3A_621 = arith.index_cast %parallel_loop3A_618 : i32 to index
      %parallel_loop3A_622 = arith.index_cast %parallel_loop3A_144 : i32 to index
      %parallel_loop3A_623 = arith.index_cast %parallel_loop3A_619 : i32 to index
      %parallel_loop3A_624 = arith.index_cast %parallel_loop3A_162 : i32 to index
      %parallel_loop3A_625 = tpu.vector_load %arg27[%parallel_loop3A_620, %parallel_loop3A_621, %parallel_loop3A_622, %parallel_loop3A_623, %parallel_loop3A_624] {strides = array<i32>} : memref<2x8x4x8x128xf32, #tpu.memory_space<vmem>>, vector<16xf32>,
      %parallel_loop3A_626 = arith.cmpf olt, %parallel_loop3A_625, %parallel_loop3A_529 : vector<16xf32>
      %parallel_loop3A_627 = arith.select %parallel_loop3A_626, %parallel_loop3A_625, %parallel_loop3A_529 : vector<16xi1>, vector<16xf32>
      %parallel_loop3A_628 = arith.select %parallel_loop3A_626, %parallel_loop3A_580, %parallel_loop3A_530 : vector<16xi1>, vector<16xi32>
      %parallel_loop3A_629 = arith.constant 0 : i32
      %parallel_loop3A_630 = arith.constant 4 : i32
      %parallel_loop3A_631 = arith.constant 4 : i32
      %parallel_loop3A_632 = arith.index_cast %parallel_loop3A_629 : i32 to index
      %parallel_loop3A_633 = arith.index_cast %parallel_loop3A_630 : i32 to index
      %parallel_loop3A_634 = arith.index_cast %parallel_loop3A_144 : i32 to index
      %parallel_loop3A_635 = arith.index_cast %parallel_loop3A_631 : i32 to index
      %parallel_loop3A_636 = arith.index_cast %parallel_loop3A_162 : i32 to index
      %parallel_loop3A_637 = tpu.vector_load %arg27[%parallel_loop3A_632, %parallel_loop3A_633, %parallel_loop3A_634, %parallel_loop3A_635, %parallel_loop3A_636] {strides = array<i32>} : memref<2x8x4x8x128xf32, #tpu.memory_space<vmem>>, vector<16xf32>,
      %parallel_loop3A_638 = arith.cmpf olt, %parallel_loop3A_637, %parallel_loop3A_541 : vector<16xf32>
      %parallel_loop3A_639 = arith.select %parallel_loop3A_638, %parallel_loop3A_637, %parallel_loop3A_541 : vector<16xi1>, vector<16xf32>
      %parallel_loop3A_640 = arith.select %parallel_loop3A_638, %parallel_loop3A_580, %parallel_loop3A_542 : vector<16xi1>, vector<16xi32>
      %parallel_loop3A_641 = arith.constant 0 : i32
      %parallel_loop3A_642 = arith.constant 4 : i32
      %parallel_loop3A_643 = arith.constant 5 : i32
      %parallel_loop3A_644 = arith.index_cast %parallel_loop3A_641 : i32 to index
      %parallel_loop3A_645 = arith.index_cast %parallel_loop3A_642 : i32 to index
      %parallel_loop3A_646 = arith.index_cast %parallel_loop3A_144 : i32 to index
      %parallel_loop3A_647 = arith.index_cast %parallel_loop3A_643 : i32 to index
      %parallel_loop3A_648 = arith.index_cast %parallel_loop3A_162 : i32 to index
      %parallel_loop3A_649 = tpu.vector_load %arg27[%parallel_loop3A_644, %parallel_loop3A_645, %parallel_loop3A_646, %parallel_loop3A_647, %parallel_loop3A_648] {strides = array<i32>} : memref<2x8x4x8x128xf32, #tpu.memory_space<vmem>>, vector<16xf32>,
      %parallel_loop3A_650 = arith.cmpf olt, %parallel_loop3A_649, %parallel_loop3A_553 : vector<16xf32>
      %parallel_loop3A_651 = arith.select %parallel_loop3A_650, %parallel_loop3A_649, %parallel_loop3A_553 : vector<16xi1>, vector<16xf32>
      %parallel_loop3A_652 = arith.select %parallel_loop3A_650, %parallel_loop3A_580, %parallel_loop3A_554 : vector<16xi1>, vector<16xi32>
      %parallel_loop3A_653 = arith.constant 0 : i32
      %parallel_loop3A_654 = arith.constant 4 : i32
      %parallel_loop3A_655 = arith.constant 6 : i32
      %parallel_loop3A_656 = arith.index_cast %parallel_loop3A_653 : i32 to index
      %parallel_loop3A_657 = arith.index_cast %parallel_loop3A_654 : i32 to index
      %parallel_loop3A_658 = arith.index_cast %parallel_loop3A_144 : i32 to index
      %parallel_loop3A_659 = arith.index_cast %parallel_loop3A_655 : i32 to index
      %parallel_loop3A_660 = arith.index_cast %parallel_loop3A_162 : i32 to index
      %parallel_loop3A_661 = tpu.vector_load %arg27[%parallel_loop3A_656, %parallel_loop3A_657, %parallel_loop3A_658, %parallel_loop3A_659, %parallel_loop3A_660] {strides = array<i32>} : memref<2x8x4x8x128xf32, #tpu.memory_space<vmem>>, vector<16xf32>,
      %parallel_loop3A_662 = arith.cmpf olt, %parallel_loop3A_661, %parallel_loop3A_565 : vector<16xf32>
      %parallel_loop3A_663 = arith.select %parallel_loop3A_662, %parallel_loop3A_661, %parallel_loop3A_565 : vector<16xi1>, vector<16xf32>
      %parallel_loop3A_664 = arith.select %parallel_loop3A_662, %parallel_loop3A_580, %parallel_loop3A_566 : vector<16xi1>, vector<16xi32>
      %parallel_loop3A_665 = arith.constant 0 : i32
      %parallel_loop3A_666 = arith.constant 4 : i32
      %parallel_loop3A_667 = arith.constant 7 : i32
      %parallel_loop3A_668 = arith.index_cast %parallel_loop3A_665 : i32 to index
      %parallel_loop3A_669 = arith.index_cast %parallel_loop3A_666 : i32 to index
      %parallel_loop3A_670 = arith.index_cast %parallel_loop3A_144 : i32 to index
      %parallel_loop3A_671 = arith.index_cast %parallel_loop3A_667 : i32 to index
      %parallel_loop3A_672 = arith.index_cast %parallel_loop3A_162 : i32 to index
      %parallel_loop3A_673 = tpu.vector_load %arg27[%parallel_loop3A_668, %parallel_loop3A_669, %parallel_loop3A_670, %parallel_loop3A_671, %parallel_loop3A_672] {strides = array<i32>} : memref<2x8x4x8x128xf32, #tpu.memory_space<vmem>>, vector<16xf32>,
      %parallel_loop3A_674 = arith.cmpf olt, %parallel_loop3A_673, %parallel_loop3A_577 : vector<16xf32>
      %parallel_loop3A_675 = arith.select %parallel_loop3A_674, %parallel_loop3A_673, %parallel_loop3A_577 : vector<16xi1>, vector<16xf32>
      %parallel_loop3A_676 = arith.select %parallel_loop3A_674, %parallel_loop3A_580, %parallel_loop3A_578 : vector<16xi1>, vector<16xi32>
      %parallel_loop3A_677 = arith.constant 5 : i32
      %parallel_loop3A_678 = vector.broadcast %parallel_loop3A_677 : i32 to vector<16xi32>
      %parallel_loop3A_679 = arith.constant 0 : i32
      %parallel_loop3A_680 = arith.constant 5 : i32
      %parallel_loop3A_681 = arith.constant 0 : i32
      %parallel_loop3A_682 = arith.index_cast %parallel_loop3A_679 : i32 to index
      %parallel_loop3A_683 = arith.index_cast %parallel_loop3A_680 : i32 to index
      %parallel_loop3A_684 = arith.index_cast %parallel_loop3A_144 : i32 to index
      %parallel_loop3A_685 = arith.index_cast %parallel_loop3A_681 : i32 to index
      %parallel_loop3A_686 = arith.index_cast %parallel_loop3A_162 : i32 to index
      %parallel_loop3A_687 = tpu.vector_load %arg27[%parallel_loop3A_682, %parallel_loop3A_683, %parallel_loop3A_684, %parallel_loop3A_685, %parallel_loop3A_686] {strides = array<i32>} : memref<2x8x4x8x128xf32, #tpu.memory_space<vmem>>, vector<16xf32>,
      %parallel_loop3A_688 = arith.cmpf olt, %parallel_loop3A_687, %parallel_loop3A_591 : vector<16xf32>
      %parallel_loop3A_689 = arith.select %parallel_loop3A_688, %parallel_loop3A_687, %parallel_loop3A_591 : vector<16xi1>, vector<16xf32>
      %parallel_loop3A_690 = arith.select %parallel_loop3A_688, %parallel_loop3A_678, %parallel_loop3A_592 : vector<16xi1>, vector<16xi32>
      %parallel_loop3A_691 = arith.constant 0 : i32
      %parallel_loop3A_692 = arith.constant 5 : i32
      %parallel_loop3A_693 = arith.constant 1 : i32
      %parallel_loop3A_694 = arith.index_cast %parallel_loop3A_691 : i32 to index
      %parallel_loop3A_695 = arith.index_cast %parallel_loop3A_692 : i32 to index
      %parallel_loop3A_696 = arith.index_cast %parallel_loop3A_144 : i32 to index
      %parallel_loop3A_697 = arith.index_cast %parallel_loop3A_693 : i32 to index
      %parallel_loop3A_698 = arith.index_cast %parallel_loop3A_162 : i32 to index
      %parallel_loop3A_699 = tpu.vector_load %arg27[%parallel_loop3A_694, %parallel_loop3A_695, %parallel_loop3A_696, %parallel_loop3A_697, %parallel_loop3A_698] {strides = array<i32>} : memref<2x8x4x8x128xf32, #tpu.memory_space<vmem>>, vector<16xf32>,
      %parallel_loop3A_700 = arith.cmpf olt, %parallel_loop3A_699, %parallel_loop3A_603 : vector<16xf32>
      %parallel_loop3A_701 = arith.select %parallel_loop3A_700, %parallel_loop3A_699, %parallel_loop3A_603 : vector<16xi1>, vector<16xf32>
      %parallel_loop3A_702 = arith.select %parallel_loop3A_700, %parallel_loop3A_678, %parallel_loop3A_604 : vector<16xi1>, vector<16xi32>
      %parallel_loop3A_703 = arith.constant 0 : i32
      %parallel_loop3A_704 = arith.constant 5 : i32
      %parallel_loop3A_705 = arith.constant 2 : i32
      %parallel_loop3A_706 = arith.index_cast %parallel_loop3A_703 : i32 to index
      %parallel_loop3A_707 = arith.index_cast %parallel_loop3A_704 : i32 to index
      %parallel_loop3A_708 = arith.index_cast %parallel_loop3A_144 : i32 to index
      %parallel_loop3A_709 = arith.index_cast %parallel_loop3A_705 : i32 to index
      %parallel_loop3A_710 = arith.index_cast %parallel_loop3A_162 : i32 to index
      %parallel_loop3A_711 = tpu.vector_load %arg27[%parallel_loop3A_706, %parallel_loop3A_707, %parallel_loop3A_708, %parallel_loop3A_709, %parallel_loop3A_710] {strides = array<i32>} : memref<2x8x4x8x128xf32, #tpu.memory_space<vmem>>, vector<16xf32>,
      %parallel_loop3A_712 = arith.cmpf olt, %parallel_loop3A_711, %parallel_loop3A_615 : vector<16xf32>
      %parallel_loop3A_713 = arith.select %parallel_loop3A_712, %parallel_loop3A_711, %parallel_loop3A_615 : vector<16xi1>, vector<16xf32>
      %parallel_loop3A_714 = arith.select %parallel_loop3A_712, %parallel_loop3A_678, %parallel_loop3A_616 : vector<16xi1>, vector<16xi32>
      %parallel_loop3A_715 = arith.constant 0 : i32
      %parallel_loop3A_716 = arith.constant 5 : i32
      %parallel_loop3A_717 = arith.constant 3 : i32
      %parallel_loop3A_718 = arith.index_cast %parallel_loop3A_715 : i32 to index
      %parallel_loop3A_719 = arith.index_cast %parallel_loop3A_716 : i32 to index
      %parallel_loop3A_720 = arith.index_cast %parallel_loop3A_144 : i32 to index
      %parallel_loop3A_721 = arith.index_cast %parallel_loop3A_717 : i32 to index
      %parallel_loop3A_722 = arith.index_cast %parallel_loop3A_162 : i32 to index
      %parallel_loop3A_723 = tpu.vector_load %arg27[%parallel_loop3A_718, %parallel_loop3A_719, %parallel_loop3A_720, %parallel_loop3A_721, %parallel_loop3A_722] {strides = array<i32>} : memref<2x8x4x8x128xf32, #tpu.memory_space<vmem>>, vector<16xf32>,
      %parallel_loop3A_724 = arith.cmpf olt, %parallel_loop3A_723, %parallel_loop3A_627 : vector<16xf32>
      %parallel_loop3A_725 = arith.select %parallel_loop3A_724, %parallel_loop3A_723, %parallel_loop3A_627 : vector<16xi1>, vector<16xf32>
      %parallel_loop3A_726 = arith.select %parallel_loop3A_724, %parallel_loop3A_678, %parallel_loop3A_628 : vector<16xi1>, vector<16xi32>
      %parallel_loop3A_727 = arith.constant 0 : i32
      %parallel_loop3A_728 = arith.constant 5 : i32
      %parallel_loop3A_729 = arith.constant 4 : i32
      %parallel_loop3A_730 = arith.index_cast %parallel_loop3A_727 : i32 to index
      %parallel_loop3A_731 = arith.index_cast %parallel_loop3A_728 : i32 to index
      %parallel_loop3A_732 = arith.index_cast %parallel_loop3A_144 : i32 to index
      %parallel_loop3A_733 = arith.index_cast %parallel_loop3A_729 : i32 to index
      %parallel_loop3A_734 = arith.index_cast %parallel_loop3A_162 : i32 to index
      %parallel_loop3A_735 = tpu.vector_load %arg27[%parallel_loop3A_730, %parallel_loop3A_731, %parallel_loop3A_732, %parallel_loop3A_733, %parallel_loop3A_734] {strides = array<i32>} : memref<2x8x4x8x128xf32, #tpu.memory_space<vmem>>, vector<16xf32>,
      %parallel_loop3A_736 = arith.cmpf olt, %parallel_loop3A_735, %parallel_loop3A_639 : vector<16xf32>
      %parallel_loop3A_737 = arith.select %parallel_loop3A_736, %parallel_loop3A_735, %parallel_loop3A_639 : vector<16xi1>, vector<16xf32>
      %parallel_loop3A_738 = arith.select %parallel_loop3A_736, %parallel_loop3A_678, %parallel_loop3A_640 : vector<16xi1>, vector<16xi32>
      %parallel_loop3A_739 = arith.constant 0 : i32
      %parallel_loop3A_740 = arith.constant 5 : i32
      %parallel_loop3A_741 = arith.constant 5 : i32
      %parallel_loop3A_742 = arith.index_cast %parallel_loop3A_739 : i32 to index
      %parallel_loop3A_743 = arith.index_cast %parallel_loop3A_740 : i32 to index
      %parallel_loop3A_744 = arith.index_cast %parallel_loop3A_144 : i32 to index
      %parallel_loop3A_745 = arith.index_cast %parallel_loop3A_741 : i32 to index
      %parallel_loop3A_746 = arith.index_cast %parallel_loop3A_162 : i32 to index
      %parallel_loop3A_747 = tpu.vector_load %arg27[%parallel_loop3A_742, %parallel_loop3A_743, %parallel_loop3A_744, %parallel_loop3A_745, %parallel_loop3A_746] {strides = array<i32>} : memref<2x8x4x8x128xf32, #tpu.memory_space<vmem>>, vector<16xf32>,
      %parallel_loop3A_748 = arith.cmpf olt, %parallel_loop3A_747, %parallel_loop3A_651 : vector<16xf32>
      %parallel_loop3A_749 = arith.select %parallel_loop3A_748, %parallel_loop3A_747, %parallel_loop3A_651 : vector<16xi1>, vector<16xf32>
      %parallel_loop3A_750 = arith.select %parallel_loop3A_748, %parallel_loop3A_678, %parallel_loop3A_652 : vector<16xi1>, vector<16xi32>
      %parallel_loop3A_751 = arith.constant 0 : i32
      %parallel_loop3A_752 = arith.constant 5 : i32
      %parallel_loop3A_753 = arith.constant 6 : i32
      %parallel_loop3A_754 = arith.index_cast %parallel_loop3A_751 : i32 to index
      %parallel_loop3A_755 = arith.index_cast %parallel_loop3A_752 : i32 to index
      %parallel_loop3A_756 = arith.index_cast %parallel_loop3A_144 : i32 to index
      %parallel_loop3A_757 = arith.index_cast %parallel_loop3A_753 : i32 to index
      %parallel_loop3A_758 = arith.index_cast %parallel_loop3A_162 : i32 to index
      %parallel_loop3A_759 = tpu.vector_load %arg27[%parallel_loop3A_754, %parallel_loop3A_755, %parallel_loop3A_756, %parallel_loop3A_757, %parallel_loop3A_758] {strides = array<i32>} : memref<2x8x4x8x128xf32, #tpu.memory_space<vmem>>, vector<16xf32>,
      %parallel_loop3A_760 = arith.cmpf olt, %parallel_loop3A_759, %parallel_loop3A_663 : vector<16xf32>
      %parallel_loop3A_761 = arith.select %parallel_loop3A_760, %parallel_loop3A_759, %parallel_loop3A_663 : vector<16xi1>, vector<16xf32>
      %parallel_loop3A_762 = arith.select %parallel_loop3A_760, %parallel_loop3A_678, %parallel_loop3A_664 : vector<16xi1>, vector<16xi32>
      %parallel_loop3A_763 = arith.constant 0 : i32
      %parallel_loop3A_764 = arith.constant 5 : i32
      %parallel_loop3A_765 = arith.constant 7 : i32
      %parallel_loop3A_766 = arith.index_cast %parallel_loop3A_763 : i32 to index
      %parallel_loop3A_767 = arith.index_cast %parallel_loop3A_764 : i32 to index
      %parallel_loop3A_768 = arith.index_cast %parallel_loop3A_144 : i32 to index
      %parallel_loop3A_769 = arith.index_cast %parallel_loop3A_765 : i32 to index
      %parallel_loop3A_770 = arith.index_cast %parallel_loop3A_162 : i32 to index
      %parallel_loop3A_771 = tpu.vector_load %arg27[%parallel_loop3A_766, %parallel_loop3A_767, %parallel_loop3A_768, %parallel_loop3A_769, %parallel_loop3A_770] {strides = array<i32>} : memref<2x8x4x8x128xf32, #tpu.memory_space<vmem>>, vector<16xf32>,
      %parallel_loop3A_772 = arith.cmpf olt, %parallel_loop3A_771, %parallel_loop3A_675 : vector<16xf32>
      %parallel_loop3A_773 = arith.select %parallel_loop3A_772, %parallel_loop3A_771, %parallel_loop3A_675 : vector<16xi1>, vector<16xf32>
      %parallel_loop3A_774 = arith.select %parallel_loop3A_772, %parallel_loop3A_678, %parallel_loop3A_676 : vector<16xi1>, vector<16xi32>
      %parallel_loop3A_775 = arith.constant 6 : i32
      %parallel_loop3A_776 = vector.broadcast %parallel_loop3A_775 : i32 to vector<16xi32>
      %parallel_loop3A_777 = arith.constant 0 : i32
      %parallel_loop3A_778 = arith.constant 6 : i32
      %parallel_loop3A_779 = arith.constant 0 : i32
      %parallel_loop3A_780 = arith.index_cast %parallel_loop3A_777 : i32 to index
      %parallel_loop3A_781 = arith.index_cast %parallel_loop3A_778 : i32 to index
      %parallel_loop3A_782 = arith.index_cast %parallel_loop3A_144 : i32 to index
      %parallel_loop3A_783 = arith.index_cast %parallel_loop3A_779 : i32 to index
      %parallel_loop3A_784 = arith.index_cast %parallel_loop3A_162 : i32 to index
      %parallel_loop3A_785 = tpu.vector_load %arg27[%parallel_loop3A_780, %parallel_loop3A_781, %parallel_loop3A_782, %parallel_loop3A_783, %parallel_loop3A_784] {strides = array<i32>} : memref<2x8x4x8x128xf32, #tpu.memory_space<vmem>>, vector<16xf32>,
      %parallel_loop3A_786 = arith.cmpf olt, %parallel_loop3A_785, %parallel_loop3A_689 : vector<16xf32>
      %parallel_loop3A_787 = arith.select %parallel_loop3A_786, %parallel_loop3A_785, %parallel_loop3A_689 : vector<16xi1>, vector<16xf32>
      %parallel_loop3A_788 = arith.select %parallel_loop3A_786, %parallel_loop3A_776, %parallel_loop3A_690 : vector<16xi1>, vector<16xi32>
      %parallel_loop3A_789 = arith.constant 0 : i32
      %parallel_loop3A_790 = arith.constant 6 : i32
      %parallel_loop3A_791 = arith.constant 1 : i32
      %parallel_loop3A_792 = arith.index_cast %parallel_loop3A_789 : i32 to index
      %parallel_loop3A_793 = arith.index_cast %parallel_loop3A_790 : i32 to index
      %parallel_loop3A_794 = arith.index_cast %parallel_loop3A_144 : i32 to index
      %parallel_loop3A_795 = arith.index_cast %parallel_loop3A_791 : i32 to index
      %parallel_loop3A_796 = arith.index_cast %parallel_loop3A_162 : i32 to index
      %parallel_loop3A_797 = tpu.vector_load %arg27[%parallel_loop3A_792, %parallel_loop3A_793, %parallel_loop3A_794, %parallel_loop3A_795, %parallel_loop3A_796] {strides = array<i32>} : memref<2x8x4x8x128xf32, #tpu.memory_space<vmem>>, vector<16xf32>,
      %parallel_loop3A_798 = arith.cmpf olt, %parallel_loop3A_797, %parallel_loop3A_701 : vector<16xf32>
      %parallel_loop3A_799 = arith.select %parallel_loop3A_798, %parallel_loop3A_797, %parallel_loop3A_701 : vector<16xi1>, vector<16xf32>
      %parallel_loop3A_800 = arith.select %parallel_loop3A_798, %parallel_loop3A_776, %parallel_loop3A_702 : vector<16xi1>, vector<16xi32>
      %parallel_loop3A_801 = arith.constant 0 : i32
      %parallel_loop3A_802 = arith.constant 6 : i32
      %parallel_loop3A_803 = arith.constant 2 : i32
      %parallel_loop3A_804 = arith.index_cast %parallel_loop3A_801 : i32 to index
      %parallel_loop3A_805 = arith.index_cast %parallel_loop3A_802 : i32 to index
      %parallel_loop3A_806 = arith.index_cast %parallel_loop3A_144 : i32 to index
      %parallel_loop3A_807 = arith.index_cast %parallel_loop3A_803 : i32 to index
      %parallel_loop3A_808 = arith.index_cast %parallel_loop3A_162 : i32 to index
      %parallel_loop3A_809 = tpu.vector_load %arg27[%parallel_loop3A_804, %parallel_loop3A_805, %parallel_loop3A_806, %parallel_loop3A_807, %parallel_loop3A_808] {strides = array<i32>} : memref<2x8x4x8x128xf32, #tpu.memory_space<vmem>>, vector<16xf32>,
      %parallel_loop3A_810 = arith.cmpf olt, %parallel_loop3A_809, %parallel_loop3A_713 : vector<16xf32>
      %parallel_loop3A_811 = arith.select %parallel_loop3A_810, %parallel_loop3A_809, %parallel_loop3A_713 : vector<16xi1>, vector<16xf32>
      %parallel_loop3A_812 = arith.select %parallel_loop3A_810, %parallel_loop3A_776, %parallel_loop3A_714 : vector<16xi1>, vector<16xi32>
      %parallel_loop3A_813 = arith.constant 0 : i32
      %parallel_loop3A_814 = arith.constant 6 : i32
      %parallel_loop3A_815 = arith.constant 3 : i32
      %parallel_loop3A_816 = arith.index_cast %parallel_loop3A_813 : i32 to index
      %parallel_loop3A_817 = arith.index_cast %parallel_loop3A_814 : i32 to index
      %parallel_loop3A_818 = arith.index_cast %parallel_loop3A_144 : i32 to index
      %parallel_loop3A_819 = arith.index_cast %parallel_loop3A_815 : i32 to index
      %parallel_loop3A_820 = arith.index_cast %parallel_loop3A_162 : i32 to index
      %parallel_loop3A_821 = tpu.vector_load %arg27[%parallel_loop3A_816, %parallel_loop3A_817, %parallel_loop3A_818, %parallel_loop3A_819, %parallel_loop3A_820] {strides = array<i32>} : memref<2x8x4x8x128xf32, #tpu.memory_space<vmem>>, vector<16xf32>,
      %parallel_loop3A_822 = arith.cmpf olt, %parallel_loop3A_821, %parallel_loop3A_725 : vector<16xf32>
      %parallel_loop3A_823 = arith.select %parallel_loop3A_822, %parallel_loop3A_821, %parallel_loop3A_725 : vector<16xi1>, vector<16xf32>
      %parallel_loop3A_824 = arith.select %parallel_loop3A_822, %parallel_loop3A_776, %parallel_loop3A_726 : vector<16xi1>, vector<16xi32>
      %parallel_loop3A_825 = arith.constant 0 : i32
      %parallel_loop3A_826 = arith.constant 6 : i32
      %parallel_loop3A_827 = arith.constant 4 : i32
      %parallel_loop3A_828 = arith.index_cast %parallel_loop3A_825 : i32 to index
      %parallel_loop3A_829 = arith.index_cast %parallel_loop3A_826 : i32 to index
      %parallel_loop3A_830 = arith.index_cast %parallel_loop3A_144 : i32 to index
      %parallel_loop3A_831 = arith.index_cast %parallel_loop3A_827 : i32 to index
      %parallel_loop3A_832 = arith.index_cast %parallel_loop3A_162 : i32 to index
      %parallel_loop3A_833 = tpu.vector_load %arg27[%parallel_loop3A_828, %parallel_loop3A_829, %parallel_loop3A_830, %parallel_loop3A_831, %parallel_loop3A_832] {strides = array<i32>} : memref<2x8x4x8x128xf32, #tpu.memory_space<vmem>>, vector<16xf32>,
      %parallel_loop3A_834 = arith.cmpf olt, %parallel_loop3A_833, %parallel_loop3A_737 : vector<16xf32>
      %parallel_loop3A_835 = arith.select %parallel_loop3A_834, %parallel_loop3A_833, %parallel_loop3A_737 : vector<16xi1>, vector<16xf32>
      %parallel_loop3A_836 = arith.select %parallel_loop3A_834, %parallel_loop3A_776, %parallel_loop3A_738 : vector<16xi1>, vector<16xi32>
      %parallel_loop3A_837 = arith.constant 0 : i32
      %parallel_loop3A_838 = arith.constant 6 : i32
      %parallel_loop3A_839 = arith.constant 5 : i32
      %parallel_loop3A_840 = arith.index_cast %parallel_loop3A_837 : i32 to index
      %parallel_loop3A_841 = arith.index_cast %parallel_loop3A_838 : i32 to index
      %parallel_loop3A_842 = arith.index_cast %parallel_loop3A_144 : i32 to index
      %parallel_loop3A_843 = arith.index_cast %parallel_loop3A_839 : i32 to index
      %parallel_loop3A_844 = arith.index_cast %parallel_loop3A_162 : i32 to index
      %parallel_loop3A_845 = tpu.vector_load %arg27[%parallel_loop3A_840, %parallel_loop3A_841, %parallel_loop3A_842, %parallel_loop3A_843, %parallel_loop3A_844] {strides = array<i32>} : memref<2x8x4x8x128xf32, #tpu.memory_space<vmem>>, vector<16xf32>,
      %parallel_loop3A_846 = arith.cmpf olt, %parallel_loop3A_845, %parallel_loop3A_749 : vector<16xf32>
      %parallel_loop3A_847 = arith.select %parallel_loop3A_846, %parallel_loop3A_845, %parallel_loop3A_749 : vector<16xi1>, vector<16xf32>
      %parallel_loop3A_848 = arith.select %parallel_loop3A_846, %parallel_loop3A_776, %parallel_loop3A_750 : vector<16xi1>, vector<16xi32>
      %parallel_loop3A_849 = arith.constant 0 : i32
      %parallel_loop3A_850 = arith.constant 6 : i32
      %parallel_loop3A_851 = arith.constant 6 : i32
      %parallel_loop3A_852 = arith.index_cast %parallel_loop3A_849 : i32 to index
      %parallel_loop3A_853 = arith.index_cast %parallel_loop3A_850 : i32 to index
      %parallel_loop3A_854 = arith.index_cast %parallel_loop3A_144 : i32 to index
      %parallel_loop3A_855 = arith.index_cast %parallel_loop3A_851 : i32 to index
      %parallel_loop3A_856 = arith.index_cast %parallel_loop3A_162 : i32 to index
      %parallel_loop3A_857 = tpu.vector_load %arg27[%parallel_loop3A_852, %parallel_loop3A_853, %parallel_loop3A_854, %parallel_loop3A_855, %parallel_loop3A_856] {strides = array<i32>} : memref<2x8x4x8x128xf32, #tpu.memory_space<vmem>>, vector<16xf32>,
      %parallel_loop3A_858 = arith.cmpf olt, %parallel_loop3A_857, %parallel_loop3A_761 : vector<16xf32>
      %parallel_loop3A_859 = arith.select %parallel_loop3A_858, %parallel_loop3A_857, %parallel_loop3A_761 : vector<16xi1>, vector<16xf32>
      %parallel_loop3A_860 = arith.select %parallel_loop3A_858, %parallel_loop3A_776, %parallel_loop3A_762 : vector<16xi1>, vector<16xi32>
      %parallel_loop3A_861 = arith.constant 0 : i32
      %parallel_loop3A_862 = arith.constant 6 : i32
      %parallel_loop3A_863 = arith.constant 7 : i32
      %parallel_loop3A_864 = arith.index_cast %parallel_loop3A_861 : i32 to index
      %parallel_loop3A_865 = arith.index_cast %parallel_loop3A_862 : i32 to index
      %parallel_loop3A_866 = arith.index_cast %parallel_loop3A_144 : i32 to index
      %parallel_loop3A_867 = arith.index_cast %parallel_loop3A_863 : i32 to index
      %parallel_loop3A_868 = arith.index_cast %parallel_loop3A_162 : i32 to index
      %parallel_loop3A_869 = tpu.vector_load %arg27[%parallel_loop3A_864, %parallel_loop3A_865, %parallel_loop3A_866, %parallel_loop3A_867, %parallel_loop3A_868] {strides = array<i32>} : memref<2x8x4x8x128xf32, #tpu.memory_space<vmem>>, vector<16xf32>,
      %parallel_loop3A_870 = arith.cmpf olt, %parallel_loop3A_869, %parallel_loop3A_773 : vector<16xf32>
      %parallel_loop3A_871 = arith.select %parallel_loop3A_870, %parallel_loop3A_869, %parallel_loop3A_773 : vector<16xi1>, vector<16xf32>
      %parallel_loop3A_872 = arith.select %parallel_loop3A_870, %parallel_loop3A_776, %parallel_loop3A_774 : vector<16xi1>, vector<16xi32>
      %parallel_loop3A_873 = arith.constant 7 : i32
      %parallel_loop3A_874 = vector.broadcast %parallel_loop3A_873 : i32 to vector<16xi32>
      %parallel_loop3A_875 = arith.constant 0 : i32
      %parallel_loop3A_876 = arith.constant 7 : i32
      %parallel_loop3A_877 = arith.constant 0 : i32
      %parallel_loop3A_878 = arith.index_cast %parallel_loop3A_875 : i32 to index
      %parallel_loop3A_879 = arith.index_cast %parallel_loop3A_876 : i32 to index
      %parallel_loop3A_880 = arith.index_cast %parallel_loop3A_144 : i32 to index
      %parallel_loop3A_881 = arith.index_cast %parallel_loop3A_877 : i32 to index
      %parallel_loop3A_882 = arith.index_cast %parallel_loop3A_162 : i32 to index
      %parallel_loop3A_883 = tpu.vector_load %arg27[%parallel_loop3A_878, %parallel_loop3A_879, %parallel_loop3A_880, %parallel_loop3A_881, %parallel_loop3A_882] {strides = array<i32>} : memref<2x8x4x8x128xf32, #tpu.memory_space<vmem>>, vector<16xf32>,
      %parallel_loop3A_884 = arith.cmpf olt, %parallel_loop3A_883, %parallel_loop3A_787 : vector<16xf32>
      %parallel_loop3A_885 = arith.select %parallel_loop3A_884, %parallel_loop3A_883, %parallel_loop3A_787 : vector<16xi1>, vector<16xf32>
      %parallel_loop3A_886 = arith.select %parallel_loop3A_884, %parallel_loop3A_874, %parallel_loop3A_788 : vector<16xi1>, vector<16xi32>
      %parallel_loop3A_887 = arith.constant 0 : i32
      %parallel_loop3A_888 = arith.constant 7 : i32
      %parallel_loop3A_889 = arith.constant 1 : i32
      %parallel_loop3A_890 = arith.index_cast %parallel_loop3A_887 : i32 to index
      %parallel_loop3A_891 = arith.index_cast %parallel_loop3A_888 : i32 to index
      %parallel_loop3A_892 = arith.index_cast %parallel_loop3A_144 : i32 to index
      %parallel_loop3A_893 = arith.index_cast %parallel_loop3A_889 : i32 to index
      %parallel_loop3A_894 = arith.index_cast %parallel_loop3A_162 : i32 to index
      %parallel_loop3A_895 = tpu.vector_load %arg27[%parallel_loop3A_890, %parallel_loop3A_891, %parallel_loop3A_892, %parallel_loop3A_893, %parallel_loop3A_894] {strides = array<i32>} : memref<2x8x4x8x128xf32, #tpu.memory_space<vmem>>, vector<16xf32>,
      %parallel_loop3A_896 = arith.cmpf olt, %parallel_loop3A_895, %parallel_loop3A_799 : vector<16xf32>
      %parallel_loop3A_897 = arith.select %parallel_loop3A_896, %parallel_loop3A_895, %parallel_loop3A_799 : vector<16xi1>, vector<16xf32>
      %parallel_loop3A_898 = arith.select %parallel_loop3A_896, %parallel_loop3A_874, %parallel_loop3A_800 : vector<16xi1>, vector<16xi32>
      %parallel_loop3A_899 = arith.constant 0 : i32
      %parallel_loop3A_900 = arith.constant 7 : i32
      %parallel_loop3A_901 = arith.constant 2 : i32
      %parallel_loop3A_902 = arith.index_cast %parallel_loop3A_899 : i32 to index
      %parallel_loop3A_903 = arith.index_cast %parallel_loop3A_900 : i32 to index
      %parallel_loop3A_904 = arith.index_cast %parallel_loop3A_144 : i32 to index
      %parallel_loop3A_905 = arith.index_cast %parallel_loop3A_901 : i32 to index
      %parallel_loop3A_906 = arith.index_cast %parallel_loop3A_162 : i32 to index
      %parallel_loop3A_907 = tpu.vector_load %arg27[%parallel_loop3A_902, %parallel_loop3A_903, %parallel_loop3A_904, %parallel_loop3A_905, %parallel_loop3A_906] {strides = array<i32>} : memref<2x8x4x8x128xf32, #tpu.memory_space<vmem>>, vector<16xf32>,
      %parallel_loop3A_908 = arith.cmpf olt, %parallel_loop3A_907, %parallel_loop3A_811 : vector<16xf32>
      %parallel_loop3A_909 = arith.select %parallel_loop3A_908, %parallel_loop3A_907, %parallel_loop3A_811 : vector<16xi1>, vector<16xf32>
      %parallel_loop3A_910 = arith.select %parallel_loop3A_908, %parallel_loop3A_874, %parallel_loop3A_812 : vector<16xi1>, vector<16xi32>
      %parallel_loop3A_911 = arith.constant 0 : i32
      %parallel_loop3A_912 = arith.constant 7 : i32
      %parallel_loop3A_913 = arith.constant 3 : i32
      %parallel_loop3A_914 = arith.index_cast %parallel_loop3A_911 : i32 to index
      %parallel_loop3A_915 = arith.index_cast %parallel_loop3A_912 : i32 to index
      %parallel_loop3A_916 = arith.index_cast %parallel_loop3A_144 : i32 to index
      %parallel_loop3A_917 = arith.index_cast %parallel_loop3A_913 : i32 to index
      %parallel_loop3A_918 = arith.index_cast %parallel_loop3A_162 : i32 to index
      %parallel_loop3A_919 = tpu.vector_load %arg27[%parallel_loop3A_914, %parallel_loop3A_915, %parallel_loop3A_916, %parallel_loop3A_917, %parallel_loop3A_918] {strides = array<i32>} : memref<2x8x4x8x128xf32, #tpu.memory_space<vmem>>, vector<16xf32>,
      %parallel_loop3A_920 = arith.cmpf olt, %parallel_loop3A_919, %parallel_loop3A_823 : vector<16xf32>
      %parallel_loop3A_921 = arith.select %parallel_loop3A_920, %parallel_loop3A_919, %parallel_loop3A_823 : vector<16xi1>, vector<16xf32>
      %parallel_loop3A_922 = arith.select %parallel_loop3A_920, %parallel_loop3A_874, %parallel_loop3A_824 : vector<16xi1>, vector<16xi32>
      %parallel_loop3A_923 = arith.constant 0 : i32
      %parallel_loop3A_924 = arith.constant 7 : i32
      %parallel_loop3A_925 = arith.constant 4 : i32
      %parallel_loop3A_926 = arith.index_cast %parallel_loop3A_923 : i32 to index
      %parallel_loop3A_927 = arith.index_cast %parallel_loop3A_924 : i32 to index
      %parallel_loop3A_928 = arith.index_cast %parallel_loop3A_144 : i32 to index
      %parallel_loop3A_929 = arith.index_cast %parallel_loop3A_925 : i32 to index
      %parallel_loop3A_930 = arith.index_cast %parallel_loop3A_162 : i32 to index
      %parallel_loop3A_931 = tpu.vector_load %arg27[%parallel_loop3A_926, %parallel_loop3A_927, %parallel_loop3A_928, %parallel_loop3A_929, %parallel_loop3A_930] {strides = array<i32>} : memref<2x8x4x8x128xf32, #tpu.memory_space<vmem>>, vector<16xf32>,
      %parallel_loop3A_932 = arith.cmpf olt, %parallel_loop3A_931, %parallel_loop3A_835 : vector<16xf32>
      %parallel_loop3A_933 = arith.select %parallel_loop3A_932, %parallel_loop3A_931, %parallel_loop3A_835 : vector<16xi1>, vector<16xf32>
      %parallel_loop3A_934 = arith.select %parallel_loop3A_932, %parallel_loop3A_874, %parallel_loop3A_836 : vector<16xi1>, vector<16xi32>
      %parallel_loop3A_935 = arith.constant 0 : i32
      %parallel_loop3A_936 = arith.constant 7 : i32
      %parallel_loop3A_937 = arith.constant 5 : i32
      %parallel_loop3A_938 = arith.index_cast %parallel_loop3A_935 : i32 to index
      %parallel_loop3A_939 = arith.index_cast %parallel_loop3A_936 : i32 to index
      %parallel_loop3A_940 = arith.index_cast %parallel_loop3A_144 : i32 to index
      %parallel_loop3A_941 = arith.index_cast %parallel_loop3A_937 : i32 to index
      %parallel_loop3A_942 = arith.index_cast %parallel_loop3A_162 : i32 to index
      %parallel_loop3A_943 = tpu.vector_load %arg27[%parallel_loop3A_938, %parallel_loop3A_939, %parallel_loop3A_940, %parallel_loop3A_941, %parallel_loop3A_942] {strides = array<i32>} : memref<2x8x4x8x128xf32, #tpu.memory_space<vmem>>, vector<16xf32>,
      %parallel_loop3A_944 = arith.cmpf olt, %parallel_loop3A_943, %parallel_loop3A_847 : vector<16xf32>
      %parallel_loop3A_945 = arith.select %parallel_loop3A_944, %parallel_loop3A_943, %parallel_loop3A_847 : vector<16xi1>, vector<16xf32>
      %parallel_loop3A_946 = arith.select %parallel_loop3A_944, %parallel_loop3A_874, %parallel_loop3A_848 : vector<16xi1>, vector<16xi32>
      %parallel_loop3A_947 = arith.constant 0 : i32
      %parallel_loop3A_948 = arith.constant 7 : i32
      %parallel_loop3A_949 = arith.constant 6 : i32
      %parallel_loop3A_950 = arith.index_cast %parallel_loop3A_947 : i32 to index
      %parallel_loop3A_951 = arith.index_cast %parallel_loop3A_948 : i32 to index
      %parallel_loop3A_952 = arith.index_cast %parallel_loop3A_144 : i32 to index
      %parallel_loop3A_953 = arith.index_cast %parallel_loop3A_949 : i32 to index
      %parallel_loop3A_954 = arith.index_cast %parallel_loop3A_162 : i32 to index
      %parallel_loop3A_955 = tpu.vector_load %arg27[%parallel_loop3A_950, %parallel_loop3A_951, %parallel_loop3A_952, %parallel_loop3A_953, %parallel_loop3A_954] {strides = array<i32>} : memref<2x8x4x8x128xf32, #tpu.memory_space<vmem>>, vector<16xf32>,
      %parallel_loop3A_956 = arith.cmpf olt, %parallel_loop3A_955, %parallel_loop3A_859 : vector<16xf32>
      %parallel_loop3A_957 = arith.select %parallel_loop3A_956, %parallel_loop3A_955, %parallel_loop3A_859 : vector<16xi1>, vector<16xf32>
      %parallel_loop3A_958 = arith.select %parallel_loop3A_956, %parallel_loop3A_874, %parallel_loop3A_860 : vector<16xi1>, vector<16xi32>
      %parallel_loop3A_959 = arith.constant 0 : i32
      %parallel_loop3A_960 = arith.constant 7 : i32
      %parallel_loop3A_961 = arith.constant 7 : i32
      %parallel_loop3A_962 = arith.index_cast %parallel_loop3A_959 : i32 to index
      %parallel_loop3A_963 = arith.index_cast %parallel_loop3A_960 : i32 to index
      %parallel_loop3A_964 = arith.index_cast %parallel_loop3A_144 : i32 to index
      %parallel_loop3A_965 = arith.index_cast %parallel_loop3A_961 : i32 to index
      %parallel_loop3A_966 = arith.index_cast %parallel_loop3A_162 : i32 to index
      %parallel_loop3A_967 = tpu.vector_load %arg27[%parallel_loop3A_962, %parallel_loop3A_963, %parallel_loop3A_964, %parallel_loop3A_965, %parallel_loop3A_966] {strides = array<i32>} : memref<2x8x4x8x128xf32, #tpu.memory_space<vmem>>, vector<16xf32>,
      %parallel_loop3A_968 = arith.cmpf olt, %parallel_loop3A_967, %parallel_loop3A_871 : vector<16xf32>
      %parallel_loop3A_969 = arith.select %parallel_loop3A_968, %parallel_loop3A_967, %parallel_loop3A_871 : vector<16xi1>, vector<16xf32>
      %parallel_loop3A_970 = arith.select %parallel_loop3A_968, %parallel_loop3A_874, %parallel_loop3A_872 : vector<16xi1>, vector<16xi32>
      %parallel_loop3A_971 = arith.constant 8 : i32
      %parallel_loop3A_972 = vector.broadcast %parallel_loop3A_971 : i32 to vector<16xi32>
      %parallel_loop3A_973 = arith.muli %parallel_loop3A_886, %parallel_loop3A_972 : vector<16xi32>
      %parallel_loop3A_974 = arith.constant 0 : i32
      %parallel_loop3A_975 = vector.broadcast %parallel_loop3A_974 : i32 to vector<16xi32>
      %parallel_loop3A_976 = arith.addi %parallel_loop3A_973, %parallel_loop3A_975 : vector<16xi32>
      %parallel_loop3A_977 = arith.constant 8 : i32
      %parallel_loop3A_978 = vector.broadcast %parallel_loop3A_977 : i32 to vector<16xi32>
      %parallel_loop3A_979 = arith.muli %parallel_loop3A_898, %parallel_loop3A_978 : vector<16xi32>
      %parallel_loop3A_980 = arith.constant 1 : i32
      %parallel_loop3A_981 = vector.broadcast %parallel_loop3A_980 : i32 to vector<16xi32>
      %parallel_loop3A_982 = arith.addi %parallel_loop3A_979, %parallel_loop3A_981 : vector<16xi32>
      %parallel_loop3A_983 = arith.constant 8 : i32
      %parallel_loop3A_984 = vector.broadcast %parallel_loop3A_983 : i32 to vector<16xi32>
      %parallel_loop3A_985 = arith.muli %parallel_loop3A_910, %parallel_loop3A_984 : vector<16xi32>
      %parallel_loop3A_986 = arith.constant 2 : i32
      %parallel_loop3A_987 = vector.broadcast %parallel_loop3A_986 : i32 to vector<16xi32>
      %parallel_loop3A_988 = arith.addi %parallel_loop3A_985, %parallel_loop3A_987 : vector<16xi32>
      %parallel_loop3A_989 = arith.constant 8 : i32
      %parallel_loop3A_990 = vector.broadcast %parallel_loop3A_989 : i32 to vector<16xi32>
      %parallel_loop3A_991 = arith.muli %parallel_loop3A_922, %parallel_loop3A_990 : vector<16xi32>
      %parallel_loop3A_992 = arith.constant 3 : i32
      %parallel_loop3A_993 = vector.broadcast %parallel_loop3A_992 : i32 to vector<16xi32>
      %parallel_loop3A_994 = arith.addi %parallel_loop3A_991, %parallel_loop3A_993 : vector<16xi32>
      %parallel_loop3A_995 = arith.constant 8 : i32
      %parallel_loop3A_996 = vector.broadcast %parallel_loop3A_995 : i32 to vector<16xi32>
      %parallel_loop3A_997 = arith.muli %parallel_loop3A_934, %parallel_loop3A_996 : vector<16xi32>
      %parallel_loop3A_998 = arith.constant 4 : i32
      %parallel_loop3A_999 = vector.broadcast %parallel_loop3A_998 : i32 to vector<16xi32>
      %parallel_loop3A_1000 = arith.addi %parallel_loop3A_997, %parallel_loop3A_999 : vector<16xi32>
      %parallel_loop3A_1001 = arith.constant 8 : i32
      %parallel_loop3A_1002 = vector.broadcast %parallel_loop3A_1001 : i32 to vector<16xi32>
      %parallel_loop3A_1003 = arith.muli %parallel_loop3A_946, %parallel_loop3A_1002 : vector<16xi32>
      %parallel_loop3A_1004 = arith.constant 5 : i32
      %parallel_loop3A_1005 = vector.broadcast %parallel_loop3A_1004 : i32 to vector<16xi32>
      %parallel_loop3A_1006 = arith.addi %parallel_loop3A_1003, %parallel_loop3A_1005 : vector<16xi32>
      %parallel_loop3A_1007 = arith.constant 8 : i32
      %parallel_loop3A_1008 = vector.broadcast %parallel_loop3A_1007 : i32 to vector<16xi32>
      %parallel_loop3A_1009 = arith.muli %parallel_loop3A_958, %parallel_loop3A_1008 : vector<16xi32>
      %parallel_loop3A_1010 = arith.constant 6 : i32
      %parallel_loop3A_1011 = vector.broadcast %parallel_loop3A_1010 : i32 to vector<16xi32>
      %parallel_loop3A_1012 = arith.addi %parallel_loop3A_1009, %parallel_loop3A_1011 : vector<16xi32>
      %parallel_loop3A_1013 = arith.constant 8 : i32
      %parallel_loop3A_1014 = vector.broadcast %parallel_loop3A_1013 : i32 to vector<16xi32>
      %parallel_loop3A_1015 = arith.muli %parallel_loop3A_970, %parallel_loop3A_1014 : vector<16xi32>
      %parallel_loop3A_1016 = arith.constant 7 : i32
      %parallel_loop3A_1017 = vector.broadcast %parallel_loop3A_1016 : i32 to vector<16xi32>
      %parallel_loop3A_1018 = arith.addi %parallel_loop3A_1015, %parallel_loop3A_1017 : vector<16xi32>
      %parallel_loop3A_1019 = arith.cmpf olt, %parallel_loop3A_885, %parallel_loop3A_897 : vector<16xf32>
      %parallel_loop3A_1020 = arith.cmpf oeq, %parallel_loop3A_885, %parallel_loop3A_897 : vector<16xf32>
      %parallel_loop3A_1021 = arith.cmpi slt, %parallel_loop3A_976, %parallel_loop3A_982 : vector<16xi32>
      %parallel_loop3A_1022 = arith.andi %parallel_loop3A_1020, %parallel_loop3A_1021 : vector<16xi1>
      %parallel_loop3A_1023 = arith.ori %parallel_loop3A_1019, %parallel_loop3A_1022 : vector<16xi1>
      %parallel_loop3A_1024 = arith.select %parallel_loop3A_1023, %parallel_loop3A_885, %parallel_loop3A_897 : vector<16xi1>, vector<16xf32>
      %parallel_loop3A_1025 = arith.select %parallel_loop3A_1023, %parallel_loop3A_976, %parallel_loop3A_982 : vector<16xi1>, vector<16xi32>
      %parallel_loop3A_1026 = arith.cmpf olt, %parallel_loop3A_909, %parallel_loop3A_921 : vector<16xf32>
      %parallel_loop3A_1027 = arith.cmpf oeq, %parallel_loop3A_909, %parallel_loop3A_921 : vector<16xf32>
      %parallel_loop3A_1028 = arith.cmpi slt, %parallel_loop3A_988, %parallel_loop3A_994 : vector<16xi32>
      %parallel_loop3A_1029 = arith.andi %parallel_loop3A_1027, %parallel_loop3A_1028 : vector<16xi1>
      %parallel_loop3A_1030 = arith.ori %parallel_loop3A_1026, %parallel_loop3A_1029 : vector<16xi1>
      %parallel_loop3A_1031 = arith.select %parallel_loop3A_1030, %parallel_loop3A_909, %parallel_loop3A_921 : vector<16xi1>, vector<16xf32>
      %parallel_loop3A_1032 = arith.select %parallel_loop3A_1030, %parallel_loop3A_988, %parallel_loop3A_994 : vector<16xi1>, vector<16xi32>
      %parallel_loop3A_1033 = arith.cmpf olt, %parallel_loop3A_933, %parallel_loop3A_945 : vector<16xf32>
      %parallel_loop3A_1034 = arith.cmpf oeq, %parallel_loop3A_933, %parallel_loop3A_945 : vector<16xf32>
      %parallel_loop3A_1035 = arith.cmpi slt, %parallel_loop3A_1000, %parallel_loop3A_1006 : vector<16xi32>
      %parallel_loop3A_1036 = arith.andi %parallel_loop3A_1034, %parallel_loop3A_1035 : vector<16xi1>
      %parallel_loop3A_1037 = arith.ori %parallel_loop3A_1033, %parallel_loop3A_1036 : vector<16xi1>
      %parallel_loop3A_1038 = arith.select %parallel_loop3A_1037, %parallel_loop3A_933, %parallel_loop3A_945 : vector<16xi1>, vector<16xf32>
      %parallel_loop3A_1039 = arith.select %parallel_loop3A_1037, %parallel_loop3A_1000, %parallel_loop3A_1006 : vector<16xi1>, vector<16xi32>
      %parallel_loop3A_1040 = arith.cmpf olt, %parallel_loop3A_957, %parallel_loop3A_969 : vector<16xf32>
      %parallel_loop3A_1041 = arith.cmpf oeq, %parallel_loop3A_957, %parallel_loop3A_969 : vector<16xf32>
      %parallel_loop3A_1042 = arith.cmpi slt, %parallel_loop3A_1012, %parallel_loop3A_1018 : vector<16xi32>
      %parallel_loop3A_1043 = arith.andi %parallel_loop3A_1041, %parallel_loop3A_1042 : vector<16xi1>
      %parallel_loop3A_1044 = arith.ori %parallel_loop3A_1040, %parallel_loop3A_1043 : vector<16xi1>
      %parallel_loop3A_1045 = arith.select %parallel_loop3A_1044, %parallel_loop3A_957, %parallel_loop3A_969 : vector<16xi1>, vector<16xf32>
      %parallel_loop3A_1046 = arith.select %parallel_loop3A_1044, %parallel_loop3A_1012, %parallel_loop3A_1018 : vector<16xi1>, vector<16xi32>
      %parallel_loop3A_1047 = arith.cmpf olt, %parallel_loop3A_1024, %parallel_loop3A_1031 : vector<16xf32>
      %parallel_loop3A_1048 = arith.cmpf oeq, %parallel_loop3A_1024, %parallel_loop3A_1031 : vector<16xf32>
      %parallel_loop3A_1049 = arith.cmpi slt, %parallel_loop3A_1025, %parallel_loop3A_1032 : vector<16xi32>
      %parallel_loop3A_1050 = arith.andi %parallel_loop3A_1048, %parallel_loop3A_1049 : vector<16xi1>
      %parallel_loop3A_1051 = arith.ori %parallel_loop3A_1047, %parallel_loop3A_1050 : vector<16xi1>
      %parallel_loop3A_1052 = arith.select %parallel_loop3A_1051, %parallel_loop3A_1024, %parallel_loop3A_1031 : vector<16xi1>, vector<16xf32>
      %parallel_loop3A_1053 = arith.select %parallel_loop3A_1051, %parallel_loop3A_1025, %parallel_loop3A_1032 : vector<16xi1>, vector<16xi32>
      %parallel_loop3A_1054 = arith.cmpf olt, %parallel_loop3A_1038, %parallel_loop3A_1045 : vector<16xf32>
      %parallel_loop3A_1055 = arith.cmpf oeq, %parallel_loop3A_1038, %parallel_loop3A_1045 : vector<16xf32>
      %parallel_loop3A_1056 = arith.cmpi slt, %parallel_loop3A_1039, %parallel_loop3A_1046 : vector<16xi32>
      %parallel_loop3A_1057 = arith.andi %parallel_loop3A_1055, %parallel_loop3A_1056 : vector<16xi1>
      %parallel_loop3A_1058 = arith.ori %parallel_loop3A_1054, %parallel_loop3A_1057 : vector<16xi1>
      %parallel_loop3A_1059 = arith.select %parallel_loop3A_1058, %parallel_loop3A_1038, %parallel_loop3A_1045 : vector<16xi1>, vector<16xf32>
      %parallel_loop3A_1060 = arith.select %parallel_loop3A_1058, %parallel_loop3A_1039, %parallel_loop3A_1046 : vector<16xi1>, vector<16xi32>
      %parallel_loop3A_1061 = arith.cmpf olt, %parallel_loop3A_1052, %parallel_loop3A_1059 : vector<16xf32>
      %parallel_loop3A_1062 = arith.cmpf oeq, %parallel_loop3A_1052, %parallel_loop3A_1059 : vector<16xf32>
      %parallel_loop3A_1063 = arith.cmpi slt, %parallel_loop3A_1053, %parallel_loop3A_1060 : vector<16xi32>
      %parallel_loop3A_1064 = arith.andi %parallel_loop3A_1062, %parallel_loop3A_1063 : vector<16xi1>
      %parallel_loop3A_1065 = arith.ori %parallel_loop3A_1061, %parallel_loop3A_1064 : vector<16xi1>
      %parallel_loop3A_1066 = arith.select %parallel_loop3A_1065, %parallel_loop3A_1052, %parallel_loop3A_1059 : vector<16xi1>, vector<16xf32>
      %parallel_loop3A_1067 = arith.select %parallel_loop3A_1065, %parallel_loop3A_1053, %parallel_loop3A_1060 : vector<16xi1>, vector<16xi32>
      %parallel_loop3A_1068 = arith.constant 0 : i32
      %parallel_loop3A_1069 = vector.broadcast %parallel_loop3A_1068 : i32 to vector<16xi32>
      %parallel_loop3A_1070 = tpu.vector_load_idx %arg31[%parallel_loop3A_1069, %parallel_loop3A_1067] : memref<9x64xf32, #tpu.memory_space<vmem>>[vector<16xi32>, vector<16xi32>], vector<16xf32>,
      %parallel_loop3A_1071 = arith.constant 1 : i32
      %parallel_loop3A_1072 = vector.broadcast %parallel_loop3A_1071 : i32 to vector<16xi32>
      %parallel_loop3A_1073 = tpu.vector_load_idx %arg31[%parallel_loop3A_1072, %parallel_loop3A_1067] : memref<9x64xf32, #tpu.memory_space<vmem>>[vector<16xi32>, vector<16xi32>], vector<16xf32>,
      %parallel_loop3A_1074 = arith.constant 2 : i32
      %parallel_loop3A_1075 = vector.broadcast %parallel_loop3A_1074 : i32 to vector<16xi32>
      %parallel_loop3A_1076 = tpu.vector_load_idx %arg31[%parallel_loop3A_1075, %parallel_loop3A_1067] : memref<9x64xf32, #tpu.memory_space<vmem>>[vector<16xi32>, vector<16xi32>], vector<16xf32>,
      %parallel_loop3A_1077 = arith.constant 3 : i32
      %parallel_loop3A_1078 = vector.broadcast %parallel_loop3A_1077 : i32 to vector<16xi32>
      %parallel_loop3A_1079 = tpu.vector_load_idx %arg31[%parallel_loop3A_1078, %parallel_loop3A_1067] : memref<9x64xf32, #tpu.memory_space<vmem>>[vector<16xi32>, vector<16xi32>], vector<16xf32>,
      %parallel_loop3A_1080 = arith.constant 4 : i32
      %parallel_loop3A_1081 = vector.broadcast %parallel_loop3A_1080 : i32 to vector<16xi32>
      %parallel_loop3A_1082 = tpu.vector_load_idx %arg31[%parallel_loop3A_1081, %parallel_loop3A_1067] : memref<9x64xf32, #tpu.memory_space<vmem>>[vector<16xi32>, vector<16xi32>], vector<16xf32>,
      %parallel_loop3A_1083 = arith.constant 5 : i32
      %parallel_loop3A_1084 = vector.broadcast %parallel_loop3A_1083 : i32 to vector<16xi32>
      %parallel_loop3A_1085 = tpu.vector_load_idx %arg31[%parallel_loop3A_1084, %parallel_loop3A_1067] : memref<9x64xf32, #tpu.memory_space<vmem>>[vector<16xi32>, vector<16xi32>], vector<16xf32>,
      %parallel_loop3A_1086 = arith.constant 6 : i32
      %parallel_loop3A_1087 = vector.broadcast %parallel_loop3A_1086 : i32 to vector<16xi32>
      %parallel_loop3A_1088 = tpu.vector_load_idx %arg31[%parallel_loop3A_1087, %parallel_loop3A_1067] : memref<9x64xf32, #tpu.memory_space<vmem>>[vector<16xi32>, vector<16xi32>], vector<16xf32>,
      %parallel_loop3A_1089 = arith.constant 7 : i32
      %parallel_loop3A_1090 = vector.broadcast %parallel_loop3A_1089 : i32 to vector<16xi32>
      %parallel_loop3A_1091 = tpu.vector_load_idx %arg31[%parallel_loop3A_1090, %parallel_loop3A_1067] : memref<9x64xf32, #tpu.memory_space<vmem>>[vector<16xi32>, vector<16xi32>], vector<16xf32>,
      %parallel_loop3A_1092 = arith.constant 8 : i32
      %parallel_loop3A_1093 = vector.broadcast %parallel_loop3A_1092 : i32 to vector<16xi32>
      %parallel_loop3A_1094 = tpu.vector_load_idx %arg31[%parallel_loop3A_1093, %parallel_loop3A_1067] : memref<9x64xf32, #tpu.memory_space<vmem>>[vector<16xi32>, vector<16xi32>], vector<16xf32>,
      %parallel_loop3A_1095 = tpu.vector_load_idx %arg32[%parallel_loop3A_1067] : memref<64xf32, #tpu.memory_space<vmem>>[vector<16xi32>], vector<16xf32>,
      %parallel_loop3A_1096 = arith.constant 16 : i32
      %parallel_loop3A_1097 = arith.muli %parallel_loop3A_120, %parallel_loop3A_1096 : i32
      %parallel_loop3A_1098 = arith.constant 0 : i32
      %parallel_loop3A_1099 = arith.index_cast %parallel_loop3A_1098 : i32 to index
      %parallel_loop3A_1100 = arith.index_cast %parallel_loop3A_1097 : i32 to index
      %parallel_loop3A_1101 = tpu.vector_load %arg28[%parallel_loop3A_1099, %parallel_loop3A_1100] {strides = array<i32>} : memref<3x1024xf32, #tpu.memory_space<vmem>>, vector<16xf32>,
      %parallel_loop3A_1102 = arith.constant 1 : i32
      %parallel_loop3A_1103 = arith.index_cast %parallel_loop3A_1102 : i32 to index
      %parallel_loop3A_1104 = arith.index_cast %parallel_loop3A_1097 : i32 to index
      %parallel_loop3A_1105 = tpu.vector_load %arg28[%parallel_loop3A_1103, %parallel_loop3A_1104] {strides = array<i32>} : memref<3x1024xf32, #tpu.memory_space<vmem>>, vector<16xf32>,
      %parallel_loop3A_1106 = arith.constant 2 : i32
      %parallel_loop3A_1107 = arith.index_cast %parallel_loop3A_1106 : i32 to index
      %parallel_loop3A_1108 = arith.index_cast %parallel_loop3A_1097 : i32 to index
      %parallel_loop3A_1109 = tpu.vector_load %arg28[%parallel_loop3A_1107, %parallel_loop3A_1108] {strides = array<i32>} : memref<3x1024xf32, #tpu.memory_space<vmem>>, vector<16xf32>,
      %parallel_loop3A_1110 = arith.constant 0 : i32
      %parallel_loop3A_1111 = arith.index_cast %parallel_loop3A_1110 : i32 to index
      %parallel_loop3A_1112 = arith.index_cast %parallel_loop3A_1097 : i32 to index
      %parallel_loop3A_1113 = tpu.vector_load %arg29[%parallel_loop3A_1111, %parallel_loop3A_1112] {strides = array<i32>} : memref<3x1024xf32, #tpu.memory_space<vmem>>, vector<16xf32>,
      %parallel_loop3A_1114 = arith.constant 1 : i32
      %parallel_loop3A_1115 = arith.index_cast %parallel_loop3A_1114 : i32 to index
      %parallel_loop3A_1116 = arith.index_cast %parallel_loop3A_1097 : i32 to index
      %parallel_loop3A_1117 = tpu.vector_load %arg29[%parallel_loop3A_1115, %parallel_loop3A_1116] {strides = array<i32>} : memref<3x1024xf32, #tpu.memory_space<vmem>>, vector<16xf32>,
      %parallel_loop3A_1118 = arith.constant 2 : i32
      %parallel_loop3A_1119 = arith.index_cast %parallel_loop3A_1118 : i32 to index
      %parallel_loop3A_1120 = arith.index_cast %parallel_loop3A_1097 : i32 to index
      %parallel_loop3A_1121 = tpu.vector_load %arg29[%parallel_loop3A_1119, %parallel_loop3A_1120] {strides = array<i32>} : memref<3x1024xf32, #tpu.memory_space<vmem>>, vector<16xf32>,
      %parallel_loop3A_1122 = arith.index_cast %parallel_loop3A_1097 : i32 to index
      %parallel_loop3A_1123 = tpu.vector_load %arg30[%parallel_loop3A_1122] {strides = array<i32>} : memref<1024xf32, #tpu.memory_space<vmem>>, vector<16xf32>,
      %parallel_loop3A_1124 = vector.broadcast %parallel_loop3A_86 : f32 to vector<16xf32>
      %parallel_loop3A_1125 = arith.cmpf olt, %parallel_loop3A_1066, %parallel_loop3A_1124 : vector<16xf32>
      %parallel_loop3A_1126 = arith.constant 0.000000e+00 : f32
      %parallel_loop3A_1127 = vector.broadcast %parallel_loop3A_1126 : f32 to vector<16xf32>
      %parallel_loop3A_1128 = arith.cmpf ogt, %parallel_loop3A_1123, %parallel_loop3A_1127 : vector<16xf32>
      %parallel_loop3A_1129 = arith.andi %parallel_loop3A_1125, %parallel_loop3A_1128 : vector<16xi1>
      %parallel_loop3A_1130 = arith.mulf %parallel_loop3A_1066, %parallel_loop3A_1113 : vector<16xf32>
      %parallel_loop3A_1131 = arith.addf %parallel_loop3A_1101, %parallel_loop3A_1130 : vector<16xf32>
      %parallel_loop3A_1132 = arith.select %parallel_loop3A_1129, %parallel_loop3A_1131, %parallel_loop3A_1101 : vector<16xi1>, vector<16xf32>
      %parallel_loop3A_1133 = arith.constant 0 : i32
      %parallel_loop3A_1134 = arith.index_cast %parallel_loop3A_1133 : i32 to index
      %parallel_loop3A_1135 = arith.index_cast %parallel_loop3A_1097 : i32 to index
      %parallel_loop3A_1136 = tpu.vector_load %arg33[%parallel_loop3A_1134, %parallel_loop3A_1135] {strides = array<i32>} : memref<6x1024xf32, #tpu.memory_space<vmem>>, vector<16xf32>,
      tpu.vector_store %arg33[%parallel_loop3A_1134, %parallel_loop3A_1135], %parallel_loop3A_1132 {strides = array<i32>} : memref<6x1024xf32, #tpu.memory_space<vmem>>, vector<16xf32>,
      %parallel_loop3A_1137 = arith.mulf %parallel_loop3A_1113, %parallel_loop3A_1070 : vector<16xf32>
      %parallel_loop3A_1138 = arith.mulf %parallel_loop3A_1117, %parallel_loop3A_1079 : vector<16xf32>
      %parallel_loop3A_1139 = arith.addf %parallel_loop3A_1137, %parallel_loop3A_1138 : vector<16xf32>
      %parallel_loop3A_1140 = arith.mulf %parallel_loop3A_1121, %parallel_loop3A_1088 : vector<16xf32>
      %parallel_loop3A_1141 = arith.addf %parallel_loop3A_1139, %parallel_loop3A_1140 : vector<16xf32>
      %parallel_loop3A_1142 = arith.select %parallel_loop3A_1129, %parallel_loop3A_1141, %parallel_loop3A_1113 : vector<16xi1>, vector<16xf32>
      %parallel_loop3A_1143 = arith.constant 3 : i32
      %parallel_loop3A_1144 = arith.index_cast %parallel_loop3A_1143 : i32 to index
      %parallel_loop3A_1145 = arith.index_cast %parallel_loop3A_1097 : i32 to index
      %parallel_loop3A_1146 = tpu.vector_load %arg33[%parallel_loop3A_1144, %parallel_loop3A_1145] {strides = array<i32>} : memref<6x1024xf32, #tpu.memory_space<vmem>>, vector<16xf32>,
      tpu.vector_store %arg33[%parallel_loop3A_1144, %parallel_loop3A_1145], %parallel_loop3A_1142 {strides = array<i32>} : memref<6x1024xf32, #tpu.memory_space<vmem>>, vector<16xf32>,
      %parallel_loop3A_1147 = arith.mulf %parallel_loop3A_1066, %parallel_loop3A_1117 : vector<16xf32>
      %parallel_loop3A_1148 = arith.addf %parallel_loop3A_1105, %parallel_loop3A_1147 : vector<16xf32>
      %parallel_loop3A_1149 = arith.select %parallel_loop3A_1129, %parallel_loop3A_1148, %parallel_loop3A_1105 : vector<16xi1>, vector<16xf32>
      %parallel_loop3A_1150 = arith.constant 1 : i32
      %parallel_loop3A_1151 = arith.index_cast %parallel_loop3A_1150 : i32 to index
      %parallel_loop3A_1152 = arith.index_cast %parallel_loop3A_1097 : i32 to index
      %parallel_loop3A_1153 = tpu.vector_load %arg33[%parallel_loop3A_1151, %parallel_loop3A_1152] {strides = array<i32>} : memref<6x1024xf32, #tpu.memory_space<vmem>>, vector<16xf32>,
      tpu.vector_store %arg33[%parallel_loop3A_1151, %parallel_loop3A_1152], %parallel_loop3A_1149 {strides = array<i32>} : memref<6x1024xf32, #tpu.memory_space<vmem>>, vector<16xf32>,
      %parallel_loop3A_1154 = arith.mulf %parallel_loop3A_1113, %parallel_loop3A_1073 : vector<16xf32>
      %parallel_loop3A_1155 = arith.mulf %parallel_loop3A_1117, %parallel_loop3A_1082 : vector<16xf32>
      %parallel_loop3A_1156 = arith.addf %parallel_loop3A_1154, %parallel_loop3A_1155 : vector<16xf32>
      %parallel_loop3A_1157 = arith.mulf %parallel_loop3A_1121, %parallel_loop3A_1091 : vector<16xf32>
      %parallel_loop3A_1158 = arith.addf %parallel_loop3A_1156, %parallel_loop3A_1157 : vector<16xf32>
      %parallel_loop3A_1159 = arith.select %parallel_loop3A_1129, %parallel_loop3A_1158, %parallel_loop3A_1117 : vector<16xi1>, vector<16xf32>
      %parallel_loop3A_1160 = arith.constant 4 : i32
      %parallel_loop3A_1161 = arith.index_cast %parallel_loop3A_1160 : i32 to index
      %parallel_loop3A_1162 = arith.index_cast %parallel_loop3A_1097 : i32 to index
      %parallel_loop3A_1163 = tpu.vector_load %arg33[%parallel_loop3A_1161, %parallel_loop3A_1162] {strides = array<i32>} : memref<6x1024xf32, #tpu.memory_space<vmem>>, vector<16xf32>,
      tpu.vector_store %arg33[%parallel_loop3A_1161, %parallel_loop3A_1162], %parallel_loop3A_1159 {strides = array<i32>} : memref<6x1024xf32, #tpu.memory_space<vmem>>, vector<16xf32>,
      %parallel_loop3A_1164 = arith.mulf %parallel_loop3A_1066, %parallel_loop3A_1121 : vector<16xf32>
      %parallel_loop3A_1165 = arith.addf %parallel_loop3A_1109, %parallel_loop3A_1164 : vector<16xf32>
      %parallel_loop3A_1166 = arith.select %parallel_loop3A_1129, %parallel_loop3A_1165, %parallel_loop3A_1109 : vector<16xi1>, vector<16xf32>
      %parallel_loop3A_1167 = arith.constant 2 : i32
      %parallel_loop3A_1168 = arith.index_cast %parallel_loop3A_1167 : i32 to index
      %parallel_loop3A_1169 = arith.index_cast %parallel_loop3A_1097 : i32 to index
      %parallel_loop3A_1170 = tpu.vector_load %arg33[%parallel_loop3A_1168, %parallel_loop3A_1169] {strides = array<i32>} : memref<6x1024xf32, #tpu.memory_space<vmem>>, vector<16xf32>,
      tpu.vector_store %arg33[%parallel_loop3A_1168, %parallel_loop3A_1169], %parallel_loop3A_1166 {strides = array<i32>} : memref<6x1024xf32, #tpu.memory_space<vmem>>, vector<16xf32>,
      %parallel_loop3A_1171 = arith.mulf %parallel_loop3A_1113, %parallel_loop3A_1076 : vector<16xf32>
      %parallel_loop3A_1172 = arith.mulf %parallel_loop3A_1117, %parallel_loop3A_1085 : vector<16xf32>
      %parallel_loop3A_1173 = arith.addf %parallel_loop3A_1171, %parallel_loop3A_1172 : vector<16xf32>
      %parallel_loop3A_1174 = arith.mulf %parallel_loop3A_1121, %parallel_loop3A_1094 : vector<16xf32>
      %parallel_loop3A_1175 = arith.addf %parallel_loop3A_1173, %parallel_loop3A_1174 : vector<16xf32>
      %parallel_loop3A_1176 = arith.select %parallel_loop3A_1129, %parallel_loop3A_1175, %parallel_loop3A_1121 : vector<16xi1>, vector<16xf32>
      %parallel_loop3A_1177 = arith.constant 5 : i32
      %parallel_loop3A_1178 = arith.index_cast %parallel_loop3A_1177 : i32 to index
      %parallel_loop3A_1179 = arith.index_cast %parallel_loop3A_1097 : i32 to index
      %parallel_loop3A_1180 = tpu.vector_load %arg33[%parallel_loop3A_1178, %parallel_loop3A_1179] {strides = array<i32>} : memref<6x1024xf32, #tpu.memory_space<vmem>>, vector<16xf32>,
      tpu.vector_store %arg33[%parallel_loop3A_1178, %parallel_loop3A_1179], %parallel_loop3A_1176 {strides = array<i32>} : memref<6x1024xf32, #tpu.memory_space<vmem>>, vector<16xf32>,
      %parallel_loop3A_1181 = arith.mulf %parallel_loop3A_1123, %parallel_loop3A_1095 : vector<16xf32>
      %parallel_loop3A_1182 = arith.select %parallel_loop3A_1129, %parallel_loop3A_1181, %parallel_loop3A_1123 : vector<16xi1>, vector<16xf32>
      %parallel_loop3A_1183 = arith.index_cast %parallel_loop3A_1097 : i32 to index
      %parallel_loop3A_1184 = tpu.vector_load %arg34[%parallel_loop3A_1183] {strides = array<i32>} : memref<1024xf32, #tpu.memory_space<vmem>>, vector<16xf32>,
      tpu.vector_store %arg34[%parallel_loop3A_1183], %parallel_loop3A_1182 {strides = array<i32>} : memref<1024xf32, #tpu.memory_space<vmem>>, vector<16xf32>,
    } {sc.loop_unroll_factor = 1 : i64, sc.parallel_access}
    %dma_wait3A_87 = arith.constant 1 : i32
    %dma_wait3A_88 = arith.constant 0 : i32
    %dma_wait3A_89 = arith.constant 0 : i32
    %dma_wait3A_90 = arith.constant 0 : i32
    %dma_wait3A_91 = arith.constant 0 : i32
    %dma_wait3A_92 = tpu.memref_slice %arg27[%dma_wait3A_87, %dma_wait3A_88, %dma_wait3A_89, %dma_wait3A_90, %dma_wait3A_91] : memref<2x8x4x8x128xf32, #tpu.memory_space<vmem>> -> memref<1x8x4x8x128xf32, #tpu.memory_space<vmem>>
    %dma_wait3A_93 = tpu.memref_squeeze %dma_wait3A_92 : memref<1x8x4x8x128xf32, #tpu.memory_space<vmem>> -> memref<8x4x8x128xf32, #tpu.memory_space<vmem>>
    %dma_wait3A_94 = arith.constant 0 : i32
    %dma_wait3A_95 = arith.constant 0 : i32
    %dma_wait3A_96 = arith.constant 0 : i32
    %dma_wait3A_97 = tpu.memref_slice %arg2[%dma_wait3A_94, %add3A_28, %dma_wait3A_95, %dma_wait3A_96] : memref<8x256x8x128xf32, #tpu.memory_space<hbm>> -> memref<8x4x8x128xf32, #tpu.memory_space<hbm>>
    %dma_wait3A_98 = arith.constant 0 : i32
    %dma_wait3A_99 = arith.constant 0 : i32
    %dma_wait3A_100 = arith.constant 0 : i32
    %dma_wait3A_101 = arith.constant 0 : i32
    %dma_wait3A_102 = tpu.memref_slice %arg27[%dma_wait3A_87, %dma_wait3A_98, %dma_wait3A_99, %dma_wait3A_100, %dma_wait3A_101] : memref<2x8x4x8x128xf32, #tpu.memory_space<vmem>> -> memref<1x8x4x8x128xf32, #tpu.memory_space<vmem>>
    %dma_wait3A_103 = tpu.memref_squeeze %dma_wait3A_102 : memref<1x8x4x8x128xf32, #tpu.memory_space<vmem>> -> memref<8x4x8x128xf32, #tpu.memory_space<vmem>>
    %dma_wait3A_104 = arith.constant 0 : i32
    %dma_wait3A_105 = arith.constant 0 : i32
    %dma_wait3A_106 = arith.constant 0 : i32
    %dma_wait3A_107 = tpu.memref_slice %arg2[%dma_wait3A_104, %add3A_28, %dma_wait3A_105, %dma_wait3A_106] : memref<8x256x8x128xf32, #tpu.memory_space<hbm>> -> memref<8x4x8x128xf32, #tpu.memory_space<hbm>>
    tpu.wait_dma2 semaphore(%arg36 : memref<!tpu.dma_semaphore, #tpu.memory_space<semaphore_mem>>) src(%dma_wait3A_107 : memref<8x4x8x128xf32, #tpu.memory_space<hbm>>) dst(%dma_wait3A_103 : memref<8x4x8x128xf32, #tpu.memory_space<vmem>>)
    %parallel_loop3A_108 = arith.constant 0 : i32
    %parallel_loop3A_109 = arith.constant 32 : i32
    %parallel_loop3A_110 = arith.constant 1 : i32
    %parallel_loop3A_111 = arith.constant 0x7F800000 : f32
    scf.for %parallel_loop3A_118 = %parallel_loop3A_108 to %parallel_loop3A_109 step %parallel_loop3A_110  : i32 {
      %parallel_loop3A_119 = arith.constant 32 : i32
      %parallel_loop3A_120 = arith.addi %parallel_loop3A_119, %parallel_loop3A_118 : i32
      %parallel_loop3A_121 = arith.constant 8 : i32
      %parallel_loop3A_122 = arith.divsi %parallel_loop3A_118, %parallel_loop3A_121 : i32
      %parallel_loop3A_123 = arith.constant 0 : i32
      %parallel_loop3A_124 = arith.cmpi sgt, %parallel_loop3A_118, %parallel_loop3A_123 : i32
      %parallel_loop3A_125 = arith.extui %parallel_loop3A_124 : i1 to i32
      %parallel_loop3A_126 = arith.constant 0 : i32
      %parallel_loop3A_127 = arith.cmpi slt, %parallel_loop3A_118, %parallel_loop3A_126 : i32
      %parallel_loop3A_128 = arith.extui %parallel_loop3A_127 : i1 to i32
      %parallel_loop3A_129 = arith.subi %parallel_loop3A_125, %parallel_loop3A_128 : i32
      %parallel_loop3A_130 = arith.constant 0 : i32
      %parallel_loop3A_131 = arith.cmpi sgt, %parallel_loop3A_121, %parallel_loop3A_130 : i32
      %parallel_loop3A_132 = arith.extui %parallel_loop3A_131 : i1 to i32
      %parallel_loop3A_133 = arith.constant 0 : i32
      %parallel_loop3A_134 = arith.cmpi slt, %parallel_loop3A_121, %parallel_loop3A_133 : i32
      %parallel_loop3A_135 = arith.extui %parallel_loop3A_134 : i1 to i32
      %parallel_loop3A_136 = arith.subi %parallel_loop3A_132, %parallel_loop3A_135 : i32
      %parallel_loop3A_137 = arith.cmpi ne, %parallel_loop3A_129, %parallel_loop3A_136 : i32
      %parallel_loop3A_138 = arith.remsi %parallel_loop3A_118, %parallel_loop3A_121 : i32
      %parallel_loop3A_139 = arith.constant 0 : i32
      %parallel_loop3A_140 = arith.cmpi ne, %parallel_loop3A_138, %parallel_loop3A_139 : i32
      %parallel_loop3A_141 = arith.andi %parallel_loop3A_137, %parallel_loop3A_140 : i1
      %parallel_loop3A_142 = arith.constant 1 : i32
      %parallel_loop3A_143 = arith.subi %parallel_loop3A_122, %parallel_loop3A_142 : i32
      %parallel_loop3A_144 = arith.select %parallel_loop3A_141, %parallel_loop3A_143, %parallel_loop3A_122 : i32
      %parallel_loop3A_145 = arith.constant 8 : i32
      %parallel_loop3A_146 = arith.constant 0 : i32
      %parallel_loop3A_147 = arith.cmpi eq, %parallel_loop3A_145, %parallel_loop3A_146 : i32
      %parallel_loop3A_148 = arith.constant 1 : i32
      %parallel_loop3A_149 = arith.select %parallel_loop3A_147, %parallel_loop3A_148, %parallel_loop3A_145 : i32
      %parallel_loop3A_150 = arith.remsi %parallel_loop3A_118, %parallel_loop3A_149 : i32
      %parallel_loop3A_151 = arith.constant 0 : i32
      %parallel_loop3A_152 = arith.cmpi ne, %parallel_loop3A_150, %parallel_loop3A_151 : i32
      %parallel_loop3A_153 = arith.constant 0 : i32
      %parallel_loop3A_154 = arith.cmpi slt, %parallel_loop3A_150, %parallel_loop3A_153 : i32
      %parallel_loop3A_155 = arith.constant 0 : i32
      %parallel_loop3A_156 = arith.cmpi slt, %parallel_loop3A_149, %parallel_loop3A_155 : i32
      %parallel_loop3A_157 = arith.xori %parallel_loop3A_154, %parallel_loop3A_156 : i1
      %parallel_loop3A_158 = arith.andi %parallel_loop3A_157, %parallel_loop3A_152 : i1
      %parallel_loop3A_159 = arith.addi %parallel_loop3A_150, %parallel_loop3A_149 : i32
      %parallel_loop3A_160 = arith.select %parallel_loop3A_158, %parallel_loop3A_159, %parallel_loop3A_150 : i32
      %parallel_loop3A_161 = arith.constant 16 : i32
      %parallel_loop3A_162 = arith.muli %parallel_loop3A_160, %parallel_loop3A_161 : i32
      %parallel_loop3A_163 = vector.broadcast %parallel_loop3A_111 : f32 to vector<16xf32>
      %parallel_loop3A_164 = vector.broadcast %parallel_loop3A_111 : f32 to vector<16xf32>
      %parallel_loop3A_165 = vector.broadcast %parallel_loop3A_111 : f32 to vector<16xf32>
      %parallel_loop3A_166 = vector.broadcast %parallel_loop3A_111 : f32 to vector<16xf32>
      %parallel_loop3A_167 = vector.broadcast %parallel_loop3A_111 : f32 to vector<16xf32>
      %parallel_loop3A_168 = vector.broadcast %parallel_loop3A_111 : f32 to vector<16xf32>
      %parallel_loop3A_169 = vector.broadcast %parallel_loop3A_111 : f32 to vector<16xf32>
      %parallel_loop3A_170 = vector.broadcast %parallel_loop3A_111 : f32 to vector<16xf32>
      %parallel_loop3A_171 = arith.constant 0 : i32
      %parallel_loop3A_172 = vector.broadcast %parallel_loop3A_171 : i32 to vector<16xi32>
      %parallel_loop3A_173 = arith.constant 0 : i32
      %parallel_loop3A_174 = vector.broadcast %parallel_loop3A_173 : i32 to vector<16xi32>
      %parallel_loop3A_175 = arith.constant 0 : i32
      %parallel_loop3A_176 = vector.broadcast %parallel_loop3A_175 : i32 to vector<16xi32>
      %parallel_loop3A_177 = arith.constant 0 : i32
      %parallel_loop3A_178 = vector.broadcast %parallel_loop3A_177 : i32 to vector<16xi32>
      %parallel_loop3A_179 = arith.constant 0 : i32
      %parallel_loop3A_180 = vector.broadcast %parallel_loop3A_179 : i32 to vector<16xi32>
      %parallel_loop3A_181 = arith.constant 0 : i32
      %parallel_loop3A_182 = vector.broadcast %parallel_loop3A_181 : i32 to vector<16xi32>
      %parallel_loop3A_183 = arith.constant 0 : i32
      %parallel_loop3A_184 = vector.broadcast %parallel_loop3A_183 : i32 to vector<16xi32>
      %parallel_loop3A_185 = arith.constant 0 : i32
      %parallel_loop3A_186 = vector.broadcast %parallel_loop3A_185 : i32 to vector<16xi32>
      %parallel_loop3A_187 = arith.constant 0 : i32
      %parallel_loop3A_188 = vector.broadcast %parallel_loop3A_187 : i32 to vector<16xi32>
      %parallel_loop3A_189 = arith.constant 1 : i32
      %parallel_loop3A_190 = arith.constant 0 : i32
      %parallel_loop3A_191 = arith.constant 0 : i32
      %parallel_loop3A_192 = arith.index_cast %parallel_loop3A_189 : i32 to index
      %parallel_loop3A_193 = arith.index_cast %parallel_loop3A_190 : i32 to index
      %parallel_loop3A_194 = arith.index_cast %parallel_loop3A_144 : i32 to index
      %parallel_loop3A_195 = arith.index_cast %parallel_loop3A_191 : i32 to index
      %parallel_loop3A_196 = arith.index_cast %parallel_loop3A_162 : i32 to index
      %parallel_loop3A_197 = tpu.vector_load %arg27[%parallel_loop3A_192, %parallel_loop3A_193, %parallel_loop3A_194, %parallel_loop3A_195, %parallel_loop3A_196] {strides = array<i32>} : memref<2x8x4x8x128xf32, #tpu.memory_space<vmem>>, vector<16xf32>,
      %parallel_loop3A_198 = arith.cmpf olt, %parallel_loop3A_197, %parallel_loop3A_163 : vector<16xf32>
      %parallel_loop3A_199 = arith.select %parallel_loop3A_198, %parallel_loop3A_197, %parallel_loop3A_163 : vector<16xi1>, vector<16xf32>
      %parallel_loop3A_200 = arith.select %parallel_loop3A_198, %parallel_loop3A_188, %parallel_loop3A_172 : vector<16xi1>, vector<16xi32>
      %parallel_loop3A_201 = arith.constant 1 : i32
      %parallel_loop3A_202 = arith.constant 0 : i32
      %parallel_loop3A_203 = arith.constant 1 : i32
      %parallel_loop3A_204 = arith.index_cast %parallel_loop3A_201 : i32 to index
      %parallel_loop3A_205 = arith.index_cast %parallel_loop3A_202 : i32 to index
      %parallel_loop3A_206 = arith.index_cast %parallel_loop3A_144 : i32 to index
      %parallel_loop3A_207 = arith.index_cast %parallel_loop3A_203 : i32 to index
      %parallel_loop3A_208 = arith.index_cast %parallel_loop3A_162 : i32 to index
      %parallel_loop3A_209 = tpu.vector_load %arg27[%parallel_loop3A_204, %parallel_loop3A_205, %parallel_loop3A_206, %parallel_loop3A_207, %parallel_loop3A_208] {strides = array<i32>} : memref<2x8x4x8x128xf32, #tpu.memory_space<vmem>>, vector<16xf32>,
      %parallel_loop3A_210 = arith.cmpf olt, %parallel_loop3A_209, %parallel_loop3A_164 : vector<16xf32>
      %parallel_loop3A_211 = arith.select %parallel_loop3A_210, %parallel_loop3A_209, %parallel_loop3A_164 : vector<16xi1>, vector<16xf32>
      %parallel_loop3A_212 = arith.select %parallel_loop3A_210, %parallel_loop3A_188, %parallel_loop3A_174 : vector<16xi1>, vector<16xi32>
      %parallel_loop3A_213 = arith.constant 1 : i32
      %parallel_loop3A_214 = arith.constant 0 : i32
      %parallel_loop3A_215 = arith.constant 2 : i32
      %parallel_loop3A_216 = arith.index_cast %parallel_loop3A_213 : i32 to index
      %parallel_loop3A_217 = arith.index_cast %parallel_loop3A_214 : i32 to index
      %parallel_loop3A_218 = arith.index_cast %parallel_loop3A_144 : i32 to index
      %parallel_loop3A_219 = arith.index_cast %parallel_loop3A_215 : i32 to index
      %parallel_loop3A_220 = arith.index_cast %parallel_loop3A_162 : i32 to index
      %parallel_loop3A_221 = tpu.vector_load %arg27[%parallel_loop3A_216, %parallel_loop3A_217, %parallel_loop3A_218, %parallel_loop3A_219, %parallel_loop3A_220] {strides = array<i32>} : memref<2x8x4x8x128xf32, #tpu.memory_space<vmem>>, vector<16xf32>,
      %parallel_loop3A_222 = arith.cmpf olt, %parallel_loop3A_221, %parallel_loop3A_165 : vector<16xf32>
      %parallel_loop3A_223 = arith.select %parallel_loop3A_222, %parallel_loop3A_221, %parallel_loop3A_165 : vector<16xi1>, vector<16xf32>
      %parallel_loop3A_224 = arith.select %parallel_loop3A_222, %parallel_loop3A_188, %parallel_loop3A_176 : vector<16xi1>, vector<16xi32>
      %parallel_loop3A_225 = arith.constant 1 : i32
      %parallel_loop3A_226 = arith.constant 0 : i32
      %parallel_loop3A_227 = arith.constant 3 : i32
      %parallel_loop3A_228 = arith.index_cast %parallel_loop3A_225 : i32 to index
      %parallel_loop3A_229 = arith.index_cast %parallel_loop3A_226 : i32 to index
      %parallel_loop3A_230 = arith.index_cast %parallel_loop3A_144 : i32 to index
      %parallel_loop3A_231 = arith.index_cast %parallel_loop3A_227 : i32 to index
      %parallel_loop3A_232 = arith.index_cast %parallel_loop3A_162 : i32 to index
      %parallel_loop3A_233 = tpu.vector_load %arg27[%parallel_loop3A_228, %parallel_loop3A_229, %parallel_loop3A_230, %parallel_loop3A_231, %parallel_loop3A_232] {strides = array<i32>} : memref<2x8x4x8x128xf32, #tpu.memory_space<vmem>>, vector<16xf32>,
      %parallel_loop3A_234 = arith.cmpf olt, %parallel_loop3A_233, %parallel_loop3A_166 : vector<16xf32>
      %parallel_loop3A_235 = arith.select %parallel_loop3A_234, %parallel_loop3A_233, %parallel_loop3A_166 : vector<16xi1>, vector<16xf32>
      %parallel_loop3A_236 = arith.select %parallel_loop3A_234, %parallel_loop3A_188, %parallel_loop3A_178 : vector<16xi1>, vector<16xi32>
      %parallel_loop3A_237 = arith.constant 1 : i32
      %parallel_loop3A_238 = arith.constant 0 : i32
      %parallel_loop3A_239 = arith.constant 4 : i32
      %parallel_loop3A_240 = arith.index_cast %parallel_loop3A_237 : i32 to index
      %parallel_loop3A_241 = arith.index_cast %parallel_loop3A_238 : i32 to index
      %parallel_loop3A_242 = arith.index_cast %parallel_loop3A_144 : i32 to index
      %parallel_loop3A_243 = arith.index_cast %parallel_loop3A_239 : i32 to index
      %parallel_loop3A_244 = arith.index_cast %parallel_loop3A_162 : i32 to index
      %parallel_loop3A_245 = tpu.vector_load %arg27[%parallel_loop3A_240, %parallel_loop3A_241, %parallel_loop3A_242, %parallel_loop3A_243, %parallel_loop3A_244] {strides = array<i32>} : memref<2x8x4x8x128xf32, #tpu.memory_space<vmem>>, vector<16xf32>,
      %parallel_loop3A_246 = arith.cmpf olt, %parallel_loop3A_245, %parallel_loop3A_167 : vector<16xf32>
      %parallel_loop3A_247 = arith.select %parallel_loop3A_246, %parallel_loop3A_245, %parallel_loop3A_167 : vector<16xi1>, vector<16xf32>
      %parallel_loop3A_248 = arith.select %parallel_loop3A_246, %parallel_loop3A_188, %parallel_loop3A_180 : vector<16xi1>, vector<16xi32>
      %parallel_loop3A_249 = arith.constant 1 : i32
      %parallel_loop3A_250 = arith.constant 0 : i32
      %parallel_loop3A_251 = arith.constant 5 : i32
      %parallel_loop3A_252 = arith.index_cast %parallel_loop3A_249 : i32 to index
      %parallel_loop3A_253 = arith.index_cast %parallel_loop3A_250 : i32 to index
      %parallel_loop3A_254 = arith.index_cast %parallel_loop3A_144 : i32 to index
      %parallel_loop3A_255 = arith.index_cast %parallel_loop3A_251 : i32 to index
      %parallel_loop3A_256 = arith.index_cast %parallel_loop3A_162 : i32 to index
      %parallel_loop3A_257 = tpu.vector_load %arg27[%parallel_loop3A_252, %parallel_loop3A_253, %parallel_loop3A_254, %parallel_loop3A_255, %parallel_loop3A_256] {strides = array<i32>} : memref<2x8x4x8x128xf32, #tpu.memory_space<vmem>>, vector<16xf32>,
      %parallel_loop3A_258 = arith.cmpf olt, %parallel_loop3A_257, %parallel_loop3A_168 : vector<16xf32>
      %parallel_loop3A_259 = arith.select %parallel_loop3A_258, %parallel_loop3A_257, %parallel_loop3A_168 : vector<16xi1>, vector<16xf32>
      %parallel_loop3A_260 = arith.select %parallel_loop3A_258, %parallel_loop3A_188, %parallel_loop3A_182 : vector<16xi1>, vector<16xi32>
      %parallel_loop3A_261 = arith.constant 1 : i32
      %parallel_loop3A_262 = arith.constant 0 : i32
      %parallel_loop3A_263 = arith.constant 6 : i32
      %parallel_loop3A_264 = arith.index_cast %parallel_loop3A_261 : i32 to index
      %parallel_loop3A_265 = arith.index_cast %parallel_loop3A_262 : i32 to index
      %parallel_loop3A_266 = arith.index_cast %parallel_loop3A_144 : i32 to index
      %parallel_loop3A_267 = arith.index_cast %parallel_loop3A_263 : i32 to index
      %parallel_loop3A_268 = arith.index_cast %parallel_loop3A_162 : i32 to index
      %parallel_loop3A_269 = tpu.vector_load %arg27[%parallel_loop3A_264, %parallel_loop3A_265, %parallel_loop3A_266, %parallel_loop3A_267, %parallel_loop3A_268] {strides = array<i32>} : memref<2x8x4x8x128xf32, #tpu.memory_space<vmem>>, vector<16xf32>,
      %parallel_loop3A_270 = arith.cmpf olt, %parallel_loop3A_269, %parallel_loop3A_169 : vector<16xf32>
      %parallel_loop3A_271 = arith.select %parallel_loop3A_270, %parallel_loop3A_269, %parallel_loop3A_169 : vector<16xi1>, vector<16xf32>
      %parallel_loop3A_272 = arith.select %parallel_loop3A_270, %parallel_loop3A_188, %parallel_loop3A_184 : vector<16xi1>, vector<16xi32>
      %parallel_loop3A_273 = arith.constant 1 : i32
      %parallel_loop3A_274 = arith.constant 0 : i32
      %parallel_loop3A_275 = arith.constant 7 : i32
      %parallel_loop3A_276 = arith.index_cast %parallel_loop3A_273 : i32 to index
      %parallel_loop3A_277 = arith.index_cast %parallel_loop3A_274 : i32 to index
      %parallel_loop3A_278 = arith.index_cast %parallel_loop3A_144 : i32 to index
      %parallel_loop3A_279 = arith.index_cast %parallel_loop3A_275 : i32 to index
      %parallel_loop3A_280 = arith.index_cast %parallel_loop3A_162 : i32 to index
      %parallel_loop3A_281 = tpu.vector_load %arg27[%parallel_loop3A_276, %parallel_loop3A_277, %parallel_loop3A_278, %parallel_loop3A_279, %parallel_loop3A_280] {strides = array<i32>} : memref<2x8x4x8x128xf32, #tpu.memory_space<vmem>>, vector<16xf32>,
      %parallel_loop3A_282 = arith.cmpf olt, %parallel_loop3A_281, %parallel_loop3A_170 : vector<16xf32>
      %parallel_loop3A_283 = arith.select %parallel_loop3A_282, %parallel_loop3A_281, %parallel_loop3A_170 : vector<16xi1>, vector<16xf32>
      %parallel_loop3A_284 = arith.select %parallel_loop3A_282, %parallel_loop3A_188, %parallel_loop3A_186 : vector<16xi1>, vector<16xi32>
      %parallel_loop3A_285 = arith.constant 1 : i32
      %parallel_loop3A_286 = vector.broadcast %parallel_loop3A_285 : i32 to vector<16xi32>
      %parallel_loop3A_287 = arith.constant 1 : i32
      %parallel_loop3A_288 = arith.constant 1 : i32
      %parallel_loop3A_289 = arith.constant 0 : i32
      %parallel_loop3A_290 = arith.index_cast %parallel_loop3A_287 : i32 to index
      %parallel_loop3A_291 = arith.index_cast %parallel_loop3A_288 : i32 to index
      %parallel_loop3A_292 = arith.index_cast %parallel_loop3A_144 : i32 to index
      %parallel_loop3A_293 = arith.index_cast %parallel_loop3A_289 : i32 to index
      %parallel_loop3A_294 = arith.index_cast %parallel_loop3A_162 : i32 to index
      %parallel_loop3A_295 = tpu.vector_load %arg27[%parallel_loop3A_290, %parallel_loop3A_291, %parallel_loop3A_292, %parallel_loop3A_293, %parallel_loop3A_294] {strides = array<i32>} : memref<2x8x4x8x128xf32, #tpu.memory_space<vmem>>, vector<16xf32>,
      %parallel_loop3A_296 = arith.cmpf olt, %parallel_loop3A_295, %parallel_loop3A_199 : vector<16xf32>
      %parallel_loop3A_297 = arith.select %parallel_loop3A_296, %parallel_loop3A_295, %parallel_loop3A_199 : vector<16xi1>, vector<16xf32>
      %parallel_loop3A_298 = arith.select %parallel_loop3A_296, %parallel_loop3A_286, %parallel_loop3A_200 : vector<16xi1>, vector<16xi32>
      %parallel_loop3A_299 = arith.constant 1 : i32
      %parallel_loop3A_300 = arith.constant 1 : i32
      %parallel_loop3A_301 = arith.constant 1 : i32
      %parallel_loop3A_302 = arith.index_cast %parallel_loop3A_299 : i32 to index
      %parallel_loop3A_303 = arith.index_cast %parallel_loop3A_300 : i32 to index
      %parallel_loop3A_304 = arith.index_cast %parallel_loop3A_144 : i32 to index
      %parallel_loop3A_305 = arith.index_cast %parallel_loop3A_301 : i32 to index
      %parallel_loop3A_306 = arith.index_cast %parallel_loop3A_162 : i32 to index
      %parallel_loop3A_307 = tpu.vector_load %arg27[%parallel_loop3A_302, %parallel_loop3A_303, %parallel_loop3A_304, %parallel_loop3A_305, %parallel_loop3A_306] {strides = array<i32>} : memref<2x8x4x8x128xf32, #tpu.memory_space<vmem>>, vector<16xf32>,
      %parallel_loop3A_308 = arith.cmpf olt, %parallel_loop3A_307, %parallel_loop3A_211 : vector<16xf32>
      %parallel_loop3A_309 = arith.select %parallel_loop3A_308, %parallel_loop3A_307, %parallel_loop3A_211 : vector<16xi1>, vector<16xf32>
      %parallel_loop3A_310 = arith.select %parallel_loop3A_308, %parallel_loop3A_286, %parallel_loop3A_212 : vector<16xi1>, vector<16xi32>
      %parallel_loop3A_311 = arith.constant 1 : i32
      %parallel_loop3A_312 = arith.constant 1 : i32
      %parallel_loop3A_313 = arith.constant 2 : i32
      %parallel_loop3A_314 = arith.index_cast %parallel_loop3A_311 : i32 to index
      %parallel_loop3A_315 = arith.index_cast %parallel_loop3A_312 : i32 to index
      %parallel_loop3A_316 = arith.index_cast %parallel_loop3A_144 : i32 to index
      %parallel_loop3A_317 = arith.index_cast %parallel_loop3A_313 : i32 to index
      %parallel_loop3A_318 = arith.index_cast %parallel_loop3A_162 : i32 to index
      %parallel_loop3A_319 = tpu.vector_load %arg27[%parallel_loop3A_314, %parallel_loop3A_315, %parallel_loop3A_316, %parallel_loop3A_317, %parallel_loop3A_318] {strides = array<i32>} : memref<2x8x4x8x128xf32, #tpu.memory_space<vmem>>, vector<16xf32>,
      %parallel_loop3A_320 = arith.cmpf olt, %parallel_loop3A_319, %parallel_loop3A_223 : vector<16xf32>
      %parallel_loop3A_321 = arith.select %parallel_loop3A_320, %parallel_loop3A_319, %parallel_loop3A_223 : vector<16xi1>, vector<16xf32>
      %parallel_loop3A_322 = arith.select %parallel_loop3A_320, %parallel_loop3A_286, %parallel_loop3A_224 : vector<16xi1>, vector<16xi32>
      %parallel_loop3A_323 = arith.constant 1 : i32
      %parallel_loop3A_324 = arith.constant 1 : i32
      %parallel_loop3A_325 = arith.constant 3 : i32
      %parallel_loop3A_326 = arith.index_cast %parallel_loop3A_323 : i32 to index
      %parallel_loop3A_327 = arith.index_cast %parallel_loop3A_324 : i32 to index
      %parallel_loop3A_328 = arith.index_cast %parallel_loop3A_144 : i32 to index
      %parallel_loop3A_329 = arith.index_cast %parallel_loop3A_325 : i32 to index
      %parallel_loop3A_330 = arith.index_cast %parallel_loop3A_162 : i32 to index
      %parallel_loop3A_331 = tpu.vector_load %arg27[%parallel_loop3A_326, %parallel_loop3A_327, %parallel_loop3A_328, %parallel_loop3A_329, %parallel_loop3A_330] {strides = array<i32>} : memref<2x8x4x8x128xf32, #tpu.memory_space<vmem>>, vector<16xf32>,
      %parallel_loop3A_332 = arith.cmpf olt, %parallel_loop3A_331, %parallel_loop3A_235 : vector<16xf32>
      %parallel_loop3A_333 = arith.select %parallel_loop3A_332, %parallel_loop3A_331, %parallel_loop3A_235 : vector<16xi1>, vector<16xf32>
      %parallel_loop3A_334 = arith.select %parallel_loop3A_332, %parallel_loop3A_286, %parallel_loop3A_236 : vector<16xi1>, vector<16xi32>
      %parallel_loop3A_335 = arith.constant 1 : i32
      %parallel_loop3A_336 = arith.constant 1 : i32
      %parallel_loop3A_337 = arith.constant 4 : i32
      %parallel_loop3A_338 = arith.index_cast %parallel_loop3A_335 : i32 to index
      %parallel_loop3A_339 = arith.index_cast %parallel_loop3A_336 : i32 to index
      %parallel_loop3A_340 = arith.index_cast %parallel_loop3A_144 : i32 to index
      %parallel_loop3A_341 = arith.index_cast %parallel_loop3A_337 : i32 to index
      %parallel_loop3A_342 = arith.index_cast %parallel_loop3A_162 : i32 to index
      %parallel_loop3A_343 = tpu.vector_load %arg27[%parallel_loop3A_338, %parallel_loop3A_339, %parallel_loop3A_340, %parallel_loop3A_341, %parallel_loop3A_342] {strides = array<i32>} : memref<2x8x4x8x128xf32, #tpu.memory_space<vmem>>, vector<16xf32>,
      %parallel_loop3A_344 = arith.cmpf olt, %parallel_loop3A_343, %parallel_loop3A_247 : vector<16xf32>
      %parallel_loop3A_345 = arith.select %parallel_loop3A_344, %parallel_loop3A_343, %parallel_loop3A_247 : vector<16xi1>, vector<16xf32>
      %parallel_loop3A_346 = arith.select %parallel_loop3A_344, %parallel_loop3A_286, %parallel_loop3A_248 : vector<16xi1>, vector<16xi32>
      %parallel_loop3A_347 = arith.constant 1 : i32
      %parallel_loop3A_348 = arith.constant 1 : i32
      %parallel_loop3A_349 = arith.constant 5 : i32
      %parallel_loop3A_350 = arith.index_cast %parallel_loop3A_347 : i32 to index
      %parallel_loop3A_351 = arith.index_cast %parallel_loop3A_348 : i32 to index
      %parallel_loop3A_352 = arith.index_cast %parallel_loop3A_144 : i32 to index
      %parallel_loop3A_353 = arith.index_cast %parallel_loop3A_349 : i32 to index
      %parallel_loop3A_354 = arith.index_cast %parallel_loop3A_162 : i32 to index
      %parallel_loop3A_355 = tpu.vector_load %arg27[%parallel_loop3A_350, %parallel_loop3A_351, %parallel_loop3A_352, %parallel_loop3A_353, %parallel_loop3A_354] {strides = array<i32>} : memref<2x8x4x8x128xf32, #tpu.memory_space<vmem>>, vector<16xf32>,
      %parallel_loop3A_356 = arith.cmpf olt, %parallel_loop3A_355, %parallel_loop3A_259 : vector<16xf32>
      %parallel_loop3A_357 = arith.select %parallel_loop3A_356, %parallel_loop3A_355, %parallel_loop3A_259 : vector<16xi1>, vector<16xf32>
      %parallel_loop3A_358 = arith.select %parallel_loop3A_356, %parallel_loop3A_286, %parallel_loop3A_260 : vector<16xi1>, vector<16xi32>
      %parallel_loop3A_359 = arith.constant 1 : i32
      %parallel_loop3A_360 = arith.constant 1 : i32
      %parallel_loop3A_361 = arith.constant 6 : i32
      %parallel_loop3A_362 = arith.index_cast %parallel_loop3A_359 : i32 to index
      %parallel_loop3A_363 = arith.index_cast %parallel_loop3A_360 : i32 to index
      %parallel_loop3A_364 = arith.index_cast %parallel_loop3A_144 : i32 to index
      %parallel_loop3A_365 = arith.index_cast %parallel_loop3A_361 : i32 to index
      %parallel_loop3A_366 = arith.index_cast %parallel_loop3A_162 : i32 to index
      %parallel_loop3A_367 = tpu.vector_load %arg27[%parallel_loop3A_362, %parallel_loop3A_363, %parallel_loop3A_364, %parallel_loop3A_365, %parallel_loop3A_366] {strides = array<i32>} : memref<2x8x4x8x128xf32, #tpu.memory_space<vmem>>, vector<16xf32>,
      %parallel_loop3A_368 = arith.cmpf olt, %parallel_loop3A_367, %parallel_loop3A_271 : vector<16xf32>
      %parallel_loop3A_369 = arith.select %parallel_loop3A_368, %parallel_loop3A_367, %parallel_loop3A_271 : vector<16xi1>, vector<16xf32>
      %parallel_loop3A_370 = arith.select %parallel_loop3A_368, %parallel_loop3A_286, %parallel_loop3A_272 : vector<16xi1>, vector<16xi32>
      %parallel_loop3A_371 = arith.constant 1 : i32
      %parallel_loop3A_372 = arith.constant 1 : i32
      %parallel_loop3A_373 = arith.constant 7 : i32
      %parallel_loop3A_374 = arith.index_cast %parallel_loop3A_371 : i32 to index
      %parallel_loop3A_375 = arith.index_cast %parallel_loop3A_372 : i32 to index
      %parallel_loop3A_376 = arith.index_cast %parallel_loop3A_144 : i32 to index
      %parallel_loop3A_377 = arith.index_cast %parallel_loop3A_373 : i32 to index
      %parallel_loop3A_378 = arith.index_cast %parallel_loop3A_162 : i32 to index
      %parallel_loop3A_379 = tpu.vector_load %arg27[%parallel_loop3A_374, %parallel_loop3A_375, %parallel_loop3A_376, %parallel_loop3A_377, %parallel_loop3A_378] {strides = array<i32>} : memref<2x8x4x8x128xf32, #tpu.memory_space<vmem>>, vector<16xf32>,
      %parallel_loop3A_380 = arith.cmpf olt, %parallel_loop3A_379, %parallel_loop3A_283 : vector<16xf32>
      %parallel_loop3A_381 = arith.select %parallel_loop3A_380, %parallel_loop3A_379, %parallel_loop3A_283 : vector<16xi1>, vector<16xf32>
      %parallel_loop3A_382 = arith.select %parallel_loop3A_380, %parallel_loop3A_286, %parallel_loop3A_284 : vector<16xi1>, vector<16xi32>
      %parallel_loop3A_383 = arith.constant 2 : i32
      %parallel_loop3A_384 = vector.broadcast %parallel_loop3A_383 : i32 to vector<16xi32>
      %parallel_loop3A_385 = arith.constant 1 : i32
      %parallel_loop3A_386 = arith.constant 2 : i32
      %parallel_loop3A_387 = arith.constant 0 : i32
      %parallel_loop3A_388 = arith.index_cast %parallel_loop3A_385 : i32 to index
      %parallel_loop3A_389 = arith.index_cast %parallel_loop3A_386 : i32 to index
      %parallel_loop3A_390 = arith.index_cast %parallel_loop3A_144 : i32 to index
      %parallel_loop3A_391 = arith.index_cast %parallel_loop3A_387 : i32 to index
      %parallel_loop3A_392 = arith.index_cast %parallel_loop3A_162 : i32 to index
      %parallel_loop3A_393 = tpu.vector_load %arg27[%parallel_loop3A_388, %parallel_loop3A_389, %parallel_loop3A_390, %parallel_loop3A_391, %parallel_loop3A_392] {strides = array<i32>} : memref<2x8x4x8x128xf32, #tpu.memory_space<vmem>>, vector<16xf32>,
      %parallel_loop3A_394 = arith.cmpf olt, %parallel_loop3A_393, %parallel_loop3A_297 : vector<16xf32>
      %parallel_loop3A_395 = arith.select %parallel_loop3A_394, %parallel_loop3A_393, %parallel_loop3A_297 : vector<16xi1>, vector<16xf32>
      %parallel_loop3A_396 = arith.select %parallel_loop3A_394, %parallel_loop3A_384, %parallel_loop3A_298 : vector<16xi1>, vector<16xi32>
      %parallel_loop3A_397 = arith.constant 1 : i32
      %parallel_loop3A_398 = arith.constant 2 : i32
      %parallel_loop3A_399 = arith.constant 1 : i32
      %parallel_loop3A_400 = arith.index_cast %parallel_loop3A_397 : i32 to index
      %parallel_loop3A_401 = arith.index_cast %parallel_loop3A_398 : i32 to index
      %parallel_loop3A_402 = arith.index_cast %parallel_loop3A_144 : i32 to index
      %parallel_loop3A_403 = arith.index_cast %parallel_loop3A_399 : i32 to index
      %parallel_loop3A_404 = arith.index_cast %parallel_loop3A_162 : i32 to index
      %parallel_loop3A_405 = tpu.vector_load %arg27[%parallel_loop3A_400, %parallel_loop3A_401, %parallel_loop3A_402, %parallel_loop3A_403, %parallel_loop3A_404] {strides = array<i32>} : memref<2x8x4x8x128xf32, #tpu.memory_space<vmem>>, vector<16xf32>,
      %parallel_loop3A_406 = arith.cmpf olt, %parallel_loop3A_405, %parallel_loop3A_309 : vector<16xf32>
      %parallel_loop3A_407 = arith.select %parallel_loop3A_406, %parallel_loop3A_405, %parallel_loop3A_309 : vector<16xi1>, vector<16xf32>
      %parallel_loop3A_408 = arith.select %parallel_loop3A_406, %parallel_loop3A_384, %parallel_loop3A_310 : vector<16xi1>, vector<16xi32>
      %parallel_loop3A_409 = arith.constant 1 : i32
      %parallel_loop3A_410 = arith.constant 2 : i32
      %parallel_loop3A_411 = arith.constant 2 : i32
      %parallel_loop3A_412 = arith.index_cast %parallel_loop3A_409 : i32 to index
      %parallel_loop3A_413 = arith.index_cast %parallel_loop3A_410 : i32 to index
      %parallel_loop3A_414 = arith.index_cast %parallel_loop3A_144 : i32 to index
      %parallel_loop3A_415 = arith.index_cast %parallel_loop3A_411 : i32 to index
      %parallel_loop3A_416 = arith.index_cast %parallel_loop3A_162 : i32 to index
      %parallel_loop3A_417 = tpu.vector_load %arg27[%parallel_loop3A_412, %parallel_loop3A_413, %parallel_loop3A_414, %parallel_loop3A_415, %parallel_loop3A_416] {strides = array<i32>} : memref<2x8x4x8x128xf32, #tpu.memory_space<vmem>>, vector<16xf32>,
      %parallel_loop3A_418 = arith.cmpf olt, %parallel_loop3A_417, %parallel_loop3A_321 : vector<16xf32>
      %parallel_loop3A_419 = arith.select %parallel_loop3A_418, %parallel_loop3A_417, %parallel_loop3A_321 : vector<16xi1>, vector<16xf32>
      %parallel_loop3A_420 = arith.select %parallel_loop3A_418, %parallel_loop3A_384, %parallel_loop3A_322 : vector<16xi1>, vector<16xi32>
      %parallel_loop3A_421 = arith.constant 1 : i32
      %parallel_loop3A_422 = arith.constant 2 : i32
      %parallel_loop3A_423 = arith.constant 3 : i32
      %parallel_loop3A_424 = arith.index_cast %parallel_loop3A_421 : i32 to index
      %parallel_loop3A_425 = arith.index_cast %parallel_loop3A_422 : i32 to index
      %parallel_loop3A_426 = arith.index_cast %parallel_loop3A_144 : i32 to index
      %parallel_loop3A_427 = arith.index_cast %parallel_loop3A_423 : i32 to index
      %parallel_loop3A_428 = arith.index_cast %parallel_loop3A_162 : i32 to index
      %parallel_loop3A_429 = tpu.vector_load %arg27[%parallel_loop3A_424, %parallel_loop3A_425, %parallel_loop3A_426, %parallel_loop3A_427, %parallel_loop3A_428] {strides = array<i32>} : memref<2x8x4x8x128xf32, #tpu.memory_space<vmem>>, vector<16xf32>,
      %parallel_loop3A_430 = arith.cmpf olt, %parallel_loop3A_429, %parallel_loop3A_333 : vector<16xf32>
      %parallel_loop3A_431 = arith.select %parallel_loop3A_430, %parallel_loop3A_429, %parallel_loop3A_333 : vector<16xi1>, vector<16xf32>
      %parallel_loop3A_432 = arith.select %parallel_loop3A_430, %parallel_loop3A_384, %parallel_loop3A_334 : vector<16xi1>, vector<16xi32>
      %parallel_loop3A_433 = arith.constant 1 : i32
      %parallel_loop3A_434 = arith.constant 2 : i32
      %parallel_loop3A_435 = arith.constant 4 : i32
      %parallel_loop3A_436 = arith.index_cast %parallel_loop3A_433 : i32 to index
      %parallel_loop3A_437 = arith.index_cast %parallel_loop3A_434 : i32 to index
      %parallel_loop3A_438 = arith.index_cast %parallel_loop3A_144 : i32 to index
      %parallel_loop3A_439 = arith.index_cast %parallel_loop3A_435 : i32 to index
      %parallel_loop3A_440 = arith.index_cast %parallel_loop3A_162 : i32 to index
      %parallel_loop3A_441 = tpu.vector_load %arg27[%parallel_loop3A_436, %parallel_loop3A_437, %parallel_loop3A_438, %parallel_loop3A_439, %parallel_loop3A_440] {strides = array<i32>} : memref<2x8x4x8x128xf32, #tpu.memory_space<vmem>>, vector<16xf32>,
      %parallel_loop3A_442 = arith.cmpf olt, %parallel_loop3A_441, %parallel_loop3A_345 : vector<16xf32>
      %parallel_loop3A_443 = arith.select %parallel_loop3A_442, %parallel_loop3A_441, %parallel_loop3A_345 : vector<16xi1>, vector<16xf32>
      %parallel_loop3A_444 = arith.select %parallel_loop3A_442, %parallel_loop3A_384, %parallel_loop3A_346 : vector<16xi1>, vector<16xi32>
      %parallel_loop3A_445 = arith.constant 1 : i32
      %parallel_loop3A_446 = arith.constant 2 : i32
      %parallel_loop3A_447 = arith.constant 5 : i32
      %parallel_loop3A_448 = arith.index_cast %parallel_loop3A_445 : i32 to index
      %parallel_loop3A_449 = arith.index_cast %parallel_loop3A_446 : i32 to index
      %parallel_loop3A_450 = arith.index_cast %parallel_loop3A_144 : i32 to index
      %parallel_loop3A_451 = arith.index_cast %parallel_loop3A_447 : i32 to index
      %parallel_loop3A_452 = arith.index_cast %parallel_loop3A_162 : i32 to index
      %parallel_loop3A_453 = tpu.vector_load %arg27[%parallel_loop3A_448, %parallel_loop3A_449, %parallel_loop3A_450, %parallel_loop3A_451, %parallel_loop3A_452] {strides = array<i32>} : memref<2x8x4x8x128xf32, #tpu.memory_space<vmem>>, vector<16xf32>,
      %parallel_loop3A_454 = arith.cmpf olt, %parallel_loop3A_453, %parallel_loop3A_357 : vector<16xf32>
      %parallel_loop3A_455 = arith.select %parallel_loop3A_454, %parallel_loop3A_453, %parallel_loop3A_357 : vector<16xi1>, vector<16xf32>
      %parallel_loop3A_456 = arith.select %parallel_loop3A_454, %parallel_loop3A_384, %parallel_loop3A_358 : vector<16xi1>, vector<16xi32>
      %parallel_loop3A_457 = arith.constant 1 : i32
      %parallel_loop3A_458 = arith.constant 2 : i32
      %parallel_loop3A_459 = arith.constant 6 : i32
      %parallel_loop3A_460 = arith.index_cast %parallel_loop3A_457 : i32 to index
      %parallel_loop3A_461 = arith.index_cast %parallel_loop3A_458 : i32 to index
      %parallel_loop3A_462 = arith.index_cast %parallel_loop3A_144 : i32 to index
      %parallel_loop3A_463 = arith.index_cast %parallel_loop3A_459 : i32 to index
      %parallel_loop3A_464 = arith.index_cast %parallel_loop3A_162 : i32 to index
      %parallel_loop3A_465 = tpu.vector_load %arg27[%parallel_loop3A_460, %parallel_loop3A_461, %parallel_loop3A_462, %parallel_loop3A_463, %parallel_loop3A_464] {strides = array<i32>} : memref<2x8x4x8x128xf32, #tpu.memory_space<vmem>>, vector<16xf32>,
      %parallel_loop3A_466 = arith.cmpf olt, %parallel_loop3A_465, %parallel_loop3A_369 : vector<16xf32>
      %parallel_loop3A_467 = arith.select %parallel_loop3A_466, %parallel_loop3A_465, %parallel_loop3A_369 : vector<16xi1>, vector<16xf32>
      %parallel_loop3A_468 = arith.select %parallel_loop3A_466, %parallel_loop3A_384, %parallel_loop3A_370 : vector<16xi1>, vector<16xi32>
      %parallel_loop3A_469 = arith.constant 1 : i32
      %parallel_loop3A_470 = arith.constant 2 : i32
      %parallel_loop3A_471 = arith.constant 7 : i32
      %parallel_loop3A_472 = arith.index_cast %parallel_loop3A_469 : i32 to index
      %parallel_loop3A_473 = arith.index_cast %parallel_loop3A_470 : i32 to index
      %parallel_loop3A_474 = arith.index_cast %parallel_loop3A_144 : i32 to index
      %parallel_loop3A_475 = arith.index_cast %parallel_loop3A_471 : i32 to index
      %parallel_loop3A_476 = arith.index_cast %parallel_loop3A_162 : i32 to index
      %parallel_loop3A_477 = tpu.vector_load %arg27[%parallel_loop3A_472, %parallel_loop3A_473, %parallel_loop3A_474, %parallel_loop3A_475, %parallel_loop3A_476] {strides = array<i32>} : memref<2x8x4x8x128xf32, #tpu.memory_space<vmem>>, vector<16xf32>,
      %parallel_loop3A_478 = arith.cmpf olt, %parallel_loop3A_477, %parallel_loop3A_381 : vector<16xf32>
      %parallel_loop3A_479 = arith.select %parallel_loop3A_478, %parallel_loop3A_477, %parallel_loop3A_381 : vector<16xi1>, vector<16xf32>
      %parallel_loop3A_480 = arith.select %parallel_loop3A_478, %parallel_loop3A_384, %parallel_loop3A_382 : vector<16xi1>, vector<16xi32>
      %parallel_loop3A_481 = arith.constant 3 : i32
      %parallel_loop3A_482 = vector.broadcast %parallel_loop3A_481 : i32 to vector<16xi32>
      %parallel_loop3A_483 = arith.constant 1 : i32
      %parallel_loop3A_484 = arith.constant 3 : i32
      %parallel_loop3A_485 = arith.constant 0 : i32
      %parallel_loop3A_486 = arith.index_cast %parallel_loop3A_483 : i32 to index
      %parallel_loop3A_487 = arith.index_cast %parallel_loop3A_484 : i32 to index
      %parallel_loop3A_488 = arith.index_cast %parallel_loop3A_144 : i32 to index
      %parallel_loop3A_489 = arith.index_cast %parallel_loop3A_485 : i32 to index
      %parallel_loop3A_490 = arith.index_cast %parallel_loop3A_162 : i32 to index
      %parallel_loop3A_491 = tpu.vector_load %arg27[%parallel_loop3A_486, %parallel_loop3A_487, %parallel_loop3A_488, %parallel_loop3A_489, %parallel_loop3A_490] {strides = array<i32>} : memref<2x8x4x8x128xf32, #tpu.memory_space<vmem>>, vector<16xf32>,
      %parallel_loop3A_492 = arith.cmpf olt, %parallel_loop3A_491, %parallel_loop3A_395 : vector<16xf32>
      %parallel_loop3A_493 = arith.select %parallel_loop3A_492, %parallel_loop3A_491, %parallel_loop3A_395 : vector<16xi1>, vector<16xf32>
      %parallel_loop3A_494 = arith.select %parallel_loop3A_492, %parallel_loop3A_482, %parallel_loop3A_396 : vector<16xi1>, vector<16xi32>
      %parallel_loop3A_495 = arith.constant 1 : i32
      %parallel_loop3A_496 = arith.constant 3 : i32
      %parallel_loop3A_497 = arith.constant 1 : i32
      %parallel_loop3A_498 = arith.index_cast %parallel_loop3A_495 : i32 to index
      %parallel_loop3A_499 = arith.index_cast %parallel_loop3A_496 : i32 to index
      %parallel_loop3A_500 = arith.index_cast %parallel_loop3A_144 : i32 to index
      %parallel_loop3A_501 = arith.index_cast %parallel_loop3A_497 : i32 to index
      %parallel_loop3A_502 = arith.index_cast %parallel_loop3A_162 : i32 to index
      %parallel_loop3A_503 = tpu.vector_load %arg27[%parallel_loop3A_498, %parallel_loop3A_499, %parallel_loop3A_500, %parallel_loop3A_501, %parallel_loop3A_502] {strides = array<i32>} : memref<2x8x4x8x128xf32, #tpu.memory_space<vmem>>, vector<16xf32>,
      %parallel_loop3A_504 = arith.cmpf olt, %parallel_loop3A_503, %parallel_loop3A_407 : vector<16xf32>
      %parallel_loop3A_505 = arith.select %parallel_loop3A_504, %parallel_loop3A_503, %parallel_loop3A_407 : vector<16xi1>, vector<16xf32>
      %parallel_loop3A_506 = arith.select %parallel_loop3A_504, %parallel_loop3A_482, %parallel_loop3A_408 : vector<16xi1>, vector<16xi32>
      %parallel_loop3A_507 = arith.constant 1 : i32
      %parallel_loop3A_508 = arith.constant 3 : i32
      %parallel_loop3A_509 = arith.constant 2 : i32
      %parallel_loop3A_510 = arith.index_cast %parallel_loop3A_507 : i32 to index
      %parallel_loop3A_511 = arith.index_cast %parallel_loop3A_508 : i32 to index
      %parallel_loop3A_512 = arith.index_cast %parallel_loop3A_144 : i32 to index
      %parallel_loop3A_513 = arith.index_cast %parallel_loop3A_509 : i32 to index
      %parallel_loop3A_514 = arith.index_cast %parallel_loop3A_162 : i32 to index
      %parallel_loop3A_515 = tpu.vector_load %arg27[%parallel_loop3A_510, %parallel_loop3A_511, %parallel_loop3A_512, %parallel_loop3A_513, %parallel_loop3A_514] {strides = array<i32>} : memref<2x8x4x8x128xf32, #tpu.memory_space<vmem>>, vector<16xf32>,
      %parallel_loop3A_516 = arith.cmpf olt, %parallel_loop3A_515, %parallel_loop3A_419 : vector<16xf32>
      %parallel_loop3A_517 = arith.select %parallel_loop3A_516, %parallel_loop3A_515, %parallel_loop3A_419 : vector<16xi1>, vector<16xf32>
      %parallel_loop3A_518 = arith.select %parallel_loop3A_516, %parallel_loop3A_482, %parallel_loop3A_420 : vector<16xi1>, vector<16xi32>
      %parallel_loop3A_519 = arith.constant 1 : i32
      %parallel_loop3A_520 = arith.constant 3 : i32
      %parallel_loop3A_521 = arith.constant 3 : i32
      %parallel_loop3A_522 = arith.index_cast %parallel_loop3A_519 : i32 to index
      %parallel_loop3A_523 = arith.index_cast %parallel_loop3A_520 : i32 to index
      %parallel_loop3A_524 = arith.index_cast %parallel_loop3A_144 : i32 to index
      %parallel_loop3A_525 = arith.index_cast %parallel_loop3A_521 : i32 to index
      %parallel_loop3A_526 = arith.index_cast %parallel_loop3A_162 : i32 to index
      %parallel_loop3A_527 = tpu.vector_load %arg27[%parallel_loop3A_522, %parallel_loop3A_523, %parallel_loop3A_524, %parallel_loop3A_525, %parallel_loop3A_526] {strides = array<i32>} : memref<2x8x4x8x128xf32, #tpu.memory_space<vmem>>, vector<16xf32>,
      %parallel_loop3A_528 = arith.cmpf olt, %parallel_loop3A_527, %parallel_loop3A_431 : vector<16xf32>
      %parallel_loop3A_529 = arith.select %parallel_loop3A_528, %parallel_loop3A_527, %parallel_loop3A_431 : vector<16xi1>, vector<16xf32>
      %parallel_loop3A_530 = arith.select %parallel_loop3A_528, %parallel_loop3A_482, %parallel_loop3A_432 : vector<16xi1>, vector<16xi32>
      %parallel_loop3A_531 = arith.constant 1 : i32
      %parallel_loop3A_532 = arith.constant 3 : i32
      %parallel_loop3A_533 = arith.constant 4 : i32
      %parallel_loop3A_534 = arith.index_cast %parallel_loop3A_531 : i32 to index
      %parallel_loop3A_535 = arith.index_cast %parallel_loop3A_532 : i32 to index
      %parallel_loop3A_536 = arith.index_cast %parallel_loop3A_144 : i32 to index
      %parallel_loop3A_537 = arith.index_cast %parallel_loop3A_533 : i32 to index
      %parallel_loop3A_538 = arith.index_cast %parallel_loop3A_162 : i32 to index
      %parallel_loop3A_539 = tpu.vector_load %arg27[%parallel_loop3A_534, %parallel_loop3A_535, %parallel_loop3A_536, %parallel_loop3A_537, %parallel_loop3A_538] {strides = array<i32>} : memref<2x8x4x8x128xf32, #tpu.memory_space<vmem>>, vector<16xf32>,
      %parallel_loop3A_540 = arith.cmpf olt, %parallel_loop3A_539, %parallel_loop3A_443 : vector<16xf32>
      %parallel_loop3A_541 = arith.select %parallel_loop3A_540, %parallel_loop3A_539, %parallel_loop3A_443 : vector<16xi1>, vector<16xf32>
      %parallel_loop3A_542 = arith.select %parallel_loop3A_540, %parallel_loop3A_482, %parallel_loop3A_444 : vector<16xi1>, vector<16xi32>
      %parallel_loop3A_543 = arith.constant 1 : i32
      %parallel_loop3A_544 = arith.constant 3 : i32
      %parallel_loop3A_545 = arith.constant 5 : i32
      %parallel_loop3A_546 = arith.index_cast %parallel_loop3A_543 : i32 to index
      %parallel_loop3A_547 = arith.index_cast %parallel_loop3A_544 : i32 to index
      %parallel_loop3A_548 = arith.index_cast %parallel_loop3A_144 : i32 to index
      %parallel_loop3A_549 = arith.index_cast %parallel_loop3A_545 : i32 to index
      %parallel_loop3A_550 = arith.index_cast %parallel_loop3A_162 : i32 to index
      %parallel_loop3A_551 = tpu.vector_load %arg27[%parallel_loop3A_546, %parallel_loop3A_547, %parallel_loop3A_548, %parallel_loop3A_549, %parallel_loop3A_550] {strides = array<i32>} : memref<2x8x4x8x128xf32, #tpu.memory_space<vmem>>, vector<16xf32>,
      %parallel_loop3A_552 = arith.cmpf olt, %parallel_loop3A_551, %parallel_loop3A_455 : vector<16xf32>
      %parallel_loop3A_553 = arith.select %parallel_loop3A_552, %parallel_loop3A_551, %parallel_loop3A_455 : vector<16xi1>, vector<16xf32>
      %parallel_loop3A_554 = arith.select %parallel_loop3A_552, %parallel_loop3A_482, %parallel_loop3A_456 : vector<16xi1>, vector<16xi32>
      %parallel_loop3A_555 = arith.constant 1 : i32
      %parallel_loop3A_556 = arith.constant 3 : i32
      %parallel_loop3A_557 = arith.constant 6 : i32
      %parallel_loop3A_558 = arith.index_cast %parallel_loop3A_555 : i32 to index
      %parallel_loop3A_559 = arith.index_cast %parallel_loop3A_556 : i32 to index
      %parallel_loop3A_560 = arith.index_cast %parallel_loop3A_144 : i32 to index
      %parallel_loop3A_561 = arith.index_cast %parallel_loop3A_557 : i32 to index
      %parallel_loop3A_562 = arith.index_cast %parallel_loop3A_162 : i32 to index
      %parallel_loop3A_563 = tpu.vector_load %arg27[%parallel_loop3A_558, %parallel_loop3A_559, %parallel_loop3A_560, %parallel_loop3A_561, %parallel_loop3A_562] {strides = array<i32>} : memref<2x8x4x8x128xf32, #tpu.memory_space<vmem>>, vector<16xf32>,
      %parallel_loop3A_564 = arith.cmpf olt, %parallel_loop3A_563, %parallel_loop3A_467 : vector<16xf32>
      %parallel_loop3A_565 = arith.select %parallel_loop3A_564, %parallel_loop3A_563, %parallel_loop3A_467 : vector<16xi1>, vector<16xf32>
      %parallel_loop3A_566 = arith.select %parallel_loop3A_564, %parallel_loop3A_482, %parallel_loop3A_468 : vector<16xi1>, vector<16xi32>
      %parallel_loop3A_567 = arith.constant 1 : i32
      %parallel_loop3A_568 = arith.constant 3 : i32
      %parallel_loop3A_569 = arith.constant 7 : i32
      %parallel_loop3A_570 = arith.index_cast %parallel_loop3A_567 : i32 to index
      %parallel_loop3A_571 = arith.index_cast %parallel_loop3A_568 : i32 to index
      %parallel_loop3A_572 = arith.index_cast %parallel_loop3A_144 : i32 to index
      %parallel_loop3A_573 = arith.index_cast %parallel_loop3A_569 : i32 to index
      %parallel_loop3A_574 = arith.index_cast %parallel_loop3A_162 : i32 to index
      %parallel_loop3A_575 = tpu.vector_load %arg27[%parallel_loop3A_570, %parallel_loop3A_571, %parallel_loop3A_572, %parallel_loop3A_573, %parallel_loop3A_574] {strides = array<i32>} : memref<2x8x4x8x128xf32, #tpu.memory_space<vmem>>, vector<16xf32>,
      %parallel_loop3A_576 = arith.cmpf olt, %parallel_loop3A_575, %parallel_loop3A_479 : vector<16xf32>
      %parallel_loop3A_577 = arith.select %parallel_loop3A_576, %parallel_loop3A_575, %parallel_loop3A_479 : vector<16xi1>, vector<16xf32>
      %parallel_loop3A_578 = arith.select %parallel_loop3A_576, %parallel_loop3A_482, %parallel_loop3A_480 : vector<16xi1>, vector<16xi32>
      %parallel_loop3A_579 = arith.constant 4 : i32
      %parallel_loop3A_580 = vector.broadcast %parallel_loop3A_579 : i32 to vector<16xi32>
      %parallel_loop3A_581 = arith.constant 1 : i32
      %parallel_loop3A_582 = arith.constant 4 : i32
      %parallel_loop3A_583 = arith.constant 0 : i32
      %parallel_loop3A_584 = arith.index_cast %parallel_loop3A_581 : i32 to index
      %parallel_loop3A_585 = arith.index_cast %parallel_loop3A_582 : i32 to index
      %parallel_loop3A_586 = arith.index_cast %parallel_loop3A_144 : i32 to index
      %parallel_loop3A_587 = arith.index_cast %parallel_loop3A_583 : i32 to index
      %parallel_loop3A_588 = arith.index_cast %parallel_loop3A_162 : i32 to index
      %parallel_loop3A_589 = tpu.vector_load %arg27[%parallel_loop3A_584, %parallel_loop3A_585, %parallel_loop3A_586, %parallel_loop3A_587, %parallel_loop3A_588] {strides = array<i32>} : memref<2x8x4x8x128xf32, #tpu.memory_space<vmem>>, vector<16xf32>,
      %parallel_loop3A_590 = arith.cmpf olt, %parallel_loop3A_589, %parallel_loop3A_493 : vector<16xf32>
      %parallel_loop3A_591 = arith.select %parallel_loop3A_590, %parallel_loop3A_589, %parallel_loop3A_493 : vector<16xi1>, vector<16xf32>
      %parallel_loop3A_592 = arith.select %parallel_loop3A_590, %parallel_loop3A_580, %parallel_loop3A_494 : vector<16xi1>, vector<16xi32>
      %parallel_loop3A_593 = arith.constant 1 : i32
      %parallel_loop3A_594 = arith.constant 4 : i32
      %parallel_loop3A_595 = arith.constant 1 : i32
      %parallel_loop3A_596 = arith.index_cast %parallel_loop3A_593 : i32 to index
      %parallel_loop3A_597 = arith.index_cast %parallel_loop3A_594 : i32 to index
      %parallel_loop3A_598 = arith.index_cast %parallel_loop3A_144 : i32 to index
      %parallel_loop3A_599 = arith.index_cast %parallel_loop3A_595 : i32 to index
      %parallel_loop3A_600 = arith.index_cast %parallel_loop3A_162 : i32 to index
      %parallel_loop3A_601 = tpu.vector_load %arg27[%parallel_loop3A_596, %parallel_loop3A_597, %parallel_loop3A_598, %parallel_loop3A_599, %parallel_loop3A_600] {strides = array<i32>} : memref<2x8x4x8x128xf32, #tpu.memory_space<vmem>>, vector<16xf32>,
      %parallel_loop3A_602 = arith.cmpf olt, %parallel_loop3A_601, %parallel_loop3A_505 : vector<16xf32>
      %parallel_loop3A_603 = arith.select %parallel_loop3A_602, %parallel_loop3A_601, %parallel_loop3A_505 : vector<16xi1>, vector<16xf32>
      %parallel_loop3A_604 = arith.select %parallel_loop3A_602, %parallel_loop3A_580, %parallel_loop3A_506 : vector<16xi1>, vector<16xi32>
      %parallel_loop3A_605 = arith.constant 1 : i32
      %parallel_loop3A_606 = arith.constant 4 : i32
      %parallel_loop3A_607 = arith.constant 2 : i32
      %parallel_loop3A_608 = arith.index_cast %parallel_loop3A_605 : i32 to index
      %parallel_loop3A_609 = arith.index_cast %parallel_loop3A_606 : i32 to index
      %parallel_loop3A_610 = arith.index_cast %parallel_loop3A_144 : i32 to index
      %parallel_loop3A_611 = arith.index_cast %parallel_loop3A_607 : i32 to index
      %parallel_loop3A_612 = arith.index_cast %parallel_loop3A_162 : i32 to index
      %parallel_loop3A_613 = tpu.vector_load %arg27[%parallel_loop3A_608, %parallel_loop3A_609, %parallel_loop3A_610, %parallel_loop3A_611, %parallel_loop3A_612] {strides = array<i32>} : memref<2x8x4x8x128xf32, #tpu.memory_space<vmem>>, vector<16xf32>,
      %parallel_loop3A_614 = arith.cmpf olt, %parallel_loop3A_613, %parallel_loop3A_517 : vector<16xf32>
      %parallel_loop3A_615 = arith.select %parallel_loop3A_614, %parallel_loop3A_613, %parallel_loop3A_517 : vector<16xi1>, vector<16xf32>
      %parallel_loop3A_616 = arith.select %parallel_loop3A_614, %parallel_loop3A_580, %parallel_loop3A_518 : vector<16xi1>, vector<16xi32>
      %parallel_loop3A_617 = arith.constant 1 : i32
      %parallel_loop3A_618 = arith.constant 4 : i32
      %parallel_loop3A_619 = arith.constant 3 : i32
      %parallel_loop3A_620 = arith.index_cast %parallel_loop3A_617 : i32 to index
      %parallel_loop3A_621 = arith.index_cast %parallel_loop3A_618 : i32 to index
      %parallel_loop3A_622 = arith.index_cast %parallel_loop3A_144 : i32 to index
      %parallel_loop3A_623 = arith.index_cast %parallel_loop3A_619 : i32 to index
      %parallel_loop3A_624 = arith.index_cast %parallel_loop3A_162 : i32 to index
      %parallel_loop3A_625 = tpu.vector_load %arg27[%parallel_loop3A_620, %parallel_loop3A_621, %parallel_loop3A_622, %parallel_loop3A_623, %parallel_loop3A_624] {strides = array<i32>} : memref<2x8x4x8x128xf32, #tpu.memory_space<vmem>>, vector<16xf32>,
      %parallel_loop3A_626 = arith.cmpf olt, %parallel_loop3A_625, %parallel_loop3A_529 : vector<16xf32>
      %parallel_loop3A_627 = arith.select %parallel_loop3A_626, %parallel_loop3A_625, %parallel_loop3A_529 : vector<16xi1>, vector<16xf32>
      %parallel_loop3A_628 = arith.select %parallel_loop3A_626, %parallel_loop3A_580, %parallel_loop3A_530 : vector<16xi1>, vector<16xi32>
      %parallel_loop3A_629 = arith.constant 1 : i32
      %parallel_loop3A_630 = arith.constant 4 : i32
      %parallel_loop3A_631 = arith.constant 4 : i32
      %parallel_loop3A_632 = arith.index_cast %parallel_loop3A_629 : i32 to index
      %parallel_loop3A_633 = arith.index_cast %parallel_loop3A_630 : i32 to index
      %parallel_loop3A_634 = arith.index_cast %parallel_loop3A_144 : i32 to index
      %parallel_loop3A_635 = arith.index_cast %parallel_loop3A_631 : i32 to index
      %parallel_loop3A_636 = arith.index_cast %parallel_loop3A_162 : i32 to index
      %parallel_loop3A_637 = tpu.vector_load %arg27[%parallel_loop3A_632, %parallel_loop3A_633, %parallel_loop3A_634, %parallel_loop3A_635, %parallel_loop3A_636] {strides = array<i32>} : memref<2x8x4x8x128xf32, #tpu.memory_space<vmem>>, vector<16xf32>,
      %parallel_loop3A_638 = arith.cmpf olt, %parallel_loop3A_637, %parallel_loop3A_541 : vector<16xf32>
      %parallel_loop3A_639 = arith.select %parallel_loop3A_638, %parallel_loop3A_637, %parallel_loop3A_541 : vector<16xi1>, vector<16xf32>
      %parallel_loop3A_640 = arith.select %parallel_loop3A_638, %parallel_loop3A_580, %parallel_loop3A_542 : vector<16xi1>, vector<16xi32>
      %parallel_loop3A_641 = arith.constant 1 : i32
      %parallel_loop3A_642 = arith.constant 4 : i32
      %parallel_loop3A_643 = arith.constant 5 : i32
      %parallel_loop3A_644 = arith.index_cast %parallel_loop3A_641 : i32 to index
      %parallel_loop3A_645 = arith.index_cast %parallel_loop3A_642 : i32 to index
      %parallel_loop3A_646 = arith.index_cast %parallel_loop3A_144 : i32 to index
      %parallel_loop3A_647 = arith.index_cast %parallel_loop3A_643 : i32 to index
      %parallel_loop3A_648 = arith.index_cast %parallel_loop3A_162 : i32 to index
      %parallel_loop3A_649 = tpu.vector_load %arg27[%parallel_loop3A_644, %parallel_loop3A_645, %parallel_loop3A_646, %parallel_loop3A_647, %parallel_loop3A_648] {strides = array<i32>} : memref<2x8x4x8x128xf32, #tpu.memory_space<vmem>>, vector<16xf32>,
      %parallel_loop3A_650 = arith.cmpf olt, %parallel_loop3A_649, %parallel_loop3A_553 : vector<16xf32>
      %parallel_loop3A_651 = arith.select %parallel_loop3A_650, %parallel_loop3A_649, %parallel_loop3A_553 : vector<16xi1>, vector<16xf32>
      %parallel_loop3A_652 = arith.select %parallel_loop3A_650, %parallel_loop3A_580, %parallel_loop3A_554 : vector<16xi1>, vector<16xi32>
      %parallel_loop3A_653 = arith.constant 1 : i32
      %parallel_loop3A_654 = arith.constant 4 : i32
      %parallel_loop3A_655 = arith.constant 6 : i32
      %parallel_loop3A_656 = arith.index_cast %parallel_loop3A_653 : i32 to index
      %parallel_loop3A_657 = arith.index_cast %parallel_loop3A_654 : i32 to index
      %parallel_loop3A_658 = arith.index_cast %parallel_loop3A_144 : i32 to index
      %parallel_loop3A_659 = arith.index_cast %parallel_loop3A_655 : i32 to index
      %parallel_loop3A_660 = arith.index_cast %parallel_loop3A_162 : i32 to index
      %parallel_loop3A_661 = tpu.vector_load %arg27[%parallel_loop3A_656, %parallel_loop3A_657, %parallel_loop3A_658, %parallel_loop3A_659, %parallel_loop3A_660] {strides = array<i32>} : memref<2x8x4x8x128xf32, #tpu.memory_space<vmem>>, vector<16xf32>,
      %parallel_loop3A_662 = arith.cmpf olt, %parallel_loop3A_661, %parallel_loop3A_565 : vector<16xf32>
      %parallel_loop3A_663 = arith.select %parallel_loop3A_662, %parallel_loop3A_661, %parallel_loop3A_565 : vector<16xi1>, vector<16xf32>
      %parallel_loop3A_664 = arith.select %parallel_loop3A_662, %parallel_loop3A_580, %parallel_loop3A_566 : vector<16xi1>, vector<16xi32>
      %parallel_loop3A_665 = arith.constant 1 : i32
      %parallel_loop3A_666 = arith.constant 4 : i32
      %parallel_loop3A_667 = arith.constant 7 : i32
      %parallel_loop3A_668 = arith.index_cast %parallel_loop3A_665 : i32 to index
      %parallel_loop3A_669 = arith.index_cast %parallel_loop3A_666 : i32 to index
      %parallel_loop3A_670 = arith.index_cast %parallel_loop3A_144 : i32 to index
      %parallel_loop3A_671 = arith.index_cast %parallel_loop3A_667 : i32 to index
      %parallel_loop3A_672 = arith.index_cast %parallel_loop3A_162 : i32 to index
      %parallel_loop3A_673 = tpu.vector_load %arg27[%parallel_loop3A_668, %parallel_loop3A_669, %parallel_loop3A_670, %parallel_loop3A_671, %parallel_loop3A_672] {strides = array<i32>} : memref<2x8x4x8x128xf32, #tpu.memory_space<vmem>>, vector<16xf32>,
      %parallel_loop3A_674 = arith.cmpf olt, %parallel_loop3A_673, %parallel_loop3A_577 : vector<16xf32>
      %parallel_loop3A_675 = arith.select %parallel_loop3A_674, %parallel_loop3A_673, %parallel_loop3A_577 : vector<16xi1>, vector<16xf32>
      %parallel_loop3A_676 = arith.select %parallel_loop3A_674, %parallel_loop3A_580, %parallel_loop3A_578 : vector<16xi1>, vector<16xi32>
      %parallel_loop3A_677 = arith.constant 5 : i32
      %parallel_loop3A_678 = vector.broadcast %parallel_loop3A_677 : i32 to vector<16xi32>
      %parallel_loop3A_679 = arith.constant 1 : i32
      %parallel_loop3A_680 = arith.constant 5 : i32
      %parallel_loop3A_681 = arith.constant 0 : i32
      %parallel_loop3A_682 = arith.index_cast %parallel_loop3A_679 : i32 to index
      %parallel_loop3A_683 = arith.index_cast %parallel_loop3A_680 : i32 to index
      %parallel_loop3A_684 = arith.index_cast %parallel_loop3A_144 : i32 to index
      %parallel_loop3A_685 = arith.index_cast %parallel_loop3A_681 : i32 to index
      %parallel_loop3A_686 = arith.index_cast %parallel_loop3A_162 : i32 to index
      %parallel_loop3A_687 = tpu.vector_load %arg27[%parallel_loop3A_682, %parallel_loop3A_683, %parallel_loop3A_684, %parallel_loop3A_685, %parallel_loop3A_686] {strides = array<i32>} : memref<2x8x4x8x128xf32, #tpu.memory_space<vmem>>, vector<16xf32>,
      %parallel_loop3A_688 = arith.cmpf olt, %parallel_loop3A_687, %parallel_loop3A_591 : vector<16xf32>
      %parallel_loop3A_689 = arith.select %parallel_loop3A_688, %parallel_loop3A_687, %parallel_loop3A_591 : vector<16xi1>, vector<16xf32>
      %parallel_loop3A_690 = arith.select %parallel_loop3A_688, %parallel_loop3A_678, %parallel_loop3A_592 : vector<16xi1>, vector<16xi32>
      %parallel_loop3A_691 = arith.constant 1 : i32
      %parallel_loop3A_692 = arith.constant 5 : i32
      %parallel_loop3A_693 = arith.constant 1 : i32
      %parallel_loop3A_694 = arith.index_cast %parallel_loop3A_691 : i32 to index
      %parallel_loop3A_695 = arith.index_cast %parallel_loop3A_692 : i32 to index
      %parallel_loop3A_696 = arith.index_cast %parallel_loop3A_144 : i32 to index
      %parallel_loop3A_697 = arith.index_cast %parallel_loop3A_693 : i32 to index
      %parallel_loop3A_698 = arith.index_cast %parallel_loop3A_162 : i32 to index
      %parallel_loop3A_699 = tpu.vector_load %arg27[%parallel_loop3A_694, %parallel_loop3A_695, %parallel_loop3A_696, %parallel_loop3A_697, %parallel_loop3A_698] {strides = array<i32>} : memref<2x8x4x8x128xf32, #tpu.memory_space<vmem>>, vector<16xf32>,
      %parallel_loop3A_700 = arith.cmpf olt, %parallel_loop3A_699, %parallel_loop3A_603 : vector<16xf32>
      %parallel_loop3A_701 = arith.select %parallel_loop3A_700, %parallel_loop3A_699, %parallel_loop3A_603 : vector<16xi1>, vector<16xf32>
      %parallel_loop3A_702 = arith.select %parallel_loop3A_700, %parallel_loop3A_678, %parallel_loop3A_604 : vector<16xi1>, vector<16xi32>
      %parallel_loop3A_703 = arith.constant 1 : i32
      %parallel_loop3A_704 = arith.constant 5 : i32
      %parallel_loop3A_705 = arith.constant 2 : i32
      %parallel_loop3A_706 = arith.index_cast %parallel_loop3A_703 : i32 to index
      %parallel_loop3A_707 = arith.index_cast %parallel_loop3A_704 : i32 to index
      %parallel_loop3A_708 = arith.index_cast %parallel_loop3A_144 : i32 to index
      %parallel_loop3A_709 = arith.index_cast %parallel_loop3A_705 : i32 to index
      %parallel_loop3A_710 = arith.index_cast %parallel_loop3A_162 : i32 to index
      %parallel_loop3A_711 = tpu.vector_load %arg27[%parallel_loop3A_706, %parallel_loop3A_707, %parallel_loop3A_708, %parallel_loop3A_709, %parallel_loop3A_710] {strides = array<i32>} : memref<2x8x4x8x128xf32, #tpu.memory_space<vmem>>, vector<16xf32>,
      %parallel_loop3A_712 = arith.cmpf olt, %parallel_loop3A_711, %parallel_loop3A_615 : vector<16xf32>
      %parallel_loop3A_713 = arith.select %parallel_loop3A_712, %parallel_loop3A_711, %parallel_loop3A_615 : vector<16xi1>, vector<16xf32>
      %parallel_loop3A_714 = arith.select %parallel_loop3A_712, %parallel_loop3A_678, %parallel_loop3A_616 : vector<16xi1>, vector<16xi32>
      %parallel_loop3A_715 = arith.constant 1 : i32
      %parallel_loop3A_716 = arith.constant 5 : i32
      %parallel_loop3A_717 = arith.constant 3 : i32
      %parallel_loop3A_718 = arith.index_cast %parallel_loop3A_715 : i32 to index
      %parallel_loop3A_719 = arith.index_cast %parallel_loop3A_716 : i32 to index
      %parallel_loop3A_720 = arith.index_cast %parallel_loop3A_144 : i32 to index
      %parallel_loop3A_721 = arith.index_cast %parallel_loop3A_717 : i32 to index
      %parallel_loop3A_722 = arith.index_cast %parallel_loop3A_162 : i32 to index
      %parallel_loop3A_723 = tpu.vector_load %arg27[%parallel_loop3A_718, %parallel_loop3A_719, %parallel_loop3A_720, %parallel_loop3A_721, %parallel_loop3A_722] {strides = array<i32>} : memref<2x8x4x8x128xf32, #tpu.memory_space<vmem>>, vector<16xf32>,
      %parallel_loop3A_724 = arith.cmpf olt, %parallel_loop3A_723, %parallel_loop3A_627 : vector<16xf32>
      %parallel_loop3A_725 = arith.select %parallel_loop3A_724, %parallel_loop3A_723, %parallel_loop3A_627 : vector<16xi1>, vector<16xf32>
      %parallel_loop3A_726 = arith.select %parallel_loop3A_724, %parallel_loop3A_678, %parallel_loop3A_628 : vector<16xi1>, vector<16xi32>
      %parallel_loop3A_727 = arith.constant 1 : i32
      %parallel_loop3A_728 = arith.constant 5 : i32
      %parallel_loop3A_729 = arith.constant 4 : i32
      %parallel_loop3A_730 = arith.index_cast %parallel_loop3A_727 : i32 to index
      %parallel_loop3A_731 = arith.index_cast %parallel_loop3A_728 : i32 to index
      %parallel_loop3A_732 = arith.index_cast %parallel_loop3A_144 : i32 to index
      %parallel_loop3A_733 = arith.index_cast %parallel_loop3A_729 : i32 to index
      %parallel_loop3A_734 = arith.index_cast %parallel_loop3A_162 : i32 to index
      %parallel_loop3A_735 = tpu.vector_load %arg27[%parallel_loop3A_730, %parallel_loop3A_731, %parallel_loop3A_732, %parallel_loop3A_733, %parallel_loop3A_734] {strides = array<i32>} : memref<2x8x4x8x128xf32, #tpu.memory_space<vmem>>, vector<16xf32>,
      %parallel_loop3A_736 = arith.cmpf olt, %parallel_loop3A_735, %parallel_loop3A_639 : vector<16xf32>
      %parallel_loop3A_737 = arith.select %parallel_loop3A_736, %parallel_loop3A_735, %parallel_loop3A_639 : vector<16xi1>, vector<16xf32>
      %parallel_loop3A_738 = arith.select %parallel_loop3A_736, %parallel_loop3A_678, %parallel_loop3A_640 : vector<16xi1>, vector<16xi32>
      %parallel_loop3A_739 = arith.constant 1 : i32
      %parallel_loop3A_740 = arith.constant 5 : i32
      %parallel_loop3A_741 = arith.constant 5 : i32
      %parallel_loop3A_742 = arith.index_cast %parallel_loop3A_739 : i32 to index
      %parallel_loop3A_743 = arith.index_cast %parallel_loop3A_740 : i32 to index
      %parallel_loop3A_744 = arith.index_cast %parallel_loop3A_144 : i32 to index
      %parallel_loop3A_745 = arith.index_cast %parallel_loop3A_741 : i32 to index
      %parallel_loop3A_746 = arith.index_cast %parallel_loop3A_162 : i32 to index
      %parallel_loop3A_747 = tpu.vector_load %arg27[%parallel_loop3A_742, %parallel_loop3A_743, %parallel_loop3A_744, %parallel_loop3A_745, %parallel_loop3A_746] {strides = array<i32>} : memref<2x8x4x8x128xf32, #tpu.memory_space<vmem>>, vector<16xf32>,
      %parallel_loop3A_748 = arith.cmpf olt, %parallel_loop3A_747, %parallel_loop3A_651 : vector<16xf32>
      %parallel_loop3A_749 = arith.select %parallel_loop3A_748, %parallel_loop3A_747, %parallel_loop3A_651 : vector<16xi1>, vector<16xf32>
      %parallel_loop3A_750 = arith.select %parallel_loop3A_748, %parallel_loop3A_678, %parallel_loop3A_652 : vector<16xi1>, vector<16xi32>
      %parallel_loop3A_751 = arith.constant 1 : i32
      %parallel_loop3A_752 = arith.constant 5 : i32
      %parallel_loop3A_753 = arith.constant 6 : i32
      %parallel_loop3A_754 = arith.index_cast %parallel_loop3A_751 : i32 to index
      %parallel_loop3A_755 = arith.index_cast %parallel_loop3A_752 : i32 to index
      %parallel_loop3A_756 = arith.index_cast %parallel_loop3A_144 : i32 to index
      %parallel_loop3A_757 = arith.index_cast %parallel_loop3A_753 : i32 to index
      %parallel_loop3A_758 = arith.index_cast %parallel_loop3A_162 : i32 to index
      %parallel_loop3A_759 = tpu.vector_load %arg27[%parallel_loop3A_754, %parallel_loop3A_755, %parallel_loop3A_756, %parallel_loop3A_757, %parallel_loop3A_758] {strides = array<i32>} : memref<2x8x4x8x128xf32, #tpu.memory_space<vmem>>, vector<16xf32>,
      %parallel_loop3A_760 = arith.cmpf olt, %parallel_loop3A_759, %parallel_loop3A_663 : vector<16xf32>
      %parallel_loop3A_761 = arith.select %parallel_loop3A_760, %parallel_loop3A_759, %parallel_loop3A_663 : vector<16xi1>, vector<16xf32>
      %parallel_loop3A_762 = arith.select %parallel_loop3A_760, %parallel_loop3A_678, %parallel_loop3A_664 : vector<16xi1>, vector<16xi32>
      %parallel_loop3A_763 = arith.constant 1 : i32
      %parallel_loop3A_764 = arith.constant 5 : i32
      %parallel_loop3A_765 = arith.constant 7 : i32
      %parallel_loop3A_766 = arith.index_cast %parallel_loop3A_763 : i32 to index
      %parallel_loop3A_767 = arith.index_cast %parallel_loop3A_764 : i32 to index
      %parallel_loop3A_768 = arith.index_cast %parallel_loop3A_144 : i32 to index
      %parallel_loop3A_769 = arith.index_cast %parallel_loop3A_765 : i32 to index
      %parallel_loop3A_770 = arith.index_cast %parallel_loop3A_162 : i32 to index
      %parallel_loop3A_771 = tpu.vector_load %arg27[%parallel_loop3A_766, %parallel_loop3A_767, %parallel_loop3A_768, %parallel_loop3A_769, %parallel_loop3A_770] {strides = array<i32>} : memref<2x8x4x8x128xf32, #tpu.memory_space<vmem>>, vector<16xf32>,
      %parallel_loop3A_772 = arith.cmpf olt, %parallel_loop3A_771, %parallel_loop3A_675 : vector<16xf32>
      %parallel_loop3A_773 = arith.select %parallel_loop3A_772, %parallel_loop3A_771, %parallel_loop3A_675 : vector<16xi1>, vector<16xf32>
      %parallel_loop3A_774 = arith.select %parallel_loop3A_772, %parallel_loop3A_678, %parallel_loop3A_676 : vector<16xi1>, vector<16xi32>
      %parallel_loop3A_775 = arith.constant 6 : i32
      %parallel_loop3A_776 = vector.broadcast %parallel_loop3A_775 : i32 to vector<16xi32>
      %parallel_loop3A_777 = arith.constant 1 : i32
      %parallel_loop3A_778 = arith.constant 6 : i32
      %parallel_loop3A_779 = arith.constant 0 : i32
      %parallel_loop3A_780 = arith.index_cast %parallel_loop3A_777 : i32 to index
      %parallel_loop3A_781 = arith.index_cast %parallel_loop3A_778 : i32 to index
      %parallel_loop3A_782 = arith.index_cast %parallel_loop3A_144 : i32 to index
      %parallel_loop3A_783 = arith.index_cast %parallel_loop3A_779 : i32 to index
      %parallel_loop3A_784 = arith.index_cast %parallel_loop3A_162 : i32 to index
      %parallel_loop3A_785 = tpu.vector_load %arg27[%parallel_loop3A_780, %parallel_loop3A_781, %parallel_loop3A_782, %parallel_loop3A_783, %parallel_loop3A_784] {strides = array<i32>} : memref<2x8x4x8x128xf32, #tpu.memory_space<vmem>>, vector<16xf32>,
      %parallel_loop3A_786 = arith.cmpf olt, %parallel_loop3A_785, %parallel_loop3A_689 : vector<16xf32>
      %parallel_loop3A_787 = arith.select %parallel_loop3A_786, %parallel_loop3A_785, %parallel_loop3A_689 : vector<16xi1>, vector<16xf32>
      %parallel_loop3A_788 = arith.select %parallel_loop3A_786, %parallel_loop3A_776, %parallel_loop3A_690 : vector<16xi1>, vector<16xi32>
      %parallel_loop3A_789 = arith.constant 1 : i32
      %parallel_loop3A_790 = arith.constant 6 : i32
      %parallel_loop3A_791 = arith.constant 1 : i32
      %parallel_loop3A_792 = arith.index_cast %parallel_loop3A_789 : i32 to index
      %parallel_loop3A_793 = arith.index_cast %parallel_loop3A_790 : i32 to index
      %parallel_loop3A_794 = arith.index_cast %parallel_loop3A_144 : i32 to index
      %parallel_loop3A_795 = arith.index_cast %parallel_loop3A_791 : i32 to index
      %parallel_loop3A_796 = arith.index_cast %parallel_loop3A_162 : i32 to index
      %parallel_loop3A_797 = tpu.vector_load %arg27[%parallel_loop3A_792, %parallel_loop3A_793, %parallel_loop3A_794, %parallel_loop3A_795, %parallel_loop3A_796] {strides = array<i32>} : memref<2x8x4x8x128xf32, #tpu.memory_space<vmem>>, vector<16xf32>,
      %parallel_loop3A_798 = arith.cmpf olt, %parallel_loop3A_797, %parallel_loop3A_701 : vector<16xf32>
      %parallel_loop3A_799 = arith.select %parallel_loop3A_798, %parallel_loop3A_797, %parallel_loop3A_701 : vector<16xi1>, vector<16xf32>
      %parallel_loop3A_800 = arith.select %parallel_loop3A_798, %parallel_loop3A_776, %parallel_loop3A_702 : vector<16xi1>, vector<16xi32>
      %parallel_loop3A_801 = arith.constant 1 : i32
      %parallel_loop3A_802 = arith.constant 6 : i32
      %parallel_loop3A_803 = arith.constant 2 : i32
      %parallel_loop3A_804 = arith.index_cast %parallel_loop3A_801 : i32 to index
      %parallel_loop3A_805 = arith.index_cast %parallel_loop3A_802 : i32 to index
      %parallel_loop3A_806 = arith.index_cast %parallel_loop3A_144 : i32 to index
      %parallel_loop3A_807 = arith.index_cast %parallel_loop3A_803 : i32 to index
      %parallel_loop3A_808 = arith.index_cast %parallel_loop3A_162 : i32 to index
      %parallel_loop3A_809 = tpu.vector_load %arg27[%parallel_loop3A_804, %parallel_loop3A_805, %parallel_loop3A_806, %parallel_loop3A_807, %parallel_loop3A_808] {strides = array<i32>} : memref<2x8x4x8x128xf32, #tpu.memory_space<vmem>>, vector<16xf32>,
      %parallel_loop3A_810 = arith.cmpf olt, %parallel_loop3A_809, %parallel_loop3A_713 : vector<16xf32>
      %parallel_loop3A_811 = arith.select %parallel_loop3A_810, %parallel_loop3A_809, %parallel_loop3A_713 : vector<16xi1>, vector<16xf32>
      %parallel_loop3A_812 = arith.select %parallel_loop3A_810, %parallel_loop3A_776, %parallel_loop3A_714 : vector<16xi1>, vector<16xi32>
      %parallel_loop3A_813 = arith.constant 1 : i32
      %parallel_loop3A_814 = arith.constant 6 : i32
      %parallel_loop3A_815 = arith.constant 3 : i32
      %parallel_loop3A_816 = arith.index_cast %parallel_loop3A_813 : i32 to index
      %parallel_loop3A_817 = arith.index_cast %parallel_loop3A_814 : i32 to index
      %parallel_loop3A_818 = arith.index_cast %parallel_loop3A_144 : i32 to index
      %parallel_loop3A_819 = arith.index_cast %parallel_loop3A_815 : i32 to index
      %parallel_loop3A_820 = arith.index_cast %parallel_loop3A_162 : i32 to index
      %parallel_loop3A_821 = tpu.vector_load %arg27[%parallel_loop3A_816, %parallel_loop3A_817, %parallel_loop3A_818, %parallel_loop3A_819, %parallel_loop3A_820] {strides = array<i32>} : memref<2x8x4x8x128xf32, #tpu.memory_space<vmem>>, vector<16xf32>,
      %parallel_loop3A_822 = arith.cmpf olt, %parallel_loop3A_821, %parallel_loop3A_725 : vector<16xf32>
      %parallel_loop3A_823 = arith.select %parallel_loop3A_822, %parallel_loop3A_821, %parallel_loop3A_725 : vector<16xi1>, vector<16xf32>
      %parallel_loop3A_824 = arith.select %parallel_loop3A_822, %parallel_loop3A_776, %parallel_loop3A_726 : vector<16xi1>, vector<16xi32>
      %parallel_loop3A_825 = arith.constant 1 : i32
      %parallel_loop3A_826 = arith.constant 6 : i32
      %parallel_loop3A_827 = arith.constant 4 : i32
      %parallel_loop3A_828 = arith.index_cast %parallel_loop3A_825 : i32 to index
      %parallel_loop3A_829 = arith.index_cast %parallel_loop3A_826 : i32 to index
      %parallel_loop3A_830 = arith.index_cast %parallel_loop3A_144 : i32 to index
      %parallel_loop3A_831 = arith.index_cast %parallel_loop3A_827 : i32 to index
      %parallel_loop3A_832 = arith.index_cast %parallel_loop3A_162 : i32 to index
      %parallel_loop3A_833 = tpu.vector_load %arg27[%parallel_loop3A_828, %parallel_loop3A_829, %parallel_loop3A_830, %parallel_loop3A_831, %parallel_loop3A_832] {strides = array<i32>} : memref<2x8x4x8x128xf32, #tpu.memory_space<vmem>>, vector<16xf32>,
      %parallel_loop3A_834 = arith.cmpf olt, %parallel_loop3A_833, %parallel_loop3A_737 : vector<16xf32>
      %parallel_loop3A_835 = arith.select %parallel_loop3A_834, %parallel_loop3A_833, %parallel_loop3A_737 : vector<16xi1>, vector<16xf32>
      %parallel_loop3A_836 = arith.select %parallel_loop3A_834, %parallel_loop3A_776, %parallel_loop3A_738 : vector<16xi1>, vector<16xi32>
      %parallel_loop3A_837 = arith.constant 1 : i32
      %parallel_loop3A_838 = arith.constant 6 : i32
      %parallel_loop3A_839 = arith.constant 5 : i32
      %parallel_loop3A_840 = arith.index_cast %parallel_loop3A_837 : i32 to index
      %parallel_loop3A_841 = arith.index_cast %parallel_loop3A_838 : i32 to index
      %parallel_loop3A_842 = arith.index_cast %parallel_loop3A_144 : i32 to index
      %parallel_loop3A_843 = arith.index_cast %parallel_loop3A_839 : i32 to index
      %parallel_loop3A_844 = arith.index_cast %parallel_loop3A_162 : i32 to index
      %parallel_loop3A_845 = tpu.vector_load %arg27[%parallel_loop3A_840, %parallel_loop3A_841, %parallel_loop3A_842, %parallel_loop3A_843, %parallel_loop3A_844] {strides = array<i32>} : memref<2x8x4x8x128xf32, #tpu.memory_space<vmem>>, vector<16xf32>,
      %parallel_loop3A_846 = arith.cmpf olt, %parallel_loop3A_845, %parallel_loop3A_749 : vector<16xf32>
      %parallel_loop3A_847 = arith.select %parallel_loop3A_846, %parallel_loop3A_845, %parallel_loop3A_749 : vector<16xi1>, vector<16xf32>
      %parallel_loop3A_848 = arith.select %parallel_loop3A_846, %parallel_loop3A_776, %parallel_loop3A_750 : vector<16xi1>, vector<16xi32>
      %parallel_loop3A_849 = arith.constant 1 : i32
      %parallel_loop3A_850 = arith.constant 6 : i32
      %parallel_loop3A_851 = arith.constant 6 : i32
      %parallel_loop3A_852 = arith.index_cast %parallel_loop3A_849 : i32 to index
      %parallel_loop3A_853 = arith.index_cast %parallel_loop3A_850 : i32 to index
      %parallel_loop3A_854 = arith.index_cast %parallel_loop3A_144 : i32 to index
      %parallel_loop3A_855 = arith.index_cast %parallel_loop3A_851 : i32 to index
      %parallel_loop3A_856 = arith.index_cast %parallel_loop3A_162 : i32 to index
      %parallel_loop3A_857 = tpu.vector_load %arg27[%parallel_loop3A_852, %parallel_loop3A_853, %parallel_loop3A_854, %parallel_loop3A_855, %parallel_loop3A_856] {strides = array<i32>} : memref<2x8x4x8x128xf32, #tpu.memory_space<vmem>>, vector<16xf32>,
      %parallel_loop3A_858 = arith.cmpf olt, %parallel_loop3A_857, %parallel_loop3A_761 : vector<16xf32>
      %parallel_loop3A_859 = arith.select %parallel_loop3A_858, %parallel_loop3A_857, %parallel_loop3A_761 : vector<16xi1>, vector<16xf32>
      %parallel_loop3A_860 = arith.select %parallel_loop3A_858, %parallel_loop3A_776, %parallel_loop3A_762 : vector<16xi1>, vector<16xi32>
      %parallel_loop3A_861 = arith.constant 1 : i32
      %parallel_loop3A_862 = arith.constant 6 : i32
      %parallel_loop3A_863 = arith.constant 7 : i32
      %parallel_loop3A_864 = arith.index_cast %parallel_loop3A_861 : i32 to index
      %parallel_loop3A_865 = arith.index_cast %parallel_loop3A_862 : i32 to index
      %parallel_loop3A_866 = arith.index_cast %parallel_loop3A_144 : i32 to index
      %parallel_loop3A_867 = arith.index_cast %parallel_loop3A_863 : i32 to index
      %parallel_loop3A_868 = arith.index_cast %parallel_loop3A_162 : i32 to index
      %parallel_loop3A_869 = tpu.vector_load %arg27[%parallel_loop3A_864, %parallel_loop3A_865, %parallel_loop3A_866, %parallel_loop3A_867, %parallel_loop3A_868] {strides = array<i32>} : memref<2x8x4x8x128xf32, #tpu.memory_space<vmem>>, vector<16xf32>,
      %parallel_loop3A_870 = arith.cmpf olt, %parallel_loop3A_869, %parallel_loop3A_773 : vector<16xf32>
      %parallel_loop3A_871 = arith.select %parallel_loop3A_870, %parallel_loop3A_869, %parallel_loop3A_773 : vector<16xi1>, vector<16xf32>
      %parallel_loop3A_872 = arith.select %parallel_loop3A_870, %parallel_loop3A_776, %parallel_loop3A_774 : vector<16xi1>, vector<16xi32>
      %parallel_loop3A_873 = arith.constant 7 : i32
      %parallel_loop3A_874 = vector.broadcast %parallel_loop3A_873 : i32 to vector<16xi32>
      %parallel_loop3A_875 = arith.constant 1 : i32
      %parallel_loop3A_876 = arith.constant 7 : i32
      %parallel_loop3A_877 = arith.constant 0 : i32
      %parallel_loop3A_878 = arith.index_cast %parallel_loop3A_875 : i32 to index
      %parallel_loop3A_879 = arith.index_cast %parallel_loop3A_876 : i32 to index
      %parallel_loop3A_880 = arith.index_cast %parallel_loop3A_144 : i32 to index
      %parallel_loop3A_881 = arith.index_cast %parallel_loop3A_877 : i32 to index
      %parallel_loop3A_882 = arith.index_cast %parallel_loop3A_162 : i32 to index
      %parallel_loop3A_883 = tpu.vector_load %arg27[%parallel_loop3A_878, %parallel_loop3A_879, %parallel_loop3A_880, %parallel_loop3A_881, %parallel_loop3A_882] {strides = array<i32>} : memref<2x8x4x8x128xf32, #tpu.memory_space<vmem>>, vector<16xf32>,
      %parallel_loop3A_884 = arith.cmpf olt, %parallel_loop3A_883, %parallel_loop3A_787 : vector<16xf32>
      %parallel_loop3A_885 = arith.select %parallel_loop3A_884, %parallel_loop3A_883, %parallel_loop3A_787 : vector<16xi1>, vector<16xf32>
      %parallel_loop3A_886 = arith.select %parallel_loop3A_884, %parallel_loop3A_874, %parallel_loop3A_788 : vector<16xi1>, vector<16xi32>
      %parallel_loop3A_887 = arith.constant 1 : i32
      %parallel_loop3A_888 = arith.constant 7 : i32
      %parallel_loop3A_889 = arith.constant 1 : i32
      %parallel_loop3A_890 = arith.index_cast %parallel_loop3A_887 : i32 to index
      %parallel_loop3A_891 = arith.index_cast %parallel_loop3A_888 : i32 to index
      %parallel_loop3A_892 = arith.index_cast %parallel_loop3A_144 : i32 to index
      %parallel_loop3A_893 = arith.index_cast %parallel_loop3A_889 : i32 to index
      %parallel_loop3A_894 = arith.index_cast %parallel_loop3A_162 : i32 to index
      %parallel_loop3A_895 = tpu.vector_load %arg27[%parallel_loop3A_890, %parallel_loop3A_891, %parallel_loop3A_892, %parallel_loop3A_893, %parallel_loop3A_894] {strides = array<i32>} : memref<2x8x4x8x128xf32, #tpu.memory_space<vmem>>, vector<16xf32>,
      %parallel_loop3A_896 = arith.cmpf olt, %parallel_loop3A_895, %parallel_loop3A_799 : vector<16xf32>
      %parallel_loop3A_897 = arith.select %parallel_loop3A_896, %parallel_loop3A_895, %parallel_loop3A_799 : vector<16xi1>, vector<16xf32>
      %parallel_loop3A_898 = arith.select %parallel_loop3A_896, %parallel_loop3A_874, %parallel_loop3A_800 : vector<16xi1>, vector<16xi32>
      %parallel_loop3A_899 = arith.constant 1 : i32
      %parallel_loop3A_900 = arith.constant 7 : i32
      %parallel_loop3A_901 = arith.constant 2 : i32
      %parallel_loop3A_902 = arith.index_cast %parallel_loop3A_899 : i32 to index
      %parallel_loop3A_903 = arith.index_cast %parallel_loop3A_900 : i32 to index
      %parallel_loop3A_904 = arith.index_cast %parallel_loop3A_144 : i32 to index
      %parallel_loop3A_905 = arith.index_cast %parallel_loop3A_901 : i32 to index
      %parallel_loop3A_906 = arith.index_cast %parallel_loop3A_162 : i32 to index
      %parallel_loop3A_907 = tpu.vector_load %arg27[%parallel_loop3A_902, %parallel_loop3A_903, %parallel_loop3A_904, %parallel_loop3A_905, %parallel_loop3A_906] {strides = array<i32>} : memref<2x8x4x8x128xf32, #tpu.memory_space<vmem>>, vector<16xf32>,
      %parallel_loop3A_908 = arith.cmpf olt, %parallel_loop3A_907, %parallel_loop3A_811 : vector<16xf32>
      %parallel_loop3A_909 = arith.select %parallel_loop3A_908, %parallel_loop3A_907, %parallel_loop3A_811 : vector<16xi1>, vector<16xf32>
      %parallel_loop3A_910 = arith.select %parallel_loop3A_908, %parallel_loop3A_874, %parallel_loop3A_812 : vector<16xi1>, vector<16xi32>
      %parallel_loop3A_911 = arith.constant 1 : i32
      %parallel_loop3A_912 = arith.constant 7 : i32
      %parallel_loop3A_913 = arith.constant 3 : i32
      %parallel_loop3A_914 = arith.index_cast %parallel_loop3A_911 : i32 to index
      %parallel_loop3A_915 = arith.index_cast %parallel_loop3A_912 : i32 to index
      %parallel_loop3A_916 = arith.index_cast %parallel_loop3A_144 : i32 to index
      %parallel_loop3A_917 = arith.index_cast %parallel_loop3A_913 : i32 to index
      %parallel_loop3A_918 = arith.index_cast %parallel_loop3A_162 : i32 to index
      %parallel_loop3A_919 = tpu.vector_load %arg27[%parallel_loop3A_914, %parallel_loop3A_915, %parallel_loop3A_916, %parallel_loop3A_917, %parallel_loop3A_918] {strides = array<i32>} : memref<2x8x4x8x128xf32, #tpu.memory_space<vmem>>, vector<16xf32>,
      %parallel_loop3A_920 = arith.cmpf olt, %parallel_loop3A_919, %parallel_loop3A_823 : vector<16xf32>
      %parallel_loop3A_921 = arith.select %parallel_loop3A_920, %parallel_loop3A_919, %parallel_loop3A_823 : vector<16xi1>, vector<16xf32>
      %parallel_loop3A_922 = arith.select %parallel_loop3A_920, %parallel_loop3A_874, %parallel_loop3A_824 : vector<16xi1>, vector<16xi32>
      %parallel_loop3A_923 = arith.constant 1 : i32
      %parallel_loop3A_924 = arith.constant 7 : i32
      %parallel_loop3A_925 = arith.constant 4 : i32
      %parallel_loop3A_926 = arith.index_cast %parallel_loop3A_923 : i32 to index
      %parallel_loop3A_927 = arith.index_cast %parallel_loop3A_924 : i32 to index
      %parallel_loop3A_928 = arith.index_cast %parallel_loop3A_144 : i32 to index
      %parallel_loop3A_929 = arith.index_cast %parallel_loop3A_925 : i32 to index
      %parallel_loop3A_930 = arith.index_cast %parallel_loop3A_162 : i32 to index
      %parallel_loop3A_931 = tpu.vector_load %arg27[%parallel_loop3A_926, %parallel_loop3A_927, %parallel_loop3A_928, %parallel_loop3A_929, %parallel_loop3A_930] {strides = array<i32>} : memref<2x8x4x8x128xf32, #tpu.memory_space<vmem>>, vector<16xf32>,
      %parallel_loop3A_932 = arith.cmpf olt, %parallel_loop3A_931, %parallel_loop3A_835 : vector<16xf32>
      %parallel_loop3A_933 = arith.select %parallel_loop3A_932, %parallel_loop3A_931, %parallel_loop3A_835 : vector<16xi1>, vector<16xf32>
      %parallel_loop3A_934 = arith.select %parallel_loop3A_932, %parallel_loop3A_874, %parallel_loop3A_836 : vector<16xi1>, vector<16xi32>
      %parallel_loop3A_935 = arith.constant 1 : i32
      %parallel_loop3A_936 = arith.constant 7 : i32
      %parallel_loop3A_937 = arith.constant 5 : i32
      %parallel_loop3A_938 = arith.index_cast %parallel_loop3A_935 : i32 to index
      %parallel_loop3A_939 = arith.index_cast %parallel_loop3A_936 : i32 to index
      %parallel_loop3A_940 = arith.index_cast %parallel_loop3A_144 : i32 to index
      %parallel_loop3A_941 = arith.index_cast %parallel_loop3A_937 : i32 to index
      %parallel_loop3A_942 = arith.index_cast %parallel_loop3A_162 : i32 to index
      %parallel_loop3A_943 = tpu.vector_load %arg27[%parallel_loop3A_938, %parallel_loop3A_939, %parallel_loop3A_940, %parallel_loop3A_941, %parallel_loop3A_942] {strides = array<i32>} : memref<2x8x4x8x128xf32, #tpu.memory_space<vmem>>, vector<16xf32>,
      %parallel_loop3A_944 = arith.cmpf olt, %parallel_loop3A_943, %parallel_loop3A_847 : vector<16xf32>
      %parallel_loop3A_945 = arith.select %parallel_loop3A_944, %parallel_loop3A_943, %parallel_loop3A_847 : vector<16xi1>, vector<16xf32>
      %parallel_loop3A_946 = arith.select %parallel_loop3A_944, %parallel_loop3A_874, %parallel_loop3A_848 : vector<16xi1>, vector<16xi32>
      %parallel_loop3A_947 = arith.constant 1 : i32
      %parallel_loop3A_948 = arith.constant 7 : i32
      %parallel_loop3A_949 = arith.constant 6 : i32
      %parallel_loop3A_950 = arith.index_cast %parallel_loop3A_947 : i32 to index
      %parallel_loop3A_951 = arith.index_cast %parallel_loop3A_948 : i32 to index
      %parallel_loop3A_952 = arith.index_cast %parallel_loop3A_144 : i32 to index
      %parallel_loop3A_953 = arith.index_cast %parallel_loop3A_949 : i32 to index
      %parallel_loop3A_954 = arith.index_cast %parallel_loop3A_162 : i32 to index
      %parallel_loop3A_955 = tpu.vector_load %arg27[%parallel_loop3A_950, %parallel_loop3A_951, %parallel_loop3A_952, %parallel_loop3A_953, %parallel_loop3A_954] {strides = array<i32>} : memref<2x8x4x8x128xf32, #tpu.memory_space<vmem>>, vector<16xf32>,
      %parallel_loop3A_956 = arith.cmpf olt, %parallel_loop3A_955, %parallel_loop3A_859 : vector<16xf32>
      %parallel_loop3A_957 = arith.select %parallel_loop3A_956, %parallel_loop3A_955, %parallel_loop3A_859 : vector<16xi1>, vector<16xf32>
      %parallel_loop3A_958 = arith.select %parallel_loop3A_956, %parallel_loop3A_874, %parallel_loop3A_860 : vector<16xi1>, vector<16xi32>
      %parallel_loop3A_959 = arith.constant 1 : i32
      %parallel_loop3A_960 = arith.constant 7 : i32
      %parallel_loop3A_961 = arith.constant 7 : i32
      %parallel_loop3A_962 = arith.index_cast %parallel_loop3A_959 : i32 to index
      %parallel_loop3A_963 = arith.index_cast %parallel_loop3A_960 : i32 to index
      %parallel_loop3A_964 = arith.index_cast %parallel_loop3A_144 : i32 to index
      %parallel_loop3A_965 = arith.index_cast %parallel_loop3A_961 : i32 to index
      %parallel_loop3A_966 = arith.index_cast %parallel_loop3A_162 : i32 to index
      %parallel_loop3A_967 = tpu.vector_load %arg27[%parallel_loop3A_962, %parallel_loop3A_963, %parallel_loop3A_964, %parallel_loop3A_965, %parallel_loop3A_966] {strides = array<i32>} : memref<2x8x4x8x128xf32, #tpu.memory_space<vmem>>, vector<16xf32>,
      %parallel_loop3A_968 = arith.cmpf olt, %parallel_loop3A_967, %parallel_loop3A_871 : vector<16xf32>
      %parallel_loop3A_969 = arith.select %parallel_loop3A_968, %parallel_loop3A_967, %parallel_loop3A_871 : vector<16xi1>, vector<16xf32>
      %parallel_loop3A_970 = arith.select %parallel_loop3A_968, %parallel_loop3A_874, %parallel_loop3A_872 : vector<16xi1>, vector<16xi32>
      %parallel_loop3A_971 = arith.constant 8 : i32
      %parallel_loop3A_972 = vector.broadcast %parallel_loop3A_971 : i32 to vector<16xi32>
      %parallel_loop3A_973 = arith.muli %parallel_loop3A_886, %parallel_loop3A_972 : vector<16xi32>
      %parallel_loop3A_974 = arith.constant 0 : i32
      %parallel_loop3A_975 = vector.broadcast %parallel_loop3A_974 : i32 to vector<16xi32>
      %parallel_loop3A_976 = arith.addi %parallel_loop3A_973, %parallel_loop3A_975 : vector<16xi32>
      %parallel_loop3A_977 = arith.constant 8 : i32
      %parallel_loop3A_978 = vector.broadcast %parallel_loop3A_977 : i32 to vector<16xi32>
      %parallel_loop3A_979 = arith.muli %parallel_loop3A_898, %parallel_loop3A_978 : vector<16xi32>
      %parallel_loop3A_980 = arith.constant 1 : i32
      %parallel_loop3A_981 = vector.broadcast %parallel_loop3A_980 : i32 to vector<16xi32>
      %parallel_loop3A_982 = arith.addi %parallel_loop3A_979, %parallel_loop3A_981 : vector<16xi32>
      %parallel_loop3A_983 = arith.constant 8 : i32
      %parallel_loop3A_984 = vector.broadcast %parallel_loop3A_983 : i32 to vector<16xi32>
      %parallel_loop3A_985 = arith.muli %parallel_loop3A_910, %parallel_loop3A_984 : vector<16xi32>
      %parallel_loop3A_986 = arith.constant 2 : i32
      %parallel_loop3A_987 = vector.broadcast %parallel_loop3A_986 : i32 to vector<16xi32>
      %parallel_loop3A_988 = arith.addi %parallel_loop3A_985, %parallel_loop3A_987 : vector<16xi32>
      %parallel_loop3A_989 = arith.constant 8 : i32
      %parallel_loop3A_990 = vector.broadcast %parallel_loop3A_989 : i32 to vector<16xi32>
      %parallel_loop3A_991 = arith.muli %parallel_loop3A_922, %parallel_loop3A_990 : vector<16xi32>
      %parallel_loop3A_992 = arith.constant 3 : i32
      %parallel_loop3A_993 = vector.broadcast %parallel_loop3A_992 : i32 to vector<16xi32>
      %parallel_loop3A_994 = arith.addi %parallel_loop3A_991, %parallel_loop3A_993 : vector<16xi32>
      %parallel_loop3A_995 = arith.constant 8 : i32
      %parallel_loop3A_996 = vector.broadcast %parallel_loop3A_995 : i32 to vector<16xi32>
      %parallel_loop3A_997 = arith.muli %parallel_loop3A_934, %parallel_loop3A_996 : vector<16xi32>
      %parallel_loop3A_998 = arith.constant 4 : i32
      %parallel_loop3A_999 = vector.broadcast %parallel_loop3A_998 : i32 to vector<16xi32>
      %parallel_loop3A_1000 = arith.addi %parallel_loop3A_997, %parallel_loop3A_999 : vector<16xi32>
      %parallel_loop3A_1001 = arith.constant 8 : i32
      %parallel_loop3A_1002 = vector.broadcast %parallel_loop3A_1001 : i32 to vector<16xi32>
      %parallel_loop3A_1003 = arith.muli %parallel_loop3A_946, %parallel_loop3A_1002 : vector<16xi32>
      %parallel_loop3A_1004 = arith.constant 5 : i32
      %parallel_loop3A_1005 = vector.broadcast %parallel_loop3A_1004 : i32 to vector<16xi32>
      %parallel_loop3A_1006 = arith.addi %parallel_loop3A_1003, %parallel_loop3A_1005 : vector<16xi32>
      %parallel_loop3A_1007 = arith.constant 8 : i32
      %parallel_loop3A_1008 = vector.broadcast %parallel_loop3A_1007 : i32 to vector<16xi32>
      %parallel_loop3A_1009 = arith.muli %parallel_loop3A_958, %parallel_loop3A_1008 : vector<16xi32>
      %parallel_loop3A_1010 = arith.constant 6 : i32
      %parallel_loop3A_1011 = vector.broadcast %parallel_loop3A_1010 : i32 to vector<16xi32>
      %parallel_loop3A_1012 = arith.addi %parallel_loop3A_1009, %parallel_loop3A_1011 : vector<16xi32>
      %parallel_loop3A_1013 = arith.constant 8 : i32
      %parallel_loop3A_1014 = vector.broadcast %parallel_loop3A_1013 : i32 to vector<16xi32>
      %parallel_loop3A_1015 = arith.muli %parallel_loop3A_970, %parallel_loop3A_1014 : vector<16xi32>
      %parallel_loop3A_1016 = arith.constant 7 : i32
      %parallel_loop3A_1017 = vector.broadcast %parallel_loop3A_1016 : i32 to vector<16xi32>
      %parallel_loop3A_1018 = arith.addi %parallel_loop3A_1015, %parallel_loop3A_1017 : vector<16xi32>
      %parallel_loop3A_1019 = arith.cmpf olt, %parallel_loop3A_885, %parallel_loop3A_897 : vector<16xf32>
      %parallel_loop3A_1020 = arith.cmpf oeq, %parallel_loop3A_885, %parallel_loop3A_897 : vector<16xf32>
      %parallel_loop3A_1021 = arith.cmpi slt, %parallel_loop3A_976, %parallel_loop3A_982 : vector<16xi32>
      %parallel_loop3A_1022 = arith.andi %parallel_loop3A_1020, %parallel_loop3A_1021 : vector<16xi1>
      %parallel_loop3A_1023 = arith.ori %parallel_loop3A_1019, %parallel_loop3A_1022 : vector<16xi1>
      %parallel_loop3A_1024 = arith.select %parallel_loop3A_1023, %parallel_loop3A_885, %parallel_loop3A_897 : vector<16xi1>, vector<16xf32>
      %parallel_loop3A_1025 = arith.select %parallel_loop3A_1023, %parallel_loop3A_976, %parallel_loop3A_982 : vector<16xi1>, vector<16xi32>
      %parallel_loop3A_1026 = arith.cmpf olt, %parallel_loop3A_909, %parallel_loop3A_921 : vector<16xf32>
      %parallel_loop3A_1027 = arith.cmpf oeq, %parallel_loop3A_909, %parallel_loop3A_921 : vector<16xf32>
      %parallel_loop3A_1028 = arith.cmpi slt, %parallel_loop3A_988, %parallel_loop3A_994 : vector<16xi32>
      %parallel_loop3A_1029 = arith.andi %parallel_loop3A_1027, %parallel_loop3A_1028 : vector<16xi1>
      %parallel_loop3A_1030 = arith.ori %parallel_loop3A_1026, %parallel_loop3A_1029 : vector<16xi1>
      %parallel_loop3A_1031 = arith.select %parallel_loop3A_1030, %parallel_loop3A_909, %parallel_loop3A_921 : vector<16xi1>, vector<16xf32>
      %parallel_loop3A_1032 = arith.select %parallel_loop3A_1030, %parallel_loop3A_988, %parallel_loop3A_994 : vector<16xi1>, vector<16xi32>
      %parallel_loop3A_1033 = arith.cmpf olt, %parallel_loop3A_933, %parallel_loop3A_945 : vector<16xf32>
      %parallel_loop3A_1034 = arith.cmpf oeq, %parallel_loop3A_933, %parallel_loop3A_945 : vector<16xf32>
      %parallel_loop3A_1035 = arith.cmpi slt, %parallel_loop3A_1000, %parallel_loop3A_1006 : vector<16xi32>
      %parallel_loop3A_1036 = arith.andi %parallel_loop3A_1034, %parallel_loop3A_1035 : vector<16xi1>
      %parallel_loop3A_1037 = arith.ori %parallel_loop3A_1033, %parallel_loop3A_1036 : vector<16xi1>
      %parallel_loop3A_1038 = arith.select %parallel_loop3A_1037, %parallel_loop3A_933, %parallel_loop3A_945 : vector<16xi1>, vector<16xf32>
      %parallel_loop3A_1039 = arith.select %parallel_loop3A_1037, %parallel_loop3A_1000, %parallel_loop3A_1006 : vector<16xi1>, vector<16xi32>
      %parallel_loop3A_1040 = arith.cmpf olt, %parallel_loop3A_957, %parallel_loop3A_969 : vector<16xf32>
      %parallel_loop3A_1041 = arith.cmpf oeq, %parallel_loop3A_957, %parallel_loop3A_969 : vector<16xf32>
      %parallel_loop3A_1042 = arith.cmpi slt, %parallel_loop3A_1012, %parallel_loop3A_1018 : vector<16xi32>
      %parallel_loop3A_1043 = arith.andi %parallel_loop3A_1041, %parallel_loop3A_1042 : vector<16xi1>
      %parallel_loop3A_1044 = arith.ori %parallel_loop3A_1040, %parallel_loop3A_1043 : vector<16xi1>
      %parallel_loop3A_1045 = arith.select %parallel_loop3A_1044, %parallel_loop3A_957, %parallel_loop3A_969 : vector<16xi1>, vector<16xf32>
      %parallel_loop3A_1046 = arith.select %parallel_loop3A_1044, %parallel_loop3A_1012, %parallel_loop3A_1018 : vector<16xi1>, vector<16xi32>
      %parallel_loop3A_1047 = arith.cmpf olt, %parallel_loop3A_1024, %parallel_loop3A_1031 : vector<16xf32>
      %parallel_loop3A_1048 = arith.cmpf oeq, %parallel_loop3A_1024, %parallel_loop3A_1031 : vector<16xf32>
      %parallel_loop3A_1049 = arith.cmpi slt, %parallel_loop3A_1025, %parallel_loop3A_1032 : vector<16xi32>
      %parallel_loop3A_1050 = arith.andi %parallel_loop3A_1048, %parallel_loop3A_1049 : vector<16xi1>
      %parallel_loop3A_1051 = arith.ori %parallel_loop3A_1047, %parallel_loop3A_1050 : vector<16xi1>
      %parallel_loop3A_1052 = arith.select %parallel_loop3A_1051, %parallel_loop3A_1024, %parallel_loop3A_1031 : vector<16xi1>, vector<16xf32>
      %parallel_loop3A_1053 = arith.select %parallel_loop3A_1051, %parallel_loop3A_1025, %parallel_loop3A_1032 : vector<16xi1>, vector<16xi32>
      %parallel_loop3A_1054 = arith.cmpf olt, %parallel_loop3A_1038, %parallel_loop3A_1045 : vector<16xf32>
      %parallel_loop3A_1055 = arith.cmpf oeq, %parallel_loop3A_1038, %parallel_loop3A_1045 : vector<16xf32>
      %parallel_loop3A_1056 = arith.cmpi slt, %parallel_loop3A_1039, %parallel_loop3A_1046 : vector<16xi32>
      %parallel_loop3A_1057 = arith.andi %parallel_loop3A_1055, %parallel_loop3A_1056 : vector<16xi1>
      %parallel_loop3A_1058 = arith.ori %parallel_loop3A_1054, %parallel_loop3A_1057 : vector<16xi1>
      %parallel_loop3A_1059 = arith.select %parallel_loop3A_1058, %parallel_loop3A_1038, %parallel_loop3A_1045 : vector<16xi1>, vector<16xf32>
      %parallel_loop3A_1060 = arith.select %parallel_loop3A_1058, %parallel_loop3A_1039, %parallel_loop3A_1046 : vector<16xi1>, vector<16xi32>
      %parallel_loop3A_1061 = arith.cmpf olt, %parallel_loop3A_1052, %parallel_loop3A_1059 : vector<16xf32>
      %parallel_loop3A_1062 = arith.cmpf oeq, %parallel_loop3A_1052, %parallel_loop3A_1059 : vector<16xf32>
      %parallel_loop3A_1063 = arith.cmpi slt, %parallel_loop3A_1053, %parallel_loop3A_1060 : vector<16xi32>
      %parallel_loop3A_1064 = arith.andi %parallel_loop3A_1062, %parallel_loop3A_1063 : vector<16xi1>
      %parallel_loop3A_1065 = arith.ori %parallel_loop3A_1061, %parallel_loop3A_1064 : vector<16xi1>
      %parallel_loop3A_1066 = arith.select %parallel_loop3A_1065, %parallel_loop3A_1052, %parallel_loop3A_1059 : vector<16xi1>, vector<16xf32>
      %parallel_loop3A_1067 = arith.select %parallel_loop3A_1065, %parallel_loop3A_1053, %parallel_loop3A_1060 : vector<16xi1>, vector<16xi32>
      %parallel_loop3A_1068 = arith.constant 0 : i32
      %parallel_loop3A_1069 = vector.broadcast %parallel_loop3A_1068 : i32 to vector<16xi32>
      %parallel_loop3A_1070 = tpu.vector_load_idx %arg31[%parallel_loop3A_1069, %parallel_loop3A_1067] : memref<9x64xf32, #tpu.memory_space<vmem>>[vector<16xi32>, vector<16xi32>], vector<16xf32>,
      %parallel_loop3A_1071 = arith.constant 1 : i32
      %parallel_loop3A_1072 = vector.broadcast %parallel_loop3A_1071 : i32 to vector<16xi32>
      %parallel_loop3A_1073 = tpu.vector_load_idx %arg31[%parallel_loop3A_1072, %parallel_loop3A_1067] : memref<9x64xf32, #tpu.memory_space<vmem>>[vector<16xi32>, vector<16xi32>], vector<16xf32>,
      %parallel_loop3A_1074 = arith.constant 2 : i32
      %parallel_loop3A_1075 = vector.broadcast %parallel_loop3A_1074 : i32 to vector<16xi32>
      %parallel_loop3A_1076 = tpu.vector_load_idx %arg31[%parallel_loop3A_1075, %parallel_loop3A_1067] : memref<9x64xf32, #tpu.memory_space<vmem>>[vector<16xi32>, vector<16xi32>], vector<16xf32>,
      %parallel_loop3A_1077 = arith.constant 3 : i32
      %parallel_loop3A_1078 = vector.broadcast %parallel_loop3A_1077 : i32 to vector<16xi32>
      %parallel_loop3A_1079 = tpu.vector_load_idx %arg31[%parallel_loop3A_1078, %parallel_loop3A_1067] : memref<9x64xf32, #tpu.memory_space<vmem>>[vector<16xi32>, vector<16xi32>], vector<16xf32>,
      %parallel_loop3A_1080 = arith.constant 4 : i32
      %parallel_loop3A_1081 = vector.broadcast %parallel_loop3A_1080 : i32 to vector<16xi32>
      %parallel_loop3A_1082 = tpu.vector_load_idx %arg31[%parallel_loop3A_1081, %parallel_loop3A_1067] : memref<9x64xf32, #tpu.memory_space<vmem>>[vector<16xi32>, vector<16xi32>], vector<16xf32>,
      %parallel_loop3A_1083 = arith.constant 5 : i32
      %parallel_loop3A_1084 = vector.broadcast %parallel_loop3A_1083 : i32 to vector<16xi32>
      %parallel_loop3A_1085 = tpu.vector_load_idx %arg31[%parallel_loop3A_1084, %parallel_loop3A_1067] : memref<9x64xf32, #tpu.memory_space<vmem>>[vector<16xi32>, vector<16xi32>], vector<16xf32>,
      %parallel_loop3A_1086 = arith.constant 6 : i32
      %parallel_loop3A_1087 = vector.broadcast %parallel_loop3A_1086 : i32 to vector<16xi32>
      %parallel_loop3A_1088 = tpu.vector_load_idx %arg31[%parallel_loop3A_1087, %parallel_loop3A_1067] : memref<9x64xf32, #tpu.memory_space<vmem>>[vector<16xi32>, vector<16xi32>], vector<16xf32>,
      %parallel_loop3A_1089 = arith.constant 7 : i32
      %parallel_loop3A_1090 = vector.broadcast %parallel_loop3A_1089 : i32 to vector<16xi32>
      %parallel_loop3A_1091 = tpu.vector_load_idx %arg31[%parallel_loop3A_1090, %parallel_loop3A_1067] : memref<9x64xf32, #tpu.memory_space<vmem>>[vector<16xi32>, vector<16xi32>], vector<16xf32>,
      %parallel_loop3A_1092 = arith.constant 8 : i32
      %parallel_loop3A_1093 = vector.broadcast %parallel_loop3A_1092 : i32 to vector<16xi32>
      %parallel_loop3A_1094 = tpu.vector_load_idx %arg31[%parallel_loop3A_1093, %parallel_loop3A_1067] : memref<9x64xf32, #tpu.memory_space<vmem>>[vector<16xi32>, vector<16xi32>], vector<16xf32>,
      %parallel_loop3A_1095 = tpu.vector_load_idx %arg32[%parallel_loop3A_1067] : memref<64xf32, #tpu.memory_space<vmem>>[vector<16xi32>], vector<16xf32>,
      %parallel_loop3A_1096 = arith.constant 16 : i32
      %parallel_loop3A_1097 = arith.muli %parallel_loop3A_120, %parallel_loop3A_1096 : i32
      %parallel_loop3A_1098 = arith.constant 0 : i32
      %parallel_loop3A_1099 = arith.index_cast %parallel_loop3A_1098 : i32 to index
      %parallel_loop3A_1100 = arith.index_cast %parallel_loop3A_1097 : i32 to index
      %parallel_loop3A_1101 = tpu.vector_load %arg28[%parallel_loop3A_1099, %parallel_loop3A_1100] {strides = array<i32>} : memref<3x1024xf32, #tpu.memory_space<vmem>>, vector<16xf32>,
      %parallel_loop3A_1102 = arith.constant 1 : i32
      %parallel_loop3A_1103 = arith.index_cast %parallel_loop3A_1102 : i32 to index
      %parallel_loop3A_1104 = arith.index_cast %parallel_loop3A_1097 : i32 to index
      %parallel_loop3A_1105 = tpu.vector_load %arg28[%parallel_loop3A_1103, %parallel_loop3A_1104] {strides = array<i32>} : memref<3x1024xf32, #tpu.memory_space<vmem>>, vector<16xf32>,
      %parallel_loop3A_1106 = arith.constant 2 : i32
      %parallel_loop3A_1107 = arith.index_cast %parallel_loop3A_1106 : i32 to index
      %parallel_loop3A_1108 = arith.index_cast %parallel_loop3A_1097 : i32 to index
      %parallel_loop3A_1109 = tpu.vector_load %arg28[%parallel_loop3A_1107, %parallel_loop3A_1108] {strides = array<i32>} : memref<3x1024xf32, #tpu.memory_space<vmem>>, vector<16xf32>,
      %parallel_loop3A_1110 = arith.constant 0 : i32
      %parallel_loop3A_1111 = arith.index_cast %parallel_loop3A_1110 : i32 to index
      %parallel_loop3A_1112 = arith.index_cast %parallel_loop3A_1097 : i32 to index
      %parallel_loop3A_1113 = tpu.vector_load %arg29[%parallel_loop3A_1111, %parallel_loop3A_1112] {strides = array<i32>} : memref<3x1024xf32, #tpu.memory_space<vmem>>, vector<16xf32>,
      %parallel_loop3A_1114 = arith.constant 1 : i32
      %parallel_loop3A_1115 = arith.index_cast %parallel_loop3A_1114 : i32 to index
      %parallel_loop3A_1116 = arith.index_cast %parallel_loop3A_1097 : i32 to index
      %parallel_loop3A_1117 = tpu.vector_load %arg29[%parallel_loop3A_1115, %parallel_loop3A_1116] {strides = array<i32>} : memref<3x1024xf32, #tpu.memory_space<vmem>>, vector<16xf32>,
      %parallel_loop3A_1118 = arith.constant 2 : i32
      %parallel_loop3A_1119 = arith.index_cast %parallel_loop3A_1118 : i32 to index
      %parallel_loop3A_1120 = arith.index_cast %parallel_loop3A_1097 : i32 to index
      %parallel_loop3A_1121 = tpu.vector_load %arg29[%parallel_loop3A_1119, %parallel_loop3A_1120] {strides = array<i32>} : memref<3x1024xf32, #tpu.memory_space<vmem>>, vector<16xf32>,
      %parallel_loop3A_1122 = arith.index_cast %parallel_loop3A_1097 : i32 to index
      %parallel_loop3A_1123 = tpu.vector_load %arg30[%parallel_loop3A_1122] {strides = array<i32>} : memref<1024xf32, #tpu.memory_space<vmem>>, vector<16xf32>,
      %parallel_loop3A_1124 = vector.broadcast %parallel_loop3A_111 : f32 to vector<16xf32>
      %parallel_loop3A_1125 = arith.cmpf olt, %parallel_loop3A_1066, %parallel_loop3A_1124 : vector<16xf32>
      %parallel_loop3A_1126 = arith.constant 0.000000e+00 : f32
      %parallel_loop3A_1127 = vector.broadcast %parallel_loop3A_1126 : f32 to vector<16xf32>
      %parallel_loop3A_1128 = arith.cmpf ogt, %parallel_loop3A_1123, %parallel_loop3A_1127 : vector<16xf32>
      %parallel_loop3A_1129 = arith.andi %parallel_loop3A_1125, %parallel_loop3A_1128 : vector<16xi1>
      %parallel_loop3A_1130 = arith.mulf %parallel_loop3A_1066, %parallel_loop3A_1113 : vector<16xf32>
      %parallel_loop3A_1131 = arith.addf %parallel_loop3A_1101, %parallel_loop3A_1130 : vector<16xf32>
      %parallel_loop3A_1132 = arith.select %parallel_loop3A_1129, %parallel_loop3A_1131, %parallel_loop3A_1101 : vector<16xi1>, vector<16xf32>
      %parallel_loop3A_1133 = arith.constant 0 : i32
      %parallel_loop3A_1134 = arith.index_cast %parallel_loop3A_1133 : i32 to index
      %parallel_loop3A_1135 = arith.index_cast %parallel_loop3A_1097 : i32 to index
      %parallel_loop3A_1136 = tpu.vector_load %arg33[%parallel_loop3A_1134, %parallel_loop3A_1135] {strides = array<i32>} : memref<6x1024xf32, #tpu.memory_space<vmem>>, vector<16xf32>,
      tpu.vector_store %arg33[%parallel_loop3A_1134, %parallel_loop3A_1135], %parallel_loop3A_1132 {strides = array<i32>} : memref<6x1024xf32, #tpu.memory_space<vmem>>, vector<16xf32>,
      %parallel_loop3A_1137 = arith.mulf %parallel_loop3A_1113, %parallel_loop3A_1070 : vector<16xf32>
      %parallel_loop3A_1138 = arith.mulf %parallel_loop3A_1117, %parallel_loop3A_1079 : vector<16xf32>
      %parallel_loop3A_1139 = arith.addf %parallel_loop3A_1137, %parallel_loop3A_1138 : vector<16xf32>
      %parallel_loop3A_1140 = arith.mulf %parallel_loop3A_1121, %parallel_loop3A_1088 : vector<16xf32>
      %parallel_loop3A_1141 = arith.addf %parallel_loop3A_1139, %parallel_loop3A_1140 : vector<16xf32>
      %parallel_loop3A_1142 = arith.select %parallel_loop3A_1129, %parallel_loop3A_1141, %parallel_loop3A_1113 : vector<16xi1>, vector<16xf32>
      %parallel_loop3A_1143 = arith.constant 3 : i32
      %parallel_loop3A_1144 = arith.index_cast %parallel_loop3A_1143 : i32 to index
      %parallel_loop3A_1145 = arith.index_cast %parallel_loop3A_1097 : i32 to index
      %parallel_loop3A_1146 = tpu.vector_load %arg33[%parallel_loop3A_1144, %parallel_loop3A_1145] {strides = array<i32>} : memref<6x1024xf32, #tpu.memory_space<vmem>>, vector<16xf32>,
      tpu.vector_store %arg33[%parallel_loop3A_1144, %parallel_loop3A_1145], %parallel_loop3A_1142 {strides = array<i32>} : memref<6x1024xf32, #tpu.memory_space<vmem>>, vector<16xf32>,
      %parallel_loop3A_1147 = arith.mulf %parallel_loop3A_1066, %parallel_loop3A_1117 : vector<16xf32>
      %parallel_loop3A_1148 = arith.addf %parallel_loop3A_1105, %parallel_loop3A_1147 : vector<16xf32>
      %parallel_loop3A_1149 = arith.select %parallel_loop3A_1129, %parallel_loop3A_1148, %parallel_loop3A_1105 : vector<16xi1>, vector<16xf32>
      %parallel_loop3A_1150 = arith.constant 1 : i32
      %parallel_loop3A_1151 = arith.index_cast %parallel_loop3A_1150 : i32 to index
      %parallel_loop3A_1152 = arith.index_cast %parallel_loop3A_1097 : i32 to index
      %parallel_loop3A_1153 = tpu.vector_load %arg33[%parallel_loop3A_1151, %parallel_loop3A_1152] {strides = array<i32>} : memref<6x1024xf32, #tpu.memory_space<vmem>>, vector<16xf32>,
      tpu.vector_store %arg33[%parallel_loop3A_1151, %parallel_loop3A_1152], %parallel_loop3A_1149 {strides = array<i32>} : memref<6x1024xf32, #tpu.memory_space<vmem>>, vector<16xf32>,
      %parallel_loop3A_1154 = arith.mulf %parallel_loop3A_1113, %parallel_loop3A_1073 : vector<16xf32>
      %parallel_loop3A_1155 = arith.mulf %parallel_loop3A_1117, %parallel_loop3A_1082 : vector<16xf32>
      %parallel_loop3A_1156 = arith.addf %parallel_loop3A_1154, %parallel_loop3A_1155 : vector<16xf32>
      %parallel_loop3A_1157 = arith.mulf %parallel_loop3A_1121, %parallel_loop3A_1091 : vector<16xf32>
      %parallel_loop3A_1158 = arith.addf %parallel_loop3A_1156, %parallel_loop3A_1157 : vector<16xf32>
      %parallel_loop3A_1159 = arith.select %parallel_loop3A_1129, %parallel_loop3A_1158, %parallel_loop3A_1117 : vector<16xi1>, vector<16xf32>
      %parallel_loop3A_1160 = arith.constant 4 : i32
      %parallel_loop3A_1161 = arith.index_cast %parallel_loop3A_1160 : i32 to index
      %parallel_loop3A_1162 = arith.index_cast %parallel_loop3A_1097 : i32 to index
      %parallel_loop3A_1163 = tpu.vector_load %arg33[%parallel_loop3A_1161, %parallel_loop3A_1162] {strides = array<i32>} : memref<6x1024xf32, #tpu.memory_space<vmem>>, vector<16xf32>,
      tpu.vector_store %arg33[%parallel_loop3A_1161, %parallel_loop3A_1162], %parallel_loop3A_1159 {strides = array<i32>} : memref<6x1024xf32, #tpu.memory_space<vmem>>, vector<16xf32>,
      %parallel_loop3A_1164 = arith.mulf %parallel_loop3A_1066, %parallel_loop3A_1121 : vector<16xf32>
      %parallel_loop3A_1165 = arith.addf %parallel_loop3A_1109, %parallel_loop3A_1164 : vector<16xf32>
      %parallel_loop3A_1166 = arith.select %parallel_loop3A_1129, %parallel_loop3A_1165, %parallel_loop3A_1109 : vector<16xi1>, vector<16xf32>
      %parallel_loop3A_1167 = arith.constant 2 : i32
      %parallel_loop3A_1168 = arith.index_cast %parallel_loop3A_1167 : i32 to index
      %parallel_loop3A_1169 = arith.index_cast %parallel_loop3A_1097 : i32 to index
      %parallel_loop3A_1170 = tpu.vector_load %arg33[%parallel_loop3A_1168, %parallel_loop3A_1169] {strides = array<i32>} : memref<6x1024xf32, #tpu.memory_space<vmem>>, vector<16xf32>,
      tpu.vector_store %arg33[%parallel_loop3A_1168, %parallel_loop3A_1169], %parallel_loop3A_1166 {strides = array<i32>} : memref<6x1024xf32, #tpu.memory_space<vmem>>, vector<16xf32>,
      %parallel_loop3A_1171 = arith.mulf %parallel_loop3A_1113, %parallel_loop3A_1076 : vector<16xf32>
      %parallel_loop3A_1172 = arith.mulf %parallel_loop3A_1117, %parallel_loop3A_1085 : vector<16xf32>
      %parallel_loop3A_1173 = arith.addf %parallel_loop3A_1171, %parallel_loop3A_1172 : vector<16xf32>
      %parallel_loop3A_1174 = arith.mulf %parallel_loop3A_1121, %parallel_loop3A_1094 : vector<16xf32>
      %parallel_loop3A_1175 = arith.addf %parallel_loop3A_1173, %parallel_loop3A_1174 : vector<16xf32>
      %parallel_loop3A_1176 = arith.select %parallel_loop3A_1129, %parallel_loop3A_1175, %parallel_loop3A_1121 : vector<16xi1>, vector<16xf32>
      %parallel_loop3A_1177 = arith.constant 5 : i32
      %parallel_loop3A_1178 = arith.index_cast %parallel_loop3A_1177 : i32 to index
      %parallel_loop3A_1179 = arith.index_cast %parallel_loop3A_1097 : i32 to index
      %parallel_loop3A_1180 = tpu.vector_load %arg33[%parallel_loop3A_1178, %parallel_loop3A_1179] {strides = array<i32>} : memref<6x1024xf32, #tpu.memory_space<vmem>>, vector<16xf32>,
      tpu.vector_store %arg33[%parallel_loop3A_1178, %parallel_loop3A_1179], %parallel_loop3A_1176 {strides = array<i32>} : memref<6x1024xf32, #tpu.memory_space<vmem>>, vector<16xf32>,
      %parallel_loop3A_1181 = arith.mulf %parallel_loop3A_1123, %parallel_loop3A_1095 : vector<16xf32>
      %parallel_loop3A_1182 = arith.select %parallel_loop3A_1129, %parallel_loop3A_1181, %parallel_loop3A_1123 : vector<16xi1>, vector<16xf32>
      %parallel_loop3A_1183 = arith.index_cast %parallel_loop3A_1097 : i32 to index
      %parallel_loop3A_1184 = tpu.vector_load %arg34[%parallel_loop3A_1183] {strides = array<i32>} : memref<1024xf32, #tpu.memory_space<vmem>>, vector<16xf32>,
      tpu.vector_store %arg34[%parallel_loop3A_1183], %parallel_loop3A_1182 {strides = array<i32>} : memref<1024xf32, #tpu.memory_space<vmem>>, vector<16xf32>,
    } {sc.loop_unroll_factor = 1 : i64, sc.parallel_access}
    %run_scoped3A_112 = arith.constant 0 : i32
    "tpu.region"() ({
      %run_scoped3A_118 = tpu.sem_alloc : memref<!tpu.dma_semaphore, #tpu.memory_space<semaphore_mem>>
      %dma_start3A_119 = arith.constant 0 : i32
      %dma_start3A_120 = tpu.memref_slice %arg33[%run_scoped3A_112, %dma_start3A_119] : memref<6x1024xf32, #tpu.memory_space<vmem>> -> memref<1x1024xf32, #tpu.memory_space<vmem>>
      %dma_start3A_121 = tpu.memref_squeeze %dma_start3A_120 : memref<1x1024xf32, #tpu.memory_space<vmem>> -> memref<1024xf32, #tpu.memory_space<vmem>>
      %dma_start3A_122 = tpu.memref_slice %arg20[%mul3A_2] : memref<32768xf32, #tpu.memory_space<hbm>> -> memref<1024xf32, #tpu.memory_space<hbm>>
      %dma_start3A_123 = tpu.memref_slice %arg20[%mul3A_2] : memref<32768xf32, #tpu.memory_space<hbm>> -> memref<1024xf32, #tpu.memory_space<hbm>>
      %dma_start3A_124 = arith.constant 0 : i32
      %dma_start3A_125 = tpu.memref_slice %arg33[%run_scoped3A_112, %dma_start3A_124] : memref<6x1024xf32, #tpu.memory_space<vmem>> -> memref<1x1024xf32, #tpu.memory_space<vmem>>
      %dma_start3A_126 = tpu.memref_squeeze %dma_start3A_125 : memref<1x1024xf32, #tpu.memory_space<vmem>> -> memref<1024xf32, #tpu.memory_space<vmem>>
      tpu.enqueue_dma source(%dma_start3A_126 : memref<1024xf32, #tpu.memory_space<vmem>>) target(%dma_start3A_123 : memref<1024xf32, #tpu.memory_space<hbm>>) target_semaphore(%run_scoped3A_118 : memref<!tpu.dma_semaphore, #tpu.memory_space<semaphore_mem>>)
      %dma_wait3A_127 = arith.constant 0 : i32
      %dma_wait3A_128 = tpu.memref_slice %arg33[%run_scoped3A_112, %dma_wait3A_127] : memref<6x1024xf32, #tpu.memory_space<vmem>> -> memref<1x1024xf32, #tpu.memory_space<vmem>>
      %dma_wait3A_129 = tpu.memref_squeeze %dma_wait3A_128 : memref<1x1024xf32, #tpu.memory_space<vmem>> -> memref<1024xf32, #tpu.memory_space<vmem>>
      %dma_wait3A_130 = tpu.memref_slice %arg20[%mul3A_2] : memref<32768xf32, #tpu.memory_space<hbm>> -> memref<1024xf32, #tpu.memory_space<hbm>>
      %dma_wait3A_131 = tpu.memref_slice %arg20[%mul3A_2] : memref<32768xf32, #tpu.memory_space<hbm>> -> memref<1024xf32, #tpu.memory_space<hbm>>
      %dma_wait3A_132 = arith.constant 0 : i32
      %dma_wait3A_133 = tpu.memref_slice %arg33[%run_scoped3A_112, %dma_wait3A_132] : memref<6x1024xf32, #tpu.memory_space<vmem>> -> memref<1x1024xf32, #tpu.memory_space<vmem>>
      %dma_wait3A_134 = tpu.memref_squeeze %dma_wait3A_133 : memref<1x1024xf32, #tpu.memory_space<vmem>> -> memref<1024xf32, #tpu.memory_space<vmem>>
      tpu.wait_dma2 semaphore(%run_scoped3A_118 : memref<!tpu.dma_semaphore, #tpu.memory_space<semaphore_mem>>) src(%dma_wait3A_134 : memref<1024xf32, #tpu.memory_space<vmem>>) dst(%dma_wait3A_131 : memref<1024xf32, #tpu.memory_space<hbm>>)
      tpu.yield
    }) : () -> ()
    %run_scoped3A_113 = arith.constant 1 : i32
    "tpu.region"() ({
      %run_scoped3A_118 = tpu.sem_alloc : memref<!tpu.dma_semaphore, #tpu.memory_space<semaphore_mem>>
      %dma_start3A_119 = arith.constant 0 : i32
      %dma_start3A_120 = tpu.memref_slice %arg33[%run_scoped3A_113, %dma_start3A_119] : memref<6x1024xf32, #tpu.memory_space<vmem>> -> memref<1x1024xf32, #tpu.memory_space<vmem>>
      %dma_start3A_121 = tpu.memref_squeeze %dma_start3A_120 : memref<1x1024xf32, #tpu.memory_space<vmem>> -> memref<1024xf32, #tpu.memory_space<vmem>>
      %dma_start3A_122 = tpu.memref_slice %arg21[%mul3A_2] : memref<32768xf32, #tpu.memory_space<hbm>> -> memref<1024xf32, #tpu.memory_space<hbm>>
      %dma_start3A_123 = tpu.memref_slice %arg21[%mul3A_2] : memref<32768xf32, #tpu.memory_space<hbm>> -> memref<1024xf32, #tpu.memory_space<hbm>>
      %dma_start3A_124 = arith.constant 0 : i32
      %dma_start3A_125 = tpu.memref_slice %arg33[%run_scoped3A_113, %dma_start3A_124] : memref<6x1024xf32, #tpu.memory_space<vmem>> -> memref<1x1024xf32, #tpu.memory_space<vmem>>
      %dma_start3A_126 = tpu.memref_squeeze %dma_start3A_125 : memref<1x1024xf32, #tpu.memory_space<vmem>> -> memref<1024xf32, #tpu.memory_space<vmem>>
      tpu.enqueue_dma source(%dma_start3A_126 : memref<1024xf32, #tpu.memory_space<vmem>>) target(%dma_start3A_123 : memref<1024xf32, #tpu.memory_space<hbm>>) target_semaphore(%run_scoped3A_118 : memref<!tpu.dma_semaphore, #tpu.memory_space<semaphore_mem>>)
      %dma_wait3A_127 = arith.constant 0 : i32
      %dma_wait3A_128 = tpu.memref_slice %arg33[%run_scoped3A_113, %dma_wait3A_127] : memref<6x1024xf32, #tpu.memory_space<vmem>> -> memref<1x1024xf32, #tpu.memory_space<vmem>>
      %dma_wait3A_129 = tpu.memref_squeeze %dma_wait3A_128 : memref<1x1024xf32, #tpu.memory_space<vmem>> -> memref<1024xf32, #tpu.memory_space<vmem>>
      %dma_wait3A_130 = tpu.memref_slice %arg21[%mul3A_2] : memref<32768xf32, #tpu.memory_space<hbm>> -> memref<1024xf32, #tpu.memory_space<hbm>>
      %dma_wait3A_131 = tpu.memref_slice %arg21[%mul3A_2] : memref<32768xf32, #tpu.memory_space<hbm>> -> memref<1024xf32, #tpu.memory_space<hbm>>
      %dma_wait3A_132 = arith.constant 0 : i32
      %dma_wait3A_133 = tpu.memref_slice %arg33[%run_scoped3A_113, %dma_wait3A_132] : memref<6x1024xf32, #tpu.memory_space<vmem>> -> memref<1x1024xf32, #tpu.memory_space<vmem>>
      %dma_wait3A_134 = tpu.memref_squeeze %dma_wait3A_133 : memref<1x1024xf32, #tpu.memory_space<vmem>> -> memref<1024xf32, #tpu.memory_space<vmem>>
      tpu.wait_dma2 semaphore(%run_scoped3A_118 : memref<!tpu.dma_semaphore, #tpu.memory_space<semaphore_mem>>) src(%dma_wait3A_134 : memref<1024xf32, #tpu.memory_space<vmem>>) dst(%dma_wait3A_131 : memref<1024xf32, #tpu.memory_space<hbm>>)
      tpu.yield
    }) : () -> ()
    %run_scoped3A_114 = arith.constant 2 : i32
    "tpu.region"() ({
      %run_scoped3A_118 = tpu.sem_alloc : memref<!tpu.dma_semaphore, #tpu.memory_space<semaphore_mem>>
      %dma_start3A_119 = arith.constant 0 : i32
      %dma_start3A_120 = tpu.memref_slice %arg33[%run_scoped3A_114, %dma_start3A_119] : memref<6x1024xf32, #tpu.memory_space<vmem>> -> memref<1x1024xf32, #tpu.memory_space<vmem>>
      %dma_start3A_121 = tpu.memref_squeeze %dma_start3A_120 : memref<1x1024xf32, #tpu.memory_space<vmem>> -> memref<1024xf32, #tpu.memory_space<vmem>>
      %dma_start3A_122 = tpu.memref_slice %arg22[%mul3A_2] : memref<32768xf32, #tpu.memory_space<hbm>> -> memref<1024xf32, #tpu.memory_space<hbm>>
      %dma_start3A_123 = tpu.memref_slice %arg22[%mul3A_2] : memref<32768xf32, #tpu.memory_space<hbm>> -> memref<1024xf32, #tpu.memory_space<hbm>>
      %dma_start3A_124 = arith.constant 0 : i32
      %dma_start3A_125 = tpu.memref_slice %arg33[%run_scoped3A_114, %dma_start3A_124] : memref<6x1024xf32, #tpu.memory_space<vmem>> -> memref<1x1024xf32, #tpu.memory_space<vmem>>
      %dma_start3A_126 = tpu.memref_squeeze %dma_start3A_125 : memref<1x1024xf32, #tpu.memory_space<vmem>> -> memref<1024xf32, #tpu.memory_space<vmem>>
      tpu.enqueue_dma source(%dma_start3A_126 : memref<1024xf32, #tpu.memory_space<vmem>>) target(%dma_start3A_123 : memref<1024xf32, #tpu.memory_space<hbm>>) target_semaphore(%run_scoped3A_118 : memref<!tpu.dma_semaphore, #tpu.memory_space<semaphore_mem>>)
      %dma_wait3A_127 = arith.constant 0 : i32
      %dma_wait3A_128 = tpu.memref_slice %arg33[%run_scoped3A_114, %dma_wait3A_127] : memref<6x1024xf32, #tpu.memory_space<vmem>> -> memref<1x1024xf32, #tpu.memory_space<vmem>>
      %dma_wait3A_129 = tpu.memref_squeeze %dma_wait3A_128 : memref<1x1024xf32, #tpu.memory_space<vmem>> -> memref<1024xf32, #tpu.memory_space<vmem>>
      %dma_wait3A_130 = tpu.memref_slice %arg22[%mul3A_2] : memref<32768xf32, #tpu.memory_space<hbm>> -> memref<1024xf32, #tpu.memory_space<hbm>>
      %dma_wait3A_131 = tpu.memref_slice %arg22[%mul3A_2] : memref<32768xf32, #tpu.memory_space<hbm>> -> memref<1024xf32, #tpu.memory_space<hbm>>
      %dma_wait3A_132 = arith.constant 0 : i32
      %dma_wait3A_133 = tpu.memref_slice %arg33[%run_scoped3A_114, %dma_wait3A_132] : memref<6x1024xf32, #tpu.memory_space<vmem>> -> memref<1x1024xf32, #tpu.memory_space<vmem>>
      %dma_wait3A_134 = tpu.memref_squeeze %dma_wait3A_133 : memref<1x1024xf32, #tpu.memory_space<vmem>> -> memref<1024xf32, #tpu.memory_space<vmem>>
      tpu.wait_dma2 semaphore(%run_scoped3A_118 : memref<!tpu.dma_semaphore, #tpu.memory_space<semaphore_mem>>) src(%dma_wait3A_134 : memref<1024xf32, #tpu.memory_space<vmem>>) dst(%dma_wait3A_131 : memref<1024xf32, #tpu.memory_space<hbm>>)
      tpu.yield
    }) : () -> ()
    %run_scoped3A_115 = arith.constant 3 : i32
    "tpu.region"() ({
      %run_scoped3A_118 = tpu.sem_alloc : memref<!tpu.dma_semaphore, #tpu.memory_space<semaphore_mem>>
      %dma_start3A_119 = arith.constant 0 : i32
      %dma_start3A_120 = tpu.memref_slice %arg33[%run_scoped3A_115, %dma_start3A_119] : memref<6x1024xf32, #tpu.memory_space<vmem>> -> memref<1x1024xf32, #tpu.memory_space<vmem>>
      %dma_start3A_121 = tpu.memref_squeeze %dma_start3A_120 : memref<1x1024xf32, #tpu.memory_space<vmem>> -> memref<1024xf32, #tpu.memory_space<vmem>>
      %dma_start3A_122 = tpu.memref_slice %arg23[%mul3A_2] : memref<32768xf32, #tpu.memory_space<hbm>> -> memref<1024xf32, #tpu.memory_space<hbm>>
      %dma_start3A_123 = tpu.memref_slice %arg23[%mul3A_2] : memref<32768xf32, #tpu.memory_space<hbm>> -> memref<1024xf32, #tpu.memory_space<hbm>>
      %dma_start3A_124 = arith.constant 0 : i32
      %dma_start3A_125 = tpu.memref_slice %arg33[%run_scoped3A_115, %dma_start3A_124] : memref<6x1024xf32, #tpu.memory_space<vmem>> -> memref<1x1024xf32, #tpu.memory_space<vmem>>
      %dma_start3A_126 = tpu.memref_squeeze %dma_start3A_125 : memref<1x1024xf32, #tpu.memory_space<vmem>> -> memref<1024xf32, #tpu.memory_space<vmem>>
      tpu.enqueue_dma source(%dma_start3A_126 : memref<1024xf32, #tpu.memory_space<vmem>>) target(%dma_start3A_123 : memref<1024xf32, #tpu.memory_space<hbm>>) target_semaphore(%run_scoped3A_118 : memref<!tpu.dma_semaphore, #tpu.memory_space<semaphore_mem>>)
      %dma_wait3A_127 = arith.constant 0 : i32
      %dma_wait3A_128 = tpu.memref_slice %arg33[%run_scoped3A_115, %dma_wait3A_127] : memref<6x1024xf32, #tpu.memory_space<vmem>> -> memref<1x1024xf32, #tpu.memory_space<vmem>>
      %dma_wait3A_129 = tpu.memref_squeeze %dma_wait3A_128 : memref<1x1024xf32, #tpu.memory_space<vmem>> -> memref<1024xf32, #tpu.memory_space<vmem>>
      %dma_wait3A_130 = tpu.memref_slice %arg23[%mul3A_2] : memref<32768xf32, #tpu.memory_space<hbm>> -> memref<1024xf32, #tpu.memory_space<hbm>>
      %dma_wait3A_131 = tpu.memref_slice %arg23[%mul3A_2] : memref<32768xf32, #tpu.memory_space<hbm>> -> memref<1024xf32, #tpu.memory_space<hbm>>
      %dma_wait3A_132 = arith.constant 0 : i32
      %dma_wait3A_133 = tpu.memref_slice %arg33[%run_scoped3A_115, %dma_wait3A_132] : memref<6x1024xf32, #tpu.memory_space<vmem>> -> memref<1x1024xf32, #tpu.memory_space<vmem>>
      %dma_wait3A_134 = tpu.memref_squeeze %dma_wait3A_133 : memref<1x1024xf32, #tpu.memory_space<vmem>> -> memref<1024xf32, #tpu.memory_space<vmem>>
      tpu.wait_dma2 semaphore(%run_scoped3A_118 : memref<!tpu.dma_semaphore, #tpu.memory_space<semaphore_mem>>) src(%dma_wait3A_134 : memref<1024xf32, #tpu.memory_space<vmem>>) dst(%dma_wait3A_131 : memref<1024xf32, #tpu.memory_space<hbm>>)
      tpu.yield
    }) : () -> ()
    %run_scoped3A_116 = arith.constant 4 : i32
    "tpu.region"() ({
      %run_scoped3A_118 = tpu.sem_alloc : memref<!tpu.dma_semaphore, #tpu.memory_space<semaphore_mem>>
      %dma_start3A_119 = arith.constant 0 : i32
      %dma_start3A_120 = tpu.memref_slice %arg33[%run_scoped3A_116, %dma_start3A_119] : memref<6x1024xf32, #tpu.memory_space<vmem>> -> memref<1x1024xf32, #tpu.memory_space<vmem>>
      %dma_start3A_121 = tpu.memref_squeeze %dma_start3A_120 : memref<1x1024xf32, #tpu.memory_space<vmem>> -> memref<1024xf32, #tpu.memory_space<vmem>>
      %dma_start3A_122 = tpu.memref_slice %arg24[%mul3A_2] : memref<32768xf32, #tpu.memory_space<hbm>> -> memref<1024xf32, #tpu.memory_space<hbm>>
      %dma_start3A_123 = tpu.memref_slice %arg24[%mul3A_2] : memref<32768xf32, #tpu.memory_space<hbm>> -> memref<1024xf32, #tpu.memory_space<hbm>>
      %dma_start3A_124 = arith.constant 0 : i32
      %dma_start3A_125 = tpu.memref_slice %arg33[%run_scoped3A_116, %dma_start3A_124] : memref<6x1024xf32, #tpu.memory_space<vmem>> -> memref<1x1024xf32, #tpu.memory_space<vmem>>
      %dma_start3A_126 = tpu.memref_squeeze %dma_start3A_125 : memref<1x1024xf32, #tpu.memory_space<vmem>> -> memref<1024xf32, #tpu.memory_space<vmem>>
      tpu.enqueue_dma source(%dma_start3A_126 : memref<1024xf32, #tpu.memory_space<vmem>>) target(%dma_start3A_123 : memref<1024xf32, #tpu.memory_space<hbm>>) target_semaphore(%run_scoped3A_118 : memref<!tpu.dma_semaphore, #tpu.memory_space<semaphore_mem>>)
      %dma_wait3A_127 = arith.constant 0 : i32
      %dma_wait3A_128 = tpu.memref_slice %arg33[%run_scoped3A_116, %dma_wait3A_127] : memref<6x1024xf32, #tpu.memory_space<vmem>> -> memref<1x1024xf32, #tpu.memory_space<vmem>>
      %dma_wait3A_129 = tpu.memref_squeeze %dma_wait3A_128 : memref<1x1024xf32, #tpu.memory_space<vmem>> -> memref<1024xf32, #tpu.memory_space<vmem>>
      %dma_wait3A_130 = tpu.memref_slice %arg24[%mul3A_2] : memref<32768xf32, #tpu.memory_space<hbm>> -> memref<1024xf32, #tpu.memory_space<hbm>>
      %dma_wait3A_131 = tpu.memref_slice %arg24[%mul3A_2] : memref<32768xf32, #tpu.memory_space<hbm>> -> memref<1024xf32, #tpu.memory_space<hbm>>
      %dma_wait3A_132 = arith.constant 0 : i32
      %dma_wait3A_133 = tpu.memref_slice %arg33[%run_scoped3A_116, %dma_wait3A_132] : memref<6x1024xf32, #tpu.memory_space<vmem>> -> memref<1x1024xf32, #tpu.memory_space<vmem>>
      %dma_wait3A_134 = tpu.memref_squeeze %dma_wait3A_133 : memref<1x1024xf32, #tpu.memory_space<vmem>> -> memref<1024xf32, #tpu.memory_space<vmem>>
      tpu.wait_dma2 semaphore(%run_scoped3A_118 : memref<!tpu.dma_semaphore, #tpu.memory_space<semaphore_mem>>) src(%dma_wait3A_134 : memref<1024xf32, #tpu.memory_space<vmem>>) dst(%dma_wait3A_131 : memref<1024xf32, #tpu.memory_space<hbm>>)
      tpu.yield
    }) : () -> ()
    %run_scoped3A_117 = arith.constant 5 : i32
    "tpu.region"() ({
      %run_scoped3A_118 = tpu.sem_alloc : memref<!tpu.dma_semaphore, #tpu.memory_space<semaphore_mem>>
      %dma_start3A_119 = arith.constant 0 : i32
      %dma_start3A_120 = tpu.memref_slice %arg33[%run_scoped3A_117, %dma_start3A_119] : memref<6x1024xf32, #tpu.memory_space<vmem>> -> memref<1x1024xf32, #tpu.memory_space<vmem>>
      %dma_start3A_121 = tpu.memref_squeeze %dma_start3A_120 : memref<1x1024xf32, #tpu.memory_space<vmem>> -> memref<1024xf32, #tpu.memory_space<vmem>>
      %dma_start3A_122 = tpu.memref_slice %arg25[%mul3A_2] : memref<32768xf32, #tpu.memory_space<hbm>> -> memref<1024xf32, #tpu.memory_space<hbm>>
      %dma_start3A_123 = tpu.memref_slice %arg25[%mul3A_2] : memref<32768xf32, #tpu.memory_space<hbm>> -> memref<1024xf32, #tpu.memory_space<hbm>>
      %dma_start3A_124 = arith.constant 0 : i32
      %dma_start3A_125 = tpu.memref_slice %arg33[%run_scoped3A_117, %dma_start3A_124] : memref<6x1024xf32, #tpu.memory_space<vmem>> -> memref<1x1024xf32, #tpu.memory_space<vmem>>
      %dma_start3A_126 = tpu.memref_squeeze %dma_start3A_125 : memref<1x1024xf32, #tpu.memory_space<vmem>> -> memref<1024xf32, #tpu.memory_space<vmem>>
      tpu.enqueue_dma source(%dma_start3A_126 : memref<1024xf32, #tpu.memory_space<vmem>>) target(%dma_start3A_123 : memref<1024xf32, #tpu.memory_space<hbm>>) target_semaphore(%run_scoped3A_118 : memref<!tpu.dma_semaphore, #tpu.memory_space<semaphore_mem>>)
      %dma_wait3A_127 = arith.constant 0 : i32
      %dma_wait3A_128 = tpu.memref_slice %arg33[%run_scoped3A_117, %dma_wait3A_127] : memref<6x1024xf32, #tpu.memory_space<vmem>> -> memref<1x1024xf32, #tpu.memory_space<vmem>>
      %dma_wait3A_129 = tpu.memref_squeeze %dma_wait3A_128 : memref<1x1024xf32, #tpu.memory_space<vmem>> -> memref<1024xf32, #tpu.memory_space<vmem>>
      %dma_wait3A_130 = tpu.memref_slice %arg25[%mul3A_2] : memref<32768xf32, #tpu.memory_space<hbm>> -> memref<1024xf32, #tpu.memory_space<hbm>>
      %dma_wait3A_131 = tpu.memref_slice %arg25[%mul3A_2] : memref<32768xf32, #tpu.memory_space<hbm>> -> memref<1024xf32, #tpu.memory_space<hbm>>
      %dma_wait3A_132 = arith.constant 0 : i32
      %dma_wait3A_133 = tpu.memref_slice %arg33[%run_scoped3A_117, %dma_wait3A_132] : memref<6x1024xf32, #tpu.memory_space<vmem>> -> memref<1x1024xf32, #tpu.memory_space<vmem>>
      %dma_wait3A_134 = tpu.memref_squeeze %dma_wait3A_133 : memref<1x1024xf32, #tpu.memory_space<vmem>> -> memref<1024xf32, #tpu.memory_space<vmem>>
      tpu.wait_dma2 semaphore(%run_scoped3A_118 : memref<!tpu.dma_semaphore, #tpu.memory_space<semaphore_mem>>) src(%dma_wait3A_134 : memref<1024xf32, #tpu.memory_space<vmem>>) dst(%dma_wait3A_131 : memref<1024xf32, #tpu.memory_space<hbm>>)
      tpu.yield
    }) : () -> ()
    "tpu.region"() ({
      %run_scoped3A_118 = tpu.sem_alloc : memref<!tpu.dma_semaphore, #tpu.memory_space<semaphore_mem>>
      %dma_start3A_119 = tpu.memref_slice %arg26[%mul3A_2] : memref<32768xf32, #tpu.memory_space<hbm>> -> memref<1024xf32, #tpu.memory_space<hbm>>
      %dma_start3A_120 = tpu.memref_slice %arg26[%mul3A_2] : memref<32768xf32, #tpu.memory_space<hbm>> -> memref<1024xf32, #tpu.memory_space<hbm>>
      tpu.enqueue_dma source(%arg34 : memref<1024xf32, #tpu.memory_space<vmem>>) target(%dma_start3A_120 : memref<1024xf32, #tpu.memory_space<hbm>>) target_semaphore(%run_scoped3A_118 : memref<!tpu.dma_semaphore, #tpu.memory_space<semaphore_mem>>)
      %dma_wait3A_121 = tpu.memref_slice %arg26[%mul3A_2] : memref<32768xf32, #tpu.memory_space<hbm>> -> memref<1024xf32, #tpu.memory_space<hbm>>
      %dma_wait3A_122 = tpu.memref_slice %arg26[%mul3A_2] : memref<32768xf32, #tpu.memory_space<hbm>> -> memref<1024xf32, #tpu.memory_space<hbm>>
      tpu.wait_dma2 semaphore(%run_scoped3A_118 : memref<!tpu.dma_semaphore, #tpu.memory_space<semaphore_mem>>) src(%arg34 : memref<1024xf32, #tpu.memory_space<vmem>>) dst(%dma_wait3A_122 : memref<1024xf32, #tpu.memory_space<hbm>>)
      tpu.yield
    }) : () -> ()
    return
  }
}

</mosaic_0001>

<sc_bundles>
// kernel: kernel.3.cloned.1.call-start
scs
__scs_entry_jumppad:
0x0: {  	(pc) =	sbr.rel $0x88, $3  }
0x1: {  	(tag) =	ssettag $0x0;
	lr =	simm.s32 $0x1  }
0x2: {  	[smem:$0x3F9B] =	sst lr;
	_ =	strace $0xD0000000  }
0x3: {  	_ = 	snop  }
0x4: {  	_ = 	snop  }
0x5: {  	_ = 	snop  }
0x6: {  	_ = 	snop  }
0x7: {  	_ = 	snop  }
__scs_overlays_trampoline_lowered:
0x8: {  	[smem:$0x3FAA] =	sst s0  }
0x9: {  	[smem:$0x3FAB] =	sst s1  }
0xa: {  	[smem:$0x3FAC] =	sst s2  }
0xb: {  	[smem:$0x3FAD] =	sst s3  }
0xc: {  	[smem:$0x3FAE] =	sst s4  }
0xd: {  	[smem:$0x3FAF] =	sst s5  }
0xe: {  	[smem:$0x3FB0] =	sst s6  }
0xf: {  	[smem:$0x3FB1] =	sst s7  }
0x10: {  	[smem:$0x3FB2] =	sst s8  }
0x11: {  	[smem:$0x3FB3] =	sst s9;
	s0 =	simm.s32 @!p0 $0x0  }
0x12: {  	s1 =	sld [smem:$0x3F99];
	s0 =	simm.s32 @p0 $0x1  }
0x13: {  	[smem:$0x3FB4] =	sst s0;
	s0 =	simm.s32 @!p1 $0x0  }
0x14: {  	s2 =	sld [smem:$0x3F98];
	s0 =	simm.s32 @p1 $0x1  }
0x15: {  	[smem:$0x3FB5] =	sst s0;
	s0 =	simm.s32 @!p2 $0x0  }
0x16: {  	s3 =	sld [smem:$0x3FDB];
	s0 =	simm.s32 @p2 $0x1  }
0x17: {  	s4 =	simm.s32 $0x1BF5;
	[smem:$0x3FB7] =	sst s0  }
0x18: {  	s0 =	sld [smem:$0x3F9A];
	_ =	swait.ge [sflag:s4], $0x0  }
0x19: {  	s7 =	sld [smem:$0x3F9B]  }
0x1a: {  	s8 =	sadd.s32 $0xFFFFE003, lr  }
0x1b: {  	s9 =	sadd.s32 $0xFFFFFEF7, lr;
	s5 =	simm.s32 $0xFFFFFFFF;
	p2 =	slt.u32 s8, $0xFFFFF086  }
0x1c: {  	p1 =	slt.u32 s9, $0xF7A;
	s5 =	simm.s32 @!p2 $0x0  }
0x1d: {  	s5 =	simm.s32 @p1 $0x1;
	p0 =	seq.s32 s7, s2  }
0x1e: {  	s7 =	smul.u32 @!p0 $0xF7A, s2;
	p2 =	seq.s32 @!p0 s5, $0x0  }
0x1f: {  	s9 =	smul.u32 $0xF7A, s1;
	s8 =	simm.s32 @!p0 $0x1BF5;
	p2 =	por !p2, p0  }
0x20: {  	[sflag:s8] =	ssyncset.s32 @!p0 $0xFFFFF086;
	s6 =	sadd.s32 @!p0 s3, s7;
	s7 =	simm.s32 @!p0 $0x108  }
0x21: {  	s3 =	sadd.s32 s3, s9;
	s6 =	sadd.s32 @!p0 $0x88, s6;
	s7 =	simm.s32 @p2 $0x1082  }
0x22: {  	[simem:s7], [sflag:s8] =	dma.local @!p0 [hbm:s6], $0xF7A  }
0x23: {  	s9 =	sor.u32 $0xD0000000, s2;
	s6 =	simm.s32 $0x108;
	_ =	swait.ge @!p0 [sflag:s8], $0x0  }
0x24: {  	s3 =	sadd.s32 $0x88, s3;
	s6 =	simm.s32 @!p1 $0x1082;
	[sflag:s4] =	ssyncset.s32 $0xFFFFF086  }
0x25: {  	[simem:s6], [sflag:s4] =	dma.local [hbm:s3], $0xF7A  }
0x26: {  	[smem:$0x3F9B] =	sst s1;
	(tag) =	ssettag s2;
	_ =	strace s9  }
0x27: {  	s1 =	sld [smem:$0x3FAB]  }
0x28: {  	s2 =	sld [smem:$0x3FAC]  }
0x29: {  	s4 =	sld [smem:$0x3FAE]  }
0x2a: {  	p0 =	seq.s32 s5, $0x0;
	s5 =	sld [smem:$0x3FAF]  }
0x2b: {  	s6 =	sld [smem:$0x3FB0]  }
0x2c: {  	s7 =	sld [smem:$0x3FB1]  }
0x2d: {  	s3 =	simm.s32 $0x108;
	s8 =	sld [smem:$0x3FB2]  }
0x2e: {  	s3 =	simm.s32 @!p0 $0x1082;
	s9 =	sld [smem:$0x3FB3]  }
0x2f: {  	lr =	sadd.s32 s0, s3;
	s0 =	sld [smem:$0x3FAA]  }
0x30: {  	s3 =	sld [smem:$0x3FAD]  }
0x31: {  	[smem:$0x3FB6] =	sst s10  }
0x32: {  	s10 =	sld [smem:$0x3FB4];
	_ =	sdelay $0x3  }
0x33: {  	p0 =	seq.s32 s10, $0x1;
	s10 =	sld [smem:$0x3FB6];
	_ =	sdelay $0x3  }
0x34: {  	[smem:$0x3FB6] =	sst s10  }
0x35: {  	s10 =	sld [smem:$0x3FB5];
	_ =	sdelay $0x3  }
0x36: {  	p1 =	seq.s32 s10, $0x1;
	s10 =	sld [smem:$0x3FB6];
	_ =	sdelay $0x3  }
0x37: {  	[smem:$0x3FB6] =	sst s10  }
0x38: {  	s10 =	sld [smem:$0x3FB7]  }
0x39: {  	_ = 	snop;
	(pc) =	sbr.ind lr, $3  }
0x3a: {  	_ = 	snop  }
0x3b: {  	_ = 	snop  }
0x3c: {  	p2 =	seq.s32 s10, $0x1;
	s10 =	sld [smem:$0x3FB6]  }
0x3d: {  	_ =	shalt  }
0x3e: {  	_ =	shalt  }
0x3f: {  	_ =	shalt  }
0x40: {  	_ =	shalt  }
0x41: {  	_ =	shalt  }
0x42: {  	_ =	shalt  }
0x43: {  	_ =	shalt  }
0x44: {  	_ =	shalt  }
0x45: {  	_ =	shalt  }
0x46: {  	_ =	shalt  }
0x47: {  	_ =	shalt  }
0x48: {  	_ =	shalt  }
0x49: {  	_ =	shalt  }
0x4a: {  	_ =	shalt  }
0x4b: {  	_ =	shalt  }
0x4c: {  	_ =	shalt  }
0x4d: {  	_ =	shalt  }
0x4e: {  	_ =	shalt  }
0x4f: {  	_ =	shalt  }
0x50: {  	_ =	shalt  }
0x51: {  	_ =	shalt  }
0x52: {  	_ =	shalt  }
0x53: {  	_ =	shalt  }
0x54: {  	_ =	shalt  }
0x55: {  	_ =	shalt  }
0x56: {  	_ =	shalt  }
0x57: {  	_ =	shalt  }
0x58: {  	_ =	shalt  }
0x59: {  	_ =	shalt  }
0x5a: {  	_ =	shalt  }
0x5b: {  	_ =	shalt  }
0x5c: {  	_ =	shalt  }
0x5d: {  	_ =	shalt  }
0x5e: {  	_ =	shalt  }
0x5f: {  	_ =	shalt  }
0x60: {  	_ =	shalt  }
0x61: {  	_ =	shalt  }
0x62: {  	_ =	shalt  }
0x63: {  	_ =	shalt  }
0x64: {  	_ =	shalt  }
0x65: {  	_ =	shalt  }
0x66: {  	_ =	shalt  }
0x67: {  	_ =	shalt  }
0x68: {  	_ =	shalt  }
0x69: {  	_ =	shalt  }
0x6a: {  	_ =	shalt  }
0x6b: {  	_ =	shalt  }
0x6c: {  	_ =	shalt  }
0x6d: {  	_ =	shalt  }
0x6e: {  	_ =	shalt  }
0x6f: {  	_ =	shalt  }
0x70: {  	_ =	shalt  }
0x71: {  	_ =	shalt  }
0x72: {  	_ =	shalt  }
0x73: {  	_ =	shalt  }
0x74: {  	_ =	shalt  }
0x75: {  	_ =	shalt  }
0x76: {  	_ =	shalt  }
0x77: {  	_ =	shalt  }
0x78: {  	_ =	shalt  }
0x79: {  	_ =	shalt  }
0x7a: {  	_ =	shalt  }
0x7b: {  	_ =	shalt  }
0x7c: {  	_ =	shalt  }
0x7d: {  	_ =	shalt  }
0x7e: {  	_ =	shalt  }
0x7f: {  	_ =	shalt  }
0x80: {  	_ =	shalt  }
0x81: {  	_ =	shalt  }
0x82: {  	_ =	shalt  }
0x83: {  	_ =	shalt  }
0x84: {  	_ =	shalt  }
0x85: {  	_ =	shalt  }
0x86: {  	_ =	shalt  }
0x87: {  	_ =	shalt  }
.Lfunc_end0:
.L_simem_size_0:
called_computation_lowered:
.L_overlay_start_0:
0x88: {  	s2 =	sld [smem:$0x3FD9]  }
0x89: {  	s3 =	sld [smem:$0x3FFE];
	_ =	sdelay $0x1  }
0x8a: {  	s1 =	srdreg.scid  }
0x8b: {  	s0 =	sand.u32 $0x1, s1  }
0x8c: {  	s14 =	sshll.u32 s0, $0xA;
	s2 =	sadd.s32 s3, s2  }
0x8d: {  	s2 =	sadd.s32 s2, s14  }
0x8e: {  	[smem:$0x3FC2] =	sst s2  }
0x8f: {  	_ = 	snop  }
0x90: {  	s2 =	sld [smem:$0x3FD0]  }
0x91: {  	s15 =	sld [smem:$0x3FC7]  }
0x92: {  	s4 =	sld [smem:$0x3FC6]  }
0x93: {  	s6 =	simm.s32 $0xA;
	s7 =	simm.s32 $0x10;
	s5 =	sld [smem:$0x3FC4]  }
0x94: {  	[smem:s7], [sflag:s6] =	dma.local [hbm:s2], $0x1  }
0x95: {  	_ =	swait.eq [sflag:s6], $0x1  }
0x96: {  	s16 =	sld [smem:$0x10];
	[sflag:s6] =	ssyncset.done $0x0  }
0x97: {  	s17 =	sld [smem:$0x11];
	[sflag:s6] =	ssyncadd.s32 $0xFFFFFFFF  }
0x98: {  	s18 =	sld [smem:$0x12];
	(tm) =	ssettm $0x1  }
0x99: {  	s8 =	sld [smem:$0x3FFB];
	_ =	sdelay $0x3  }
0x9a: {  	_ =	strace s8  }
0x9b: {  	s8 =	sld [smem:$0x3FFC];
	_ =	sdelay $0x3  }
0x9c: {  	_ =	strace s8  }
0x9d: {  	s8 =	sld [smem:$0x3FFD];
	_ =	sdelay $0x3  }
0x9e: {  	_ =	strace s8  }
0x9f: {  	_ =	strace $0x8FFFFFFF  }
0xa0: {  	s19 =	sld [smem:$0x3FDB];
	_ =	sdelay $0x1  }
0xa1: {  	s9 =	simm.s32 $_scs_section_size  }
0xa2: {  	s10 =	simm.s32 $_size__tile_overlayer_lowered;
	s11 =	simm.s32 $_tile_overlayer_lowered  }
0xa3: {  	s22 =	simm.s32 $0x1BFF;
	s21 =	sshll.u32 s11, $0x1;
	s8 =	sadd.s32 s9, s19  }
0xa4: {  	s12 =	simm.s32 $0x0;
	s20 =	sshll.u32 s10, $0x1;
	s10 =	sadd.s32 s21, s8  }
0xa5: {  	[timem:s12], [sflag:s22] =	dma.local [hbm:s10], s20  }
0xa6: {  	_ =	swait.ge [sflag:s22], s20  }
0xa7: {  	s9 =	ssub.s32 $0x0, s20;
	[sflag:s22] =	ssyncset.done $0x0  }
0xa8: {  	[sflag:s22] =	ssyncadd.s32 s9;
	_ =	sdelay $0x1  }
0xa9: {  	s23 =	simm.s32 $0x1B8B  }
0xaa: {  	_ =	swait.ge [sflag:s23], $0x1  }
0xab: {  	[sflag:s23] =	ssyncset.done $0x0  }
0xac: {  	s25 =	simm.s32 $0x1B8E;
	s24 =	sld [smem:$0x3FFE];
	[sflag:s23] =	ssyncadd.s32 $0xFFFFFFFF  }
0xad: {  	s26 =	simm.s32 $execute0_lowered;
	[smem:$0x3FD2] =	sst s25  }
0xae: {  	s10 =	sshll.u32 s26, $0x1;
	_ =	strace $0x80000046;
	[dreg:$0x1] =	wrdreg $0xFFFFFFFF  }
0xaf: {  	s28 =	simm.s32 $_size_execute0_lowered;
	s8 =	sadd.s32 s8, s10;
	[dreg:$0x0] =	wrdreg $0x0  }
0xb0: {  	s10 =	sshll.u32 s28, $0x1;
	[dreg:$0x2] =	wrdreg s8  }
0xb1: {  	[dreg:$0x3] =	wrdreg s10  }
0xb2: {  	[dreg:$0x4] =	wrdreg $0xC0  }
0xb3: {  	_ =	task [dreg:s12], $0x5FFFF  }
0xb4: {  	[dreg:$0x1] =	wrdreg $0xFFFFFFFF  }
0xb5: {  	[dreg:$0x0] =	wrdreg $0x60  }
0xb6: {  	[dreg:$0x2] =	wrdreg s4  }
0xb7: {  	[dreg:$0x3] =	wrdreg s24  }
0xb8: {  	[dreg:$0x4] =	wrdreg s16  }
0xb9: {  	[dreg:$0x5] =	wrdreg s17  }
0xba: {  	[dreg:$0x6] =	wrdreg s15  }
0xbb: {  	[dreg:$0x7] =	wrdreg s5  }
0xbc: {  	[dreg:$0x8] =	wrdreg s18  }
0xbd: {  	[dreg:$0x9] =	wrdreg $0x9  }
0xbe: {  	_ =	task.clear_ibuf [dreg:s12], $0xAFFFF;
	_ =	strace $0x90000046  }
0xbf: {  	s29 =	simm.s32 $0x9;
	_ =	strace $0x80000048  }
0xc0: {  	_ =	swait.ge [sflag:s29], $0x1  }
0xc1: {  	[sflag:s29] =	ssyncadd.s32 $0xFFFFFFFF  }
0xc2: {  	_ =	strace $0x90000048  }
0xc3: {  	_ =	sfence  }
0xc4: {  	s30 =	sld [smem:$0x0];
	_ =	sdelay $0x2  }
0xc5: {  	s31 =	sshll.u32 s1, $0xD;
	s1 =	sshrl.u32 s1, $0x2  }
0xc6: {  	s3 =	sand.u32 $0x4000, s31;
	s1 =	sadd.s32 s1, s30  }
0xc7: {  	s0 =	sor.u32 s3, s0;
	s1 =	sshll.u32 s1, $0x11  }
0xc8: {  	s0 =	sor.u32 s1, s0  }
0xc9: {  	s0 =	sadd.s32 $0x8F2B, s0  }
0xca: {  	[sflag:s0] =	ssyncadd.remote.s32 $0x1  }
0xcb: {  	_ =	sfence.sel $0xFFFF  }
0xcc: {  	[dreg:$0x0] =	wrdreg $0xFFFFFFFF;
	(pc) =	sbr.abs _section_cstart, $3  }
0xcd: {  	[dreg:$0x1] =	wrdreg $0xFFFFFFFF  }
0xce: {  	_ =	task.clear_ibuf [dreg:s12], $0x2FFFF;
	_ =	strace $0x9FFFFFFF  }
0xcf: {  	(tm) =	ssettm $0x7FFFFFFF  }
tec
execute0_lowered:
.L_overlay_start_1:
0x0: {  	(tag) =	ssettag $0x1  }
0x1: {  	s0 =	rddreg [dreg:$0x0]  }
0x2: {  	s1 =	rddreg [dreg:$0x1]  }
0x3: {  	s3 =	rddreg [dreg:$0x2]  }
0x4: {  	s4 =	rddreg [dreg:$0x3]  }
0x5: {  	s5 =	rddreg [dreg:$0x4]  }
0x6: {  	s6 =	rddreg [dreg:$0x6];
	s2 =	simm.s32 $0x0  }
0x7: {  	[smem:$0x7FF] =	sst s2;
	s7 =	sadd.s32 $0x2000, s1  }
0x8: {  	s17 =	sadd.s32 $0x1E00, s1;
	_ =	strace $0x80000047;
	[dreg:$0x8] =	wrdreg s7  }
0x9: {  	s18 =	sadd.s32 $0x1C00, s1;
	[dreg:$0x9] =	wrdreg s17  }
0xa: {  	s22 =	srdreg.scid;
	s19 =	sadd.s32 $0x1A00, s1;
	[dreg:$0xa] =	wrdreg s18  }
0xb: {  	s8 =	stileid.u32;
	s20 =	sadd.s32 $0x1800, s1;
	[dreg:$0xb] =	wrdreg s19  }
0xc: {  	s31 =	simm.s32 $0x11E40;
	s21 =	sadd.s32 $0x1600, s1;
	[dreg:$0xc] =	wrdreg s20  }
0xd: {  	s9 =	sadd.s32 $0x1400, s1;
	s8 =	sshll.u32 s8, $0x1;
	[dreg:$0xd] =	wrdreg s21  }
0xe: {  	s23 =	sadd.s32 $0x1200, s1;
	[dreg:$0xe] =	wrdreg s9;
	s7 =	sand.u32 $0x1, s22  }
0xf: {  	s24 =	sadd.s32 $0x1000, s1;
	[dreg:$0xf] =	wrdreg s23;
	s8 =	sor.u32 s7, s8  }
0x10: {  	[dreg:$0x10] =	wrdreg s24;
	s7 =	ssub.s32 $0x2, s7;
	s25 =	sshll.u32 s8, $0x7  }
0x11: {  	s10 =	sshrl.u32 s7, $0x1;
	s8 =	sshll.u32 s8, $0xA;
	s1 =	sadd.s32 s25, s1  }
0x12: {  	s7 =	ssub.s32 s7, s10;
	s13 =	sadd.s32 s0, s8;
	s15 =	sadd.s32 s3, s25  }
0x13: {  	s16 =	sadd.s32 s4, s25;
	s20 =	sadd.s32 s5, s25;
	s22 =	sadd.s32 s6, s25  }
0x14: {  	s6 =	simm.s32 $0x3;
	s0 =	simm.s32 $0x1;
	s3 =	simm.s32 $0x2  }
0x15: {  	s4 =	simm.s32 $0x0;
	s26 =	sadd.s32 $0x2200, s1;
	s17 =	sadd.s32 $0x5200, s1  }
0x16: {  	s18 =	sadd.s32 $0x4200, s1;
	s19 =	sadd.s32 $0x3200, s1;
	s21 =	sadd.s32 $0x6200, s1  }
0x17: {  	v0 =	vimm.s32 $0x0;
	v1 =	vimm.s32 $0x1;
	s23 =	sadd.s32 $0x7200, s1;
	s24 =	sadd.s32 $0x8200, s1;
	s25 =	sadd.s32 $0x9200, s1  }
0x18: {  	v2 =	vimm.s32 $0x2;
	v3 =	vimm.s32 $0x3;
	v4 =	vimm.s32 $0x4;
	s28 =	sadd.s32 $0xB200, s1;
	s29 =	smax.u32 s7, $0x1;
	s30 =	sadd.s32 $0x200, s13  }
0x19: {  	v5 =	vimm.s32 $0x5;
	v6 =	vimm.s32 $0x6;
	v7 =	vimm.s32 $0x7;
	[dreg:$0x11] =	wrdreg s26;
	s26 =	sadd.s32 $0xA200, s1;
	s1 =	simm.s32 $0x11C00  }
.LBB2_1:
0x1a: {  	s5 =	simm.s32 $0x1000;
	s7 =	simm.s32 $0x40000  }
0x1b: {  	[tilespmem:s2], [sflag:$0x1] =	stream.strided.gather [hbm4b:s13+s5], $0x8000, s7, s5, $0x38;
	[tilespmem:$0x13A80] =	vst v63  }
0x1c: {  	s8 =	simm.s32 $0x8000  }
0x1d: {  	[tilespmem:s8], [sflag:$0x2] =	stream.strided.gather [hbm4b:s30+s5], $0x8000, s7, s5, $0x38;
	[tilespmem:$0x13A80] =	vst v63  }
0x1e: {  	s12 =	rddreg [dreg:$0x11];
	s14 =	simm.s32 $0x10000  }
0x1f: {  	[tilespmem:s14], [sflag:$0x3] =	stream.linear.gather [hbm4b:s12+s2], $0x400, $0x38;
	[tilespmem:$0x13A80] =	vst v63  }
0x20: {  	_ =	swait.ge [sflag:s6], $0x400  }
0x21: {  	[sflag:s6] =	ssyncset.done $0x0  }
0x22: {  	s8 =	simm.s32 $0x10400;
	[sflag:s6] =	ssyncadd.s32 $0xFFFFFC00  }
0x23: {  	[tilespmem:s8], [sflag:$0x3] =	stream.linear.gather [hbm4b:s15+s2], $0x400, $0x38;
	[tilespmem:$0x13A80] =	vst v63  }
0x24: {  	_ =	swait.ge [sflag:s6], $0x400  }
0x25: {  	[sflag:s6] =	ssyncset.done $0x0  }
0x26: {  	s9 =	simm.s32 $0x10800;
	[sflag:s6] =	ssyncadd.s32 $0xFFFFFC00  }
0x27: {  	[tilespmem:s9], [sflag:$0x3] =	stream.linear.gather [hbm4b:s16+s2], $0x400, $0x38;
	[tilespmem:$0x13A80] =	vst v63  }
0x28: {  	_ =	swait.ge [sflag:s6], $0x400  }
0x29: {  	[sflag:s6] =	ssyncset.done $0x0  }
0x2a: {  	s10 =	simm.s32 $0x10C00;
	[sflag:s6] =	ssyncadd.s32 $0xFFFFFC00  }
0x2b: {  	[tilespmem:s10], [sflag:$0x3] =	stream.linear.gather [hbm4b:s17+s2], $0x400, $0x38;
	[tilespmem:$0x13A80] =	vst v63  }
0x2c: {  	_ =	swait.ge [sflag:s6], $0x400  }
0x2d: {  	[sflag:s6] =	ssyncset.done $0x0  }
0x2e: {  	s11 =	simm.s32 $0x11000;
	[sflag:s6] =	ssyncadd.s32 $0xFFFFFC00  }
0x2f: {  	[tilespmem:s11], [sflag:$0x3] =	stream.linear.gather [hbm4b:s18+s2], $0x400, $0x38;
	[tilespmem:$0x13A80] =	vst v63  }
0x30: {  	_ =	swait.ge [sflag:s6], $0x400  }
0x31: {  	[sflag:s6] =	ssyncset.done $0x0  }
0x32: {  	s12 =	simm.s32 $0x11400;
	[sflag:s6] =	ssyncadd.s32 $0xFFFFFC00  }
0x33: {  	[tilespmem:s12], [sflag:$0x3] =	stream.linear.gather [hbm4b:s19+s2], $0x400, $0x38;
	[tilespmem:$0x13A80] =	vst v63  }
0x34: {  	_ =	swait.ge [sflag:s6], $0x400  }
0x35: {  	[sflag:s6] =	ssyncset.done $0x0  }
0x36: {  	s14 =	simm.s32 $0x11800;
	[sflag:s6] =	ssyncadd.s32 $0xFFFFFC00  }
0x37: {  	[tilespmem:s14], [sflag:$0x3] =	stream.linear.gather [hbm4b:s20+s2], $0x400, $0x38;
	[tilespmem:$0x13A80] =	vst v63  }
0x38: {  	_ =	swait.ge [sflag:s6], $0x400  }
0x39: {  	[sflag:s6] =	ssyncset.done $0x0  }
0x3a: {  	s7 =	rddreg [dreg:$0x8];
	[sflag:s6] =	ssyncadd.s32 $0xFFFFFC00  }
0x3b: {  	[tilespmem:s1], [sflag:$0x3] =	stream.linear.gather [hbm4b:s7+s2], $0x40, $0x38;
	[tilespmem:$0x13A80] =	vst v63  }
0x3c: {  	_ =	swait.ge [sflag:s6], $0x40  }
0x3d: {  	[sflag:s6] =	ssyncset.done $0x0  }
0x3e: {  	s9 =	simm.s32 $0x11C40;
	s8 =	rddreg [dreg:$0x9];
	[sflag:s6] =	ssyncadd.s32 $0xFFFFFFC0  }
0x3f: {  	[tilespmem:s9], [sflag:$0x3] =	stream.linear.gather [hbm4b:s8+s2], $0x40, $0x38;
	[tilespmem:$0x13A80] =	vst v63  }
0x40: {  	_ =	swait.ge [sflag:s6], $0x40  }
0x41: {  	[sflag:s6] =	ssyncset.done $0x0  }
0x42: {  	s11 =	simm.s32 $0x11C80;
	s10 =	rddreg [dreg:$0xa];
	[sflag:s6] =	ssyncadd.s32 $0xFFFFFFC0  }
0x43: {  	[tilespmem:s11], [sflag:$0x3] =	stream.linear.gather [hbm4b:s10+s2], $0x40, $0x38;
	[tilespmem:$0x13A80] =	vst v63  }
0x44: {  	_ =	swait.ge [sflag:s6], $0x40  }
0x45: {  	[sflag:s6] =	ssyncset.done $0x0  }
0x46: {  	s14 =	simm.s32 $0x11CC0;
	s12 =	rddreg [dreg:$0xb];
	[sflag:s6] =	ssyncadd.s32 $0xFFFFFFC0  }
0x47: {  	[tilespmem:s14], [sflag:$0x3] =	stream.linear.gather [hbm4b:s12+s2], $0x40, $0x38;
	[tilespmem:$0x13A80] =	vst v63  }
0x48: {  	_ =	swait.ge [sflag:s6], $0x40  }
0x49: {  	[sflag:s6] =	ssyncset.done $0x0  }
0x4a: {  	s9 =	simm.s32 $0x11D00;
	s8 =	rddreg [dreg:$0xc];
	[sflag:s6] =	ssyncadd.s32 $0xFFFFFFC0  }
0x4b: {  	[tilespmem:s9], [sflag:$0x3] =	stream.linear.gather [hbm4b:s8+s2], $0x40, $0x38;
	[tilespmem:$0x13A80] =	vst v63  }
0x4c: {  	_ =	swait.ge [sflag:s6], $0x40  }
0x4d: {  	[sflag:s6] =	ssyncset.done $0x0  }
0x4e: {  	s11 =	simm.s32 $0x11D40;
	s10 =	rddreg [dreg:$0xd];
	[sflag:s6] =	ssyncadd.s32 $0xFFFFFFC0  }
0x4f: {  	[tilespmem:s11], [sflag:$0x3] =	stream.linear.gather [hbm4b:s10+s2], $0x40, $0x38;
	[tilespmem:$0x13A80] =	vst v63  }
0x50: {  	_ =	swait.ge [sflag:s6], $0x40  }
0x51: {  	[sflag:s6] =	ssyncset.done $0x0  }
0x52: {  	s14 =	simm.s32 $0x11D80;
	s12 =	rddreg [dreg:$0xe];
	[sflag:s6] =	ssyncadd.s32 $0xFFFFFFC0  }
0x53: {  	[tilespmem:s14], [sflag:$0x3] =	stream.linear.gather [hbm4b:s12+s2], $0x40, $0x38;
	[tilespmem:$0x13A80] =	vst v63  }
0x54: {  	_ =	swait.ge [sflag:s6], $0x40  }
0x55: {  	[sflag:s6] =	ssyncset.done $0x0  }
0x56: {  	s8 =	simm.s32 $0x11DC0;
	s7 =	rddreg [dreg:$0xf];
	[sflag:s6] =	ssyncadd.s32 $0xFFFFFFC0  }
0x57: {  	[tilespmem:s8], [sflag:$0x3] =	stream.linear.gather [hbm4b:s7+s2], $0x40, $0x38;
	[tilespmem:$0x13A80] =	vst v63  }
0x58: {  	_ =	swait.ge [sflag:s6], $0x40  }
0x59: {  	[sflag:s6] =	ssyncset.done $0x0  }
0x5a: {  	s10 =	simm.s32 $0x11E00;
	s9 =	rddreg [dreg:$0x10];
	[sflag:s6] =	ssyncadd.s32 $0xFFFFFFC0  }
0x5b: {  	[tilespmem:s10], [sflag:$0x3] =	stream.linear.gather [hbm4b:s9+s2], $0x40, $0x38;
	[tilespmem:$0x13A80] =	vst v63  }
0x5c: {  	_ =	swait.ge [sflag:s6], $0x40  }
0x5d: {  	[sflag:s6] =	ssyncset.done $0x0  }
0x5e: {  	[sflag:s6] =	ssyncadd.s32 $0xFFFFFFC0  }
0x5f: {  	s11 =	rddreg [dreg:$0x5]  }
0x60: {  	[tilespmem:s31], [sflag:$0x3] =	stream.linear.gather [hbm4b:s11+s2], $0x40, $0x38;
	[tilespmem:$0x13A80] =	vst v63  }
0x61: {  	_ =	swait.ge [sflag:s6], $0x40  }
0x62: {  	[sflag:s6] =	ssyncset.done $0x0  }
0x63: {  	[sflag:s6] =	ssyncadd.s32 $0xFFFFFFC0  }
0x64: {  	_ =	swait.ge [sflag:s0], $0x8000  }
0x65: {  	s12 =	sand.u32 $0x70, s2;
	s14 =	sand.u32 $0xC00, s2;
	[sflag:s0] =	ssyncset.done $0x0  }
0x66: {  	s5 =	sor.u32 s12, s14;
	[sflag:s0] =	ssyncadd.s32 $0xFFFF8000  }
0x67: {  	v8 =	vld [tilespmem:s5+$0x1000]  }
0x68: {  	v9 =	vld [tilespmem:s5+$0x1080]  }
0x69: {  	v10 =	vld [tilespmem:s5+$0x1100]  }
0x6a: {  	v11 =	vld [tilespmem:s5+$0x0]  }
0x6b: {  	v12 =	vld [tilespmem:s5+$0x80]  }
0x6c: {  	v13 =	vld [tilespmem:s5+$0x100]  }
0x6d: {  	v14 =	vld [tilespmem:s5+$0x180]  }
0x6e: {  	v15 =	vld [tilespmem:s5+$0x200]  }
0x6f: {  	v16 =	vld [tilespmem:s5+$0x280]  }
0x70: {  	v18 =	vld [tilespmem:s5+$0x380]  }
0x71: {  	v17 =	vld [tilespmem:s5+$0x300]  }
0x72: {  	v19 =	vld [tilespmem:s5+$0x1180]  }
0x73: {  	v20 =	vld [tilespmem:s5+$0x1200];
	vm0 =	vlt.f32 v11, $+Inf;
	vm1 =	vlt.f32 v12, $+Inf  }
0x74: {  	v21 =	vld [tilespmem:s5+$0x1280];
	vm2 =	vlt.f32 v13, $+Inf;
	vm3 =	vlt.f32 v14, $+Inf;
	vm4 =	vlt.f32 v15, $+Inf  }
0x75: {  	v23 =	vld [tilespmem:s5+$0x1380];
	vm5 =	vlt.f32 v16, $+Inf;
	vm6 =	vlt.f32 v18, $+Inf;
	v11 =	vnsel vm0, $0x7F800000, v11  }
0x76: {  	v22 =	vld [tilespmem:s5+$0x1300];
	vm0 =	vlt.f32 v17, $+Inf;
	v12 =	vnsel vm1, $0x7F800000, v12;
	v13 =	vnsel vm2, $0x7F800000, v13  }
0x77: {  	v24 =	vld [tilespmem:s5+$0x2000];
	v14 =	vnsel vm3, $0x7F800000, v14;
	v15 =	vnsel vm4, $0x7F800000, v15;
	v16 =	vnsel vm5, $0x7F800000, v16  }
0x78: {  	v25 =	vld [tilespmem:s5+$0x2080];
	v18 =	vnsel vm6, $0x7F800000, v18;
	v17 =	vnsel vm0, $0x7F800000, v17;
	vm0 =	vlt.f32 v8, v11  }
0x79: {  	v26 =	vld [tilespmem:s5+$0x2100];
	vm1 =	vlt.f32 v9, v12;
	vm2 =	vlt.f32 v10, v13;
	vm3 =	vlt.f32 v19, v14  }
0x7a: {  	v27 =	vld [tilespmem:s5+$0x2180];
	vm4 =	vlt.f32 v20, v15;
	vm5 =	vlt.f32 v21, v16;
	vm7 =	vlt.f32 v23, v18  }
0x7b: {  	v28 =	vld [tilespmem:s5+$0x2200];
	vm6 =	vlt.f32 v22, v17;
	v29 =	vsel vm0, $0x8, v0;
	v30 =	vsel vm1, $0x9, v1  }
0x7c: {  	v31 =	vld [tilespmem:s5+$0x2280];
	v32 =	vsel vm2, $0xA, v2;
	v33 =	vsel vm3, $0xB, v3;
	v34 =	vsel vm4, $0xC, v4  }
0x7d: {  	v35 =	vld [tilespmem:s5+$0x2300];
	v36 =	vsel vm5, $0xD, v5;
	v38 =	vsel vm7, $0xF, v7;
	v8 =	vsel vm0, v8, v11  }
0x7e: {  	v56 =	vld [tilespmem:s5+$0x3300];
	v9 =	vsel vm1, v9, v12;
	v10 =	vsel vm2, v10, v13;
	v12 =	vsel vm3, v19, v14  }
0x7f: {  	v57 =	vld [tilespmem:s5+$0x4300];
	v13 =	vsel vm4, v20, v15;
	v14 =	vsel vm5, v21, v16;
	v37 =	vsel vm6, $0xE, v6  }
0x80: {  	v11 =	vld [tilespmem:s5+$0x2380];
	v16 =	vsel vm6, v22, v17;
	v17 =	vsel vm7, v23, v18;
	vm0 =	vlt.f32 v24, v8  }
0x81: {  	v15 =	vld [tilespmem:s5+$0x3000];
	vm1 =	vlt.f32 v25, v9;
	vm2 =	vlt.f32 v26, v10;
	vm3 =	vlt.f32 v27, v12  }
0x82: {  	v19 =	vld [tilespmem:s5+$0x3100];
	vm4 =	vlt.f32 v28, v13;
	vm5 =	vlt.f32 v31, v14;
	vm6 =	vlt.f32 v35, v16  }
0x83: {  	v20 =	vld [tilespmem:s5+$0x3180];
	v22 =	vsel vm0, $0x10, v29;
	v23 =	vsel vm1, $0x11, v30;
	v30 =	vsel vm2, $0x12, v32  }
0x84: {  	v21 =	vld [tilespmem:s5+$0x3200];
	v54 =	vsel vm3, $0x13, v33;
	v55 =	vsel vm4, $0x14, v34;
	v36 =	vsel vm5, $0x15, v36  }
0x85: {  	v18 =	vld [tilespmem:s5+$0x3080];
	v8 =	vsel vm0, v24, v8;
	v9 =	vsel vm1, v25, v9;
	v10 =	vsel vm2, v26, v10  }
0x86: {  	v29 =	vld [tilespmem:s5+$0x3280];
	v12 =	vsel vm3, v27, v12;
	v13 =	vsel vm4, v28, v13;
	v16 =	vsel vm6, v35, v16  }
0x87: {  	v24 =	vld [tilespmem:s5+$0x3380];
	v14 =	vsel vm5, v31, v14;
	v37 =	vsel vm6, $0x16, v37;
	vm6 =	vlt.f32 v56, v16  }
0x88: {  	v25 =	vld [tilespmem:s5+$0x4000];
	vm7 =	vlt.f32 v11, v17;
	vm0 =	vlt.f32 v15, v8;
	vm2 =	vlt.f32 v19, v10  }
0x89: {  	v26 =	vld [tilespmem:s5+$0x4100];
	vm3 =	vlt.f32 v20, v12;
	vm4 =	vlt.f32 v21, v13;
	v37 =	vsel vm6, $0x1E, v37  }
0x8a: {  	v27 =	vld [tilespmem:s5+$0x4180];
	v16 =	vsel vm6, v56, v16;
	v38 =	vsel vm7, $0x17, v38;
	v11 =	vsel vm7, v11, v17  }
0x8b: {  	v28 =	vld [tilespmem:s5+$0x4200];
	vm1 =	vlt.f32 v18, v9;
	v22 =	vsel vm0, $0x18, v22;
	v30 =	vsel vm2, $0x1A, v30  }
0x8c: {  	v32 =	vsel vm3, $0x1B, v54;
	v33 =	vsel vm4, $0x1C, v55;
	v8 =	vsel vm0, v15, v8  }
0x8d: {  	v58 =	vld [tilespmem:s5+$0x5300];
	v10 =	vsel vm2, v19, v10;
	v12 =	vsel vm3, v20, v12;
	v13 =	vsel vm4, v21, v13  }
0x8e: {  	v59 =	vld [tilespmem:s5+$0x6300];
	vm6 =	vlt.f32 v57, v16;
	vm5 =	vlt.f32 v29, v14;
	vm7 =	vlt.f32 v24, v11  }
0x8f: {  	v60 =	vld [tilespmem:s5+$0x7300];
	v23 =	vsel vm1, $0x19, v23;
	v9 =	vsel vm1, v18, v9;
	vm0 =	vlt.f32 v25, v8  }
0x90: {  	v31 =	vld [tilespmem:s5+$0x4280];
	vm2 =	vlt.f32 v26, v10;
	vm3 =	vlt.f32 v27, v12;
	vm4 =	vlt.f32 v28, v13  }
0x91: {  	v17 =	vld [tilespmem:s5+$0x4080];
	v37 =	vsel vm6, $0x26, v37;
	v16 =	vsel vm6, v57, v16;
	v36 =	vsel vm5, $0x1D, v36  }
0x92: {  	v15 =	vld [tilespmem:s5+$0x4380];
	v38 =	vsel vm7, $0x1F, v38;
	v14 =	vsel vm5, v29, v14;
	v11 =	vsel vm7, v24, v11  }
0x93: {  	v20 =	vld [tilespmem:s5+$0x5100];
	v22 =	vsel vm0, $0x20, v22;
	v30 =	vsel vm2, $0x22, v30;
	v32 =	vsel vm3, $0x23, v32  }
0x94: {  	v21 =	vld [tilespmem:s5+$0x5180];
	v33 =	vsel vm4, $0x24, v33;
	v8 =	vsel vm0, v25, v8;
	v10 =	vsel vm2, v26, v10  }
0x95: {  	v19 =	vld [tilespmem:s5+$0x5080];
	v12 =	vsel vm3, v27, v12;
	v13 =	vsel vm4, v28, v13;
	vm6 =	vlt.f32 v58, v16  }
0x96: {  	v18 =	vld [tilespmem:s5+$0x5000];
	vm5 =	vlt.f32 v31, v14;
	v37 =	vsel vm6, $0x2E, v37;
	v16 =	vsel vm6, v58, v16  }
0x97: {  	v24 =	vld [tilespmem:s5+$0x5200];
	v36 =	vsel vm5, $0x25, v36;
	v14 =	vsel vm5, v31, v14;
	vm6 =	vlt.f32 v59, v16  }
0x98: {  	v29 =	vld [tilespmem:s5+$0x5280];
	vm1 =	vlt.f32 v17, v9;
	vm7 =	vlt.f32 v15, v11;
	vm2 =	vlt.f32 v20, v10  }
0x99: {  	v26 =	vld [tilespmem:s5+$0x6100];
	vm3 =	vlt.f32 v21, v12;
	v37 =	vsel vm6, $0x36, v37;
	v16 =	vsel vm6, v59, v16  }
0x9a: {  	v27 =	vld [tilespmem:s5+$0x6180];
	v23 =	vsel vm1, $0x21, v23;
	v38 =	vsel vm7, $0x27, v38;
	v9 =	vsel vm1, v17, v9  }
0x9b: {  	v11 =	vsel vm7, v15, v11;
	vm0 =	vlt.f32 v18, v8;
	v30 =	vsel vm2, $0x2A, v30  }
0x9c: {  	v25 =	vld [tilespmem:s5+$0x6000];
	v32 =	vsel vm3, $0x2B, v32;
	v10 =	vsel vm2, v20, v10;
	v12 =	vsel vm3, v21, v12  }
0x9d: {  	v28 =	vld [tilespmem:s5+$0x6200];
	vm6 =	vlt.f32 v60, v16;
	vm1 =	vlt.f32 v19, v9;
	vm4 =	vlt.f32 v24, v13  }
0x9e: {  	v31 =	vld [tilespmem:s5+$0x6280];
	vm5 =	vlt.f32 v29, v14;
	v22 =	vsel vm0, $0x28, v22;
	v8 =	vsel vm0, v18, v8  }
0x9f: {  	v17 =	vld [tilespmem:s5+$0x5380];
	vm2 =	vlt.f32 v26, v10;
	vm3 =	vlt.f32 v27, v12;
	v16 =	vsel vm6, v60, v16  }
0xa0: {  	v15 =	vld [tilespmem:s5+$0x6080];
	v23 =	vsel vm1, $0x29, v23;
	v33 =	vsel vm4, $0x2C, v33;
	v36 =	vsel vm5, $0x2D, v36  }
0xa1: {  	v20 =	vld [tilespmem:s5+$0x7100];
	v9 =	vsel vm1, v19, v9;
	v13 =	vsel vm4, v24, v13;
	v14 =	vsel vm5, v29, v14  }
0xa2: {  	v21 =	vld [tilespmem:s5+$0x7180];
	vm0 =	vlt.f32 v25, v8;
	v30 =	vsel vm2, $0x32, v30;
	v32 =	vsel vm3, $0x33, v32  }
0xa3: {  	v18 =	vld [tilespmem:s5+$0x6380];
	v10 =	vsel vm2, v26, v10;
	v12 =	vsel vm3, v27, v12;
	vm4 =	vlt.f32 v28, v13  }
0xa4: {  	v19 =	vld [tilespmem:s5+$0x7000];
	vm5 =	vlt.f32 v31, v14;
	v22 =	vsel vm0, $0x30, v22;
	v8 =	vsel vm0, v25, v8  }
0xa5: {  	v24 =	vld [tilespmem:s5+$0x7200];
	v25 =	vsel vm6, $0x3E, v37;
	v33 =	vsel vm4, $0x34, v33;
	v36 =	vsel vm5, $0x35, v36  }
0xa6: {  	v29 =	vld [tilespmem:s5+$0x7280];
	v13 =	vsel vm4, v28, v13;
	v14 =	vsel vm5, v31, v14;
	vm7 =	vlt.f32 v17, v11  }
0xa7: {  	vm1 =	vlt.f32 v15, v9;
	vm2 =	vlt.f32 v20, v10;
	vm3 =	vlt.f32 v21, v12  }
0xa8: {  	v38 =	vsel vm7, $0x2F, v38;
	v11 =	vsel vm7, v17, v11;
	v23 =	vsel vm1, $0x31, v23  }
0xa9: {  	v17 =	vld [tilespmem:s5+$0x7080];
	v9 =	vsel vm1, v15, v9;
	v12 =	vsel vm3, v21, v12;
	v21 =	vsel vm3, $0x3B, v32  }
0xaa: {  	s7 =	simm.s32 $0x80;
	s8 =	simm.s32 $0x10;
	v15 =	vld [tilespmem:s5+$0x7380];
	vm7 =	vlt.f32 v18, v11;
	vm0 =	vlt.f32 v19, v8;
	vm4 =	vlt.f32 v24, v13  }
0xab: {  	s9 =	sand.u32 $0x70, s8;
	s10 =	sand.u32 $0xC00, s7;
	vm5 =	vlt.f32 v29, v14;
	v38 =	vsel vm7, $0x37, v38;
	v11 =	vsel vm7, v18, v11  }
0xac: {  	s9 =	sor.u32 s9, s10;
	v18 =	vsel vm0, v19, v8;
	v19 =	vsel vm2, v20, v10;
	v13 =	vsel vm4, v24, v13  }
0xad: {  	v61 =	vld [tilespmem:s9+$0x380];
	v14 =	vsel vm5, v29, v14;
	v10 =	vsel vm0, $0x38, v22;
	v20 =	vsel vm2, $0x3A, v30  }
0xae: {  	v62 =	vld [tilespmem:s9+$0x1180];
	v24 =	vsel vm5, $0x3D, v36;
	vm2 =	vlt.f32 v13, v14;
	vm6 =	veq.f32 v19, v12  }
0xaf: {  	v30 =	vld [tilespmem:s9+$0x300];
	vm8 =	veq.f32 v13, v14;
	vm1 =	vlt.f32 v17, v9;
	vm7 =	vlt.f32 v15, v11  }
0xb0: {  	v52 =	vld [tilespmem:s9+$0x1200];
	v17 =	vsel vm1, v17, v9;
	v15 =	vsel vm7, v15, v11;
	v11 =	vsel vm1, $0x39, v23  }
0xb1: {  	v41 =	vld [tilespmem:s9+$0x1300];
	v23 =	vsel vm4, $0x3C, v33;
	v26 =	vsel vm7, $0x3F, v38;
	vm1 =	vlt.f32 v19, v12  }
0xb2: {  	v42 =	vld [tilespmem:s9+$0x1380];
	vm7 =	vlt.u32 v20, v21;
	vm0 =	vlt.f32 v18, v17;
	vm3 =	vlt.f32 v16, v15  }
0xb3: {  	v29 =	vld [tilespmem:s9+$0x280];
	vm4 =	veq.f32 v18, v17;
	vm5 =	vlt.u32 v10, v11;
	vm9 =	vlt.u32 v23, v24  }
0xb4: {  	v44 =	vld [tilespmem:s9+$0x2280];
	vm10 =	vlt.u32 v25, v26;
	vm6 =	vmand vm6, vm7;
	vm14 =	vlt.f32 v30, $+Inf  }
0xb5: {  	v48 =	vld [tilespmem:s9+$0x2300];
	vm4 =	vmand vm4, vm5;
	vm5 =	veq.f32 v16, v15;
	vm7 =	vmand vm8, vm9  }
0xb6: {  	v51 =	vld [tilespmem:s9+$0x5300];
	vm1 =	vmor vm1, vm6;
	v30 =	vnsel vm14, $0x7F800000, v30;
	vm5 =	vmand vm5, vm10  }
0xb7: {  	v55 =	vld [tilespmem:s9+$0x1280];
	vm0 =	vmor vm0, vm4;
	vm2 =	vmor vm2, vm7;
	v12 =	vsel vm1, v19, v12  }
0xb8: {  	v59 =	vld [tilespmem:s9+$0x2380];
	v19 =	vsel vm1, v20, v21;
	vm7 =	vlt.f32 v29, $+Inf;
	v17 =	vsel vm0, v18, v17  }
0xb9: {  	v60 =	vld [tilespmem:s9+$0x3000];
	v18 =	vsel vm0, v10, v11;
	vm0 =	vmor vm3, vm5;
	v13 =	vsel vm2, v13, v14  }
0xba: {  	v20 =	vld [tilespmem:s9+$0x200];
	v14 =	vsel vm2, v23, v24;
	v15 =	vsel vm0, v16, v15;
	v16 =	vsel vm0, v25, v26  }
0xbb: {  	v27 =	vld [tilespmem:s9+$0x1100];
	s5 =	simm.s32 $0x0;
	vm0 =	vlt.f32 v17, v12;
	vm1 =	veq.f32 v17, v12;
	vm2 =	vlt.u32 v18, v19  }
0xbc: {  	v8 =	vld [tilespmem:s5+$0x11800];
	vm1 =	vmand vm1, vm2;
	vm2 =	veq.f32 v13, v15;
	vm3 =	vlt.u32 v14, v16  }
0xbd: {  	v22 =	vld [tilespmem:s9+$0x2000];
	vm0 =	vmor vm0, vm1;
	vm1 =	vlt.f32 v13, v15;
	vm2 =	vmand vm2, vm3  }
0xbe: {  	v12 =	vsel vm0, v17, v12;
	vm1 =	vmor vm1, vm2;
	v17 =	vsel vm0, v18, v19;
	v18 =	vld [tilespmem:s9+$0x100]  }
0xbf: {  	vm6 =	vlt.f32 v20, $+Inf;
	v13 =	vsel vm1, v13, v15;
	v14 =	vsel vm1, v14, v16;
	v15 =	vld [tilespmem:s9+$0x0]  }
0xc0: {  	v16 =	vld [tilespmem:s9+$0x80];
	v40 =	vnsel vm6, $0x7F800000, v20;
	vm0 =	veq.f32 v12, v13;
	vm1 =	vlt.u32 v17, v14  }
0xc1: {  	v9 =	vld [tilespmem:s5+$0x11400];
	vm2 =	vlt.f32 v12, v13;
	vm6 =	vlt.f32 v52, v40;
	vm0 =	vmand vm0, vm1  }
0xc2: {  	v38 =	vld [tilespmem:s9+$0x4380];
	v47 =	vsel vm6, $0xC, v4;
	v35 =	vsel vm6, v52, v40;
	vm1 =	vmor vm2, vm0  }
0xc3: {  	v21 =	vld [tilespmem:s9+$0x2080];
	vm0 =	vgt.f32 v8, $0.0e+00;
	v17 =	vsel vm1, v17, v14;
	vm4 =	vlt.f32 v18, $+Inf  }
0xc4: {  	v25 =	vld [tilespmem:s9+$0x1000];
	v13 =	vsel vm1, v12, v13;
	v19 =	vadd.s32 $0x80, v17;
	v28 =	vadd.s32 $0x140, v17  }
0xc5: {  	v26 =	vld [tilespmem:s9+$0x1080];
	v31 =	vadd.s32 $0x200, v17;
	vm2 =	vlt.f32 v15, $+Inf;
	vm3 =	vlt.f32 v16, $+Inf  }
0xc6: {  	v14 =	vld [tilespmem:s9+$0x180];
	v54 =	vnsel vm4, $0x7F800000, v18;
	v18 =	vadd.s32 $0x40, v17;
	v43 =	vadd.s32 $0x100, v17  }
0xc7: {  	v10 =	vld [tilespmem:s5+$0x10C00];
	vm1 =	vlt.f32 v13, $+Inf;
	v63 =	vnsel vm2, $0x7F800000, v15;
	vm2 =	vlt.f32 v61, $+Inf  }
0xc8: {  	v11 =	vld [tilespmem:s5+$0x11000];
	v53 =	vnsel vm3, $0x7F800000, v16;
	v15 =	vadd.s32 $0x180, v17;
	vm3 =	vgt.f32 v13, $+Inf  }
0xc9: {  	v23 =	vld [tilespmem:s9+$0x2100];
	v16 =	vadd.s32 $0x1C0, v17;
	vm4 =	vlt.f32 v25, v63;
	vm1 =	vmor vm3, vm1  }
0xca: {  	v24 =	vld [tilespmem:s9+$0x2180];
	vm3 =	vlt.f32 v26, v53;
	vm0 =	vmand vm1, vm0;
	v56 =	vsel vm4, $0x8, v0  }
0xcb: {  	v52 =	vld [tilespmem:s9+$0x3180];
	v57 =	vsel vm3, $0x9, v1;
	v25 =	vsel vm4, v25, v63;
	vm5 =	vlt.f32 v14, $+Inf  }
0xcc: {  	v26 =	vsel vm3, v26, v53;
	v19 =	vld.idx.msk [tilespmem:v19+s1+$0x0], $0xffff;
	v39 =	vnsel vm5, $0x7F800000, v14;
	vm5 =	vlt.f32 v27, v54  }
0xcd: {  	v28 =	vld.idx.msk [tilespmem:v28+s1+$0x0], $0xffff;
	vm1 =	vlt.f32 v62, v39;
	v45 =	vsel vm5, $0xA, v2;
	v27 =	vsel vm5, v27, v54  }
0xce: {  	v53 =	vld [tilespmem:s9+$0x3200];
	v46 =	vsel vm1, $0xB, v3;
	v33 =	vsel vm1, v62, v39;
	vm1 =	vlt.f32 v22, v25  }
0xcf: {  	v63 =	vld [tilespmem:s9+$0x4300];
	vm3 =	vlt.f32 v23, v27;
	vm4 =	vlt.f32 v24, v33;
	v32 =	vsel vm1, $0x10, v56  }
0xd0: {  	v12 =	vld.idx.msk [tilespmem:v17+s31+$0x0], $0xffff;
	v45 =	vsel vm3, $0x12, v45;
	v22 =	vsel vm1, v22, v25;
	v23 =	vsel vm3, v23, v27  }
0xd1: {  	v31 =	vld.idx.msk [tilespmem:v31+s1+$0x0], $0xffff;
	v46 =	vsel vm4, $0x13, v46;
	v24 =	vsel vm4, v24, v33;
	vm1 =	vlt.f32 v60, v22  }
0xd2: {  	v62 =	vld [tilespmem:s9+$0x3100];
	v19 =	vmul.f32 v10, v19;
	v20 =	vmul.f32 v11, v28;
	v28 =	vnsel vm7, $0x7F800000, v29  }
0xd3: {  	v14 =	vld.idx.msk [tilespmem:v17+s1+$0x0], $0xffff;
	v29 =	vadd.s32 $0xC0, v17;
	vm7 =	vlt.f32 v41, v30;
	vm4 =	vlt.f32 v52, v24  }
0xd4: {  	v25 =	vld [tilespmem:s9+$0x3300];
	v32 =	vsel vm1, $0x18, v32;
	v22 =	vsel vm1, v60, v22;
	v50 =	vsel vm7, $0xE, v6  }
0xd5: {  	v15 =	vld.idx.msk [tilespmem:v15+s1+$0x0], $0xffff;
	v30 =	vsel vm7, v41, v30;
	v46 =	vsel vm4, $0x1B, v46;
	v24 =	vsel vm4, v52, v24  }
0xd6: {  	v16 =	vld.idx.msk [tilespmem:v16+s1+$0x0], $0xffff;
	v17 =	vadd.f32 v20, v19;
	v19 =	vmul.f32 v9, v31;
	vm7 =	vlt.f32 v48, v30  }
0xd7: {  	v39 =	vld [tilespmem:s9+$0x5000];
	vm3 =	vlt.f32 v62, v23;
	v50 =	vsel vm7, $0x16, v50;
	v30 =	vsel vm7, v48, v30  }
0xd8: {  	v31 =	vld [tilespmem:s9+$0x2200];
	v45 =	vsel vm3, $0x1A, v45;
	v23 =	vsel vm3, v62, v23;
	v20 =	vadd.f32 v19, v17  }
0xd9: {  	vm7 =	vlt.f32 v25, v30;
	v19 =	vld.idx.msk [tilespmem:v29+s1+$0x0], $0xffff;
	v29 =	vnsel vm2, $0x7F800000, v61;
	vm2 =	vlt.f32 v55, v28  }
0xda: {  	v56 =	vld [tilespmem:s9+$0x4080];
	v50 =	vsel vm7, $0x1E, v50;
	v25 =	vsel vm7, v25, v30;
	v20 =	vsel vm0, v20, v9  }
0xdb: {  	v60 =	vld [tilespmem:s9+$0x5200];
	vm15 =	vlt.f32 v42, v29;
	v49 =	vsel vm2, $0xD, v5;
	v28 =	vsel vm2, v55, v28  }
0xdc: {  	v41 =	vld [tilespmem:s9+$0x5180];
	vm2 =	vlt.f32 v21, v26;
	vm7 =	vlt.f32 v63, v25;
	v58 =	vsel vm15, $0xF, v7  }
0xdd: {  	v61 =	vld [tilespmem:s9+$0x3080];
	v29 =	vsel vm15, v42, v29;
	vm5 =	vlt.f32 v31, v35;
	vm6 =	vlt.f32 v44, v28  }
0xde: {  	v55 =	vld [tilespmem:s9+$0x3280];
	v54 =	vsel vm2, $0x11, v57;
	v21 =	vsel vm2, v21, v26;
	v50 =	vsel vm7, $0x26, v50  }
0xdf: {  	v26 =	vld [tilespmem:s9+$0x3380];
	v63 =	vsel vm7, v63, v25;
	vm8 =	vlt.f32 v59, v29;
	v47 =	vsel vm5, $0x14, v47  }
0xe0: {  	v57 =	vld [tilespmem:s9+$0x4100];
	v49 =	vsel vm6, $0x15, v49;
	v27 =	vsel vm5, v31, v35;
	v28 =	vsel vm6, v44, v28  }
0xe1: {  	v31 =	vld [tilespmem:s9+$0x4000];
	vm7 =	vlt.f32 v51, v63;
	v34 =	vsel vm8, $0x17, v58;
	vm5 =	vlt.f32 v53, v27  }
0xe2: {  	v48 =	vld [tilespmem:s9+$0x4280];
	v29 =	vsel vm8, v59, v29;
	vm2 =	vlt.f32 v61, v21;
	v47 =	vsel vm5, $0x1C, v47  }
0xe3: {  	v58 =	vld [tilespmem:s9+$0x4180];
	v27 =	vsel vm5, v53, v27;
	vm6 =	vlt.f32 v55, v28;
	v42 =	vsel vm2, $0x19, v54  }
0xe4: {  	v59 =	vld [tilespmem:s9+$0x4200];
	v21 =	vsel vm2, v61, v21;
	vm8 =	vlt.f32 v26, v29;
	v49 =	vsel vm6, $0x1D, v49  }
0xe5: {  	v62 =	vld [tilespmem:s9+$0x5280];
	v28 =	vsel vm6, v55, v28;
	vm2 =	vlt.f32 v56, v21;
	vm3 =	vlt.f32 v57, v23  }
0xe6: {  	v30 =	vld [tilespmem:s9+$0x5100];
	v34 =	vsel vm8, $0x1F, v34;
	v26 =	vsel vm8, v26, v29;
	vm1 =	vlt.f32 v31, v22  }
0xe7: {  	v17 =	vld.idx.msk [tilespmem:v18+s1+$0x0], $0xffff;
	vm6 =	vlt.f32 v48, v28;
	v61 =	vsel vm2, $0x21, v42;
	v45 =	vsel vm3, $0x22, v45  }
0xe8: {  	v18 =	vld.idx.msk [tilespmem:v43+s1+$0x0], $0xffff;
	v33 =	vsel vm2, v56, v21;
	v53 =	vsel vm3, v57, v23;
	v42 =	vsel vm7, v51, v63  }
0xe9: {  	v25 =	vld [tilespmem:s9+$0x6200];
	vm4 =	vlt.f32 v58, v24;
	vm5 =	vlt.f32 v59, v27;
	vm8 =	vlt.f32 v38, v26  }
0xea: {  	v54 =	vld [tilespmem:s9+$0x5380];
	v32 =	vsel vm1, $0x20, v32;
	v31 =	vsel vm1, v31, v22;
	v49 =	vsel vm6, $0x25, v49  }
0xeb: {  	v29 =	vld [tilespmem:s9+$0x5080];
	v28 =	vsel vm6, v48, v28;
	vm3 =	vlt.f32 v30, v53;
	v46 =	vsel vm4, $0x23, v46  }
0xec: {  	v21 =	vld [tilespmem:s9+$0x6000];
	v47 =	vsel vm5, $0x24, v47;
	v52 =	vsel vm8, $0x27, v34;
	v55 =	vsel vm4, v58, v24  }
0xed: {  	v23 =	vld [tilespmem:s9+$0x6100];
	v56 =	vsel vm5, v59, v27;
	v57 =	vsel vm8, v38, v26;
	vm1 =	vlt.f32 v39, v31  }
0xee: {  	v22 =	vld [tilespmem:s9+$0x6080];
	vm6 =	vlt.f32 v62, v28;
	v36 =	vsel vm3, $0x2A, v45;
	v45 =	vsel vm7, $0x2E, v50  }
0xef: {  	v24 =	vld [tilespmem:s9+$0x6180];
	v40 =	vsel vm3, v30, v53;
	vm4 =	vlt.f32 v41, v55;
	vm5 =	vlt.f32 v60, v56  }
0xf0: {  	v26 =	vld [tilespmem:s9+$0x6280];
	vm8 =	vlt.f32 v54, v57;
	v34 =	vsel vm1, $0x28, v32;
	v31 =	vsel vm1, v39, v31  }
0xf1: {  	v27 =	vld [tilespmem:s9+$0x6300];
	v44 =	vsel vm6, $0x2D, v49;
	v37 =	vsel vm4, $0x2B, v46;
	v38 =	vsel vm5, $0x2C, v47  }
0xf2: {  	v30 =	vld [tilespmem:s9+$0x6380];
	v46 =	vsel vm8, $0x2F, v52;
	v41 =	vsel vm4, v41, v55;
	v32 =	vsel vm5, v60, v56  }
0xf3: {  	[tilespmem:s5+$0x13280] =	vst v20;
	v20 =	vld [tilespmem:s9+$0x7100];
	v43 =	vsel vm8, v54, v57;
	vm2 =	vlt.f32 v29, v33;
	vm1 =	vlt.f32 v21, v31  }
0xf4: {  	vm4 =	vlt.f32 v23, v40;
	v39 =	vsel vm2, v29, v33;
	v33 =	vsel vm6, v62, v28;
	v28 =	vld [tilespmem:s9+$0x7000]  }
0xf5: {  	s10 =	simm.s32 $0x40;
	s11 =	simm.s32 $0x80;
	v35 =	vsel vm2, $0x29, v61;
	v29 =	vld [tilespmem:s9+$0x7080];
	vm3 =	vlt.f32 v22, v39;
	vm2 =	vlt.f32 v24, v41  }
.LBB2_2:
0xf6: {  	p0 =	sne.s32 s11, $0x7C0;
	vm5 =	vlt.f32 v25, v32;
	vm6 =	vlt.f32 v26, v33;
	vm7 =	vlt.f32 v27, v42;
	v47 =	vld [tilespmem:s9+$0x7180]  }
0xf7: {  	v34 =	vsel vm1, $0x30, v34;
	v35 =	vsel vm3, $0x31, v35;
	vm8 =	vlt.f32 v30, v43;
	v48 =	vld [tilespmem:s9+$0x7200]  }
0xf8: {  	v36 =	vsel vm4, $0x32, v36;
	v37 =	vsel vm2, $0x33, v37;
	v38 =	vsel vm5, $0x34, v38;
	v49 =	vld [tilespmem:s9+$0x7280]  }
0xf9: {  	v44 =	vsel vm6, $0x35, v44;
	v45 =	vsel vm7, $0x36, v45;
	v46 =	vsel vm8, $0x37, v46;
	v50 =	vld [tilespmem:s9+$0x7300]  }
0xfa: {  	v21 =	vsel vm1, v21, v31;
	v22 =	vsel vm3, v22, v39;
	v23 =	vsel vm4, v23, v40;
	v31 =	vld [tilespmem:s9+$0x7380]  }
0xfb: {  	v39 =	vsel vm2, v24, v41;
	v32 =	vsel vm5, v25, v32;
	v33 =	vsel vm6, v26, v33;
	v24 =	vld [tilespmem:s5+$0x10000]  }
0xfc: {  	v27 =	vsel vm7, v27, v42;
	v30 =	vsel vm8, v30, v43;
	vm1 =	vlt.f32 v28, v21;
	v26 =	vld [tilespmem:s5+$0x10400]  }
0xfd: {  	vm2 =	vlt.f32 v29, v22;
	vm3 =	vlt.f32 v20, v23;
	vm4 =	vlt.f32 v47, v39;
	v25 =	vld [tilespmem:s5+$0x10800]  }
0xfe: {  	vm5 =	vlt.f32 v48, v32;
	vm6 =	vlt.f32 v49, v33;
	vm7 =	vlt.f32 v50, v27  }
0xff: {  	v21 =	vsel vm1, v28, v21;
	v22 =	vsel vm2, v29, v22;
	vm8 =	vlt.f32 v31, v30  }
0x100: {  	v20 =	vsel vm3, v20, v23;
	v23 =	vsel vm4, v47, v39;
	v28 =	vsel vm5, v48, v32  }
0x101: {  	v29 =	vsel vm6, v49, v33;
	v27 =	vsel vm7, v50, v27;
	v30 =	vsel vm8, v31, v30  }
0x102: {  	v32 =	vsel vm2, $0x39, v35;
	v33 =	vsel vm3, $0x3A, v36;
	v31 =	vsel vm1, $0x38, v34  }
0x103: {  	v35 =	vsel vm5, $0x3C, v38;
	v36 =	vsel vm6, $0x3D, v44;
	v34 =	vsel vm4, $0x3B, v37  }
0x104: {  	v37 =	vsel vm7, $0x3E, v45;
	v38 =	vsel vm8, $0x3F, v46;
	vm1 =	vlt.f32 v21, v22  }
0x105: {  	vm2 =	vlt.f32 v20, v23;
	vm3 =	vlt.f32 v28, v29;
	vm4 =	vlt.f32 v27, v30  }
0x106: {  	vm5 =	veq.f32 v21, v22;
	vm7 =	veq.f32 v20, v23;
	vm6 =	vlt.u32 v31, v32  }
0x107: {  	vm9 =	veq.f32 v28, v29;
	vm10 =	vlt.u32 v35, v36;
	vm8 =	vlt.u32 v33, v34  }
0x108: {  	s12 =	sshra.s32 s10, $0x2;
	s10 =	smov.u32 s11;
	vm11 =	vlt.u32 v37, v38;
	vm5 =	vmand vm5, vm6;
	vm6 =	veq.f32 v27, v30  }
0x109: {  	vm7 =	vmand vm7, vm8;
	vm8 =	vmand vm9, vm10;
	vm6 =	vmand vm6, vm11;
	v39 =	vld [tilespmem:s12+$0x11800]  }
0x10a: {  	s7 =	sadd.s32 $0x80, s7;
	s8 =	sadd.s32 $0x10, s8;
	vm1 =	vmor vm1, vm5;
	vm2 =	vmor vm2, vm7;
	vm3 =	vmor vm3, vm8;
	v40 =	vld [tilespmem:s12+$0x11400]  }
0x10b: {  	s14 =	sand.u32 $0xC00, s7;
	s9 =	sand.u32 $0x70, s8;
	v41 =	vsel vm1, v21, v22;
	v31 =	vsel vm1, v31, v32;
	vm1 =	vmor vm4, vm6;
	v32 =	vld [tilespmem:s12+$0x10C00]  }
0x10c: {  	s9 =	sor.u32 s9, s14;
	v42 =	vsel vm2, v20, v23;
	v33 =	vsel vm2, v33, v34;
	v29 =	vsel vm3, v28, v29;
	v34 =	vld [tilespmem:s12+$0x11000]  }
0x10d: {  	v35 =	vsel vm3, v35, v36;
	v30 =	vsel vm1, v27, v30;
	v36 =	vsel vm1, v37, v38;
	v20 =	vld [tilespmem:s9+$0x2000]  }
0x10e: {  	vm1 =	vlt.f32 v41, v42;
	vm2 =	veq.f32 v41, v42;
	vm3 =	vlt.u32 v31, v33;
	v21 =	vld [tilespmem:s9+$0x2080]  }
0x10f: {  	vm2 =	vmand vm2, vm3;
	vm3 =	veq.f32 v29, v30;
	vm4 =	vlt.u32 v35, v36;
	v22 =	vld [tilespmem:s9+$0x2100]  }
0x110: {  	vm1 =	vmor vm1, vm2;
	vm2 =	vlt.f32 v29, v30;
	vm3 =	vmand vm3, vm4;
	v23 =	vld [tilespmem:s9+$0x2180]  }
0x111: {  	v19 =	vmul.f32 v11, v19;
	v37 =	vsel vm1, v41, v42;
	vm2 =	vmor vm2, vm3;
	v27 =	vld [tilespmem:s9+$0x1000]  }
0x112: {  	v31 =	vsel vm1, v31, v33;
	v30 =	vsel vm2, v29, v30;
	v33 =	vsel vm2, v35, v36;
	v28 =	vld [tilespmem:s9+$0x1080]  }
0x113: {  	v17 =	vmul.f32 v10, v17;
	vm1 =	veq.f32 v37, v30;
	vm2 =	vlt.u32 v31, v33;
	v29 =	vld [tilespmem:s9+$0x1100]  }
0x114: {  	v18 =	vmul.f32 v11, v18;
	vm3 =	vlt.f32 v37, v30;
	vm1 =	vmand vm1, vm2;
	v35 =	vld [tilespmem:s9+$0x0]  }
0x115: {  	v14 =	vmul.f32 v10, v14;
	v15 =	vmul.f32 v9, v15;
	vm1 =	vmor vm3, vm1;
	v36 =	vld [tilespmem:s9+$0x80]  }
0x116: {  	v16 =	vmul.f32 v9, v16;
	v17 =	vadd.f32 v18, v17;
	v31 =	vsel vm1, v31, v33;
	v38 =	vld [tilespmem:s9+$0x100]  }
0x117: {  	v14 =	vadd.f32 v19, v14;
	v41 =	vmul.f32 v10, v13;
	v33 =	vadd.s32 $0x80, v31;
	v18 =	vld [tilespmem:s9+$0x180]  }
0x118: {  	v43 =	vmul.f32 v11, v13;
	v13 =	vmul.f32 v9, v13;
	v42 =	vadd.s32 $0x140, v31;
	v9 =	vmovc v40;
	v19 =	vld [tilespmem:s9+$0x200]  }
0x119: {  	v12 =	vmul.f32 v8, v12;
	v14 =	vadd.f32 v15, v14;
	v15 =	vadd.f32 v16, v17;
	v40 =	vld [tilespmem:s9+$0x280]  }
0x11a: {  	v43 =	vadd.f32 v43, v26;
	v41 =	vadd.f32 v41, v24;
	v17 =	vadd.s32 $0x200, v31;
	v16 =	vld [tilespmem:s9+$0x300]  }
0x11b: {  	v14 =	vsel vm0, v14, v10;
	v15 =	vsel vm0, v15, v11;
	v45 =	vadd.f32 v13, v25;
	v10 =	vmovc v32;
	v44 =	vld [tilespmem:s9+$0x380]  }
0x11c: {  	v12 =	vsel vm0, v12, v8;
	v26 =	vsel vm0, v43, v26;
	v24 =	vsel vm0, v41, v24;
	v13 =	vld.idx.msk [tilespmem:v33+s1+$0x0], $0xffff  }
0x11d: {  	vm2 =	vgt.f32 v39, $0.0e+00;
	v8 =	vmovc v39;
	v11 =	vmov v34;
	v32 =	vld.idx.msk [tilespmem:v42+s1+$0x0], $0xffff;
	[tilespmem:s5+$0x12A80] =	vst v14;
	v14 =	vsel vm0, v45, v25  }
0x11e: {  	vm4 =	vlt.f32 v36, $+Inf;
	vm5 =	vlt.f32 v38, $+Inf;
	vm0 =	vlt.f32 v35, $+Inf;
	v25 =	vld [tilespmem:s9+$0x1180];
	[tilespmem:s5+$0x12E80] =	vst v15  }
0x11f: {  	vm6 =	vlt.f32 v18, $+Inf;
	vm7 =	vlt.f32 v19, $+Inf;
	vm8 =	vlt.f32 v40, $+Inf;
	v15 =	vld.idx.msk [tilespmem:v17+s1+$0x0], $0xffff;
	[tilespmem:s5+$0x13680] =	vst v12  }
0x120: {  	v33 =	vnsel vm0, $0x7F800000, v35;
	vm0 =	vlt.f32 v16, $+Inf;
	vm3 =	vlt.f32 v44, $+Inf;
	v34 =	vld [tilespmem:s9+$0x1200];
	[tilespmem:s5+$0x11E80] =	vst v24  }
0x121: {  	v35 =	vnsel vm5, $0x7F800000, v38;
	v17 =	vadd.s32 $0x180, v31;
	v24 =	vnsel vm4, $0x7F800000, v36;
	v36 =	vld [tilespmem:s9+$0x1280];
	[tilespmem:s5+$0x12280] =	vst v26  }
0x122: {  	v38 =	vnsel vm7, $0x7F800000, v19;
	v26 =	vnsel vm6, $0x7F800000, v18;
	v18 =	vadd.s32 $0x1C0, v31;
	v39 =	vld [tilespmem:s9+$0x1300];
	[tilespmem:s5+$0x12680] =	vst v14;
	s5 =	smov.u32 s12  }
0x123: {  	v19 =	vadd.s32 $0x40, v31;
	v42 =	vmul.f32 v10, v13;
	v32 =	vmul.f32 v11, v32;
	v41 =	vld [tilespmem:s9+$0x1380]  }
0x124: {  	v40 =	vnsel vm8, $0x7F800000, v40;
	v13 =	vsel vm1, v37, v30;
	v30 =	vadd.s32 $0xC0, v31;
	v12 =	vld.idx.msk [tilespmem:v31+s31+$0x0], $0xffff  }
0x125: {  	v32 =	vadd.f32 v32, v42;
	v37 =	vmul.f32 v9, v15;
	v14 =	vld.idx.msk [tilespmem:v31+s1+$0x0], $0xffff;
	v31 =	vadd.s32 $0x100, v31  }
0x126: {  	vm4 =	vgt.f32 v13, $+Inf;
	v42 =	vnsel vm0, $0x7F800000, v16;
	vm0 =	vlt.f32 v13, $+Inf;
	v15 =	vld.idx.msk [tilespmem:v17+s1+$0x0], $0xffff  }
0x127: {  	vm1 =	vlt.f32 v27, v33;
	vm0 =	vmor vm4, vm0;
	v16 =	vld.idx.msk [tilespmem:v18+s1+$0x0], $0xffff;
	v18 =	vadd.f32 v37, v32  }
0x128: {  	vm5 =	vlt.f32 v29, v35;
	vm4 =	vlt.f32 v28, v24;
	vm0 =	vmand vm0, vm2;
	v17 =	vld.idx.msk [tilespmem:v19+s1+$0x0], $0xffff  }
0x129: {  	vm6 =	vlt.f32 v34, v38;
	vm2 =	vlt.f32 v25, v26;
	v19 =	vld.idx.msk [tilespmem:v30+s1+$0x0], $0xffff;
	v30 =	vsel vm0, v18, v9  }
0x12a: {  	v32 =	vnsel vm3, $0x7F800000, v44;
	vm3 =	vlt.f32 v36, v40;
	vm7 =	vlt.f32 v39, v42;
	v18 =	vld.idx.msk [tilespmem:v31+s1+$0x0], $0xffff;
	[tilespmem:s5+$0x13280] =	vst v30  }
0x12b: {  	v37 =	vsel vm4, $0x9, v1;
	vm8 =	vlt.f32 v41, v32;
	v31 =	vsel vm1, $0x8, v0;
	v30 =	vld [tilespmem:s9+$0x2200]  }
0x12c: {  	v46 =	vsel vm6, $0xC, v4;
	v44 =	vsel vm5, $0xA, v2;
	v45 =	vsel vm2, $0xB, v3;
	v43 =	vld [tilespmem:s9+$0x2280]  }
0x12d: {  	v48 =	vsel vm3, $0xD, v5;
	v49 =	vsel vm7, $0xE, v6;
	v50 =	vsel vm8, $0xF, v7;
	v47 =	vld [tilespmem:s9+$0x2300]  }
0x12e: {  	v27 =	vsel vm1, v27, v33;
	v24 =	vsel vm4, v28, v24;
	v28 =	vsel vm5, v29, v35;
	v29 =	vld [tilespmem:s9+$0x2380]  }
0x12f: {  	v25 =	vsel vm2, v25, v26;
	v26 =	vsel vm6, v34, v38;
	v33 =	vsel vm3, v36, v40;
	v34 =	vld [tilespmem:s9+$0x3000]  }
0x130: {  	v35 =	vsel vm7, v39, v42;
	v32 =	vsel vm8, v41, v32;
	vm1 =	vlt.f32 v20, v27;
	v36 =	vld [tilespmem:s9+$0x3080]  }
0x131: {  	vm2 =	vlt.f32 v21, v24;
	vm3 =	vlt.f32 v22, v28;
	vm4 =	vlt.f32 v23, v25;
	v38 =	vld [tilespmem:s9+$0x3100]  }
0x132: {  	vm5 =	vlt.f32 v30, v26;
	vm6 =	vlt.f32 v43, v33;
	vm7 =	vlt.f32 v47, v35;
	v39 =	vld [tilespmem:s9+$0x3180]  }
0x133: {  	v37 =	vsel vm2, $0x11, v37;
	v31 =	vsel vm1, $0x10, v31;
	vm8 =	vlt.f32 v29, v32;
	v40 =	vld [tilespmem:s9+$0x3200]  }
0x134: {  	v42 =	vsel vm3, $0x12, v44;
	v44 =	vsel vm4, $0x13, v45;
	v45 =	vsel vm5, $0x14, v46;
	v41 =	vld [tilespmem:s9+$0x3280]  }
0x135: {  	v48 =	vsel vm6, $0x15, v48;
	v49 =	vsel vm7, $0x16, v49;
	v50 =	vsel vm8, $0x17, v50;
	v46 =	vld [tilespmem:s9+$0x3300]  }
0x136: {  	v21 =	vsel vm2, v21, v24;
	v22 =	vsel vm3, v22, v28;
	v20 =	vsel vm1, v20, v27;
	v24 =	vld [tilespmem:s9+$0x3380]  }
0x137: {  	v23 =	vsel vm4, v23, v25;
	v25 =	vsel vm5, v30, v26;
	v26 =	vsel vm6, v43, v33;
	v27 =	vld [tilespmem:s9+$0x4000]  }
0x138: {  	v28 =	vsel vm7, v47, v35;
	v29 =	vsel vm8, v29, v32;
	vm1 =	vlt.f32 v34, v20;
	v30 =	vld [tilespmem:s9+$0x4080]  }
0x139: {  	vm2 =	vlt.f32 v36, v21;
	vm3 =	vlt.f32 v38, v22;
	vm4 =	vlt.f32 v39, v23;
	v32 =	vld [tilespmem:s9+$0x4100]  }
0x13a: {  	vm5 =	vlt.f32 v40, v25;
	vm6 =	vlt.f32 v41, v26;
	vm7 =	vlt.f32 v46, v28;
	v33 =	vld [tilespmem:s9+$0x4180]  }
0x13b: {  	v31 =	vsel vm1, $0x18, v31;
	v37 =	vsel vm2, $0x19, v37;
	vm8 =	vlt.f32 v24, v29;
	v35 =	vld [tilespmem:s9+$0x4200]  }
0x13c: {  	v42 =	vsel vm3, $0x1A, v42;
	v44 =	vsel vm4, $0x1B, v44;
	v45 =	vsel vm5, $0x1C, v45;
	v43 =	vld [tilespmem:s9+$0x4280]  }
0x13d: {  	v48 =	vsel vm6, $0x1D, v48;
	v49 =	vsel vm7, $0x1E, v49;
	v50 =	vsel vm8, $0x1F, v50;
	v47 =	vld [tilespmem:s9+$0x4300]  }
0x13e: {  	v20 =	vsel vm1, v34, v20;
	v21 =	vsel vm2, v36, v21;
	v22 =	vsel vm3, v38, v22;
	v34 =	vld [tilespmem:s9+$0x4380]  }
0x13f: {  	v23 =	vsel vm4, v39, v23;
	v25 =	vsel vm5, v40, v25;
	v26 =	vsel vm6, v41, v26;
	v39 =	vld [tilespmem:s9+$0x5000]  }
0x140: {  	v28 =	vsel vm7, v46, v28;
	v24 =	vsel vm8, v24, v29;
	vm1 =	vlt.f32 v27, v20;
	v29 =	vld [tilespmem:s9+$0x5080]  }
0x141: {  	vm2 =	vlt.f32 v30, v21;
	vm3 =	vlt.f32 v32, v22;
	vm4 =	vlt.f32 v33, v23;
	v40 =	vld [tilespmem:s9+$0x5100]  }
0x142: {  	vm5 =	vlt.f32 v35, v25;
	vm6 =	vlt.f32 v43, v26;
	vm7 =	vlt.f32 v47, v28;
	v41 =	vld [tilespmem:s9+$0x5180]  }
0x143: {  	v31 =	vsel vm1, $0x20, v31;
	v36 =	vsel vm2, $0x21, v37;
	vm8 =	vlt.f32 v34, v24;
	v51 =	vld [tilespmem:s9+$0x5200]  }
0x144: {  	v37 =	vsel vm3, $0x22, v42;
	v38 =	vsel vm4, $0x23, v44;
	v42 =	vsel vm5, $0x24, v45;
	v52 =	vld [tilespmem:s9+$0x5280]  }
0x145: {  	v44 =	vsel vm6, $0x25, v48;
	v45 =	vsel vm7, $0x26, v49;
	v46 =	vsel vm8, $0x27, v50;
	v53 =	vld [tilespmem:s9+$0x5300]  }
0x146: {  	v20 =	vsel vm1, v27, v20;
	v30 =	vsel vm2, v30, v21;
	v32 =	vsel vm3, v32, v22;
	v48 =	vld [tilespmem:s9+$0x5380]  }
0x147: {  	v33 =	vsel vm4, v33, v23;
	v43 =	vsel vm6, v43, v26;
	v49 =	vsel vm5, v35, v25;
	v21 =	vld [tilespmem:s9+$0x6000]  }
0x148: {  	v47 =	vsel vm7, v47, v28;
	v50 =	vsel vm8, v34, v24;
	vm1 =	vlt.f32 v39, v20;
	v22 =	vld [tilespmem:s9+$0x6080]  }
0x149: {  	vm2 =	vlt.f32 v29, v30;
	vm3 =	vlt.f32 v40, v32;
	vm4 =	vlt.f32 v41, v33;
	v23 =	vld [tilespmem:s9+$0x6100]  }
0x14a: {  	vm5 =	vlt.f32 v51, v49;
	vm6 =	vlt.f32 v52, v43;
	vm7 =	vlt.f32 v53, v47;
	v24 =	vld [tilespmem:s9+$0x6180]  }
0x14b: {  	v34 =	vsel vm1, $0x28, v31;
	v35 =	vsel vm2, $0x29, v36;
	vm8 =	vlt.f32 v48, v50;
	v25 =	vld [tilespmem:s9+$0x6200]  }
0x14c: {  	v36 =	vsel vm3, $0x2A, v37;
	v37 =	vsel vm4, $0x2B, v38;
	v38 =	vsel vm5, $0x2C, v42;
	v26 =	vld [tilespmem:s9+$0x6280]  }
.Ltmp0:
0x14d: {  	v44 =	vsel vm6, $0x2D, v44;
	v45 =	vsel vm7, $0x2E, v45;
	v46 =	vsel vm8, $0x2F, v46;
	v27 =	vld [tilespmem:s9+$0x6300];
	(pc) =	sbr.rel @p0 .LBB2_2-.Ltmp0, $4  }
0x14e: {  	v31 =	vsel vm1, v39, v20;
	v39 =	vsel vm2, v29, v30;
	v40 =	vsel vm3, v40, v32;
	v30 =	vld [tilespmem:s9+$0x6380]  }
0x14f: {  	v41 =	vsel vm4, v41, v33;
	v32 =	vsel vm5, v51, v49;
	v33 =	vsel vm6, v52, v43;
	v28 =	vld [tilespmem:s9+$0x7000]  }
0x150: {  	v42 =	vsel vm7, v53, v47;
	v43 =	vsel vm8, v48, v50;
	vm1 =	vlt.f32 v21, v31;
	v29 =	vld [tilespmem:s9+$0x7080]  }
0x151: {  	s11 =	sadd.s32 $0x40, s11;
	vm3 =	vlt.f32 v22, v39;
	vm4 =	vlt.f32 v23, v40;
	vm2 =	vlt.f32 v24, v41;
	v20 =	vld [tilespmem:s9+$0x7100]  }
0x152: {  	vm5 =	vlt.f32 v25, v32;
	vm6 =	vlt.f32 v26, v33;
	vm7 =	vlt.f32 v27, v42  }
0x153: {  	v47 =	vld [tilespmem:s9+$0x7180];
	v34 =	vsel vm1, $0x30, v34;
	v35 =	vsel vm3, $0x31, v35;
	v36 =	vsel vm4, $0x32, v36  }
0x154: {  	v48 =	vld [tilespmem:s9+$0x7200];
	v37 =	vsel vm2, $0x33, v37;
	v21 =	vsel vm1, v21, v31;
	v22 =	vsel vm3, v22, v39  }
0x155: {  	v49 =	vld [tilespmem:s9+$0x7280];
	v23 =	vsel vm4, v23, v40;
	v24 =	vsel vm2, v24, v41;
	vm8 =	vlt.f32 v30, v43  }
0x156: {  	v50 =	vld [tilespmem:s9+$0x7300];
	v38 =	vsel vm5, $0x34, v38;
	v44 =	vsel vm6, $0x35, v44;
	v45 =	vsel vm7, $0x36, v45  }
0x157: {  	v31 =	vld [tilespmem:s9+$0x7380];
	v25 =	vsel vm5, v25, v32;
	v26 =	vsel vm6, v26, v33;
	v27 =	vsel vm7, v27, v42  }
0x158: {  	v46 =	vsel vm8, $0x37, v46;
	v30 =	vsel vm8, v30, v43;
	vm1 =	vlt.f32 v28, v21  }
0x159: {  	vm2 =	vlt.f32 v29, v22;
	v21 =	vsel vm1, v28, v21;
	v28 =	vsel vm1, $0x38, v34  }
0x15a: {  	vm3 =	vlt.f32 v20, v23;
	v22 =	vsel vm2, v29, v22;
	v29 =	vsel vm2, $0x39, v35  }
0x15b: {  	vm4 =	vlt.f32 v47, v24;
	vm5 =	vlt.f32 v48, v25;
	vm6 =	vlt.f32 v49, v26  }
0x15c: {  	vm7 =	vlt.f32 v50, v27;
	vm8 =	vlt.f32 v31, v30;
	v20 =	vsel vm3, v20, v23  }
0x15d: {  	vm1 =	vlt.f32 v21, v22;
	v23 =	vsel vm4, v47, v24;
	v24 =	vsel vm5, v48, v25  }
0x15e: {  	v25 =	vsel vm6, v49, v26;
	v26 =	vsel vm7, v50, v27;
	v27 =	vsel vm8, v31, v30  }
0x15f: {  	v30 =	vsel vm3, $0x3A, v36;
	v31 =	vsel vm4, $0x3B, v37;
	v55 =	vsel vm5, $0x3C, v38  }
0x160: {  	v56 =	vsel vm6, $0x3D, v44;
	v57 =	vsel vm7, $0x3E, v45;
	v58 =	vsel vm8, $0x3F, v46  }
0x161: {  	vm5 =	veq.f32 v21, v22;
	vm6 =	vlt.u32 v28, v29;
	vm2 =	vlt.f32 v20, v23  }
0x162: {  	vm3 =	vlt.f32 v24, v25;
	vm4 =	vlt.f32 v26, v27;
	vm7 =	veq.f32 v20, v23  }
0x163: {  	vm13 =	vlt.u32 v30, v31;
	vm9 =	veq.f32 v24, v25;
	vm10 =	vlt.u32 v55, v56  }
0x164: {  	vm5 =	vmand vm5, vm6;
	vm6 =	veq.f32 v26, v27;
	vm11 =	vlt.u32 v57, v58  }
0x165: {  	vm7 =	vmand vm7, vm13;
	vm14 =	vmand vm9, vm10;
	vm6 =	vmand vm6, vm11  }
0x166: {  	vm1 =	vmor vm1, vm5;
	vm2 =	vmor vm2, vm7;
	vm3 =	vmor vm3, vm14  }
0x167: {  	v21 =	vsel vm1, v21, v22;
	v22 =	vsel vm1, v28, v29;
	vm1 =	vmor vm4, vm6  }
0x168: {  	v20 =	vsel vm2, v20, v23;
	v23 =	vsel vm2, v30, v31;
	v24 =	vsel vm3, v24, v25  }
0x169: {  	v25 =	vsel vm3, v55, v56;
	v26 =	vsel vm1, v26, v27;
	v27 =	vsel vm1, v57, v58  }
0x16a: {  	vm1 =	vlt.f32 v21, v20;
	vm2 =	veq.f32 v21, v20;
	vm3 =	vlt.u32 v22, v23  }
0x16b: {  	vm4 =	vlt.u32 v25, v27;
	vm2 =	vmand vm2, vm3;
	vm3 =	veq.f32 v24, v26  }
0x16c: {  	vm1 =	vmor vm1, vm2;
	vm2 =	vlt.f32 v24, v26;
	vm3 =	vmand vm3, vm4  }
0x16d: {  	v20 =	vsel vm1, v21, v20;
	vm2 =	vmor vm2, vm3  }
0x16e: {  	v21 =	vsel vm1, v22, v23;
	v22 =	vsel vm2, v24, v26;
	v23 =	vsel vm2, v25, v27  }
0x16f: {  	vm1 =	veq.f32 v20, v22;
	vm2 =	vlt.u32 v21, v23  }
0x170: {  	s7 =	sshra.s32 s10, $0x2;
	vm3 =	vlt.f32 v20, v22;
	vm1 =	vmand vm1, vm2  }
0x171: {  	v59 =	vld [tilespmem:s7+$0x11000];
	vm1 =	vmor vm3, vm1  }
0x172: {  	v29 =	vld [tilespmem:s7+$0x11400];
	v21 =	vsel vm1, v21, v23  }
0x173: {  	v31 =	vld [tilespmem:s7+$0x10C00];
	v26 =	vadd.s32 $0x80, v21  }
0x174: {  	v17 =	vmul.f32 v10, v17;
	v18 =	vmul.f32 v11, v18;
	v24 =	vld [tilespmem:s5+$0x10000];
	v28 =	vadd.s32 $0x140, v21  }
0x175: {  	v19 =	vmul.f32 v11, v19;
	v14 =	vmul.f32 v10, v14;
	v25 =	vld [tilespmem:s5+$0x10400];
	v30 =	vadd.s32 $0x200, v21  }
0x176: {  	v15 =	vmul.f32 v9, v15;
	v16 =	vmul.f32 v9, v16;
	v27 =	vld [tilespmem:s7+$0x11800]  }
0x177: {  	v62 =	vmul.f32 v10, v13;
	v63 =	vmul.f32 v11, v13;
	v23 =	vld [tilespmem:s5+$0x10800];
	v60 =	vadd.s32 $0x40, v21  }
0x178: {  	v17 =	vadd.f32 v18, v17;
	v14 =	vadd.f32 v19, v14;
	v61 =	vadd.s32 $0xC0, v21;
	v26 =	vld.idx.msk [tilespmem:v26+s1+$0x0], $0xffff  }
0x179: {  	v9 =	vmul.f32 v9, v13;
	v12 =	vmul.f32 v8, v12;
	v18 =	vld.idx.msk [tilespmem:v28+s1+$0x0], $0xffff;
	v28 =	vadd.s32 $0x100, v21  }
0x17a: {  	v13 =	vadd.f32 v15, v14;
	v14 =	vadd.f32 v16, v17;
	v19 =	vld.idx.msk [tilespmem:v30+s1+$0x0], $0xffff;
	v30 =	vadd.s32 $0x180, v21  }
0x17b: {  	v41 =	vld.idx.msk [tilespmem:v21+s1+$0x0], $0xffff  }
0x17c: {  	v8 =	vsel vm0, v12, v8;
	v10 =	vsel vm0, v13, v10;
	v11 =	vsel vm0, v14, v11;
	v15 =	vld.idx.msk [tilespmem:v60+s1+$0x0], $0xffff  }
0x17d: {  	[tilespmem:s5+$0x13680] =	vst v8;
	v20 =	vsel vm1, v20, v22;
	v40 =	vadd.s32 $0x1C0, v21;
	v16 =	vadd.f32 v62, v24;
	v42 =	vld.idx.msk [tilespmem:v61+s1+$0x0], $0xffff  }
0x17e: {  	[tilespmem:s5+$0x12A80] =	vst v10;
	v17 =	vadd.f32 v63, v25;
	vm1 =	vlt.f32 v20, $+Inf;
	vm3 =	vgt.f32 v20, $+Inf;
	v13 =	vld.idx.msk [tilespmem:v28+s1+$0x0], $0xffff  }
0x17f: {  	v14 =	vsel vm0, v16, v24;
	v16 =	vmul.f32 v31, v26;
	v18 =	vmul.f32 v59, v18;
	v24 =	vld.idx.msk [tilespmem:v30+s1+$0x0], $0xffff  }
0x180: {  	[tilespmem:s5+$0x12E80] =	vst v11;
	vm2 =	vgt.f32 v27, $0.0e+00;
	vm1 =	vmor vm3, vm1;
	v9 =	vadd.f32 v9, v23  }
0x181: {  	v17 =	vsel vm0, v17, v25;
	v11 =	vld.idx.msk [tilespmem:v21+s31+$0x0], $0xffff;
	v16 =	vadd.f32 v18, v16;
	v18 =	vmul.f32 v29, v19  }
0x182: {  	v12 =	vld.idx.msk [tilespmem:v40+s1+$0x0], $0xffff;
	v9 =	vsel vm0, v9, v23;
	v10 =	vmul.f32 v59, v42;
	v19 =	vmul.f32 v31, v41  }
0x183: {  	v8 =	vld [tilespmem:s7+$0x10000];
	[tilespmem:s5+$0x11E80] =	vst v14;
	vm0 =	vmand vm1, vm2;
	v15 =	vmul.f32 v31, v15;
	v14 =	vadd.f32 v18, v16  }
0x184: {  	v10 =	vadd.f32 v10, v19;
	v13 =	vmul.f32 v59, v13;
	v21 =	vmul.f32 v29, v24  }
0x185: {  	[tilespmem:s5+$0x12680] =	vst v9;
	v16 =	vld [tilespmem:s7+$0x10400];
	v9 =	vsel vm0, v14, v29  }
0x186: {  	v14 =	vmul.f32 v31, v20;
	v13 =	vadd.f32 v13, v15;
	v15 =	vld [tilespmem:s7+$0x10800];
	v10 =	vadd.f32 v21, v10  }
0x187: {  	[tilespmem:s5+$0x12280] =	vst v17;
	v11 =	vmul.f32 v27, v11;
	v12 =	vmul.f32 v29, v12  }
0x188: {  	[tilespmem:s7+$0x13280] =	vst v9;
	v9 =	vmul.f32 v59, v20;
	v14 =	vadd.f32 v14, v8;
	v10 =	vsel vm0, v10, v31  }
0x189: {  	v12 =	vadd.f32 v12, v13;
	v13 =	vmul.f32 v29, v20;
	[tilespmem:s7+$0x12A80] =	vst v10;
	v10 =	vsel vm0, v11, v27  }
0x18a: {  	v9 =	vadd.f32 v9, v16;
	v8 =	vsel vm0, v14, v8;
	[tilespmem:s7+$0x13680] =	vst v10  }
0x18b: {  	v12 =	vsel vm0, v12, v59;
	[tilespmem:s7+$0x11E80] =	vst v8;
	v11 =	vadd.f32 v13, v15  }
0x18c: {  	v9 =	vsel vm0, v9, v16;
	[tilespmem:s7+$0x12E80] =	vst v12  }
0x18d: {  	[tilespmem:s7+$0x12280] =	vst v9;
	v8 =	vsel vm0, v11, v15  }
0x18e: {  	[tilespmem:s7+$0x12680] =	vst v8  }
0x18f: {  	s10 =	simm.s32 $0x0;
	_ =	swait.ge [sflag:s3], $0x8000  }
0x190: {  	s11 =	sand.u32 $0x70, s10;
	s5 =	sand.u32 $0xC00, s10;
	[sflag:s3] =	ssyncset.done $0x0  }
0x191: {  	s5 =	sor.u32 s11, s5;
	[sflag:s3] =	ssyncadd.s32 $0xFFFF8000  }
0x192: {  	v8 =	vld [tilespmem:s5+$0x9000]  }
0x193: {  	v9 =	vld [tilespmem:s5+$0x9080]  }
0x194: {  	v10 =	vld [tilespmem:s5+$0x9100]  }
0x195: {  	v11 =	vld [tilespmem:s5+$0x8000]  }
0x196: {  	v12 =	vld [tilespmem:s5+$0x8080]  }
0x197: {  	v13 =	vld [tilespmem:s5+$0x8100]  }
0x198: {  	v14 =	vld [tilespmem:s5+$0x8180]  }
0x199: {  	v15 =	vld [tilespmem:s5+$0x8200]  }
0x19a: {  	v16 =	vld [tilespmem:s5+$0x8280]  }
0x19b: {  	v18 =	vld [tilespmem:s5+$0x8380]  }
0x19c: {  	v17 =	vld [tilespmem:s5+$0x8300]  }
0x19d: {  	v19 =	vld [tilespmem:s5+$0x9180]  }
0x19e: {  	v20 =	vld [tilespmem:s5+$0x9200];
	vm0 =	vlt.f32 v11, $+Inf;
	vm1 =	vlt.f32 v12, $+Inf  }
0x19f: {  	v21 =	vld [tilespmem:s5+$0x9280];
	vm2 =	vlt.f32 v13, $+Inf;
	vm3 =	vlt.f32 v14, $+Inf;
	vm4 =	vlt.f32 v15, $+Inf  }
0x1a0: {  	v23 =	vld [tilespmem:s5+$0x9380];
	vm5 =	vlt.f32 v16, $+Inf;
	vm6 =	vlt.f32 v18, $+Inf;
	v11 =	vnsel vm0, $0x7F800000, v11  }
0x1a1: {  	v22 =	vld [tilespmem:s5+$0x9300];
	vm0 =	vlt.f32 v17, $+Inf;
	v12 =	vnsel vm1, $0x7F800000, v12;
	v13 =	vnsel vm2, $0x7F800000, v13  }
0x1a2: {  	v24 =	vld [tilespmem:s5+$0xA000];
	v14 =	vnsel vm3, $0x7F800000, v14;
	v15 =	vnsel vm4, $0x7F800000, v15;
	v16 =	vnsel vm5, $0x7F800000, v16  }
0x1a3: {  	v25 =	vld [tilespmem:s5+$0xA080];
	v18 =	vnsel vm6, $0x7F800000, v18;
	v17 =	vnsel vm0, $0x7F800000, v17;
	vm0 =	vlt.f32 v8, v11  }
0x1a4: {  	v26 =	vld [tilespmem:s5+$0xA100];
	vm1 =	vlt.f32 v9, v12;
	vm2 =	vlt.f32 v10, v13;
	vm3 =	vlt.f32 v19, v14  }
0x1a5: {  	v27 =	vld [tilespmem:s5+$0xA180];
	vm4 =	vlt.f32 v20, v15;
	vm5 =	vlt.f32 v21, v16;
	vm7 =	vlt.f32 v23, v18  }
0x1a6: {  	v28 =	vld [tilespmem:s5+$0xA200];
	vm6 =	vlt.f32 v22, v17;
	v29 =	vsel vm0, $0x8, v0;
	v30 =	vsel vm1, $0x9, v1  }
0x1a7: {  	v31 =	vld [tilespmem:s5+$0xA280];
	v43 =	vsel vm2, $0xA, v2;
	v44 =	vsel vm3, $0xB, v3;
	v45 =	vsel vm4, $0xC, v4  }
0x1a8: {  	v46 =	vld [tilespmem:s5+$0xA300];
	v47 =	vsel vm5, $0xD, v5;
	v49 =	vsel vm7, $0xF, v7;
	v8 =	vsel vm0, v8, v11  }
0x1a9: {  	v52 =	vld [tilespmem:s5+$0xB300];
	v9 =	vsel vm1, v9, v12;
	v10 =	vsel vm2, v10, v13;
	v12 =	vsel vm3, v19, v14  }
0x1aa: {  	v53 =	vld [tilespmem:s5+$0xC300];
	v13 =	vsel vm4, v20, v15;
	v14 =	vsel vm5, v21, v16;
	v48 =	vsel vm6, $0xE, v6  }
0x1ab: {  	v11 =	vld [tilespmem:s5+$0xA380];
	v16 =	vsel vm6, v22, v17;
	v17 =	vsel vm7, v23, v18;
	vm0 =	vlt.f32 v24, v8  }
0x1ac: {  	v15 =	vld [tilespmem:s5+$0xB000];
	vm1 =	vlt.f32 v25, v9;
	vm2 =	vlt.f32 v26, v10;
	vm3 =	vlt.f32 v27, v12  }
0x1ad: {  	v19 =	vld [tilespmem:s5+$0xB100];
	vm4 =	vlt.f32 v28, v13;
	vm5 =	vlt.f32 v31, v14;
	vm6 =	vlt.f32 v46, v16  }
0x1ae: {  	v20 =	vld [tilespmem:s5+$0xB180];
	v22 =	vsel vm0, $0x10, v29;
	v23 =	vsel vm1, $0x11, v30;
	v30 =	vsel vm2, $0x12, v43  }
0x1af: {  	v21 =	vld [tilespmem:s5+$0xB200];
	v50 =	vsel vm3, $0x13, v44;
	v51 =	vsel vm4, $0x14, v45;
	v36 =	vsel vm5, $0x15, v47  }
0x1b0: {  	v18 =	vld [tilespmem:s5+$0xB080];
	v8 =	vsel vm0, v24, v8;
	v9 =	vsel vm1, v25, v9;
	v10 =	vsel vm2, v26, v10  }
0x1b1: {  	v29 =	vld [tilespmem:s5+$0xB280];
	v12 =	vsel vm3, v27, v12;
	v13 =	vsel vm4, v28, v13;
	v16 =	vsel vm6, v46, v16  }
0x1b2: {  	v24 =	vld [tilespmem:s5+$0xB380];
	v14 =	vsel vm5, v31, v14;
	v37 =	vsel vm6, $0x16, v48;
	vm6 =	vlt.f32 v52, v16  }
0x1b3: {  	v25 =	vld [tilespmem:s5+$0xC000];
	vm7 =	vlt.f32 v11, v17;
	vm0 =	vlt.f32 v15, v8;
	vm2 =	vlt.f32 v19, v10  }
0x1b4: {  	v26 =	vld [tilespmem:s5+$0xC100];
	vm3 =	vlt.f32 v20, v12;
	vm4 =	vlt.f32 v21, v13;
	v37 =	vsel vm6, $0x1E, v37  }
0x1b5: {  	v27 =	vld [tilespmem:s5+$0xC180];
	v16 =	vsel vm6, v52, v16;
	v38 =	vsel vm7, $0x17, v49;
	v11 =	vsel vm7, v11, v17  }
0x1b6: {  	v28 =	vld [tilespmem:s5+$0xC200];
	vm1 =	vlt.f32 v18, v9;
	v22 =	vsel vm0, $0x18, v22;
	v30 =	vsel vm2, $0x1A, v30  }
0x1b7: {  	v32 =	vsel vm3, $0x1B, v50;
	v33 =	vsel vm4, $0x1C, v51;
	v8 =	vsel vm0, v15, v8  }
0x1b8: {  	v54 =	vld [tilespmem:s5+$0xD300];
	v10 =	vsel vm2, v19, v10;
	v12 =	vsel vm3, v20, v12;
	v13 =	vsel vm4, v21, v13  }
0x1b9: {  	v55 =	vld [tilespmem:s5+$0xE300];
	vm6 =	vlt.f32 v53, v16;
	vm5 =	vlt.f32 v29, v14;
	vm7 =	vlt.f32 v24, v11  }
0x1ba: {  	v56 =	vld [tilespmem:s5+$0xF300];
	v23 =	vsel vm1, $0x19, v23;
	v9 =	vsel vm1, v18, v9;
	vm0 =	vlt.f32 v25, v8  }
0x1bb: {  	v31 =	vld [tilespmem:s5+$0xC280];
	vm2 =	vlt.f32 v26, v10;
	vm3 =	vlt.f32 v27, v12;
	vm4 =	vlt.f32 v28, v13  }
0x1bc: {  	v17 =	vld [tilespmem:s5+$0xC080];
	v37 =	vsel vm6, $0x26, v37;
	v16 =	vsel vm6, v53, v16;
	v36 =	vsel vm5, $0x1D, v36  }
0x1bd: {  	v15 =	vld [tilespmem:s5+$0xC380];
	v38 =	vsel vm7, $0x1F, v38;
	v14 =	vsel vm5, v29, v14;
	v11 =	vsel vm7, v24, v11  }
0x1be: {  	v20 =	vld [tilespmem:s5+$0xD100];
	v22 =	vsel vm0, $0x20, v22;
	v30 =	vsel vm2, $0x22, v30;
	v32 =	vsel vm3, $0x23, v32  }
0x1bf: {  	v21 =	vld [tilespmem:s5+$0xD180];
	v33 =	vsel vm4, $0x24, v33;
	v8 =	vsel vm0, v25, v8;
	v10 =	vsel vm2, v26, v10  }
0x1c0: {  	v19 =	vld [tilespmem:s5+$0xD080];
	v12 =	vsel vm3, v27, v12;
	v13 =	vsel vm4, v28, v13;
	vm6 =	vlt.f32 v54, v16  }
0x1c1: {  	v18 =	vld [tilespmem:s5+$0xD000];
	vm5 =	vlt.f32 v31, v14;
	v37 =	vsel vm6, $0x2E, v37;
	v16 =	vsel vm6, v54, v16  }
0x1c2: {  	v24 =	vld [tilespmem:s5+$0xD200];
	v36 =	vsel vm5, $0x25, v36;
	v14 =	vsel vm5, v31, v14;
	vm6 =	vlt.f32 v55, v16  }
0x1c3: {  	v29 =	vld [tilespmem:s5+$0xD280];
	vm1 =	vlt.f32 v17, v9;
	vm7 =	vlt.f32 v15, v11;
	vm2 =	vlt.f32 v20, v10  }
0x1c4: {  	v26 =	vld [tilespmem:s5+$0xE100];
	vm3 =	vlt.f32 v21, v12;
	v37 =	vsel vm6, $0x36, v37;
	v16 =	vsel vm6, v55, v16  }
0x1c5: {  	v27 =	vld [tilespmem:s5+$0xE180];
	v23 =	vsel vm1, $0x21, v23;
	v38 =	vsel vm7, $0x27, v38;
	v9 =	vsel vm1, v17, v9  }
0x1c6: {  	v11 =	vsel vm7, v15, v11;
	vm0 =	vlt.f32 v18, v8;
	v30 =	vsel vm2, $0x2A, v30  }
0x1c7: {  	v25 =	vld [tilespmem:s5+$0xE000];
	v32 =	vsel vm3, $0x2B, v32;
	v10 =	vsel vm2, v20, v10;
	v12 =	vsel vm3, v21, v12  }
0x1c8: {  	v28 =	vld [tilespmem:s5+$0xE200];
	vm6 =	vlt.f32 v56, v16;
	vm1 =	vlt.f32 v19, v9;
	vm4 =	vlt.f32 v24, v13  }
0x1c9: {  	v31 =	vld [tilespmem:s5+$0xE280];
	vm5 =	vlt.f32 v29, v14;
	v22 =	vsel vm0, $0x28, v22;
	v8 =	vsel vm0, v18, v8  }
0x1ca: {  	v17 =	vld [tilespmem:s5+$0xD380];
	vm2 =	vlt.f32 v26, v10;
	vm3 =	vlt.f32 v27, v12;
	v16 =	vsel vm6, v56, v16  }
0x1cb: {  	v15 =	vld [tilespmem:s5+$0xE080];
	v23 =	vsel vm1, $0x29, v23;
	v33 =	vsel vm4, $0x2C, v33;
	v36 =	vsel vm5, $0x2D, v36  }
0x1cc: {  	v20 =	vld [tilespmem:s5+$0xF100];
	v9 =	vsel vm1, v19, v9;
	v13 =	vsel vm4, v24, v13;
	v14 =	vsel vm5, v29, v14  }
0x1cd: {  	v21 =	vld [tilespmem:s5+$0xF180];
	vm0 =	vlt.f32 v25, v8;
	v30 =	vsel vm2, $0x32, v30;
	v32 =	vsel vm3, $0x33, v32  }
0x1ce: {  	v18 =	vld [tilespmem:s5+$0xE380];
	v10 =	vsel vm2, v26, v10;
	v12 =	vsel vm3, v27, v12;
	vm4 =	vlt.f32 v28, v13  }
0x1cf: {  	v19 =	vld [tilespmem:s5+$0xF000];
	vm5 =	vlt.f32 v31, v14;
	v22 =	vsel vm0, $0x30, v22;
	v8 =	vsel vm0, v25, v8  }
0x1d0: {  	v24 =	vld [tilespmem:s5+$0xF200];
	v25 =	vsel vm6, $0x3E, v37;
	v33 =	vsel vm4, $0x34, v33;
	v36 =	vsel vm5, $0x35, v36  }
0x1d1: {  	v29 =	vld [tilespmem:s5+$0xF280];
	v13 =	vsel vm4, v28, v13;
	v14 =	vsel vm5, v31, v14;
	vm7 =	vlt.f32 v17, v11  }
0x1d2: {  	vm1 =	vlt.f32 v15, v9;
	vm2 =	vlt.f32 v20, v10;
	vm3 =	vlt.f32 v21, v12  }
0x1d3: {  	v38 =	vsel vm7, $0x2F, v38;
	v11 =	vsel vm7, v17, v11;
	v23 =	vsel vm1, $0x31, v23  }
0x1d4: {  	v17 =	vld [tilespmem:s5+$0xF080];
	v9 =	vsel vm1, v15, v9;
	v12 =	vsel vm3, v21, v12;
	v21 =	vsel vm3, $0x3B, v32  }
0x1d5: {  	s8 =	simm.s32 $0x10;
	s7 =	simm.s32 $0x80;
	v15 =	vld [tilespmem:s5+$0xF380];
	vm7 =	vlt.f32 v18, v11;
	vm0 =	vlt.f32 v19, v8;
	vm4 =	vlt.f32 v24, v13  }
0x1d6: {  	s12 =	sand.u32 $0x70, s8;
	s14 =	sand.u32 $0xC00, s7;
	vm5 =	vlt.f32 v29, v14;
	v38 =	vsel vm7, $0x37, v38;
	v11 =	vsel vm7, v18, v11  }
0x1d7: {  	s9 =	sor.u32 s12, s14;
	v18 =	vsel vm0, v19, v8;
	v19 =	vsel vm2, v20, v10;
	v13 =	vsel vm4, v24, v13  }
0x1d8: {  	v57 =	vld [tilespmem:s9+$0x8380];
	v14 =	vsel vm5, v29, v14;
	v10 =	vsel vm0, $0x38, v22;
	v20 =	vsel vm2, $0x3A, v30  }
0x1d9: {  	v35 =	vld [tilespmem:s9+$0x9200];
	v24 =	vsel vm5, $0x3D, v36;
	vm2 =	vlt.f32 v13, v14;
	vm6 =	veq.f32 v19, v12  }
0x1da: {  	v30 =	vld [tilespmem:s9+$0x8300];
	vm15 =	veq.f32 v13, v14;
	vm1 =	vlt.f32 v17, v9;
	vm7 =	vlt.f32 v15, v11  }
0x1db: {  	v62 =	vld [tilespmem:s9+$0x9300];
	v17 =	vsel vm1, v17, v9;
	v15 =	vsel vm7, v15, v11;
	v11 =	vsel vm1, $0x39, v23  }
0x1dc: {  	v63 =	vld [tilespmem:s9+$0xA300];
	v23 =	vsel vm4, $0x3C, v33;
	v26 =	vsel vm7, $0x3F, v38;
	vm1 =	vlt.f32 v19, v12  }
0x1dd: {  	v39 =	vld [tilespmem:s9+$0xD000];
	vm7 =	vlt.u32 v20, v21;
	vm0 =	vlt.f32 v18, v17;
	vm3 =	vlt.f32 v16, v15  }
0x1de: {  	v29 =	vld [tilespmem:s9+$0x8280];
	vm4 =	veq.f32 v18, v17;
	vm5 =	vlt.u32 v10, v11;
	vm12 =	vlt.u32 v23, v24  }
0x1df: {  	v41 =	vld [tilespmem:s9+$0xD180];
	vm13 =	vlt.u32 v25, v26;
	vm6 =	vmand vm6, vm7;
	vm14 =	vlt.f32 v30, $+Inf  }
0x1e0: {  	v44 =	vld [tilespmem:s9+$0xA280];
	vm4 =	vmand vm4, vm5;
	vm5 =	veq.f32 v16, v15;
	vm7 =	vmand vm15, vm12  }
0x1e1: {  	v48 =	vld [tilespmem:s9+$0xC280];
	vm1 =	vmor vm1, vm6;
	v30 =	vnsel vm14, $0x7F800000, v30;
	vm5 =	vmand vm5, vm13  }
0x1e2: {  	v52 =	vld [tilespmem:s9+$0x9380];
	vm0 =	vmor vm0, vm4;
	vm2 =	vmor vm2, vm7;
	v12 =	vsel vm1, v19, v12  }
0x1e3: {  	v51 =	vld [tilespmem:s9+$0xD300];
	v19 =	vsel vm1, v20, v21;
	vm7 =	vlt.f32 v29, $+Inf;
	v17 =	vsel vm0, v18, v17  }
0x1e4: {  	v27 =	vld [tilespmem:s9+$0x9100];
	v18 =	vsel vm0, v10, v11;
	vm0 =	vmor vm3, vm5;
	v13 =	vsel vm2, v13, v14  }
0x1e5: {  	s5 =	simm.s32 $0x0;
	v20 =	vld [tilespmem:s9+$0x8200];
	v14 =	vsel vm2, v23, v24;
	v15 =	vsel vm0, v16, v15;
	v16 =	vsel vm0, v25, v26  }
0x1e6: {  	v8 =	vld [tilespmem:s5+$0x11A00];
	vm0 =	vlt.f32 v17, v12;
	vm1 =	veq.f32 v17, v12;
	vm2 =	vlt.u32 v18, v19  }
0x1e7: {  	v22 =	vld [tilespmem:s9+$0xA000];
	vm1 =	vmand vm1, vm2;
	vm2 =	veq.f32 v13, v15;
	vm3 =	vlt.u32 v14, v16  }
0x1e8: {  	v9 =	vld [tilespmem:s5+$0x11600];
	vm0 =	vmor vm0, vm1;
	vm1 =	vlt.f32 v13, v15;
	vm2 =	vmand vm2, vm3  }
0x1e9: {  	v12 =	vsel vm0, v17, v12;
	vm1 =	vmor vm1, vm2;
	v17 =	vsel vm0, v18, v19;
	v18 =	vld [tilespmem:s9+$0x8100]  }
0x1ea: {  	vm6 =	vlt.f32 v20, $+Inf;
	v13 =	vsel vm1, v13, v15;
	v14 =	vsel vm1, v14, v16;
	v15 =	vld [tilespmem:s9+$0x8000]  }
0x1eb: {  	v16 =	vld [tilespmem:s9+$0x8080];
	v61 =	vnsel vm6, $0x7F800000, v20;
	vm0 =	veq.f32 v12, v13;
	vm1 =	vlt.u32 v17, v14  }
0x1ec: {  	v33 =	vld [tilespmem:s9+$0x9180];
	vm2 =	vlt.f32 v12, v13;
	vm6 =	vlt.f32 v35, v61;
	vm0 =	vmand vm0, vm1  }
0x1ed: {  	v38 =	vld [tilespmem:s9+$0x9280];
	v47 =	vsel vm6, $0xC, v4;
	v35 =	vsel vm6, v35, v61;
	vm1 =	vmor vm2, vm0  }
0x1ee: {  	v21 =	vld [tilespmem:s9+$0xA080];
	vm0 =	vgt.f32 v8, $0.0e+00;
	v17 =	vsel vm1, v17, v14;
	vm4 =	vlt.f32 v18, $+Inf  }
0x1ef: {  	v25 =	vld [tilespmem:s9+$0x9000];
	v13 =	vsel vm1, v12, v13;
	v19 =	vadd.s32 $0x80, v17;
	v28 =	vadd.s32 $0x140, v17  }
0x1f0: {  	v26 =	vld [tilespmem:s9+$0x9080];
	v31 =	vadd.s32 $0x200, v17;
	vm2 =	vlt.f32 v15, $+Inf;
	vm3 =	vlt.f32 v16, $+Inf  }
0x1f1: {  	v14 =	vld [tilespmem:s9+$0x8180];
	v59 =	vnsel vm4, $0x7F800000, v18;
	v18 =	vadd.s32 $0x40, v17;
	v53 =	vadd.s32 $0x100, v17  }
0x1f2: {  	v10 =	vld [tilespmem:s5+$0x10E00];
	vm1 =	vlt.f32 v13, $+Inf;
	v58 =	vnsel vm2, $0x7F800000, v15;
	vm2 =	vlt.f32 v57, $+Inf  }
0x1f3: {  	v11 =	vld [tilespmem:s5+$0x11200];
	v36 =	vnsel vm3, $0x7F800000, v16;
	v15 =	vadd.s32 $0x180, v17;
	vm3 =	vgt.f32 v13, $+Inf  }
0x1f4: {  	v23 =	vld [tilespmem:s9+$0xA100];
	v16 =	vadd.s32 $0x1C0, v17;
	vm4 =	vlt.f32 v25, v58;
	vm1 =	vmor vm3, vm1  }
0x1f5: {  	v24 =	vld [tilespmem:s9+$0xA180];
	vm3 =	vlt.f32 v26, v36;
	vm0 =	vmand vm1, vm0;
	v54 =	vsel vm4, $0x8, v0  }
0x1f6: {  	v55 =	vsel vm3, $0x9, v1;
	v25 =	vsel vm4, v25, v58;
	vm5 =	vlt.f32 v14, $+Inf;
	v28 =	vld.idx.msk [tilespmem:v28+s1+$0x0], $0xffff  }
0x1f7: {  	v26 =	vsel vm3, v26, v36;
	v19 =	vld.idx.msk [tilespmem:v19+s1+$0x0], $0xffff;
	v60 =	vnsel vm5, $0x7F800000, v14;
	vm5 =	vlt.f32 v27, v59  }
0x1f8: {  	v31 =	vld.idx.msk [tilespmem:v31+s1+$0x0], $0xffff;
	vm1 =	vlt.f32 v33, v60;
	v45 =	vsel vm5, $0xA, v2;
	v27 =	vsel vm5, v27, v59  }
0x1f9: {  	v46 =	vsel vm1, $0xB, v3;
	v33 =	vsel vm1, v33, v60;
	v60 =	vld [tilespmem:s9+$0xB000];
	vm1 =	vlt.f32 v22, v25  }
0x1fa: {  	v61 =	vld [tilespmem:s9+$0xB080];
	vm3 =	vlt.f32 v23, v27;
	vm4 =	vlt.f32 v24, v33;
	v32 =	vsel vm1, $0x10, v54  }
0x1fb: {  	v12 =	vld.idx.msk [tilespmem:v17+s31+$0x0], $0xffff;
	v20 =	vmul.f32 v11, v28;
	v28 =	vnsel vm7, $0x7F800000, v29;
	v29 =	vadd.s32 $0xC0, v17  }
0x1fc: {  	v14 =	vld.idx.msk [tilespmem:v17+s1+$0x0], $0xffff;
	v45 =	vsel vm3, $0x12, v45;
	v19 =	vmul.f32 v10, v19;
	vm7 =	vlt.f32 v62, v30  }
0x1fd: {  	v59 =	vld [tilespmem:s9+$0xA380];
	v22 =	vsel vm1, v22, v25;
	v23 =	vsel vm3, v23, v27;
	v30 =	vsel vm7, v62, v30  }
0x1fe: {  	v62 =	vld [tilespmem:s9+$0xB100];
	v17 =	vadd.f32 v20, v19;
	v19 =	vmul.f32 v9, v31;
	vm1 =	vlt.f32 v60, v22  }
0x1ff: {  	v46 =	vsel vm4, $0x13, v46;
	v24 =	vsel vm4, v24, v33;
	v31 =	vld [tilespmem:s9+$0xA200];
	v32 =	vsel vm1, $0x18, v32  }
0x200: {  	v22 =	vsel vm1, v60, v22;
	v20 =	vadd.f32 v19, v17;
	v19 =	vld.idx.msk [tilespmem:v29+s1+$0x0], $0xffff;
	v29 =	vnsel vm2, $0x7F800000, v57  }
0x201: {  	v25 =	vld [tilespmem:s9+$0xB300];
	vm2 =	vlt.f32 v38, v28;
	v57 =	vsel vm7, $0xE, v6;
	vm7 =	vlt.f32 v63, v30  }
0x202: {  	v17 =	vld.idx.msk [tilespmem:v18+s1+$0x0], $0xffff;
	v20 =	vsel vm0, v20, v9;
	vm15 =	vlt.f32 v52, v29;
	v56 =	vsel vm2, $0xD, v5  }
0x203: {  	v18 =	vld.idx.msk [tilespmem:v53+s1+$0x0], $0xffff;
	v28 =	vsel vm2, v38, v28;
	vm2 =	vlt.f32 v21, v26;
	v50 =	vsel vm7, $0x16, v57  }
0x204: {  	v53 =	vld [tilespmem:s9+$0xB200];
	v30 =	vsel vm7, v63, v30;
	vm3 =	vlt.f32 v62, v23;
	v58 =	vsel vm15, $0xF, v7  }
0x205: {  	v57 =	vld [tilespmem:s9+$0xC100];
	v29 =	vsel vm15, v52, v29;
	vm5 =	vlt.f32 v31, v35;
	vm6 =	vlt.f32 v44, v28  }
0x206: {  	v63 =	vld [tilespmem:s9+$0xC300];
	v54 =	vsel vm2, $0x11, v55;
	v21 =	vsel vm2, v21, v26;
	vm7 =	vlt.f32 v25, v30  }
0x207: {  	v52 =	vld [tilespmem:s9+$0xB180];
	v45 =	vsel vm3, $0x1A, v45;
	v23 =	vsel vm3, v62, v23;
	vm8 =	vlt.f32 v59, v29  }
0x208: {  	v55 =	vld [tilespmem:s9+$0xB280];
	v47 =	vsel vm5, $0x14, v47;
	v49 =	vsel vm6, $0x15, v56;
	v27 =	vsel vm5, v31, v35  }
0x209: {  	v26 =	vld [tilespmem:s9+$0xB380];
	v28 =	vsel vm6, v44, v28;
	vm2 =	vlt.f32 v61, v21;
	v50 =	vsel vm7, $0x1E, v50  }
0x20a: {  	v31 =	vld [tilespmem:s9+$0xC000];
	v25 =	vsel vm7, v25, v30;
	v34 =	vsel vm8, $0x17, v58;
	v29 =	vsel vm8, v59, v29  }
0x20b: {  	v56 =	vld [tilespmem:s9+$0xC080];
	vm5 =	vlt.f32 v53, v27;
	v42 =	vsel vm2, $0x19, v54;
	v21 =	vsel vm2, v61, v21  }
0x20c: {  	v30 =	vld [tilespmem:s9+$0xD100];
	v47 =	vsel vm5, $0x1C, v47;
	v27 =	vsel vm5, v53, v27;
	vm3 =	vlt.f32 v57, v23  }
0x20d: {  	v58 =	vld [tilespmem:s9+$0xC180];
	vm7 =	vlt.f32 v63, v25;
	vm4 =	vlt.f32 v52, v24;
	vm6 =	vlt.f32 v55, v28  }
0x20e: {  	v59 =	vld [tilespmem:s9+$0xC200];
	vm8 =	vlt.f32 v26, v29;
	v45 =	vsel vm3, $0x22, v45;
	v50 =	vsel vm7, $0x26, v50  }
0x20f: {  	v38 =	vld [tilespmem:s9+$0xC380];
	v53 =	vsel vm3, v57, v23;
	v63 =	vsel vm7, v63, v25;
	v46 =	vsel vm4, $0x1B, v46  }
0x210: {  	v15 =	vld.idx.msk [tilespmem:v15+s1+$0x0], $0xffff;
	v49 =	vsel vm6, $0x1D, v49;
	v34 =	vsel vm8, $0x1F, v34;
	v24 =	vsel vm4, v52, v24  }
0x211: {  	v16 =	vld.idx.msk [tilespmem:v16+s1+$0x0], $0xffff;
	v28 =	vsel vm6, v55, v28;
	v26 =	vsel vm8, v26, v29;
	vm1 =	vlt.f32 v31, v22  }
0x212: {  	v60 =	vld [tilespmem:s9+$0xD200];
	vm2 =	vlt.f32 v56, v21;
	vm3 =	vlt.f32 v30, v53;
	vm7 =	vlt.f32 v51, v63  }
0x213: {  	v62 =	vld [tilespmem:s9+$0xD280];
	vm4 =	vlt.f32 v58, v24;
	vm5 =	vlt.f32 v59, v27;
	vm6 =	vlt.f32 v48, v28  }
0x214: {  	v54 =	vld [tilespmem:s9+$0xD380];
	vm8 =	vlt.f32 v38, v26;
	v32 =	vsel vm1, $0x20, v32;
	v61 =	vsel vm2, $0x21, v42  }
0x215: {  	v23 =	vld [tilespmem:s9+$0xE100];
	v31 =	vsel vm1, v31, v22;
	v33 =	vsel vm2, v56, v21;
	v36 =	vsel vm3, $0x2A, v45  }
0x216: {  	v25 =	vld [tilespmem:s9+$0xE200];
	v45 =	vsel vm7, $0x2E, v50;
	v40 =	vsel vm3, v30, v53;
	v42 =	vsel vm7, v51, v63  }
0x217: {  	v29 =	vld [tilespmem:s9+$0xD080];
	v46 =	vsel vm4, $0x23, v46;
	v47 =	vsel vm5, $0x24, v47;
	v49 =	vsel vm6, $0x25, v49  }
0x218: {  	v21 =	vld [tilespmem:s9+$0xE000];
	v52 =	vsel vm8, $0x27, v34;
	v55 =	vsel vm4, v58, v24;
	v56 =	vsel vm5, v59, v27  }
0x219: {  	v22 =	vld [tilespmem:s9+$0xE080];
	v28 =	vsel vm6, v48, v28;
	v57 =	vsel vm8, v38, v26;
	vm1 =	vlt.f32 v39, v31  }
0x21a: {  	v24 =	vld [tilespmem:s9+$0xE180];
	vm4 =	vlt.f32 v41, v55;
	vm5 =	vlt.f32 v60, v56;
	vm6 =	vlt.f32 v62, v28  }
0x21b: {  	v26 =	vld [tilespmem:s9+$0xE280];
	vm8 =	vlt.f32 v54, v57;
	v34 =	vsel vm1, $0x28, v32;
	v31 =	vsel vm1, v39, v31  }
0x21c: {  	v27 =	vld [tilespmem:s9+$0xE300];
	v37 =	vsel vm4, $0x2B, v46;
	v38 =	vsel vm5, $0x2C, v47;
	v44 =	vsel vm6, $0x2D, v49  }
0x21d: {  	v30 =	vld [tilespmem:s9+$0xE380];
	v46 =	vsel vm8, $0x2F, v52;
	v41 =	vsel vm4, v41, v55;
	v32 =	vsel vm5, v60, v56  }
0x21e: {  	[tilespmem:s5+$0x13480] =	vst v20;
	v20 =	vld [tilespmem:s9+$0xF100];
	v43 =	vsel vm8, v54, v57;
	vm4 =	vlt.f32 v23, v40;
	vm2 =	vlt.f32 v29, v33  }
0x21f: {  	v35 =	vsel vm2, $0x29, v61;
	v39 =	vsel vm2, v29, v33;
	v33 =	vsel vm6, v62, v28;
	v28 =	vld [tilespmem:s9+$0xF000]  }
0x220: {  	s10 =	simm.s32 $0x40;
	s11 =	simm.s32 $0x80;
	vm1 =	vlt.f32 v21, v31;
	v29 =	vld [tilespmem:s9+$0xF080];
	vm3 =	vlt.f32 v22, v39;
	vm2 =	vlt.f32 v24, v41  }
.LBB2_4:
0x221: {  	p0 =	sne.s32 s11, $0x7C0;
	vm5 =	vlt.f32 v25, v32;
	vm6 =	vlt.f32 v26, v33;
	vm7 =	vlt.f32 v27, v42;
	v47 =	vld [tilespmem:s9+$0xF180]  }
0x222: {  	v34 =	vsel vm1, $0x30, v34;
	v35 =	vsel vm3, $0x31, v35;
	vm8 =	vlt.f32 v30, v43;
	v48 =	vld [tilespmem:s9+$0xF200]  }
0x223: {  	v36 =	vsel vm4, $0x32, v36;
	v37 =	vsel vm2, $0x33, v37;
	v38 =	vsel vm5, $0x34, v38;
	v49 =	vld [tilespmem:s9+$0xF280]  }
0x224: {  	v44 =	vsel vm6, $0x35, v44;
	v45 =	vsel vm7, $0x36, v45;
	v46 =	vsel vm8, $0x37, v46;
	v50 =	vld [tilespmem:s9+$0xF300]  }
0x225: {  	v21 =	vsel vm1, v21, v31;
	v22 =	vsel vm3, v22, v39;
	v23 =	vsel vm4, v23, v40;
	v31 =	vld [tilespmem:s9+$0xF380]  }
0x226: {  	v39 =	vsel vm2, v24, v41;
	v32 =	vsel vm5, v25, v32;
	v33 =	vsel vm6, v26, v33;
	v24 =	vld [tilespmem:s5+$0x10200]  }
0x227: {  	v27 =	vsel vm7, v27, v42;
	v30 =	vsel vm8, v30, v43;
	vm1 =	vlt.f32 v28, v21;
	v26 =	vld [tilespmem:s5+$0x10600]  }
0x228: {  	vm2 =	vlt.f32 v29, v22;
	vm3 =	vlt.f32 v20, v23;
	vm4 =	vlt.f32 v47, v39;
	v25 =	vld [tilespmem:s5+$0x10A00]  }
0x229: {  	vm5 =	vlt.f32 v48, v32;
	vm6 =	vlt.f32 v49, v33;
	vm7 =	vlt.f32 v50, v27  }
0x22a: {  	v21 =	vsel vm1, v28, v21;
	v22 =	vsel vm2, v29, v22;
	vm8 =	vlt.f32 v31, v30  }
0x22b: {  	v20 =	vsel vm3, v20, v23;
	v23 =	vsel vm4, v47, v39;
	v28 =	vsel vm5, v48, v32  }
0x22c: {  	v29 =	vsel vm6, v49, v33;
	v27 =	vsel vm7, v50, v27;
	v30 =	vsel vm8, v31, v30  }
0x22d: {  	v32 =	vsel vm2, $0x39, v35;
	v33 =	vsel vm3, $0x3A, v36;
	v31 =	vsel vm1, $0x38, v34  }
0x22e: {  	v35 =	vsel vm5, $0x3C, v38;
	v36 =	vsel vm6, $0x3D, v44;
	v34 =	vsel vm4, $0x3B, v37  }
0x22f: {  	v37 =	vsel vm7, $0x3E, v45;
	v38 =	vsel vm8, $0x3F, v46;
	vm1 =	vlt.f32 v21, v22  }
0x230: {  	vm2 =	vlt.f32 v20, v23;
	vm3 =	vlt.f32 v28, v29;
	vm4 =	vlt.f32 v27, v30  }
0x231: {  	vm5 =	veq.f32 v21, v22;
	vm7 =	veq.f32 v20, v23;
	vm6 =	vlt.u32 v31, v32  }
0x232: {  	vm9 =	veq.f32 v28, v29;
	vm10 =	vlt.u32 v35, v36;
	vm8 =	vlt.u32 v33, v34  }
0x233: {  	s12 =	sshra.s32 s10, $0x2;
	s10 =	smov.u32 s11;
	vm11 =	vlt.u32 v37, v38;
	vm5 =	vmand vm5, vm6;
	vm6 =	veq.f32 v27, v30  }
0x234: {  	vm7 =	vmand vm7, vm8;
	vm8 =	vmand vm9, vm10;
	vm6 =	vmand vm6, vm11;
	v39 =	vld [tilespmem:s12+$0x11A00]  }
0x235: {  	s7 =	sadd.s32 $0x80, s7;
	s8 =	sadd.s32 $0x10, s8;
	vm1 =	vmor vm1, vm5;
	vm2 =	vmor vm2, vm7;
	vm3 =	vmor vm3, vm8;
	v40 =	vld [tilespmem:s12+$0x11600]  }
0x236: {  	s14 =	sand.u32 $0xC00, s7;
	s9 =	sand.u32 $0x70, s8;
	v41 =	vsel vm1, v21, v22;
	v31 =	vsel vm1, v31, v32;
	vm1 =	vmor vm4, vm6;
	v32 =	vld [tilespmem:s12+$0x10E00]  }
0x237: {  	s9 =	sor.u32 s9, s14;
	v42 =	vsel vm2, v20, v23;
	v33 =	vsel vm2, v33, v34;
	v29 =	vsel vm3, v28, v29;
	v34 =	vld [tilespmem:s12+$0x11200]  }
0x238: {  	v35 =	vsel vm3, v35, v36;
	v30 =	vsel vm1, v27, v30;
	v36 =	vsel vm1, v37, v38;
	v20 =	vld [tilespmem:s9+$0xA000]  }
0x239: {  	vm1 =	vlt.f32 v41, v42;
	vm2 =	veq.f32 v41, v42;
	vm3 =	vlt.u32 v31, v33;
	v21 =	vld [tilespmem:s9+$0xA080]  }
0x23a: {  	vm2 =	vmand vm2, vm3;
	vm3 =	veq.f32 v29, v30;
	vm4 =	vlt.u32 v35, v36;
	v22 =	vld [tilespmem:s9+$0xA100]  }
0x23b: {  	vm1 =	vmor vm1, vm2;
	vm2 =	vlt.f32 v29, v30;
	vm3 =	vmand vm3, vm4;
	v23 =	vld [tilespmem:s9+$0xA180]  }
0x23c: {  	v19 =	vmul.f32 v11, v19;
	v37 =	vsel vm1, v41, v42;
	vm2 =	vmor vm2, vm3;
	v27 =	vld [tilespmem:s9+$0x9000]  }
0x23d: {  	v31 =	vsel vm1, v31, v33;
	v30 =	vsel vm2, v29, v30;
	v33 =	vsel vm2, v35, v36;
	v28 =	vld [tilespmem:s9+$0x9080]  }
0x23e: {  	v17 =	vmul.f32 v10, v17;
	vm1 =	veq.f32 v37, v30;
	vm2 =	vlt.u32 v31, v33;
	v29 =	vld [tilespmem:s9+$0x9100]  }
0x23f: {  	v18 =	vmul.f32 v11, v18;
	vm3 =	vlt.f32 v37, v30;
	vm1 =	vmand vm1, vm2;
	v35 =	vld [tilespmem:s9+$0x8000]  }
0x240: {  	v14 =	vmul.f32 v10, v14;
	v15 =	vmul.f32 v9, v15;
	vm1 =	vmor vm3, vm1;
	v36 =	vld [tilespmem:s9+$0x8080]  }
0x241: {  	v16 =	vmul.f32 v9, v16;
	v17 =	vadd.f32 v18, v17;
	v31 =	vsel vm1, v31, v33;
	v38 =	vld [tilespmem:s9+$0x8100]  }
0x242: {  	v14 =	vadd.f32 v19, v14;
	v41 =	vmul.f32 v10, v13;
	v33 =	vadd.s32 $0x80, v31;
	v18 =	vld [tilespmem:s9+$0x8180]  }
0x243: {  	v43 =	vmul.f32 v11, v13;
	v13 =	vmul.f32 v9, v13;
	v42 =	vadd.s32 $0x140, v31;
	v9 =	vmovc v40;
	v19 =	vld [tilespmem:s9+$0x8200]  }
0x244: {  	v12 =	vmul.f32 v8, v12;
	v14 =	vadd.f32 v15, v14;
	v15 =	vadd.f32 v16, v17;
	v40 =	vld [tilespmem:s9+$0x8280]  }
0x245: {  	v43 =	vadd.f32 v43, v26;
	v41 =	vadd.f32 v41, v24;
	v17 =	vadd.s32 $0x200, v31;
	v16 =	vld [tilespmem:s9+$0x8300]  }
0x246: {  	v14 =	vsel vm0, v14, v10;
	v15 =	vsel vm0, v15, v11;
	v45 =	vadd.f32 v13, v25;
	v10 =	vmovc v32;
	v44 =	vld [tilespmem:s9+$0x8380]  }
0x247: {  	v12 =	vsel vm0, v12, v8;
	v26 =	vsel vm0, v43, v26;
	v24 =	vsel vm0, v41, v24;
	v13 =	vld.idx.msk [tilespmem:v33+s1+$0x0], $0xffff  }
0x248: {  	vm2 =	vgt.f32 v39, $0.0e+00;
	v8 =	vmovc v39;
	v11 =	vmov v34;
	v32 =	vld.idx.msk [tilespmem:v42+s1+$0x0], $0xffff;
	[tilespmem:s5+$0x12C80] =	vst v14;
	v14 =	vsel vm0, v45, v25  }
0x249: {  	vm4 =	vlt.f32 v36, $+Inf;
	vm5 =	vlt.f32 v38, $+Inf;
	vm0 =	vlt.f32 v35, $+Inf;
	v25 =	vld [tilespmem:s9+$0x9180];
	[tilespmem:s5+$0x13080] =	vst v15  }
0x24a: {  	vm6 =	vlt.f32 v18, $+Inf;
	vm7 =	vlt.f32 v19, $+Inf;
	vm8 =	vlt.f32 v40, $+Inf;
	v15 =	vld.idx.msk [tilespmem:v17+s1+$0x0], $0xffff;
	[tilespmem:s5+$0x13880] =	vst v12  }
0x24b: {  	v33 =	vnsel vm0, $0x7F800000, v35;
	vm0 =	vlt.f32 v16, $+Inf;
	vm3 =	vlt.f32 v44, $+Inf;
	v34 =	vld [tilespmem:s9+$0x9200];
	[tilespmem:s5+$0x12080] =	vst v24  }
0x24c: {  	v35 =	vnsel vm5, $0x7F800000, v38;
	v17 =	vadd.s32 $0x180, v31;
	v24 =	vnsel vm4, $0x7F800000, v36;
	v36 =	vld [tilespmem:s9+$0x9280];
	[tilespmem:s5+$0x12480] =	vst v26  }
0x24d: {  	v38 =	vnsel vm7, $0x7F800000, v19;
	v26 =	vnsel vm6, $0x7F800000, v18;
	v18 =	vadd.s32 $0x1C0, v31;
	v39 =	vld [tilespmem:s9+$0x9300];
	[tilespmem:s5+$0x12880] =	vst v14;
	s5 =	smov.u32 s12  }
0x24e: {  	v19 =	vadd.s32 $0x40, v31;
	v42 =	vmul.f32 v10, v13;
	v32 =	vmul.f32 v11, v32;
	v41 =	vld [tilespmem:s9+$0x9380]  }
0x24f: {  	v40 =	vnsel vm8, $0x7F800000, v40;
	v13 =	vsel vm1, v37, v30;
	v30 =	vadd.s32 $0xC0, v31;
	v12 =	vld.idx.msk [tilespmem:v31+s31+$0x0], $0xffff  }
0x250: {  	v32 =	vadd.f32 v32, v42;
	v37 =	vmul.f32 v9, v15;
	v14 =	vld.idx.msk [tilespmem:v31+s1+$0x0], $0xffff;
	v31 =	vadd.s32 $0x100, v31  }
0x251: {  	vm4 =	vgt.f32 v13, $+Inf;
	v42 =	vnsel vm0, $0x7F800000, v16;
	vm0 =	vlt.f32 v13, $+Inf;
	v15 =	vld.idx.msk [tilespmem:v17+s1+$0x0], $0xffff  }
0x252: {  	vm1 =	vlt.f32 v27, v33;
	vm0 =	vmor vm4, vm0;
	v16 =	vld.idx.msk [tilespmem:v18+s1+$0x0], $0xffff;
	v18 =	vadd.f32 v37, v32  }
0x253: {  	vm5 =	vlt.f32 v29, v35;
	vm4 =	vlt.f32 v28, v24;
	vm0 =	vmand vm0, vm2;
	v17 =	vld.idx.msk [tilespmem:v19+s1+$0x0], $0xffff  }
0x254: {  	vm6 =	vlt.f32 v34, v38;
	vm2 =	vlt.f32 v25, v26;
	v19 =	vld.idx.msk [tilespmem:v30+s1+$0x0], $0xffff;
	v30 =	vsel vm0, v18, v9  }
0x255: {  	v32 =	vnsel vm3, $0x7F800000, v44;
	vm3 =	vlt.f32 v36, v40;
	vm7 =	vlt.f32 v39, v42;
	v18 =	vld.idx.msk [tilespmem:v31+s1+$0x0], $0xffff;
	[tilespmem:s5+$0x13480] =	vst v30  }
0x256: {  	v37 =	vsel vm4, $0x9, v1;
	vm8 =	vlt.f32 v41, v32;
	v31 =	vsel vm1, $0x8, v0;
	v30 =	vld [tilespmem:s9+$0xA200]  }
0x257: {  	v46 =	vsel vm6, $0xC, v4;
	v44 =	vsel vm5, $0xA, v2;
	v45 =	vsel vm2, $0xB, v3;
	v43 =	vld [tilespmem:s9+$0xA280]  }
0x258: {  	v48 =	vsel vm3, $0xD, v5;
	v49 =	vsel vm7, $0xE, v6;
	v50 =	vsel vm8, $0xF, v7;
	v47 =	vld [tilespmem:s9+$0xA300]  }
0x259: {  	v27 =	vsel vm1, v27, v33;
	v24 =	vsel vm4, v28, v24;
	v28 =	vsel vm5, v29, v35;
	v29 =	vld [tilespmem:s9+$0xA380]  }
0x25a: {  	v25 =	vsel vm2, v25, v26;
	v26 =	vsel vm6, v34, v38;
	v33 =	vsel vm3, v36, v40;
	v34 =	vld [tilespmem:s9+$0xB000]  }
0x25b: {  	v35 =	vsel vm7, v39, v42;
	v32 =	vsel vm8, v41, v32;
	vm1 =	vlt.f32 v20, v27;
	v36 =	vld [tilespmem:s9+$0xB080]  }
0x25c: {  	vm2 =	vlt.f32 v21, v24;
	vm3 =	vlt.f32 v22, v28;
	vm4 =	vlt.f32 v23, v25;
	v38 =	vld [tilespmem:s9+$0xB100]  }
0x25d: {  	vm5 =	vlt.f32 v30, v26;
	vm6 =	vlt.f32 v43, v33;
	vm7 =	vlt.f32 v47, v35;
	v39 =	vld [tilespmem:s9+$0xB180]  }
0x25e: {  	v37 =	vsel vm2, $0x11, v37;
	v31 =	vsel vm1, $0x10, v31;
	vm8 =	vlt.f32 v29, v32;
	v40 =	vld [tilespmem:s9+$0xB200]  }
0x25f: {  	v42 =	vsel vm3, $0x12, v44;
	v44 =	vsel vm4, $0x13, v45;
	v45 =	vsel vm5, $0x14, v46;
	v41 =	vld [tilespmem:s9+$0xB280]  }
0x260: {  	v48 =	vsel vm6, $0x15, v48;
	v49 =	vsel vm7, $0x16, v49;
	v50 =	vsel vm8, $0x17, v50;
	v46 =	vld [tilespmem:s9+$0xB300]  }
0x261: {  	v21 =	vsel vm2, v21, v24;
	v22 =	vsel vm3, v22, v28;
	v20 =	vsel vm1, v20, v27;
	v24 =	vld [tilespmem:s9+$0xB380]  }
0x262: {  	v23 =	vsel vm4, v23, v25;
	v25 =	vsel vm5, v30, v26;
	v26 =	vsel vm6, v43, v33;
	v27 =	vld [tilespmem:s9+$0xC000]  }
0x263: {  	v28 =	vsel vm7, v47, v35;
	v29 =	vsel vm8, v29, v32;
	vm1 =	vlt.f32 v34, v20;
	v30 =	vld [tilespmem:s9+$0xC080]  }
0x264: {  	vm2 =	vlt.f32 v36, v21;
	vm3 =	vlt.f32 v38, v22;
	vm4 =	vlt.f32 v39, v23;
	v32 =	vld [tilespmem:s9+$0xC100]  }
0x265: {  	vm5 =	vlt.f32 v40, v25;
	vm6 =	vlt.f32 v41, v26;
	vm7 =	vlt.f32 v46, v28;
	v33 =	vld [tilespmem:s9+$0xC180]  }
0x266: {  	v31 =	vsel vm1, $0x18, v31;
	v37 =	vsel vm2, $0x19, v37;
	vm8 =	vlt.f32 v24, v29;
	v35 =	vld [tilespmem:s9+$0xC200]  }
0x267: {  	v42 =	vsel vm3, $0x1A, v42;
	v44 =	vsel vm4, $0x1B, v44;
	v45 =	vsel vm5, $0x1C, v45;
	v43 =	vld [tilespmem:s9+$0xC280]  }
0x268: {  	v48 =	vsel vm6, $0x1D, v48;
	v49 =	vsel vm7, $0x1E, v49;
	v50 =	vsel vm8, $0x1F, v50;
	v47 =	vld [tilespmem:s9+$0xC300]  }
0x269: {  	v20 =	vsel vm1, v34, v20;
	v21 =	vsel vm2, v36, v21;
	v22 =	vsel vm3, v38, v22;
	v34 =	vld [tilespmem:s9+$0xC380]  }
0x26a: {  	v23 =	vsel vm4, v39, v23;
	v25 =	vsel vm5, v40, v25;
	v26 =	vsel vm6, v41, v26;
	v39 =	vld [tilespmem:s9+$0xD000]  }
0x26b: {  	v28 =	vsel vm7, v46, v28;
	v24 =	vsel vm8, v24, v29;
	vm1 =	vlt.f32 v27, v20;
	v29 =	vld [tilespmem:s9+$0xD080]  }
0x26c: {  	vm2 =	vlt.f32 v30, v21;
	vm3 =	vlt.f32 v32, v22;
	vm4 =	vlt.f32 v33, v23;
	v40 =	vld [tilespmem:s9+$0xD100]  }
0x26d: {  	vm5 =	vlt.f32 v35, v25;
	vm6 =	vlt.f32 v43, v26;
	vm7 =	vlt.f32 v47, v28;
	v41 =	vld [tilespmem:s9+$0xD180]  }
0x26e: {  	v31 =	vsel vm1, $0x20, v31;
	v36 =	vsel vm2, $0x21, v37;
	vm8 =	vlt.f32 v34, v24;
	v51 =	vld [tilespmem:s9+$0xD200]  }
0x26f: {  	v37 =	vsel vm3, $0x22, v42;
	v38 =	vsel vm4, $0x23, v44;
	v42 =	vsel vm5, $0x24, v45;
	v52 =	vld [tilespmem:s9+$0xD280]  }
0x270: {  	v44 =	vsel vm6, $0x25, v48;
	v45 =	vsel vm7, $0x26, v49;
	v46 =	vsel vm8, $0x27, v50;
	v53 =	vld [tilespmem:s9+$0xD300]  }
0x271: {  	v20 =	vsel vm1, v27, v20;
	v30 =	vsel vm2, v30, v21;
	v32 =	vsel vm3, v32, v22;
	v48 =	vld [tilespmem:s9+$0xD380]  }
0x272: {  	v33 =	vsel vm4, v33, v23;
	v43 =	vsel vm6, v43, v26;
	v49 =	vsel vm5, v35, v25;
	v21 =	vld [tilespmem:s9+$0xE000]  }
0x273: {  	v47 =	vsel vm7, v47, v28;
	v50 =	vsel vm8, v34, v24;
	vm1 =	vlt.f32 v39, v20;
	v22 =	vld [tilespmem:s9+$0xE080]  }
0x274: {  	vm2 =	vlt.f32 v29, v30;
	vm3 =	vlt.f32 v40, v32;
	vm4 =	vlt.f32 v41, v33;
	v23 =	vld [tilespmem:s9+$0xE100]  }
0x275: {  	vm5 =	vlt.f32 v51, v49;
	vm6 =	vlt.f32 v52, v43;
	vm7 =	vlt.f32 v53, v47;
	v24 =	vld [tilespmem:s9+$0xE180]  }
0x276: {  	v34 =	vsel vm1, $0x28, v31;
	v35 =	vsel vm2, $0x29, v36;
	vm8 =	vlt.f32 v48, v50;
	v25 =	vld [tilespmem:s9+$0xE200]  }
0x277: {  	v36 =	vsel vm3, $0x2A, v37;
	v37 =	vsel vm4, $0x2B, v38;
	v38 =	vsel vm5, $0x2C, v42;
	v26 =	vld [tilespmem:s9+$0xE280]  }
.Ltmp1:
0x278: {  	v44 =	vsel vm6, $0x2D, v44;
	v45 =	vsel vm7, $0x2E, v45;
	v46 =	vsel vm8, $0x2F, v46;
	v27 =	vld [tilespmem:s9+$0xE300];
	(pc) =	sbr.rel @p0 .LBB2_4-.Ltmp1, $4  }
0x279: {  	v31 =	vsel vm1, v39, v20;
	v39 =	vsel vm2, v29, v30;
	v40 =	vsel vm3, v40, v32;
	v30 =	vld [tilespmem:s9+$0xE380]  }
0x27a: {  	v41 =	vsel vm4, v41, v33;
	v32 =	vsel vm5, v51, v49;
	v33 =	vsel vm6, v52, v43;
	v28 =	vld [tilespmem:s9+$0xF000]  }
0x27b: {  	v42 =	vsel vm7, v53, v47;
	v43 =	vsel vm8, v48, v50;
	vm1 =	vlt.f32 v21, v31;
	v29 =	vld [tilespmem:s9+$0xF080]  }
0x27c: {  	s11 =	sadd.s32 $0x40, s11;
	vm3 =	vlt.f32 v22, v39;
	vm4 =	vlt.f32 v23, v40;
	vm2 =	vlt.f32 v24, v41;
	v20 =	vld [tilespmem:s9+$0xF100]  }
0x27d: {  	vm5 =	vlt.f32 v25, v32;
	vm6 =	vlt.f32 v26, v33;
	vm7 =	vlt.f32 v27, v42  }
0x27e: {  	v47 =	vld [tilespmem:s9+$0xF180];
	v34 =	vsel vm1, $0x30, v34;
	v35 =	vsel vm3, $0x31, v35;
	v36 =	vsel vm4, $0x32, v36  }
0x27f: {  	v48 =	vld [tilespmem:s9+$0xF200];
	v37 =	vsel vm2, $0x33, v37;
	v21 =	vsel vm1, v21, v31;
	v22 =	vsel vm3, v22, v39  }
0x280: {  	v49 =	vld [tilespmem:s9+$0xF280];
	v23 =	vsel vm4, v23, v40;
	v24 =	vsel vm2, v24, v41;
	vm8 =	vlt.f32 v30, v43  }
0x281: {  	v50 =	vld [tilespmem:s9+$0xF300];
	v38 =	vsel vm5, $0x34, v38;
	v44 =	vsel vm6, $0x35, v44;
	v45 =	vsel vm7, $0x36, v45  }
0x282: {  	v55 =	vld [tilespmem:s9+$0xF380];
	v25 =	vsel vm5, v25, v32;
	v26 =	vsel vm6, v26, v33;
	v27 =	vsel vm7, v27, v42  }
0x283: {  	v46 =	vsel vm8, $0x37, v46;
	v30 =	vsel vm8, v30, v43;
	vm1 =	vlt.f32 v28, v21  }
0x284: {  	vm13 =	vlt.f32 v29, v22;
	v21 =	vsel vm1, v28, v21;
	v61 =	vsel vm1, $0x38, v34  }
0x285: {  	vm14 =	vlt.f32 v20, v23;
	v22 =	vsel vm13, v29, v22;
	v62 =	vsel vm13, $0x39, v35  }
0x286: {  	vm15 =	vlt.f32 v47, v24;
	vm5 =	vlt.f32 v48, v25;
	vm6 =	vlt.f32 v49, v26  }
0x287: {  	vm7 =	vlt.f32 v50, v27;
	vm8 =	vlt.f32 v55, v30;
	v20 =	vsel vm14, v20, v23  }
0x288: {  	v63 =	vsel vm14, $0x3A, v36;
	vm1 =	vlt.f32 v21, v22;
	vm12 =	veq.f32 v21, v22  }
0x289: {  	vm13 =	vlt.u32 v61, v62;
	v56 =	vsel vm15, v47, v24;
	v57 =	vsel vm5, v48, v25  }
0x28a: {  	v58 =	vsel vm6, v49, v26;
	v59 =	vsel vm7, v50, v27;
	v60 =	vsel vm8, v55, v30  }
0x28b: {  	v36 =	vsel vm15, $0x3B, v37;
	v37 =	vsel vm5, $0x3C, v38;
	v38 =	vsel vm6, $0x3D, v44  }
0x28c: {  	v39 =	vsel vm7, $0x3E, v45;
	v40 =	vsel vm8, $0x3F, v46;
	vm5 =	vmand vm12, vm13  }
0x28d: {  	vm2 =	vlt.f32 v20, v56;
	vm3 =	vlt.f32 v57, v58;
	vm4 =	vlt.f32 v59, v60  }
0x28e: {  	vm14 =	veq.f32 v20, v56;
	vm15 =	vlt.u32 v63, v36;
	vm9 =	veq.f32 v57, v58  }
0x28f: {  	vm10 =	vlt.u32 v37, v38;
	vm12 =	veq.f32 v59, v60;
	vm11 =	vlt.u32 v39, v40  }
0x290: {  	vm1 =	vmor vm1, vm5;
	vm7 =	vmand vm14, vm15;
	vm13 =	vmand vm9, vm10  }
0x291: {  	vm6 =	vmand vm12, vm11;
	v21 =	vsel vm1, v21, v22;
	v41 =	vsel vm1, v61, v62  }
0x292: {  	vm2 =	vmor vm2, vm7;
	vm3 =	vmor vm3, vm13;
	vm14 =	vmor vm4, vm6  }
0x293: {  	v20 =	vsel vm2, v20, v56;
	v42 =	vsel vm2, v63, v36;
	v24 =	vsel vm3, v57, v58  }
0x294: {  	v43 =	vsel vm3, v37, v38;
	v26 =	vsel vm14, v59, v60;
	v44 =	vsel vm14, v39, v40  }
0x295: {  	vm15 =	vlt.f32 v21, v20;
	vm6 =	veq.f32 v21, v20;
	vm7 =	vlt.u32 v41, v42  }
0x296: {  	vm8 =	veq.f32 v24, v26;
	vm9 =	vlt.u32 v43, v44;
	vm2 =	vmand vm6, vm7  }
0x297: {  	vm10 =	vlt.f32 v24, v26;
	vm3 =	vmand vm8, vm9;
	vm1 =	vmor vm15, vm2  }
0x298: {  	s7 =	sshra.s32 s10, $0x2;
	v12 =	vmul.f32 v8, v12;
	vm2 =	vmor vm10, vm3;
	v20 =	vsel vm1, v21, v20  }
0x299: {  	v31 =	vld [tilespmem:s7+$0x10E00];
	v45 =	vsel vm1, v41, v42;
	v22 =	vsel vm2, v24, v26;
	v46 =	vsel vm2, v43, v44  }
0x29a: {  	v32 =	vld [tilespmem:s7+$0x11200];
	v8 =	vsel vm0, v12, v8;
	vm11 =	veq.f32 v20, v22;
	vm2 =	vlt.u32 v45, v46  }
0x29b: {  	[tilespmem:s5+$0x13880] =	vst v8;
	v8 =	vld [tilespmem:s7+$0x10200];
	vm12 =	vlt.f32 v20, v22;
	vm1 =	vmand vm11, vm2  }
0x29c: {  	v47 =	vld [tilespmem:s5+$0x10200];
	vm1 =	vmor vm12, vm1  }
0x29d: {  	v29 =	vld [tilespmem:s7+$0x11600];
	v21 =	vsel vm1, v45, v46  }
0x29e: {  	v23 =	vld [tilespmem:s5+$0x10A00];
	v48 =	vadd.s32 $0x80, v21  }
0x29f: {  	v25 =	vld [tilespmem:s5+$0x10600];
	v57 =	vmul.f32 v10, v13;
	v49 =	vadd.s32 $0x140, v21  }
0x2a0: {  	v17 =	vmul.f32 v10, v17;
	v18 =	vmul.f32 v11, v18;
	v27 =	vld [tilespmem:s7+$0x11A00];
	v50 =	vadd.s32 $0x200, v21  }
0x2a1: {  	v19 =	vmul.f32 v11, v19;
	v40 =	vadd.f32 v57, v47;
	v57 =	vld [tilespmem:s7+$0x10A00];
	v51 =	vadd.s32 $0x40, v21  }
0x2a2: {  	v14 =	vmul.f32 v10, v14;
	v15 =	vmul.f32 v9, v15;
	v52 =	vadd.s32 $0xC0, v21;
	v60 =	vld.idx.msk [tilespmem:v21+s1+$0x0], $0xffff  }
0x2a3: {  	v16 =	vmul.f32 v9, v16;
	v61 =	vmul.f32 v9, v13;
	v54 =	vadd.s32 $0x100, v21;
	v26 =	vld.idx.msk [tilespmem:v48+s1+$0x0], $0xffff  }
0x2a4: {  	v17 =	vadd.f32 v18, v17;
	v14 =	vadd.f32 v19, v14;
	v56 =	vadd.s32 $0x180, v21;
	v53 =	vld.idx.msk [tilespmem:v49+s1+$0x0], $0xffff  }
0x2a5: {  	v58 =	vmul.f32 v11, v13;
	v9 =	vadd.f32 v61, v23;
	v59 =	vadd.s32 $0x1C0, v21;
	v55 =	vld.idx.msk [tilespmem:v50+s1+$0x0], $0xffff  }
0x2a6: {  	v62 =	vadd.f32 v15, v14;
	v63 =	vadd.f32 v16, v17;
	v39 =	vld.idx.msk [tilespmem:v51+s1+$0x0], $0xffff  }
0x2a7: {  	vm13 =	vgt.f32 v27, $0.0e+00;
	v9 =	vsel vm0, v9, v23;
	v41 =	vadd.f32 v58, v25;
	v42 =	vld.idx.msk [tilespmem:v52+s1+$0x0], $0xffff  }
0x2a8: {  	v43 =	vsel vm0, v62, v10;
	v44 =	vsel vm0, v63, v11;
	v20 =	vsel vm1, v20, v22;
	v45 =	vld.idx.msk [tilespmem:v54+s1+$0x0], $0xffff  }
0x2a9: {  	v17 =	vsel vm0, v41, v25;
	vm1 =	vlt.f32 v20, $+Inf;
	vm14 =	vgt.f32 v20, $+Inf;
	v48 =	vld.idx.msk [tilespmem:v56+s1+$0x0], $0xffff  }
0x2aa: {  	v46 =	vsel vm0, v40, v47;
	vm1 =	vmor vm14, vm1;
	v49 =	vld.idx.msk [tilespmem:v59+s1+$0x0], $0xffff;
	v59 =	vmul.f32 v31, v20  }
0x2ab: {  	[tilespmem:s5+$0x12880] =	vst v9;
	v61 =	vmul.f32 v29, v20;
	vm15 =	vmand vm1, vm13;
	v56 =	vld [tilespmem:s7+$0x10600];
	v52 =	vmul.f32 v31, v60  }
0x2ac: {  	[tilespmem:s5+$0x12C80] =	vst v43;
	v14 =	vadd.f32 v59, v8;
	v60 =	vmul.f32 v32, v20;
	v47 =	vmul.f32 v31, v26  }
0x2ad: {  	[tilespmem:s5+$0x13080] =	vst v44;
	v63 =	vadd.f32 v61, v57;
	v18 =	vmul.f32 v32, v53;
	v50 =	vmul.f32 v29, v55  }
0x2ae: {  	[tilespmem:s5+$0x12480] =	vst v17;
	v8 =	vsel vm15, v14, v8;
	v51 =	vmul.f32 v32, v42;
	v15 =	vmul.f32 v31, v39  }
0x2af: {  	v53 =	vld.idx.msk [tilespmem:v21+s31+$0x0], $0xffff;
	v13 =	vmul.f32 v32, v45;
	v54 =	vmul.f32 v29, v48;
	v16 =	vadd.f32 v18, v47  }
0x2b0: {  	[tilespmem:s5+$0x12080] =	vst v46;
	v12 =	vmul.f32 v29, v49;
	v9 =	vadd.f32 v60, v56;
	v10 =	vadd.f32 v51, v52  }
0x2b1: {  	[tilespmem:s7+$0x12080] =	vst v8;
	v8 =	vsel vm15, v63, v57;
	v13 =	vadd.f32 v13, v15;
	v55 =	vadd.f32 v50, v16  }
0x2b2: {  	[tilespmem:s7+$0x12880] =	vst v8;
	v9 =	vsel vm15, v9, v56;
	v10 =	vadd.f32 v54, v10  }
0x2b3: {  	v12 =	vadd.f32 v12, v13;
	[tilespmem:s7+$0x12480] =	vst v9;
	v58 =	vsel vm15, v55, v29  }
0x2b4: {  	v11 =	vmul.f32 v27, v53;
	v10 =	vsel vm15, v10, v31;
	[tilespmem:s7+$0x13480] =	vst v58  }
0x2b5: {  	v12 =	vsel vm15, v12, v32;
	[tilespmem:s7+$0x12C80] =	vst v10  }
0x2b6: {  	v62 =	vsel vm15, v11, v27;
	[tilespmem:s7+$0x13080] =	vst v12  }
0x2b7: {  	[tilespmem:s7+$0x13880] =	vst v62;
	s7 =	simm.s32 $0x11E80  }
0x2b8: {  	[hbm4b:s21+s2] =	stream.linear.scatter [tilespmem:s7], [sflag:$0x3], $0x400, $0x38;
	[tilespmem:$0x13A80] =	vst v63  }
0x2b9: {  	_ =	swait.ge [sflag:s6], $0x400  }
0x2ba: {  	[sflag:s6] =	ssyncset.done $0x0  }
0x2bb: {  	s8 =	simm.s32 $0x12280;
	[sflag:s6] =	ssyncadd.s32 $0xFFFFFC00  }
0x2bc: {  	[hbm4b:s23+s2] =	stream.linear.scatter [tilespmem:s8], [sflag:$0x3], $0x400, $0x38;
	[tilespmem:$0x13A80] =	vst v63  }
0x2bd: {  	_ =	swait.ge [sflag:s6], $0x400  }
0x2be: {  	[sflag:s6] =	ssyncset.done $0x0  }
0x2bf: {  	s9 =	simm.s32 $0x12680;
	[sflag:s6] =	ssyncadd.s32 $0xFFFFFC00  }
0x2c0: {  	[hbm4b:s24+s2] =	stream.linear.scatter [tilespmem:s9], [sflag:$0x3], $0x400, $0x38;
	[tilespmem:$0x13A80] =	vst v63  }
0x2c1: {  	_ =	swait.ge [sflag:s6], $0x400  }
0x2c2: {  	[sflag:s6] =	ssyncset.done $0x0  }
0x2c3: {  	s10 =	simm.s32 $0x12A80;
	[sflag:s6] =	ssyncadd.s32 $0xFFFFFC00  }
0x2c4: {  	[hbm4b:s25+s2] =	stream.linear.scatter [tilespmem:s10], [sflag:$0x3], $0x400, $0x38;
	[tilespmem:$0x13A80] =	vst v63  }
0x2c5: {  	_ =	swait.ge [sflag:s6], $0x400  }
0x2c6: {  	[sflag:s6] =	ssyncset.done $0x0  }
0x2c7: {  	s11 =	simm.s32 $0x12E80;
	[sflag:s6] =	ssyncadd.s32 $0xFFFFFC00  }
0x2c8: {  	[hbm4b:s26+s2] =	stream.linear.scatter [tilespmem:s11], [sflag:$0x3], $0x400, $0x38;
	[tilespmem:$0x13A80] =	vst v63  }
0x2c9: {  	_ =	swait.ge [sflag:s6], $0x400  }
0x2ca: {  	[sflag:s6] =	ssyncset.done $0x0  }
0x2cb: {  	s12 =	simm.s32 $0x13280;
	[sflag:s6] =	ssyncadd.s32 $0xFFFFFC00  }
0x2cc: {  	[hbm4b:s28+s2] =	stream.linear.scatter [tilespmem:s12], [sflag:$0x3], $0x400, $0x38;
	[tilespmem:$0x13A80] =	vst v63  }
0x2cd: {  	s4 =	sadd.s32 $0x1, s4;
	_ =	swait.ge [sflag:s6], $0x400  }
0x2ce: {  	p0 =	sne.s32 s4, s29;
	[sflag:s6] =	ssyncset.done $0x0  }
.Ltmp2:
0x2cf: {  	s14 =	simm.s32 $0x13680;
	[sflag:s6] =	ssyncadd.s32 $0xFFFFFC00;
	(pc) =	sbr.rel @p0 .LBB2_1-.Ltmp2, $4  }
0x2d0: {  	[hbm4b:s22+s2] =	stream.linear.scatter [tilespmem:s14], [sflag:$0x3], $0x400, $0x38;
	[tilespmem:$0x13A80] =	vst v63  }
0x2d1: {  	_ =	swait.ge [sflag:s6], $0x400  }
0x2d2: {  	[sflag:s6] =	ssyncset.done $0x0  }
0x2d3: {  	[sflag:s6] =	ssyncadd.s32 $0xFFFFFC00  }
0x2d4: {  	_ =	sfence.sel $0x180000  }
0x2d5: {  	[bflag:$0x0] =	sbarrier.arrive $0xFFFF  }
0x2d6: {  	_ =	strace $0x90000047  }
0x2d7: {  	s0 =	stileid.u32;
	[bflag:$0x2] =	sbarrier.arrive $0xFFFF  }
0x2d8: {  	p0 =	sne.s32 s0, $0x0;
	s0 =	rddreg [dreg:$0x7]  }
0x2d9: {  	s0 =	sadd.s32 @!p0 $0x100000, s0  }
0x2da: {  	[sflag:s0] =	ssyncadd.tile.s32 @!p0 $0x1;
	_ =	shalt  }
.Lfunc_end2:
_tile_overlayer_lowered:
.L_overlay_start_2:
0x2db: {  	(tag) =	ssettag $0x2  }
0x2dc: {  	s0 =	rddreg [dreg:$0x0];
	s2 =	stileid.u32  }
0x2dd: {  	s1 =	rddreg [dreg:$0x1];
	p0 =	sne.s32 s2, $0x0  }
0x2de: {  	s3 =	rddreg [dreg:$0x2];
	[bflag:$0x3] =	sbarrier.arrive $0xFFFF;
	s2 =	simm.s32 @!p0 $0x1C03  }
0x2df: {  	[timem:s3], [sflag:s2] =	dma.local @!p0 [hbm:s0], s1  }
0x2e0: {  	s0 =	simm.s32 @!p0 $0x3  }
0x2e1: {  	_ =	swait.ge @!p0 [sflag:s0], s1  }
0x2e2: {  	s1 =	ssub.s32 @!p0 $0x0, s1;
	[sflag:s0] =	ssyncset.done @!p0 $0x0  }
0x2e3: {  	[sflag:s0] =	ssyncadd.s32 @!p0 s1  }
0x2e4: {  	[bflag:$0x3] =	sbarrier.arrive $0xFFFF  }
0x2e5: {  	_ =	shalt  }

</sc_bundles>
